<compile_context>
chip_gen: v7x
topology: tpu7x:2x2x1
jax: 0.10.2.dev20260603
libtpu: 0.0.44.dev20260713+nightly
codegen_flags: <defaults>
</compile_context>

<pallas_src>
import jax
import jax.numpy as jnp
from jax import lax
from jax.experimental import pallas as pl
from jax.experimental.pallas import tpu as pltpu
from jax.experimental.pallas import tpu_sc as plsc

N = 10000
E = 320000
D = 128
HD = 64
AC = 144
NC = 2
NS = 16
NW = NC * NS
C = 40
NCHUNK = E // C
CPT = NCHUNK // NW
INIT_W = 10
ROWS_PT = N // INIT_W
RB = 2000

_TARR = tuple(32 * m + 2 * i + r
              for m in range(4) for r in range(2) for i in range(16))


def _proj_body(h_ref, ws_ref, wd_ref, wvt_ref, bd_ref, aw_ref,
               stab_ref, dtab_ref, init_ref):
    h = h_ref[...]
    s = jnp.dot(h, ws_ref[...], preferred_element_type=jnp.float32)
    dt = jnp.dot(h, wd_ref[...], preferred_element_type=jnp.float32) + bd_ref[0]
    stab_ref[...] = s.astype(jnp.bfloat16)
    dtab_ref[...] = dt.astype(jnp.bfloat16)
    t = s[:, :D] + dt
    zlr = 0.6 * t + 0.4 * jnp.abs(t)
    aw = aw_ref[0]
    l0 = jnp.sum(zlr[:, :HD] * aw[:HD], axis=1)
    l1 = jnp.sum(zlr[:, HD:] * aw[HD:], axis=1)
    w0 = jnp.exp(l0)
    w1 = jnp.exp(l1)
    vq = jnp.dot(h, wvt_ref[...], preferred_element_type=jnp.float32)
    msg = jnp.concatenate(
        [w0[:, None] * vq[:, :HD],
         w1[:, None] * vq[:, HD:],
         w0[:, None], w1[:, None],
         jnp.zeros((s.shape[0], AC - D - 2), jnp.float32)], axis=1)
    init_ref[...] = 0.5 * msg


def _final_body(acc_ref, ow_ref, ob_ref, pw_ref, pb_ref, out_ref):
    a = acc_ref[0] + acc_ref[1]
    hc = jnp.concatenate(
        [a[:, :HD] / a[:, D:D + 1], a[:, HD:D] / a[:, D + 1:D + 2]], axis=1)
    h2 = jnp.maximum(
        jnp.dot(hc, ow_ref[...], preferred_element_type=jnp.float32) + ob_ref[0],
        0.0)
    lg = jnp.dot(h2, pw_ref[...], preferred_element_type=jnp.float32) + pb_ref[0]
    m = jnp.max(lg, axis=1, keepdims=True)
    e = jnp.exp(lg - m)
    out_ref[...] = e / jnp.sum(e, axis=1, keepdims=True)


def _compute_chunk(srows_b, drows_b, msg_b, aw_regs, lane):

    @plsc.parallel_loop(0, C, unroll=4)
    def eloop(e):
        ls = []
        for h in range(2):
            parts = []
            for j in (2 * h, 2 * h + 1):
                t = (srows_b[e, pl.ds(j * 32, 32)] +
                     drows_b[e, pl.ds(j * 32, 32)])
                ta, tb = plsc.unpack(t, format=plsc.PackFormat.INTERLEAVED,
                                     preferred_element_type=jnp.float32)
                for r, tt in enumerate((ta, tb)):
                    lr = 0.6 * tt + 0.4 * jnp.abs(tt)
                    parts.append(lr * aw_regs[2 * j + r])
            ls.append(jnp.sum((parts[0] + parts[1]) + (parts[2] + parts[3])))
        w0 = jnp.exp(jnp.full((16,), ls[0], jnp.float32))
        w1 = jnp.exp(jnp.full((16,), ls[1], jnp.float32))
        msg_b[e, pl.ds(D, 16)] = jnp.where(
            lane == 0, w0, jnp.where(lane == 1, w1, 0.0))
        for m in range(4):
            w = w0 if m < 2 else w1
            v = srows_b[e, pl.ds(D + m * 32, 32)]
            va, vb = plsc.unpack(v, format=plsc.PackFormat.INTERLEAVED,
                                 preferred_element_type=jnp.float32)
            msg_b[e, pl.ds(m * 32, 16)] = va * w
            msg_b[e, pl.ds(m * 32 + 16, 16)] = vb * w


def _edge_body(ei_hbm, stab_hbm, dtab_hbm, aw_hbm, init_hbm, out_hbm,
               ibuf, srows, drows, msg, aw_v, shared,
               isem0, isem1, ssem0, ssem1, dsem0, dsem1):
    c = lax.axis_index("c")
    s = lax.axis_index("s")
    wid = s * NC + c

    isems = (isem0, isem1)
    ssems = (ssem0, ssem1)
    dsems = (dsem0, dsem1)

    pltpu.sync_copy(aw_hbm, aw_v)
    aw_regs = [aw_v[pl.ds(j * 16, 16)] for j in range(8)]
    lane = lax.iota(jnp.int32, 16)

    row0 = s * ROWS_PT

    @pl.when(s < INIT_W)
    def _init():
        pltpu.sync_copy(init_hbm.at[pl.ds(row0, ROWS_PT)],
                        shared.at[pl.ds(row0, ROWS_PT)])

    plsc.subcore_barrier()

    def _issue_idx(j, b):
        return pltpu.async_copy(
            ei_hbm.at[:, pl.ds((j * NW + wid) * C, C)], ibuf.at[b], isems[b])

    def _issue_gathers(b):
        pltpu.async_copy(stab_hbm.at[ibuf.at[b, 0]], srows.at[b], ssems[b])
        pltpu.async_copy(dtab_hbm.at[ibuf.at[b, 1]], drows.at[b], dsems[b])

    def _wait_gathers(b):
        pltpu.make_async_copy(stab_hbm.at[ibuf.at[b, 0]], srows.at[b],
                              ssems[b]).wait()
        pltpu.make_async_copy(dtab_hbm.at[ibuf.at[b, 1]], drows.at[b],
                              dsems[b]).wait()

    _issue_idx(0, 0).wait()
    _issue_idx(1, 1)
    _issue_gathers(0)

    def outer(i, _):
        for b in range(2):
            jj = i * 2 + b
            nb = 1 - b
            _wait_gathers(b)

            @pl.when(jj + 1 < CPT)
            def _nxt():
                pltpu.make_async_copy(
                    ei_hbm.at[:, pl.ds(((jj + 1) * NW + wid) * C, C)],
                    ibuf.at[nb], isems[nb]).wait()
                _issue_gathers(nb)

            _compute_chunk(srows.at[b], drows.at[b], msg.at[b], aw_regs, lane)
            pltpu.sync_copy(msg.at[b], shared.at[ibuf.at[b, 1]], add=True)

            @pl.when(jj + 2 < CPT)
            def _pref():
                _issue_idx(jj + 2, b)
        return 0

    lax.fori_loop(0, CPT // 2, outer, 0)
    plsc.subcore_barrier()

    @pl.when(s < INIT_W)
    def _drain():
        pltpu.sync_copy(shared.at[pl.ds(row0, ROWS_PT)],
                        out_hbm.at[c, pl.ds(row0, ROWS_PT)])


def kernel(h_int, edge_index, pair_W, pair_b, attn_w, value_W, out_W, out_b,
           phase_W, phase_b):
    tarr = jnp.array(_TARR, jnp.int32)
    w_src = jnp.concatenate([pair_W[0, :D], pair_W[1, :D], value_W[0],
                             value_W[1]], axis=1)
    w_dst = jnp.concatenate([pair_W[0, D:], pair_W[1, D:]], axis=1)
    w_val_t = jnp.concatenate([value_W[0], value_W[1]], axis=1)[:, tarr]
    b_dst = jnp.concatenate([pair_b[0], pair_b[1]])[None, :]
    aw = jnp.concatenate([attn_w[0], attn_w[1]])
    aw_p = aw[tarr]
    out_w_p = out_W[tarr, :]

    grid = (N // RB,)
    stab, dtab, init = pl.pallas_call(
        _proj_body,
        grid=grid,
        in_specs=[
            pl.BlockSpec((RB, D), lambda i: (i, 0)),
            pl.BlockSpec((D, 2 * D), lambda i: (0, 0)),
            pl.BlockSpec((D, D), lambda i: (0, 0)),
            pl.BlockSpec((D, D), lambda i: (0, 0)),
            pl.BlockSpec((1, D), lambda i: (0, 0)),
            pl.BlockSpec((1, D), lambda i: (0, 0)),
        ],
        out_specs=[
            pl.BlockSpec((RB, 2 * D), lambda i: (i, 0)),
            pl.BlockSpec((RB, D), lambda i: (i, 0)),
            pl.BlockSpec((RB, AC), lambda i: (i, 0)),
        ],
        out_shape=[
            jax.ShapeDtypeStruct((N, 2 * D), jnp.bfloat16),
            jax.ShapeDtypeStruct((N, D), jnp.bfloat16),
            jax.ShapeDtypeStruct((N, AC), jnp.float32),
        ],
    )(h_int, w_src, w_dst, w_val_t, b_dst, aw[None, :])

    edge_fn = pl.kernel(
        _edge_body,
        out_type=jax.ShapeDtypeStruct((NC, N, AC), jnp.float32),
        mesh=plsc.VectorSubcoreMesh(core_axis_name="c", subcore_axis_name="s"),
        scratch_types=[
            pltpu.VMEM((2, 2, C), jnp.int32),
            pltpu.VMEM((2, C, 2 * D), jnp.bfloat16),
            pltpu.VMEM((2, C, D), jnp.bfloat16),
            pltpu.VMEM((2, C, AC), jnp.float32),
            pltpu.VMEM((D,), jnp.float32),
            pltpu.VMEM_SHARED((N, AC), jnp.float32),
            pltpu.SemaphoreType.DMA,
            pltpu.SemaphoreType.DMA,
            pltpu.SemaphoreType.DMA,
            pltpu.SemaphoreType.DMA,
            pltpu.SemaphoreType.DMA,
            pltpu.SemaphoreType.DMA,
        ],
        compiler_params=pltpu.CompilerParams(use_tc_tiling_on_sc=False,
                                             needs_layout_passes=False),
    )
    accs = edge_fn(edge_index, stab, dtab, aw_p, init)

    probs = pl.pallas_call(
        _final_body,
        grid=grid,
        in_specs=[
            pl.BlockSpec((NC, RB, AC), lambda i: (0, i, 0)),
            pl.BlockSpec((D, D), lambda i: (0, 0)),
            pl.BlockSpec((1, D), lambda i: (0, 0)),
            pl.BlockSpec((D, 4), lambda i: (0, 0)),
            pl.BlockSpec((1, 4), lambda i: (0, 0)),
        ],
        out_specs=pl.BlockSpec((RB, 4), lambda i: (i, 0)),
        out_shape=jax.ShapeDtypeStruct((N, 4), jnp.float32),
    )(accs, out_w_p, out_b[None, :], phase_W, phase_b[None, :])
    return probs

# --- scband reference (transcript-rebuilt; emitter-appended) ---
"""Pipeline reference for scband-gatv2-actor-83313775607886 (READ-ONLY COPY).

The authoritative reference and input builder live on the scoring server;
editing this copy changes nothing except your own understanding.
"""

import jax, jax.numpy as jnp
import numpy as np

N = 10000
E = 320000
D = 128
H = 2
HD = 64
P = 4


def setup_inputs(seed: int = 0) -> dict:
    key = jax.random.key(seed)
    ks = jax.random.split(key, 8)
    h_int = jax.random.normal(ks[0], (N, D), dtype=jnp.float32)
    edge_index = jax.random.randint(ks[1], (2, E), 0, N, dtype=jnp.int32)
    scale = 0.05
    pair_W = jax.random.normal(ks[2], (H, 2 * D, HD), dtype=jnp.float32) * scale
    pair_b = jnp.zeros((H, HD), dtype=jnp.float32)
    attn_w = jax.random.normal(ks[3], (H, HD), dtype=jnp.float32) * scale
    value_W = jax.random.normal(ks[4], (H, D, HD), dtype=jnp.float32) * scale
    out_W = jax.random.normal(ks[5], (H * HD, D), dtype=jnp.float32) * scale
    out_b = jnp.zeros((D,), dtype=jnp.float32)
    phase_W = jax.random.normal(ks[6], (D, P), dtype=jnp.float32) * scale
    phase_b = jnp.zeros((P,), dtype=jnp.float32)
    return {
        'h_int': h_int,
        'edge_index': edge_index,
        'pair_W': pair_W,
        'pair_b': pair_b,
        'attn_w': attn_w,
        'value_W': value_W,
        'out_W': out_W,
        'out_b': out_b,
        'phase_W': phase_W,
        'phase_b': phase_b,
    }


def _segment_softmax(logits, seg, n):
    m = jax.ops.segment_max(logits, seg, num_segments=n)
    e = jnp.exp(logits - m[seg])
    s = jax.ops.segment_sum(e, seg, num_segments=n)
    return e / s[seg]


def reference(h_int, edge_index, pair_W, pair_b, attn_w, value_W, out_W, out_b, phase_W, phase_b):
    n = h_int.shape[0]
    loops = jnp.arange(n, dtype=edge_index.dtype)
    edges = jnp.concatenate([edge_index, jnp.stack([loops, loops], axis=0)], axis=1)
    src, dst = edges[0], edges[1]
    pair = jnp.concatenate([h_int[src], h_int[dst]], axis=-1)
    head_outs = []
    for head in range(H):
        z = jax.nn.leaky_relu(pair @ pair_W[head] + pair_b[head], negative_slope=0.2)
        logits = z @ attn_w[head]
        alpha = _segment_softmax(logits, dst, n)
        msg = (h_int[src] @ value_W[head]) * alpha[:, None]
        out = jnp.zeros((n, HD), dtype=h_int.dtype).at[dst].add(msg)
        head_outs.append(out)
    h = jnp.concatenate(head_outs, axis=-1)
    h = jax.nn.relu(h @ out_W + out_b)
    phase_logits = h @ phase_W + phase_b
    probs = jax.nn.softmax(phase_logits, axis=-1)
    return probs

if __name__ == "__main__":
    import jax
    _d = setup_inputs()
    print(jax.jit(kernel)(*tuple(_d.values())))

</pallas_src>

<mosaic_0001>
#map = affine_map<(d0, d1) -> (0, 0)>
#map1 = affine_map<(d0, d1) -> (0)>
#map2 = affine_map<(d0, d1) -> (0, 0, 0)>
module attributes {stable_mosaic.version = 14 : i64} {
  func.func @_edge_body(%arg0: i32, %arg1: i32, %arg2: memref<2x320000xi32, #tpu.memory_space<hbm>>, %arg3: memref<10000x256xbf16, #tpu.memory_space<hbm>>, %arg4: memref<10000x128xbf16, #tpu.memory_space<hbm>>, %arg5: memref<128xf32, #tpu.memory_space<hbm>>, %arg6: memref<10000x144xf32, #tpu.memory_space<hbm>>, %arg7: memref<2x10000x144xf32, #tpu.memory_space<hbm>>, %arg8: memref<2x2x40xi32, #tpu.memory_space<vmem>>, %arg9: memref<2x40x256xbf16, #tpu.memory_space<vmem>>, %arg10: memref<2x40x128xbf16, #tpu.memory_space<vmem>>, %arg11: memref<2x40x144xf32, #tpu.memory_space<vmem>>, %arg12: memref<128xf32, #tpu.memory_space<vmem>>, %arg13: memref<10000x144xf32, #tpu.memory_space<vmem_shared>>, %arg14: memref<!tpu.dma_semaphore, #tpu.memory_space<semaphore_mem>>, %arg15: memref<!tpu.dma_semaphore, #tpu.memory_space<semaphore_mem>>, %arg16: memref<!tpu.dma_semaphore, #tpu.memory_space<semaphore_mem>>, %arg17: memref<!tpu.dma_semaphore, #tpu.memory_space<semaphore_mem>>, %arg18: memref<!tpu.dma_semaphore, #tpu.memory_space<semaphore_mem>>, %arg19: memref<!tpu.dma_semaphore, #tpu.memory_space<semaphore_mem>>) attributes {dimension_semantics = [#tpu.dimension_semantics<core_parallel>, #tpu.dimension_semantics<subcore_parallel>], iteration_bounds = array<i64: 2, 16>, scalar_prefetch = 0 : i64, scratch_operands = 12 : i64, tpu.core_type = #tpu.core_type<sc_vector_subcore>, window_params = [{transform_indices = #map}, {transform_indices = #map}, {transform_indices = #map}, {transform_indices = #map1}, {transform_indices = #map}, {transform_indices = #map2}]} {
    %mul3A = arith.constant 2 : i32
    %mul3A_0 = arith.muli %arg1, %mul3A : i32
    %add3A = arith.addi %mul3A_0, %arg0 : i32
    "tpu.region"() ({
      %run_scoped3A = tpu.sem_alloc : memref<!tpu.dma_semaphore, #tpu.memory_space<semaphore_mem>>
      tpu.enqueue_dma source(%arg5 : memref<128xf32, #tpu.memory_space<hbm>>) target(%arg12 : memref<128xf32, #tpu.memory_space<vmem>>) target_semaphore(%run_scoped3A : memref<!tpu.dma_semaphore, #tpu.memory_space<semaphore_mem>>)
      tpu.wait_dma2 semaphore(%run_scoped3A : memref<!tpu.dma_semaphore, #tpu.memory_space<semaphore_mem>>) src(%arg5 : memref<128xf32, #tpu.memory_space<hbm>>) dst(%arg12 : memref<128xf32, #tpu.memory_space<vmem>>)
      tpu.yield
    }) : () -> ()
    %get3A = arith.constant 0 : index
    %get3A_1 = tpu.vector_load %arg12[%get3A] {strides = array<i32>} : memref<128xf32, #tpu.memory_space<vmem>>, vector<16xf32>,
    %get3A_2 = arith.constant 16 : index
    %get3A_3 = tpu.vector_load %arg12[%get3A_2] {strides = array<i32>} : memref<128xf32, #tpu.memory_space<vmem>>, vector<16xf32>,
    %get3A_4 = arith.constant 32 : index
    %get3A_5 = tpu.vector_load %arg12[%get3A_4] {strides = array<i32>} : memref<128xf32, #tpu.memory_space<vmem>>, vector<16xf32>,
    %get3A_6 = arith.constant 48 : index
    %get3A_7 = tpu.vector_load %arg12[%get3A_6] {strides = array<i32>} : memref<128xf32, #tpu.memory_space<vmem>>, vector<16xf32>,
    %get3A_8 = arith.constant 64 : index
    %get3A_9 = tpu.vector_load %arg12[%get3A_8] {strides = array<i32>} : memref<128xf32, #tpu.memory_space<vmem>>, vector<16xf32>,
    %get3A_10 = arith.constant 80 : index
    %get3A_11 = tpu.vector_load %arg12[%get3A_10] {strides = array<i32>} : memref<128xf32, #tpu.memory_space<vmem>>, vector<16xf32>,
    %get3A_12 = arith.constant 96 : index
    %get3A_13 = tpu.vector_load %arg12[%get3A_12] {strides = array<i32>} : memref<128xf32, #tpu.memory_space<vmem>>, vector<16xf32>,
    %get3A_14 = arith.constant 112 : index
    %get3A_15 = tpu.vector_load %arg12[%get3A_14] {strides = array<i32>} : memref<128xf32, #tpu.memory_space<vmem>>, vector<16xf32>,
    %iota3A = tpu.iota {dimensions = array<i32: 0>} : vector<16xi32>
    %mul3A_16 = arith.constant 1000 : i32
    %mul3A_17 = arith.muli %arg1, %mul3A_16 : i32
    %lt3A = arith.constant 10 : i32
    %lt3A_18 = arith.cmpi slt, %arg1, %lt3A : i32
    %convert_element_type3A = arith.extui %lt3A_18 : i1 to i32
    %cond3A = arith.constant 0 : i32
    %cond3A_19 = arith.cmpi ne, %convert_element_type3A, %cond3A : i32
    scf.if %cond3A_19 {
      "tpu.region"() ({
        %run_scoped3A = tpu.sem_alloc : memref<!tpu.dma_semaphore, #tpu.memory_space<semaphore_mem>>
        %dma_start3A_103 = arith.constant 0 : i32
        %dma_start3A_104 = tpu.memref_slice %arg13[%mul3A_17, %dma_start3A_103] : memref<10000x144xf32, #tpu.memory_space<vmem_shared>> -> memref<1000x144xf32, #tpu.memory_space<vmem_shared>>
        %dma_start3A_105 = arith.constant 0 : i32
        %dma_start3A_106 = tpu.memref_slice %arg6[%mul3A_17, %dma_start3A_105] : memref<10000x144xf32, #tpu.memory_space<hbm>> -> memref<1000x144xf32, #tpu.memory_space<hbm>>
        tpu.enqueue_dma source(%dma_start3A_106 : memref<1000x144xf32, #tpu.memory_space<hbm>>) target(%dma_start3A_104 : memref<1000x144xf32, #tpu.memory_space<vmem_shared>>) target_semaphore(%run_scoped3A : memref<!tpu.dma_semaphore, #tpu.memory_space<semaphore_mem>>)
        %dma_wait3A_107 = arith.constant 0 : i32
        %dma_wait3A_108 = tpu.memref_slice %arg13[%mul3A_17, %dma_wait3A_107] : memref<10000x144xf32, #tpu.memory_space<vmem_shared>> -> memref<1000x144xf32, #tpu.memory_space<vmem_shared>>
        %dma_wait3A_109 = arith.constant 0 : i32
        %dma_wait3A_110 = tpu.memref_slice %arg6[%mul3A_17, %dma_wait3A_109] : memref<10000x144xf32, #tpu.memory_space<hbm>> -> memref<1000x144xf32, #tpu.memory_space<hbm>>
        tpu.wait_dma2 semaphore(%run_scoped3A : memref<!tpu.dma_semaphore, #tpu.memory_space<semaphore_mem>>) src(%dma_wait3A_110 : memref<1000x144xf32, #tpu.memory_space<hbm>>) dst(%dma_wait3A_108 : memref<1000x144xf32, #tpu.memory_space<vmem_shared>>)
        tpu.yield
      }) : () -> ()
    } else {
    }
    %barrier3A = arith.constant 0 : index
    tpu.barrier barrier_id(%barrier3A)
    %add3A_20 = arith.constant 0 : i32
    %add3A_21 = arith.addi %add3A_20, %add3A : i32
    %mul3A_22 = arith.constant 40 : i32
    %mul3A_23 = arith.muli %add3A_21, %mul3A_22 : i32
    %dma_start3A = arith.constant 0 : i32
    %dma_start3A_24 = arith.constant 0 : i32
    %dma_start3A_25 = arith.constant 0 : i32
    %dma_start3A_26 = tpu.memref_slice %arg8[%dma_start3A, %dma_start3A_24, %dma_start3A_25] : memref<2x2x40xi32, #tpu.memory_space<vmem>> -> memref<1x2x40xi32, #tpu.memory_space<vmem>>
    %dma_start3A_27 = tpu.memref_squeeze %dma_start3A_26 : memref<1x2x40xi32, #tpu.memory_space<vmem>> -> memref<2x40xi32, #tpu.memory_space<vmem>>
    %dma_start3A_28 = arith.constant 0 : i32
    %dma_start3A_29 = tpu.memref_slice %arg2[%dma_start3A_28, %mul3A_23] : memref<2x320000xi32, #tpu.memory_space<hbm>> -> memref<2x40xi32, #tpu.memory_space<hbm>>
    %dma_start3A_30 = arith.constant 0 : i32
    %dma_start3A_31 = arith.constant 0 : i32
    %dma_start3A_32 = tpu.memref_slice %arg8[%dma_start3A, %dma_start3A_30, %dma_start3A_31] : memref<2x2x40xi32, #tpu.memory_space<vmem>> -> memref<1x2x40xi32, #tpu.memory_space<vmem>>
    %dma_start3A_33 = tpu.memref_squeeze %dma_start3A_32 : memref<1x2x40xi32, #tpu.memory_space<vmem>> -> memref<2x40xi32, #tpu.memory_space<vmem>>
    %dma_start3A_34 = arith.constant 0 : i32
    %dma_start3A_35 = tpu.memref_slice %arg2[%dma_start3A_34, %mul3A_23] : memref<2x320000xi32, #tpu.memory_space<hbm>> -> memref<2x40xi32, #tpu.memory_space<hbm>>
    tpu.enqueue_dma source(%dma_start3A_35 : memref<2x40xi32, #tpu.memory_space<hbm>>) target(%dma_start3A_33 : memref<2x40xi32, #tpu.memory_space<vmem>>) target_semaphore(%arg14 : memref<!tpu.dma_semaphore, #tpu.memory_space<semaphore_mem>>)
    %dma_wait3A = arith.constant 0 : i32
    %dma_wait3A_36 = arith.constant 0 : i32
    %dma_wait3A_37 = arith.constant 0 : i32
    %dma_wait3A_38 = tpu.memref_slice %arg8[%dma_wait3A, %dma_wait3A_36, %dma_wait3A_37] : memref<2x2x40xi32, #tpu.memory_space<vmem>> -> memref<1x2x40xi32, #tpu.memory_space<vmem>>
    %dma_wait3A_39 = tpu.memref_squeeze %dma_wait3A_38 : memref<1x2x40xi32, #tpu.memory_space<vmem>> -> memref<2x40xi32, #tpu.memory_space<vmem>>
    %dma_wait3A_40 = arith.constant 0 : i32
    %dma_wait3A_41 = tpu.memref_slice %arg2[%dma_wait3A_40, %mul3A_23] : memref<2x320000xi32, #tpu.memory_space<hbm>> -> memref<2x40xi32, #tpu.memory_space<hbm>>
    %dma_wait3A_42 = arith.constant 0 : i32
    %dma_wait3A_43 = arith.constant 0 : i32
    %dma_wait3A_44 = tpu.memref_slice %arg8[%dma_wait3A, %dma_wait3A_42, %dma_wait3A_43] : memref<2x2x40xi32, #tpu.memory_space<vmem>> -> memref<1x2x40xi32, #tpu.memory_space<vmem>>
    %dma_wait3A_45 = tpu.memref_squeeze %dma_wait3A_44 : memref<1x2x40xi32, #tpu.memory_space<vmem>> -> memref<2x40xi32, #tpu.memory_space<vmem>>
    %dma_wait3A_46 = arith.constant 0 : i32
    %dma_wait3A_47 = tpu.memref_slice %arg2[%dma_wait3A_46, %mul3A_23] : memref<2x320000xi32, #tpu.memory_space<hbm>> -> memref<2x40xi32, #tpu.memory_space<hbm>>
    tpu.wait_dma2 semaphore(%arg14 : memref<!tpu.dma_semaphore, #tpu.memory_space<semaphore_mem>>) src(%dma_wait3A_47 : memref<2x40xi32, #tpu.memory_space<hbm>>) dst(%dma_wait3A_45 : memref<2x40xi32, #tpu.memory_space<vmem>>)
    %add3A_48 = arith.constant 32 : i32
    %add3A_49 = arith.addi %add3A_48, %add3A : i32
    %mul3A_50 = arith.constant 40 : i32
    %mul3A_51 = arith.muli %add3A_49, %mul3A_50 : i32
    %dma_start3A_52 = arith.constant 1 : i32
    %dma_start3A_53 = arith.constant 0 : i32
    %dma_start3A_54 = arith.constant 0 : i32
    %dma_start3A_55 = tpu.memref_slice %arg8[%dma_start3A_52, %dma_start3A_53, %dma_start3A_54] : memref<2x2x40xi32, #tpu.memory_space<vmem>> -> memref<1x2x40xi32, #tpu.memory_space<vmem>>
    %dma_start3A_56 = tpu.memref_squeeze %dma_start3A_55 : memref<1x2x40xi32, #tpu.memory_space<vmem>> -> memref<2x40xi32, #tpu.memory_space<vmem>>
    %dma_start3A_57 = arith.constant 0 : i32
    %dma_start3A_58 = tpu.memref_slice %arg2[%dma_start3A_57, %mul3A_51] : memref<2x320000xi32, #tpu.memory_space<hbm>> -> memref<2x40xi32, #tpu.memory_space<hbm>>
    %dma_start3A_59 = arith.constant 0 : i32
    %dma_start3A_60 = arith.constant 0 : i32
    %dma_start3A_61 = tpu.memref_slice %arg8[%dma_start3A_52, %dma_start3A_59, %dma_start3A_60] : memref<2x2x40xi32, #tpu.memory_space<vmem>> -> memref<1x2x40xi32, #tpu.memory_space<vmem>>
    %dma_start3A_62 = tpu.memref_squeeze %dma_start3A_61 : memref<1x2x40xi32, #tpu.memory_space<vmem>> -> memref<2x40xi32, #tpu.memory_space<vmem>>
    %dma_start3A_63 = arith.constant 0 : i32
    %dma_start3A_64 = tpu.memref_slice %arg2[%dma_start3A_63, %mul3A_51] : memref<2x320000xi32, #tpu.memory_space<hbm>> -> memref<2x40xi32, #tpu.memory_space<hbm>>
    tpu.enqueue_dma source(%dma_start3A_64 : memref<2x40xi32, #tpu.memory_space<hbm>>) target(%dma_start3A_62 : memref<2x40xi32, #tpu.memory_space<vmem>>) target_semaphore(%arg15 : memref<!tpu.dma_semaphore, #tpu.memory_space<semaphore_mem>>)
    %dma_start3A_65 = arith.constant 0 : i32
    %dma_start3A_66 = arith.constant 0 : i32
    %dma_start3A_67 = arith.constant 0 : i32
    %dma_start3A_68 = arith.constant 0 : i32
    %dma_start3A_69 = arith.constant 0 : i32
    %dma_start3A_70 = tpu.memref_slice %arg9[%dma_start3A_67, %dma_start3A_68, %dma_start3A_69] : memref<2x40x256xbf16, #tpu.memory_space<vmem>> -> memref<1x40x256xbf16, #tpu.memory_space<vmem>>
    %dma_start3A_71 = tpu.memref_squeeze %dma_start3A_70 : memref<1x40x256xbf16, #tpu.memory_space<vmem>> -> memref<40x256xbf16, #tpu.memory_space<vmem>>
    %dma_start3A_72 = arith.constant 0 : i32
    %dma_start3A_73 = tpu.memref_slice %arg8[%dma_start3A_65, %dma_start3A_66, %dma_start3A_72] : memref<2x2x40xi32, #tpu.memory_space<vmem>> -> memref<1x1x40xi32, #tpu.memory_space<vmem>>
    %dma_start3A_74 = tpu.memref_squeeze %dma_start3A_73 : memref<1x1x40xi32, #tpu.memory_space<vmem>> -> memref<40xi32, #tpu.memory_space<vmem>>
    %dma_start3A_75 = arith.constant 0 : i32
    %dma_start3A_76 = arith.constant 0 : i32
    %dma_start3A_77 = tpu.memref_slice %arg3[%dma_start3A_75, %dma_start3A_76] : memref<10000x256xbf16, #tpu.memory_space<hbm>> -> memref<10000x256xbf16, #tpu.memory_space<hbm>>
    tpu.enqueue_indirect_dma source(%dma_start3A_77 : memref<10000x256xbf16, #tpu.memory_space<hbm>>) target(%dma_start3A_71 : memref<40x256xbf16, #tpu.memory_space<vmem>>) offsets(%dma_start3A_74 : memref<40xi32, #tpu.memory_space<vmem>>) semaphore(%arg16 : memref<!tpu.dma_semaphore, #tpu.memory_space<semaphore_mem>>)
    %dma_start3A_78 = arith.constant 0 : i32
    %dma_start3A_79 = arith.constant 1 : i32
    %dma_start3A_80 = arith.constant 0 : i32
    %dma_start3A_81 = arith.constant 0 : i32
    %dma_start3A_82 = arith.constant 0 : i32
    %dma_start3A_83 = tpu.memref_slice %arg10[%dma_start3A_80, %dma_start3A_81, %dma_start3A_82] : memref<2x40x128xbf16, #tpu.memory_space<vmem>> -> memref<1x40x128xbf16, #tpu.memory_space<vmem>>
    %dma_start3A_84 = tpu.memref_squeeze %dma_start3A_83 : memref<1x40x128xbf16, #tpu.memory_space<vmem>> -> memref<40x128xbf16, #tpu.memory_space<vmem>>
    %dma_start3A_85 = arith.constant 0 : i32
    %dma_start3A_86 = tpu.memref_slice %arg8[%dma_start3A_78, %dma_start3A_79, %dma_start3A_85] : memref<2x2x40xi32, #tpu.memory_space<vmem>> -> memref<1x1x40xi32, #tpu.memory_space<vmem>>
    %dma_start3A_87 = tpu.memref_squeeze %dma_start3A_86 : memref<1x1x40xi32, #tpu.memory_space<vmem>> -> memref<40xi32, #tpu.memory_space<vmem>>
    %dma_start3A_88 = arith.constant 0 : i32
    %dma_start3A_89 = arith.constant 0 : i32
    %dma_start3A_90 = tpu.memref_slice %arg4[%dma_start3A_88, %dma_start3A_89] : memref<10000x128xbf16, #tpu.memory_space<hbm>> -> memref<10000x128xbf16, #tpu.memory_space<hbm>>
    tpu.enqueue_indirect_dma source(%dma_start3A_90 : memref<10000x128xbf16, #tpu.memory_space<hbm>>) target(%dma_start3A_84 : memref<40x128xbf16, #tpu.memory_space<vmem>>) offsets(%dma_start3A_87 : memref<40xi32, #tpu.memory_space<vmem>>) semaphore(%arg18 : memref<!tpu.dma_semaphore, #tpu.memory_space<semaphore_mem>>)
    %scan3A = arith.constant 0 : i32
    %scan3A_91 = arith.constant 0 : i32
    %scan3A_92 = arith.constant 125 : i32
    %scan3A_93 = arith.addi %scan3A_91, %scan3A_92 : i32
    %scan3A_94 = arith.constant 1 : i32
    %scan3A_95 = scf.for %scan3A_103 = %scan3A_91 to %scan3A_93 step %scan3A_94 iter_args(%scan3A_104 = %scan3A) -> (i32)  : i32 {
      %mul3A_105 = arith.constant 2 : i32
      %mul3A_106 = arith.muli %scan3A_103, %mul3A_105 : i32
      %add3A_107 = arith.constant 0 : i32
      %add3A_108 = arith.addi %mul3A_106, %add3A_107 : i32
      %dma_wait3A_109 = arith.constant 0 : i32
      %dma_wait3A_110 = arith.constant 0 : i32
      %dma_wait3A_111 = arith.constant 0 : i32
      %dma_wait3A_112 = arith.constant 0 : i32
      %dma_wait3A_113 = arith.constant 0 : i32
      %dma_wait3A_114 = tpu.memref_slice %arg9[%dma_wait3A_111, %dma_wait3A_112, %dma_wait3A_113] : memref<2x40x256xbf16, #tpu.memory_space<vmem>> -> memref<1x40x256xbf16, #tpu.memory_space<vmem>>
      %dma_wait3A_115 = tpu.memref_squeeze %dma_wait3A_114 : memref<1x40x256xbf16, #tpu.memory_space<vmem>> -> memref<40x256xbf16, #tpu.memory_space<vmem>>
      %dma_wait3A_116 = arith.constant 0 : i32
      %dma_wait3A_117 = tpu.memref_slice %arg8[%dma_wait3A_109, %dma_wait3A_110, %dma_wait3A_116] : memref<2x2x40xi32, #tpu.memory_space<vmem>> -> memref<1x1x40xi32, #tpu.memory_space<vmem>>
      %dma_wait3A_118 = tpu.memref_squeeze %dma_wait3A_117 : memref<1x1x40xi32, #tpu.memory_space<vmem>> -> memref<40xi32, #tpu.memory_space<vmem>>
      %dma_wait3A_119 = arith.constant 0 : i32
      %dma_wait3A_120 = arith.constant 0 : i32
      %dma_wait3A_121 = tpu.memref_slice %arg3[%dma_wait3A_119, %dma_wait3A_120] : memref<10000x256xbf16, #tpu.memory_space<hbm>> -> memref<10000x256xbf16, #tpu.memory_space<hbm>>
      tpu.wait_indirect_dma semaphore(%arg16 : memref<!tpu.dma_semaphore, #tpu.memory_space<semaphore_mem>>) src(%dma_wait3A_121 : memref<10000x256xbf16, #tpu.memory_space<hbm>>) dst(%dma_wait3A_115 : memref<40x256xbf16, #tpu.memory_space<vmem>>)
      %dma_wait3A_122 = arith.constant 0 : i32
      %dma_wait3A_123 = arith.constant 1 : i32
      %dma_wait3A_124 = arith.constant 0 : i32
      %dma_wait3A_125 = arith.constant 0 : i32
      %dma_wait3A_126 = arith.constant 0 : i32
      %dma_wait3A_127 = tpu.memref_slice %arg10[%dma_wait3A_124, %dma_wait3A_125, %dma_wait3A_126] : memref<2x40x128xbf16, #tpu.memory_space<vmem>> -> memref<1x40x128xbf16, #tpu.memory_space<vmem>>
      %dma_wait3A_128 = tpu.memref_squeeze %dma_wait3A_127 : memref<1x40x128xbf16, #tpu.memory_space<vmem>> -> memref<40x128xbf16, #tpu.memory_space<vmem>>
      %dma_wait3A_129 = arith.constant 0 : i32
      %dma_wait3A_130 = tpu.memref_slice %arg8[%dma_wait3A_122, %dma_wait3A_123, %dma_wait3A_129] : memref<2x2x40xi32, #tpu.memory_space<vmem>> -> memref<1x1x40xi32, #tpu.memory_space<vmem>>
      %dma_wait3A_131 = tpu.memref_squeeze %dma_wait3A_130 : memref<1x1x40xi32, #tpu.memory_space<vmem>> -> memref<40xi32, #tpu.memory_space<vmem>>
      %dma_wait3A_132 = arith.constant 0 : i32
      %dma_wait3A_133 = arith.constant 0 : i32
      %dma_wait3A_134 = tpu.memref_slice %arg4[%dma_wait3A_132, %dma_wait3A_133] : memref<10000x128xbf16, #tpu.memory_space<hbm>> -> memref<10000x128xbf16, #tpu.memory_space<hbm>>
      tpu.wait_indirect_dma semaphore(%arg18 : memref<!tpu.dma_semaphore, #tpu.memory_space<semaphore_mem>>) src(%dma_wait3A_134 : memref<10000x128xbf16, #tpu.memory_space<hbm>>) dst(%dma_wait3A_128 : memref<40x128xbf16, #tpu.memory_space<vmem>>)
      %add3A_135 = arith.constant 1 : i32
      %add3A_136 = arith.addi %add3A_108, %add3A_135 : i32
      %lt3A_137 = arith.constant 250 : i32
      %lt3A_138 = arith.cmpi slt, %add3A_136, %lt3A_137 : i32
      %convert_element_type3A_139 = arith.extui %lt3A_138 : i1 to i32
      %cond3A_140 = arith.constant 0 : i32
      %cond3A_141 = arith.cmpi ne, %convert_element_type3A_139, %cond3A_140 : i32
      scf.if %cond3A_141 {
        %add3A_210 = arith.constant 1 : i32
        %add3A_211 = arith.addi %add3A_108, %add3A_210 : i32
        %mul3A_212 = arith.constant 32 : i32
        %mul3A_213 = arith.muli %add3A_211, %mul3A_212 : i32
        %add3A_214 = arith.addi %mul3A_213, %add3A : i32
        %mul3A_215 = arith.constant 40 : i32
        %mul3A_216 = arith.muli %add3A_214, %mul3A_215 : i32
        %dma_wait3A_217 = arith.constant 1 : i32
        %dma_wait3A_218 = arith.constant 0 : i32
        %dma_wait3A_219 = arith.constant 0 : i32
        %dma_wait3A_220 = tpu.memref_slice %arg8[%dma_wait3A_217, %dma_wait3A_218, %dma_wait3A_219] : memref<2x2x40xi32, #tpu.memory_space<vmem>> -> memref<1x2x40xi32, #tpu.memory_space<vmem>>
        %dma_wait3A_221 = tpu.memref_squeeze %dma_wait3A_220 : memref<1x2x40xi32, #tpu.memory_space<vmem>> -> memref<2x40xi32, #tpu.memory_space<vmem>>
        %dma_wait3A_222 = arith.constant 0 : i32
        %dma_wait3A_223 = tpu.memref_slice %arg2[%dma_wait3A_222, %mul3A_216] : memref<2x320000xi32, #tpu.memory_space<hbm>> -> memref<2x40xi32, #tpu.memory_space<hbm>>
        %dma_wait3A_224 = arith.constant 0 : i32
        %dma_wait3A_225 = arith.constant 0 : i32
        %dma_wait3A_226 = tpu.memref_slice %arg8[%dma_wait3A_217, %dma_wait3A_224, %dma_wait3A_225] : memref<2x2x40xi32, #tpu.memory_space<vmem>> -> memref<1x2x40xi32, #tpu.memory_space<vmem>>
        %dma_wait3A_227 = tpu.memref_squeeze %dma_wait3A_226 : memref<1x2x40xi32, #tpu.memory_space<vmem>> -> memref<2x40xi32, #tpu.memory_space<vmem>>
        %dma_wait3A_228 = arith.constant 0 : i32
        %dma_wait3A_229 = tpu.memref_slice %arg2[%dma_wait3A_228, %mul3A_216] : memref<2x320000xi32, #tpu.memory_space<hbm>> -> memref<2x40xi32, #tpu.memory_space<hbm>>
        tpu.wait_dma2 semaphore(%arg15 : memref<!tpu.dma_semaphore, #tpu.memory_space<semaphore_mem>>) src(%dma_wait3A_229 : memref<2x40xi32, #tpu.memory_space<hbm>>) dst(%dma_wait3A_227 : memref<2x40xi32, #tpu.memory_space<vmem>>)
        %dma_start3A_230 = arith.constant 1 : i32
        %dma_start3A_231 = arith.constant 0 : i32
        %dma_start3A_232 = arith.constant 1 : i32
        %dma_start3A_233 = arith.constant 0 : i32
        %dma_start3A_234 = arith.constant 0 : i32
        %dma_start3A_235 = tpu.memref_slice %arg9[%dma_start3A_232, %dma_start3A_233, %dma_start3A_234] : memref<2x40x256xbf16, #tpu.memory_space<vmem>> -> memref<1x40x256xbf16, #tpu.memory_space<vmem>>
        %dma_start3A_236 = tpu.memref_squeeze %dma_start3A_235 : memref<1x40x256xbf16, #tpu.memory_space<vmem>> -> memref<40x256xbf16, #tpu.memory_space<vmem>>
        %dma_start3A_237 = arith.constant 0 : i32
        %dma_start3A_238 = tpu.memref_slice %arg8[%dma_start3A_230, %dma_start3A_231, %dma_start3A_237] : memref<2x2x40xi32, #tpu.memory_space<vmem>> -> memref<1x1x40xi32, #tpu.memory_space<vmem>>
        %dma_start3A_239 = tpu.memref_squeeze %dma_start3A_238 : memref<1x1x40xi32, #tpu.memory_space<vmem>> -> memref<40xi32, #tpu.memory_space<vmem>>
        %dma_start3A_240 = arith.constant 0 : i32
        %dma_start3A_241 = arith.constant 0 : i32
        %dma_start3A_242 = tpu.memref_slice %arg3[%dma_start3A_240, %dma_start3A_241] : memref<10000x256xbf16, #tpu.memory_space<hbm>> -> memref<10000x256xbf16, #tpu.memory_space<hbm>>
        tpu.enqueue_indirect_dma source(%dma_start3A_242 : memref<10000x256xbf16, #tpu.memory_space<hbm>>) target(%dma_start3A_236 : memref<40x256xbf16, #tpu.memory_space<vmem>>) offsets(%dma_start3A_239 : memref<40xi32, #tpu.memory_space<vmem>>) semaphore(%arg17 : memref<!tpu.dma_semaphore, #tpu.memory_space<semaphore_mem>>)
        %dma_start3A_243 = arith.constant 1 : i32
        %dma_start3A_244 = arith.constant 1 : i32
        %dma_start3A_245 = arith.constant 1 : i32
        %dma_start3A_246 = arith.constant 0 : i32
        %dma_start3A_247 = arith.constant 0 : i32
        %dma_start3A_248 = tpu.memref_slice %arg10[%dma_start3A_245, %dma_start3A_246, %dma_start3A_247] : memref<2x40x128xbf16, #tpu.memory_space<vmem>> -> memref<1x40x128xbf16, #tpu.memory_space<vmem>>
        %dma_start3A_249 = tpu.memref_squeeze %dma_start3A_248 : memref<1x40x128xbf16, #tpu.memory_space<vmem>> -> memref<40x128xbf16, #tpu.memory_space<vmem>>
        %dma_start3A_250 = arith.constant 0 : i32
        %dma_start3A_251 = tpu.memref_slice %arg8[%dma_start3A_243, %dma_start3A_244, %dma_start3A_250] : memref<2x2x40xi32, #tpu.memory_space<vmem>> -> memref<1x1x40xi32, #tpu.memory_space<vmem>>
        %dma_start3A_252 = tpu.memref_squeeze %dma_start3A_251 : memref<1x1x40xi32, #tpu.memory_space<vmem>> -> memref<40xi32, #tpu.memory_space<vmem>>
        %dma_start3A_253 = arith.constant 0 : i32
        %dma_start3A_254 = arith.constant 0 : i32
        %dma_start3A_255 = tpu.memref_slice %arg4[%dma_start3A_253, %dma_start3A_254] : memref<10000x128xbf16, #tpu.memory_space<hbm>> -> memref<10000x128xbf16, #tpu.memory_space<hbm>>
        tpu.enqueue_indirect_dma source(%dma_start3A_255 : memref<10000x128xbf16, #tpu.memory_space<hbm>>) target(%dma_start3A_249 : memref<40x128xbf16, #tpu.memory_space<vmem>>) offsets(%dma_start3A_252 : memref<40xi32, #tpu.memory_space<vmem>>) semaphore(%arg19 : memref<!tpu.dma_semaphore, #tpu.memory_space<semaphore_mem>>)
      } else {
      }
      %parallel_loop3A = arith.constant 0 : i32
      %parallel_loop3A_142 = arith.constant 40 : i32
      %parallel_loop3A_143 = arith.constant 1 : i32
      %parallel_loop3A_144 = arith.constant 0 : i32
      %parallel_loop3A_145 = arith.constant 0 : i32
      %parallel_loop3A_146 = arith.constant 0 : i32
      scf.for %parallel_loop3A_210 = %parallel_loop3A to %parallel_loop3A_142 step %parallel_loop3A_143  : i32 {
        %parallel_loop3A_211 = arith.constant 0 : i32
        %parallel_loop3A_212 = arith.constant 0 : i32
        %parallel_loop3A_213 = tpu.memref_slice %arg9[%parallel_loop3A_144, %parallel_loop3A_211, %parallel_loop3A_212] : memref<2x40x256xbf16, #tpu.memory_space<vmem>> -> memref<1x40x256xbf16, #tpu.memory_space<vmem>>
        %parallel_loop3A_214 = tpu.memref_squeeze %parallel_loop3A_213 : memref<1x40x256xbf16, #tpu.memory_space<vmem>> -> memref<40x256xbf16, #tpu.memory_space<vmem>>
        %parallel_loop3A_215 = arith.index_cast %parallel_loop3A_210 : i32 to index
        %parallel_loop3A_216 = arith.constant 0 : index
        %parallel_loop3A_217 = tpu.vector_load %parallel_loop3A_214[%parallel_loop3A_215, %parallel_loop3A_216] {strides = array<i32>} : memref<40x256xbf16, #tpu.memory_space<vmem>>, vector<32xbf16>,
        %parallel_loop3A_218 = arith.constant 0 : i32
        %parallel_loop3A_219 = arith.constant 0 : i32
        %parallel_loop3A_220 = tpu.memref_slice %arg10[%parallel_loop3A_145, %parallel_loop3A_218, %parallel_loop3A_219] : memref<2x40x128xbf16, #tpu.memory_space<vmem>> -> memref<1x40x128xbf16, #tpu.memory_space<vmem>>
        %parallel_loop3A_221 = tpu.memref_squeeze %parallel_loop3A_220 : memref<1x40x128xbf16, #tpu.memory_space<vmem>> -> memref<40x128xbf16, #tpu.memory_space<vmem>>
        %parallel_loop3A_222 = arith.index_cast %parallel_loop3A_210 : i32 to index
        %parallel_loop3A_223 = arith.constant 0 : index
        %parallel_loop3A_224 = tpu.vector_load %parallel_loop3A_221[%parallel_loop3A_222, %parallel_loop3A_223] {strides = array<i32>} : memref<40x128xbf16, #tpu.memory_space<vmem>>, vector<32xbf16>,
        %parallel_loop3A_225 = arith.addf %parallel_loop3A_217, %parallel_loop3A_224 : vector<32xbf16>
        %parallel_loop3A_226 = tpu.unpack_subelements %parallel_loop3A_225, 0 {pack_format = #tpu.pack_format<interleaved>} : vector<32xbf16> -> vector<16xf32>
        %parallel_loop3A_227 = tpu.unpack_subelements %parallel_loop3A_225, 1 {pack_format = #tpu.pack_format<interleaved>} : vector<32xbf16> -> vector<16xf32>
        %parallel_loop3A_228 = arith.constant 6.000000e-01 : f32
        %parallel_loop3A_229 = vector.broadcast %parallel_loop3A_228 : f32 to vector<16xf32>
        %parallel_loop3A_230 = arith.mulf %parallel_loop3A_229, %parallel_loop3A_226 : vector<16xf32>
        %parallel_loop3A_231 = math.absf %parallel_loop3A_226 : vector<16xf32>
        %parallel_loop3A_232 = arith.constant 4.000000e-01 : f32
        %parallel_loop3A_233 = vector.broadcast %parallel_loop3A_232 : f32 to vector<16xf32>
        %parallel_loop3A_234 = arith.mulf %parallel_loop3A_233, %parallel_loop3A_231 : vector<16xf32>
        %parallel_loop3A_235 = arith.addf %parallel_loop3A_230, %parallel_loop3A_234 : vector<16xf32>
        %parallel_loop3A_236 = arith.mulf %parallel_loop3A_235, %get3A_1 : vector<16xf32>
        %parallel_loop3A_237 = arith.constant 6.000000e-01 : f32
        %parallel_loop3A_238 = vector.broadcast %parallel_loop3A_237 : f32 to vector<16xf32>
        %parallel_loop3A_239 = arith.mulf %parallel_loop3A_238, %parallel_loop3A_227 : vector<16xf32>
        %parallel_loop3A_240 = math.absf %parallel_loop3A_227 : vector<16xf32>
        %parallel_loop3A_241 = arith.constant 4.000000e-01 : f32
        %parallel_loop3A_242 = vector.broadcast %parallel_loop3A_241 : f32 to vector<16xf32>
        %parallel_loop3A_243 = arith.mulf %parallel_loop3A_242, %parallel_loop3A_240 : vector<16xf32>
        %parallel_loop3A_244 = arith.addf %parallel_loop3A_239, %parallel_loop3A_243 : vector<16xf32>
        %parallel_loop3A_245 = arith.mulf %parallel_loop3A_244, %get3A_3 : vector<16xf32>
        %parallel_loop3A_246 = arith.constant 0 : i32
        %parallel_loop3A_247 = arith.constant 0 : i32
        %parallel_loop3A_248 = tpu.memref_slice %arg9[%parallel_loop3A_144, %parallel_loop3A_246, %parallel_loop3A_247] : memref<2x40x256xbf16, #tpu.memory_space<vmem>> -> memref<1x40x256xbf16, #tpu.memory_space<vmem>>
        %parallel_loop3A_249 = tpu.memref_squeeze %parallel_loop3A_248 : memref<1x40x256xbf16, #tpu.memory_space<vmem>> -> memref<40x256xbf16, #tpu.memory_space<vmem>>
        %parallel_loop3A_250 = arith.index_cast %parallel_loop3A_210 : i32 to index
        %parallel_loop3A_251 = arith.constant 32 : index
        %parallel_loop3A_252 = tpu.vector_load %parallel_loop3A_249[%parallel_loop3A_250, %parallel_loop3A_251] {strides = array<i32>} : memref<40x256xbf16, #tpu.memory_space<vmem>>, vector<32xbf16>,
        %parallel_loop3A_253 = arith.constant 0 : i32
        %parallel_loop3A_254 = arith.constant 0 : i32
        %parallel_loop3A_255 = tpu.memref_slice %arg10[%parallel_loop3A_145, %parallel_loop3A_253, %parallel_loop3A_254] : memref<2x40x128xbf16, #tpu.memory_space<vmem>> -> memref<1x40x128xbf16, #tpu.memory_space<vmem>>
        %parallel_loop3A_256 = tpu.memref_squeeze %parallel_loop3A_255 : memref<1x40x128xbf16, #tpu.memory_space<vmem>> -> memref<40x128xbf16, #tpu.memory_space<vmem>>
        %parallel_loop3A_257 = arith.index_cast %parallel_loop3A_210 : i32 to index
        %parallel_loop3A_258 = arith.constant 32 : index
        %parallel_loop3A_259 = tpu.vector_load %parallel_loop3A_256[%parallel_loop3A_257, %parallel_loop3A_258] {strides = array<i32>} : memref<40x128xbf16, #tpu.memory_space<vmem>>, vector<32xbf16>,
        %parallel_loop3A_260 = arith.addf %parallel_loop3A_252, %parallel_loop3A_259 : vector<32xbf16>
        %parallel_loop3A_261 = tpu.unpack_subelements %parallel_loop3A_260, 0 {pack_format = #tpu.pack_format<interleaved>} : vector<32xbf16> -> vector<16xf32>
        %parallel_loop3A_262 = tpu.unpack_subelements %parallel_loop3A_260, 1 {pack_format = #tpu.pack_format<interleaved>} : vector<32xbf16> -> vector<16xf32>
        %parallel_loop3A_263 = arith.constant 6.000000e-01 : f32
        %parallel_loop3A_264 = vector.broadcast %parallel_loop3A_263 : f32 to vector<16xf32>
        %parallel_loop3A_265 = arith.mulf %parallel_loop3A_264, %parallel_loop3A_261 : vector<16xf32>
        %parallel_loop3A_266 = math.absf %parallel_loop3A_261 : vector<16xf32>
        %parallel_loop3A_267 = arith.constant 4.000000e-01 : f32
        %parallel_loop3A_268 = vector.broadcast %parallel_loop3A_267 : f32 to vector<16xf32>
        %parallel_loop3A_269 = arith.mulf %parallel_loop3A_268, %parallel_loop3A_266 : vector<16xf32>
        %parallel_loop3A_270 = arith.addf %parallel_loop3A_265, %parallel_loop3A_269 : vector<16xf32>
        %parallel_loop3A_271 = arith.mulf %parallel_loop3A_270, %get3A_5 : vector<16xf32>
        %parallel_loop3A_272 = arith.constant 6.000000e-01 : f32
        %parallel_loop3A_273 = vector.broadcast %parallel_loop3A_272 : f32 to vector<16xf32>
        %parallel_loop3A_274 = arith.mulf %parallel_loop3A_273, %parallel_loop3A_262 : vector<16xf32>
        %parallel_loop3A_275 = math.absf %parallel_loop3A_262 : vector<16xf32>
        %parallel_loop3A_276 = arith.constant 4.000000e-01 : f32
        %parallel_loop3A_277 = vector.broadcast %parallel_loop3A_276 : f32 to vector<16xf32>
        %parallel_loop3A_278 = arith.mulf %parallel_loop3A_277, %parallel_loop3A_275 : vector<16xf32>
        %parallel_loop3A_279 = arith.addf %parallel_loop3A_274, %parallel_loop3A_278 : vector<16xf32>
        %parallel_loop3A_280 = arith.mulf %parallel_loop3A_279, %get3A_7 : vector<16xf32>
        %parallel_loop3A_281 = arith.addf %parallel_loop3A_236, %parallel_loop3A_245 : vector<16xf32>
        %parallel_loop3A_282 = arith.addf %parallel_loop3A_271, %parallel_loop3A_280 : vector<16xf32>
        %parallel_loop3A_283 = arith.addf %parallel_loop3A_281, %parallel_loop3A_282 : vector<16xf32>
        %parallel_loop3A_284 = arith.constant true
        %parallel_loop3A_285 = vector.broadcast %parallel_loop3A_284 : i1 to vector<16xi1>
        %parallel_loop3A_286 = tpu.scan <sum>, %parallel_loop3A_283 masked %parallel_loop3A_285 : vector<16xf32>, vector<16xi1> -> vector<16xf32>
        %parallel_loop3A_287 = vector.extract %parallel_loop3A_286[15] : f32 from vector<16xf32>
        %parallel_loop3A_288 = arith.constant 0 : i32
        %parallel_loop3A_289 = arith.constant 0 : i32
        %parallel_loop3A_290 = tpu.memref_slice %arg9[%parallel_loop3A_144, %parallel_loop3A_288, %parallel_loop3A_289] : memref<2x40x256xbf16, #tpu.memory_space<vmem>> -> memref<1x40x256xbf16, #tpu.memory_space<vmem>>
        %parallel_loop3A_291 = tpu.memref_squeeze %parallel_loop3A_290 : memref<1x40x256xbf16, #tpu.memory_space<vmem>> -> memref<40x256xbf16, #tpu.memory_space<vmem>>
        %parallel_loop3A_292 = arith.index_cast %parallel_loop3A_210 : i32 to index
        %parallel_loop3A_293 = arith.constant 64 : index
        %parallel_loop3A_294 = tpu.vector_load %parallel_loop3A_291[%parallel_loop3A_292, %parallel_loop3A_293] {strides = array<i32>} : memref<40x256xbf16, #tpu.memory_space<vmem>>, vector<32xbf16>,
        %parallel_loop3A_295 = arith.constant 0 : i32
        %parallel_loop3A_296 = arith.constant 0 : i32
        %parallel_loop3A_297 = tpu.memref_slice %arg10[%parallel_loop3A_145, %parallel_loop3A_295, %parallel_loop3A_296] : memref<2x40x128xbf16, #tpu.memory_space<vmem>> -> memref<1x40x128xbf16, #tpu.memory_space<vmem>>
        %parallel_loop3A_298 = tpu.memref_squeeze %parallel_loop3A_297 : memref<1x40x128xbf16, #tpu.memory_space<vmem>> -> memref<40x128xbf16, #tpu.memory_space<vmem>>
        %parallel_loop3A_299 = arith.index_cast %parallel_loop3A_210 : i32 to index
        %parallel_loop3A_300 = arith.constant 64 : index
        %parallel_loop3A_301 = tpu.vector_load %parallel_loop3A_298[%parallel_loop3A_299, %parallel_loop3A_300] {strides = array<i32>} : memref<40x128xbf16, #tpu.memory_space<vmem>>, vector<32xbf16>,
        %parallel_loop3A_302 = arith.addf %parallel_loop3A_294, %parallel_loop3A_301 : vector<32xbf16>
        %parallel_loop3A_303 = tpu.unpack_subelements %parallel_loop3A_302, 0 {pack_format = #tpu.pack_format<interleaved>} : vector<32xbf16> -> vector<16xf32>
        %parallel_loop3A_304 = tpu.unpack_subelements %parallel_loop3A_302, 1 {pack_format = #tpu.pack_format<interleaved>} : vector<32xbf16> -> vector<16xf32>
        %parallel_loop3A_305 = arith.constant 6.000000e-01 : f32
        %parallel_loop3A_306 = vector.broadcast %parallel_loop3A_305 : f32 to vector<16xf32>
        %parallel_loop3A_307 = arith.mulf %parallel_loop3A_306, %parallel_loop3A_303 : vector<16xf32>
        %parallel_loop3A_308 = math.absf %parallel_loop3A_303 : vector<16xf32>
        %parallel_loop3A_309 = arith.constant 4.000000e-01 : f32
        %parallel_loop3A_310 = vector.broadcast %parallel_loop3A_309 : f32 to vector<16xf32>
        %parallel_loop3A_311 = arith.mulf %parallel_loop3A_310, %parallel_loop3A_308 : vector<16xf32>
        %parallel_loop3A_312 = arith.addf %parallel_loop3A_307, %parallel_loop3A_311 : vector<16xf32>
        %parallel_loop3A_313 = arith.mulf %parallel_loop3A_312, %get3A_9 : vector<16xf32>
        %parallel_loop3A_314 = arith.constant 6.000000e-01 : f32
        %parallel_loop3A_315 = vector.broadcast %parallel_loop3A_314 : f32 to vector<16xf32>
        %parallel_loop3A_316 = arith.mulf %parallel_loop3A_315, %parallel_loop3A_304 : vector<16xf32>
        %parallel_loop3A_317 = math.absf %parallel_loop3A_304 : vector<16xf32>
        %parallel_loop3A_318 = arith.constant 4.000000e-01 : f32
        %parallel_loop3A_319 = vector.broadcast %parallel_loop3A_318 : f32 to vector<16xf32>
        %parallel_loop3A_320 = arith.mulf %parallel_loop3A_319, %parallel_loop3A_317 : vector<16xf32>
        %parallel_loop3A_321 = arith.addf %parallel_loop3A_316, %parallel_loop3A_320 : vector<16xf32>
        %parallel_loop3A_322 = arith.mulf %parallel_loop3A_321, %get3A_11 : vector<16xf32>
        %parallel_loop3A_323 = arith.constant 0 : i32
        %parallel_loop3A_324 = arith.constant 0 : i32
        %parallel_loop3A_325 = tpu.memref_slice %arg9[%parallel_loop3A_144, %parallel_loop3A_323, %parallel_loop3A_324] : memref<2x40x256xbf16, #tpu.memory_space<vmem>> -> memref<1x40x256xbf16, #tpu.memory_space<vmem>>
        %parallel_loop3A_326 = tpu.memref_squeeze %parallel_loop3A_325 : memref<1x40x256xbf16, #tpu.memory_space<vmem>> -> memref<40x256xbf16, #tpu.memory_space<vmem>>
        %parallel_loop3A_327 = arith.index_cast %parallel_loop3A_210 : i32 to index
        %parallel_loop3A_328 = arith.constant 96 : index
        %parallel_loop3A_329 = tpu.vector_load %parallel_loop3A_326[%parallel_loop3A_327, %parallel_loop3A_328] {strides = array<i32>} : memref<40x256xbf16, #tpu.memory_space<vmem>>, vector<32xbf16>,
        %parallel_loop3A_330 = arith.constant 0 : i32
        %parallel_loop3A_331 = arith.constant 0 : i32
        %parallel_loop3A_332 = tpu.memref_slice %arg10[%parallel_loop3A_145, %parallel_loop3A_330, %parallel_loop3A_331] : memref<2x40x128xbf16, #tpu.memory_space<vmem>> -> memref<1x40x128xbf16, #tpu.memory_space<vmem>>
        %parallel_loop3A_333 = tpu.memref_squeeze %parallel_loop3A_332 : memref<1x40x128xbf16, #tpu.memory_space<vmem>> -> memref<40x128xbf16, #tpu.memory_space<vmem>>
        %parallel_loop3A_334 = arith.index_cast %parallel_loop3A_210 : i32 to index
        %parallel_loop3A_335 = arith.constant 96 : index
        %parallel_loop3A_336 = tpu.vector_load %parallel_loop3A_333[%parallel_loop3A_334, %parallel_loop3A_335] {strides = array<i32>} : memref<40x128xbf16, #tpu.memory_space<vmem>>, vector<32xbf16>,
        %parallel_loop3A_337 = arith.addf %parallel_loop3A_329, %parallel_loop3A_336 : vector<32xbf16>
        %parallel_loop3A_338 = tpu.unpack_subelements %parallel_loop3A_337, 0 {pack_format = #tpu.pack_format<interleaved>} : vector<32xbf16> -> vector<16xf32>
        %parallel_loop3A_339 = tpu.unpack_subelements %parallel_loop3A_337, 1 {pack_format = #tpu.pack_format<interleaved>} : vector<32xbf16> -> vector<16xf32>
        %parallel_loop3A_340 = arith.constant 6.000000e-01 : f32
        %parallel_loop3A_341 = vector.broadcast %parallel_loop3A_340 : f32 to vector<16xf32>
        %parallel_loop3A_342 = arith.mulf %parallel_loop3A_341, %parallel_loop3A_338 : vector<16xf32>
        %parallel_loop3A_343 = math.absf %parallel_loop3A_338 : vector<16xf32>
        %parallel_loop3A_344 = arith.constant 4.000000e-01 : f32
        %parallel_loop3A_345 = vector.broadcast %parallel_loop3A_344 : f32 to vector<16xf32>
        %parallel_loop3A_346 = arith.mulf %parallel_loop3A_345, %parallel_loop3A_343 : vector<16xf32>
        %parallel_loop3A_347 = arith.addf %parallel_loop3A_342, %parallel_loop3A_346 : vector<16xf32>
        %parallel_loop3A_348 = arith.mulf %parallel_loop3A_347, %get3A_13 : vector<16xf32>
        %parallel_loop3A_349 = arith.constant 6.000000e-01 : f32
        %parallel_loop3A_350 = vector.broadcast %parallel_loop3A_349 : f32 to vector<16xf32>
        %parallel_loop3A_351 = arith.mulf %parallel_loop3A_350, %parallel_loop3A_339 : vector<16xf32>
        %parallel_loop3A_352 = math.absf %parallel_loop3A_339 : vector<16xf32>
        %parallel_loop3A_353 = arith.constant 4.000000e-01 : f32
        %parallel_loop3A_354 = vector.broadcast %parallel_loop3A_353 : f32 to vector<16xf32>
        %parallel_loop3A_355 = arith.mulf %parallel_loop3A_354, %parallel_loop3A_352 : vector<16xf32>
        %parallel_loop3A_356 = arith.addf %parallel_loop3A_351, %parallel_loop3A_355 : vector<16xf32>
        %parallel_loop3A_357 = arith.mulf %parallel_loop3A_356, %get3A_15 : vector<16xf32>
        %parallel_loop3A_358 = arith.addf %parallel_loop3A_313, %parallel_loop3A_322 : vector<16xf32>
        %parallel_loop3A_359 = arith.addf %parallel_loop3A_348, %parallel_loop3A_357 : vector<16xf32>
        %parallel_loop3A_360 = arith.addf %parallel_loop3A_358, %parallel_loop3A_359 : vector<16xf32>
        %parallel_loop3A_361 = arith.constant true
        %parallel_loop3A_362 = vector.broadcast %parallel_loop3A_361 : i1 to vector<16xi1>
        %parallel_loop3A_363 = tpu.scan <sum>, %parallel_loop3A_360 masked %parallel_loop3A_362 : vector<16xf32>, vector<16xi1> -> vector<16xf32>
        %parallel_loop3A_364 = vector.extract %parallel_loop3A_363[15] : f32 from vector<16xf32>
        %parallel_loop3A_365 = vector.broadcast %parallel_loop3A_287 : f32 to vector<16xf32>
        %parallel_loop3A_366 = math.exp %parallel_loop3A_365 : vector<16xf32>
        %parallel_loop3A_367 = vector.broadcast %parallel_loop3A_364 : f32 to vector<16xf32>
        %parallel_loop3A_368 = math.exp %parallel_loop3A_367 : vector<16xf32>
        %parallel_loop3A_369 = arith.constant 0 : i32
        %parallel_loop3A_370 = vector.broadcast %parallel_loop3A_369 : i32 to vector<16xi32>
        %parallel_loop3A_371 = arith.cmpi eq, %iota3A, %parallel_loop3A_370 : vector<16xi32>
        %parallel_loop3A_372 = arith.constant 1 : i32
        %parallel_loop3A_373 = vector.broadcast %parallel_loop3A_372 : i32 to vector<16xi32>
        %parallel_loop3A_374 = arith.cmpi eq, %iota3A, %parallel_loop3A_373 : vector<16xi32>
        %parallel_loop3A_375 = arith.constant 0.000000e+00 : f32
        %parallel_loop3A_376 = vector.broadcast %parallel_loop3A_375 : f32 to vector<16xf32>
        %parallel_loop3A_377 = arith.select %parallel_loop3A_374, %parallel_loop3A_368, %parallel_loop3A_376 : vector<16xi1>, vector<16xf32>
        %parallel_loop3A_378 = arith.select %parallel_loop3A_371, %parallel_loop3A_366, %parallel_loop3A_377 : vector<16xi1>, vector<16xf32>
        %parallel_loop3A_379 = arith.constant 0 : i32
        %parallel_loop3A_380 = arith.constant 0 : i32
        %parallel_loop3A_381 = tpu.memref_slice %arg11[%parallel_loop3A_146, %parallel_loop3A_379, %parallel_loop3A_380] : memref<2x40x144xf32, #tpu.memory_space<vmem>> -> memref<1x40x144xf32, #tpu.memory_space<vmem>>
        %parallel_loop3A_382 = tpu.memref_squeeze %parallel_loop3A_381 : memref<1x40x144xf32, #tpu.memory_space<vmem>> -> memref<40x144xf32, #tpu.memory_space<vmem>>
        %parallel_loop3A_383 = arith.index_cast %parallel_loop3A_210 : i32 to index
        %parallel_loop3A_384 = arith.constant 128 : index
        %parallel_loop3A_385 = tpu.vector_load %parallel_loop3A_382[%parallel_loop3A_383, %parallel_loop3A_384] {strides = array<i32>} : memref<40x144xf32, #tpu.memory_space<vmem>>, vector<16xf32>,
        tpu.vector_store %parallel_loop3A_382[%parallel_loop3A_383, %parallel_loop3A_384], %parallel_loop3A_378 {strides = array<i32>} : memref<40x144xf32, #tpu.memory_space<vmem>>, vector<16xf32>,
        %parallel_loop3A_386 = arith.constant 0 : i32
        %parallel_loop3A_387 = arith.constant 0 : i32
        %parallel_loop3A_388 = tpu.memref_slice %arg9[%parallel_loop3A_144, %parallel_loop3A_386, %parallel_loop3A_387] : memref<2x40x256xbf16, #tpu.memory_space<vmem>> -> memref<1x40x256xbf16, #tpu.memory_space<vmem>>
        %parallel_loop3A_389 = tpu.memref_squeeze %parallel_loop3A_388 : memref<1x40x256xbf16, #tpu.memory_space<vmem>> -> memref<40x256xbf16, #tpu.memory_space<vmem>>
        %parallel_loop3A_390 = arith.index_cast %parallel_loop3A_210 : i32 to index
        %parallel_loop3A_391 = arith.constant 128 : index
        %parallel_loop3A_392 = tpu.vector_load %parallel_loop3A_389[%parallel_loop3A_390, %parallel_loop3A_391] {strides = array<i32>} : memref<40x256xbf16, #tpu.memory_space<vmem>>, vector<32xbf16>,
        %parallel_loop3A_393 = tpu.unpack_subelements %parallel_loop3A_392, 0 {pack_format = #tpu.pack_format<interleaved>} : vector<32xbf16> -> vector<16xf32>
        %parallel_loop3A_394 = tpu.unpack_subelements %parallel_loop3A_392, 1 {pack_format = #tpu.pack_format<interleaved>} : vector<32xbf16> -> vector<16xf32>
        %parallel_loop3A_395 = arith.mulf %parallel_loop3A_393, %parallel_loop3A_366 : vector<16xf32>
        %parallel_loop3A_396 = arith.constant 0 : i32
        %parallel_loop3A_397 = arith.constant 0 : i32
        %parallel_loop3A_398 = tpu.memref_slice %arg11[%parallel_loop3A_146, %parallel_loop3A_396, %parallel_loop3A_397] : memref<2x40x144xf32, #tpu.memory_space<vmem>> -> memref<1x40x144xf32, #tpu.memory_space<vmem>>
        %parallel_loop3A_399 = tpu.memref_squeeze %parallel_loop3A_398 : memref<1x40x144xf32, #tpu.memory_space<vmem>> -> memref<40x144xf32, #tpu.memory_space<vmem>>
        %parallel_loop3A_400 = arith.index_cast %parallel_loop3A_210 : i32 to index
        %parallel_loop3A_401 = arith.constant 0 : index
        %parallel_loop3A_402 = tpu.vector_load %parallel_loop3A_399[%parallel_loop3A_400, %parallel_loop3A_401] {strides = array<i32>} : memref<40x144xf32, #tpu.memory_space<vmem>>, vector<16xf32>,
        tpu.vector_store %parallel_loop3A_399[%parallel_loop3A_400, %parallel_loop3A_401], %parallel_loop3A_395 {strides = array<i32>} : memref<40x144xf32, #tpu.memory_space<vmem>>, vector<16xf32>,
        %parallel_loop3A_403 = arith.mulf %parallel_loop3A_394, %parallel_loop3A_366 : vector<16xf32>
        %parallel_loop3A_404 = arith.constant 0 : i32
        %parallel_loop3A_405 = arith.constant 0 : i32
        %parallel_loop3A_406 = tpu.memref_slice %arg11[%parallel_loop3A_146, %parallel_loop3A_404, %parallel_loop3A_405] : memref<2x40x144xf32, #tpu.memory_space<vmem>> -> memref<1x40x144xf32, #tpu.memory_space<vmem>>
        %parallel_loop3A_407 = tpu.memref_squeeze %parallel_loop3A_406 : memref<1x40x144xf32, #tpu.memory_space<vmem>> -> memref<40x144xf32, #tpu.memory_space<vmem>>
        %parallel_loop3A_408 = arith.index_cast %parallel_loop3A_210 : i32 to index
        %parallel_loop3A_409 = arith.constant 16 : index
        %parallel_loop3A_410 = tpu.vector_load %parallel_loop3A_407[%parallel_loop3A_408, %parallel_loop3A_409] {strides = array<i32>} : memref<40x144xf32, #tpu.memory_space<vmem>>, vector<16xf32>,
        tpu.vector_store %parallel_loop3A_407[%parallel_loop3A_408, %parallel_loop3A_409], %parallel_loop3A_403 {strides = array<i32>} : memref<40x144xf32, #tpu.memory_space<vmem>>, vector<16xf32>,
        %parallel_loop3A_411 = arith.constant 0 : i32
        %parallel_loop3A_412 = arith.constant 0 : i32
        %parallel_loop3A_413 = tpu.memref_slice %arg9[%parallel_loop3A_144, %parallel_loop3A_411, %parallel_loop3A_412] : memref<2x40x256xbf16, #tpu.memory_space<vmem>> -> memref<1x40x256xbf16, #tpu.memory_space<vmem>>
        %parallel_loop3A_414 = tpu.memref_squeeze %parallel_loop3A_413 : memref<1x40x256xbf16, #tpu.memory_space<vmem>> -> memref<40x256xbf16, #tpu.memory_space<vmem>>
        %parallel_loop3A_415 = arith.index_cast %parallel_loop3A_210 : i32 to index
        %parallel_loop3A_416 = arith.constant 160 : index
        %parallel_loop3A_417 = tpu.vector_load %parallel_loop3A_414[%parallel_loop3A_415, %parallel_loop3A_416] {strides = array<i32>} : memref<40x256xbf16, #tpu.memory_space<vmem>>, vector<32xbf16>,
        %parallel_loop3A_418 = tpu.unpack_subelements %parallel_loop3A_417, 0 {pack_format = #tpu.pack_format<interleaved>} : vector<32xbf16> -> vector<16xf32>
        %parallel_loop3A_419 = tpu.unpack_subelements %parallel_loop3A_417, 1 {pack_format = #tpu.pack_format<interleaved>} : vector<32xbf16> -> vector<16xf32>
        %parallel_loop3A_420 = arith.mulf %parallel_loop3A_418, %parallel_loop3A_366 : vector<16xf32>
        %parallel_loop3A_421 = arith.constant 0 : i32
        %parallel_loop3A_422 = arith.constant 0 : i32
        %parallel_loop3A_423 = tpu.memref_slice %arg11[%parallel_loop3A_146, %parallel_loop3A_421, %parallel_loop3A_422] : memref<2x40x144xf32, #tpu.memory_space<vmem>> -> memref<1x40x144xf32, #tpu.memory_space<vmem>>
        %parallel_loop3A_424 = tpu.memref_squeeze %parallel_loop3A_423 : memref<1x40x144xf32, #tpu.memory_space<vmem>> -> memref<40x144xf32, #tpu.memory_space<vmem>>
        %parallel_loop3A_425 = arith.index_cast %parallel_loop3A_210 : i32 to index
        %parallel_loop3A_426 = arith.constant 32 : index
        %parallel_loop3A_427 = tpu.vector_load %parallel_loop3A_424[%parallel_loop3A_425, %parallel_loop3A_426] {strides = array<i32>} : memref<40x144xf32, #tpu.memory_space<vmem>>, vector<16xf32>,
        tpu.vector_store %parallel_loop3A_424[%parallel_loop3A_425, %parallel_loop3A_426], %parallel_loop3A_420 {strides = array<i32>} : memref<40x144xf32, #tpu.memory_space<vmem>>, vector<16xf32>,
        %parallel_loop3A_428 = arith.mulf %parallel_loop3A_419, %parallel_loop3A_366 : vector<16xf32>
        %parallel_loop3A_429 = arith.constant 0 : i32
        %parallel_loop3A_430 = arith.constant 0 : i32
        %parallel_loop3A_431 = tpu.memref_slice %arg11[%parallel_loop3A_146, %parallel_loop3A_429, %parallel_loop3A_430] : memref<2x40x144xf32, #tpu.memory_space<vmem>> -> memref<1x40x144xf32, #tpu.memory_space<vmem>>
        %parallel_loop3A_432 = tpu.memref_squeeze %parallel_loop3A_431 : memref<1x40x144xf32, #tpu.memory_space<vmem>> -> memref<40x144xf32, #tpu.memory_space<vmem>>
        %parallel_loop3A_433 = arith.index_cast %parallel_loop3A_210 : i32 to index
        %parallel_loop3A_434 = arith.constant 48 : index
        %parallel_loop3A_435 = tpu.vector_load %parallel_loop3A_432[%parallel_loop3A_433, %parallel_loop3A_434] {strides = array<i32>} : memref<40x144xf32, #tpu.memory_space<vmem>>, vector<16xf32>,
        tpu.vector_store %parallel_loop3A_432[%parallel_loop3A_433, %parallel_loop3A_434], %parallel_loop3A_428 {strides = array<i32>} : memref<40x144xf32, #tpu.memory_space<vmem>>, vector<16xf32>,
        %parallel_loop3A_436 = arith.constant 0 : i32
        %parallel_loop3A_437 = arith.constant 0 : i32
        %parallel_loop3A_438 = tpu.memref_slice %arg9[%parallel_loop3A_144, %parallel_loop3A_436, %parallel_loop3A_437] : memref<2x40x256xbf16, #tpu.memory_space<vmem>> -> memref<1x40x256xbf16, #tpu.memory_space<vmem>>
        %parallel_loop3A_439 = tpu.memref_squeeze %parallel_loop3A_438 : memref<1x40x256xbf16, #tpu.memory_space<vmem>> -> memref<40x256xbf16, #tpu.memory_space<vmem>>
        %parallel_loop3A_440 = arith.index_cast %parallel_loop3A_210 : i32 to index
        %parallel_loop3A_441 = arith.constant 192 : index
        %parallel_loop3A_442 = tpu.vector_load %parallel_loop3A_439[%parallel_loop3A_440, %parallel_loop3A_441] {strides = array<i32>} : memref<40x256xbf16, #tpu.memory_space<vmem>>, vector<32xbf16>,
        %parallel_loop3A_443 = tpu.unpack_subelements %parallel_loop3A_442, 0 {pack_format = #tpu.pack_format<interleaved>} : vector<32xbf16> -> vector<16xf32>
        %parallel_loop3A_444 = tpu.unpack_subelements %parallel_loop3A_442, 1 {pack_format = #tpu.pack_format<interleaved>} : vector<32xbf16> -> vector<16xf32>
        %parallel_loop3A_445 = arith.mulf %parallel_loop3A_443, %parallel_loop3A_368 : vector<16xf32>
        %parallel_loop3A_446 = arith.constant 0 : i32
        %parallel_loop3A_447 = arith.constant 0 : i32
        %parallel_loop3A_448 = tpu.memref_slice %arg11[%parallel_loop3A_146, %parallel_loop3A_446, %parallel_loop3A_447] : memref<2x40x144xf32, #tpu.memory_space<vmem>> -> memref<1x40x144xf32, #tpu.memory_space<vmem>>
        %parallel_loop3A_449 = tpu.memref_squeeze %parallel_loop3A_448 : memref<1x40x144xf32, #tpu.memory_space<vmem>> -> memref<40x144xf32, #tpu.memory_space<vmem>>
        %parallel_loop3A_450 = arith.index_cast %parallel_loop3A_210 : i32 to index
        %parallel_loop3A_451 = arith.constant 64 : index
        %parallel_loop3A_452 = tpu.vector_load %parallel_loop3A_449[%parallel_loop3A_450, %parallel_loop3A_451] {strides = array<i32>} : memref<40x144xf32, #tpu.memory_space<vmem>>, vector<16xf32>,
        tpu.vector_store %parallel_loop3A_449[%parallel_loop3A_450, %parallel_loop3A_451], %parallel_loop3A_445 {strides = array<i32>} : memref<40x144xf32, #tpu.memory_space<vmem>>, vector<16xf32>,
        %parallel_loop3A_453 = arith.mulf %parallel_loop3A_444, %parallel_loop3A_368 : vector<16xf32>
        %parallel_loop3A_454 = arith.constant 0 : i32
        %parallel_loop3A_455 = arith.constant 0 : i32
        %parallel_loop3A_456 = tpu.memref_slice %arg11[%parallel_loop3A_146, %parallel_loop3A_454, %parallel_loop3A_455] : memref<2x40x144xf32, #tpu.memory_space<vmem>> -> memref<1x40x144xf32, #tpu.memory_space<vmem>>
        %parallel_loop3A_457 = tpu.memref_squeeze %parallel_loop3A_456 : memref<1x40x144xf32, #tpu.memory_space<vmem>> -> memref<40x144xf32, #tpu.memory_space<vmem>>
        %parallel_loop3A_458 = arith.index_cast %parallel_loop3A_210 : i32 to index
        %parallel_loop3A_459 = arith.constant 80 : index
        %parallel_loop3A_460 = tpu.vector_load %parallel_loop3A_457[%parallel_loop3A_458, %parallel_loop3A_459] {strides = array<i32>} : memref<40x144xf32, #tpu.memory_space<vmem>>, vector<16xf32>,
        tpu.vector_store %parallel_loop3A_457[%parallel_loop3A_458, %parallel_loop3A_459], %parallel_loop3A_453 {strides = array<i32>} : memref<40x144xf32, #tpu.memory_space<vmem>>, vector<16xf32>,
        %parallel_loop3A_461 = arith.constant 0 : i32
        %parallel_loop3A_462 = arith.constant 0 : i32
        %parallel_loop3A_463 = tpu.memref_slice %arg9[%parallel_loop3A_144, %parallel_loop3A_461, %parallel_loop3A_462] : memref<2x40x256xbf16, #tpu.memory_space<vmem>> -> memref<1x40x256xbf16, #tpu.memory_space<vmem>>
        %parallel_loop3A_464 = tpu.memref_squeeze %parallel_loop3A_463 : memref<1x40x256xbf16, #tpu.memory_space<vmem>> -> memref<40x256xbf16, #tpu.memory_space<vmem>>
        %parallel_loop3A_465 = arith.index_cast %parallel_loop3A_210 : i32 to index
        %parallel_loop3A_466 = arith.constant 224 : index
        %parallel_loop3A_467 = tpu.vector_load %parallel_loop3A_464[%parallel_loop3A_465, %parallel_loop3A_466] {strides = array<i32>} : memref<40x256xbf16, #tpu.memory_space<vmem>>, vector<32xbf16>,
        %parallel_loop3A_468 = tpu.unpack_subelements %parallel_loop3A_467, 0 {pack_format = #tpu.pack_format<interleaved>} : vector<32xbf16> -> vector<16xf32>
        %parallel_loop3A_469 = tpu.unpack_subelements %parallel_loop3A_467, 1 {pack_format = #tpu.pack_format<interleaved>} : vector<32xbf16> -> vector<16xf32>
        %parallel_loop3A_470 = arith.mulf %parallel_loop3A_468, %parallel_loop3A_368 : vector<16xf32>
        %parallel_loop3A_471 = arith.constant 0 : i32
        %parallel_loop3A_472 = arith.constant 0 : i32
        %parallel_loop3A_473 = tpu.memref_slice %arg11[%parallel_loop3A_146, %parallel_loop3A_471, %parallel_loop3A_472] : memref<2x40x144xf32, #tpu.memory_space<vmem>> -> memref<1x40x144xf32, #tpu.memory_space<vmem>>
        %parallel_loop3A_474 = tpu.memref_squeeze %parallel_loop3A_473 : memref<1x40x144xf32, #tpu.memory_space<vmem>> -> memref<40x144xf32, #tpu.memory_space<vmem>>
        %parallel_loop3A_475 = arith.index_cast %parallel_loop3A_210 : i32 to index
        %parallel_loop3A_476 = arith.constant 96 : index
        %parallel_loop3A_477 = tpu.vector_load %parallel_loop3A_474[%parallel_loop3A_475, %parallel_loop3A_476] {strides = array<i32>} : memref<40x144xf32, #tpu.memory_space<vmem>>, vector<16xf32>,
        tpu.vector_store %parallel_loop3A_474[%parallel_loop3A_475, %parallel_loop3A_476], %parallel_loop3A_470 {strides = array<i32>} : memref<40x144xf32, #tpu.memory_space<vmem>>, vector<16xf32>,
        %parallel_loop3A_478 = arith.mulf %parallel_loop3A_469, %parallel_loop3A_368 : vector<16xf32>
        %parallel_loop3A_479 = arith.constant 0 : i32
        %parallel_loop3A_480 = arith.constant 0 : i32
        %parallel_loop3A_481 = tpu.memref_slice %arg11[%parallel_loop3A_146, %parallel_loop3A_479, %parallel_loop3A_480] : memref<2x40x144xf32, #tpu.memory_space<vmem>> -> memref<1x40x144xf32, #tpu.memory_space<vmem>>
        %parallel_loop3A_482 = tpu.memref_squeeze %parallel_loop3A_481 : memref<1x40x144xf32, #tpu.memory_space<vmem>> -> memref<40x144xf32, #tpu.memory_space<vmem>>
        %parallel_loop3A_483 = arith.index_cast %parallel_loop3A_210 : i32 to index
        %parallel_loop3A_484 = arith.constant 112 : index
        %parallel_loop3A_485 = tpu.vector_load %parallel_loop3A_482[%parallel_loop3A_483, %parallel_loop3A_484] {strides = array<i32>} : memref<40x144xf32, #tpu.memory_space<vmem>>, vector<16xf32>,
        tpu.vector_store %parallel_loop3A_482[%parallel_loop3A_483, %parallel_loop3A_484], %parallel_loop3A_478 {strides = array<i32>} : memref<40x144xf32, #tpu.memory_space<vmem>>, vector<16xf32>,
      } {sc.loop_unroll_factor = 4 : i64, sc.parallel_access}
      %run_scoped3A = arith.constant 0 : i32
      %run_scoped3A_147 = arith.constant 0 : i32
      %run_scoped3A_148 = arith.constant 1 : i32
      "tpu.region"() ({
        %run_scoped3A_210 = tpu.sem_alloc : memref<!tpu.dma_semaphore, #tpu.memory_space<semaphore_mem>>
        %dma_start3A_211 = arith.constant 0 : i32
        %dma_start3A_212 = arith.constant 0 : i32
        %dma_start3A_213 = tpu.memref_slice %arg11[%run_scoped3A, %dma_start3A_211, %dma_start3A_212] : memref<2x40x144xf32, #tpu.memory_space<vmem>> -> memref<1x40x144xf32, #tpu.memory_space<vmem>>
        %dma_start3A_214 = tpu.memref_squeeze %dma_start3A_213 : memref<1x40x144xf32, #tpu.memory_space<vmem>> -> memref<40x144xf32, #tpu.memory_space<vmem>>
        %dma_start3A_215 = arith.constant 0 : i32
        %dma_start3A_216 = tpu.memref_slice %arg8[%run_scoped3A_147, %run_scoped3A_148, %dma_start3A_215] : memref<2x2x40xi32, #tpu.memory_space<vmem>> -> memref<1x1x40xi32, #tpu.memory_space<vmem>>
        %dma_start3A_217 = tpu.memref_squeeze %dma_start3A_216 : memref<1x1x40xi32, #tpu.memory_space<vmem>> -> memref<40xi32, #tpu.memory_space<vmem>>
        %dma_start3A_218 = arith.constant 0 : i32
        %dma_start3A_219 = arith.constant 0 : i32
        %dma_start3A_220 = tpu.memref_slice %arg13[%dma_start3A_218, %dma_start3A_219] : memref<10000x144xf32, #tpu.memory_space<vmem_shared>> -> memref<10000x144xf32, #tpu.memory_space<vmem_shared>>
        tpu.enqueue_indirect_dma source(%dma_start3A_214 : memref<40x144xf32, #tpu.memory_space<vmem>>) target(%dma_start3A_220 : memref<10000x144xf32, #tpu.memory_space<vmem_shared>>) offsets(%dma_start3A_217 : memref<40xi32, #tpu.memory_space<vmem>>) semaphore(%run_scoped3A_210 : memref<!tpu.dma_semaphore, #tpu.memory_space<semaphore_mem>>) {add = true}
        %dma_wait3A_221 = arith.constant 0 : i32
        %dma_wait3A_222 = arith.constant 0 : i32
        %dma_wait3A_223 = tpu.memref_slice %arg11[%run_scoped3A, %dma_wait3A_221, %dma_wait3A_222] : memref<2x40x144xf32, #tpu.memory_space<vmem>> -> memref<1x40x144xf32, #tpu.memory_space<vmem>>
        %dma_wait3A_224 = tpu.memref_squeeze %dma_wait3A_223 : memref<1x40x144xf32, #tpu.memory_space<vmem>> -> memref<40x144xf32, #tpu.memory_space<vmem>>
        %dma_wait3A_225 = arith.constant 0 : i32
        %dma_wait3A_226 = tpu.memref_slice %arg8[%run_scoped3A_147, %run_scoped3A_148, %dma_wait3A_225] : memref<2x2x40xi32, #tpu.memory_space<vmem>> -> memref<1x1x40xi32, #tpu.memory_space<vmem>>
        %dma_wait3A_227 = tpu.memref_squeeze %dma_wait3A_226 : memref<1x1x40xi32, #tpu.memory_space<vmem>> -> memref<40xi32, #tpu.memory_space<vmem>>
        %dma_wait3A_228 = arith.constant 0 : i32
        %dma_wait3A_229 = arith.constant 0 : i32
        %dma_wait3A_230 = tpu.memref_slice %arg13[%dma_wait3A_228, %dma_wait3A_229] : memref<10000x144xf32, #tpu.memory_space<vmem_shared>> -> memref<10000x144xf32, #tpu.memory_space<vmem_shared>>
        tpu.wait_indirect_dma semaphore(%run_scoped3A_210 : memref<!tpu.dma_semaphore, #tpu.memory_space<semaphore_mem>>) src(%dma_wait3A_224 : memref<40x144xf32, #tpu.memory_space<vmem>>) dst(%dma_wait3A_230 : memref<10000x144xf32, #tpu.memory_space<vmem_shared>>)
        tpu.yield
      }) : () -> ()
      %add3A_149 = arith.constant 2 : i32
      %add3A_150 = arith.addi %add3A_108, %add3A_149 : i32
      %lt3A_151 = arith.constant 250 : i32
      %lt3A_152 = arith.cmpi slt, %add3A_150, %lt3A_151 : i32
      %convert_element_type3A_153 = arith.extui %lt3A_152 : i1 to i32
      %cond3A_154 = arith.constant 0 : i32
      %cond3A_155 = arith.cmpi ne, %convert_element_type3A_153, %cond3A_154 : i32
      scf.if %cond3A_155 {
        %add3A_210 = arith.constant 2 : i32
        %add3A_211 = arith.addi %add3A_108, %add3A_210 : i32
        %mul3A_212 = arith.constant 32 : i32
        %mul3A_213 = arith.muli %add3A_211, %mul3A_212 : i32
        %add3A_214 = arith.addi %mul3A_213, %add3A : i32
        %mul3A_215 = arith.constant 40 : i32
        %mul3A_216 = arith.muli %add3A_214, %mul3A_215 : i32
        %dma_start3A_217 = arith.constant 0 : i32
        %dma_start3A_218 = arith.constant 0 : i32
        %dma_start3A_219 = arith.constant 0 : i32
        %dma_start3A_220 = tpu.memref_slice %arg8[%dma_start3A_217, %dma_start3A_218, %dma_start3A_219] : memref<2x2x40xi32, #tpu.memory_space<vmem>> -> memref<1x2x40xi32, #tpu.memory_space<vmem>>
        %dma_start3A_221 = tpu.memref_squeeze %dma_start3A_220 : memref<1x2x40xi32, #tpu.memory_space<vmem>> -> memref<2x40xi32, #tpu.memory_space<vmem>>
        %dma_start3A_222 = arith.constant 0 : i32
        %dma_start3A_223 = tpu.memref_slice %arg2[%dma_start3A_222, %mul3A_216] : memref<2x320000xi32, #tpu.memory_space<hbm>> -> memref<2x40xi32, #tpu.memory_space<hbm>>
        %dma_start3A_224 = arith.constant 0 : i32
        %dma_start3A_225 = arith.constant 0 : i32
        %dma_start3A_226 = tpu.memref_slice %arg8[%dma_start3A_217, %dma_start3A_224, %dma_start3A_225] : memref<2x2x40xi32, #tpu.memory_space<vmem>> -> memref<1x2x40xi32, #tpu.memory_space<vmem>>
        %dma_start3A_227 = tpu.memref_squeeze %dma_start3A_226 : memref<1x2x40xi32, #tpu.memory_space<vmem>> -> memref<2x40xi32, #tpu.memory_space<vmem>>
        %dma_start3A_228 = arith.constant 0 : i32
        %dma_start3A_229 = tpu.memref_slice %arg2[%dma_start3A_228, %mul3A_216] : memref<2x320000xi32, #tpu.memory_space<hbm>> -> memref<2x40xi32, #tpu.memory_space<hbm>>
        tpu.enqueue_dma source(%dma_start3A_229 : memref<2x40xi32, #tpu.memory_space<hbm>>) target(%dma_start3A_227 : memref<2x40xi32, #tpu.memory_space<vmem>>) target_semaphore(%arg14 : memref<!tpu.dma_semaphore, #tpu.memory_space<semaphore_mem>>)
      } else {
      }
      %mul3A_156 = arith.constant 2 : i32
      %mul3A_157 = arith.muli %scan3A_103, %mul3A_156 : i32
      %add3A_158 = arith.constant 1 : i32
      %add3A_159 = arith.addi %mul3A_157, %add3A_158 : i32
      %dma_wait3A_160 = arith.constant 1 : i32
      %dma_wait3A_161 = arith.constant 0 : i32
      %dma_wait3A_162 = arith.constant 1 : i32
      %dma_wait3A_163 = arith.constant 0 : i32
      %dma_wait3A_164 = arith.constant 0 : i32
      %dma_wait3A_165 = tpu.memref_slice %arg9[%dma_wait3A_162, %dma_wait3A_163, %dma_wait3A_164] : memref<2x40x256xbf16, #tpu.memory_space<vmem>> -> memref<1x40x256xbf16, #tpu.memory_space<vmem>>
      %dma_wait3A_166 = tpu.memref_squeeze %dma_wait3A_165 : memref<1x40x256xbf16, #tpu.memory_space<vmem>> -> memref<40x256xbf16, #tpu.memory_space<vmem>>
      %dma_wait3A_167 = arith.constant 0 : i32
      %dma_wait3A_168 = tpu.memref_slice %arg8[%dma_wait3A_160, %dma_wait3A_161, %dma_wait3A_167] : memref<2x2x40xi32, #tpu.memory_space<vmem>> -> memref<1x1x40xi32, #tpu.memory_space<vmem>>
      %dma_wait3A_169 = tpu.memref_squeeze %dma_wait3A_168 : memref<1x1x40xi32, #tpu.memory_space<vmem>> -> memref<40xi32, #tpu.memory_space<vmem>>
      %dma_wait3A_170 = arith.constant 0 : i32
      %dma_wait3A_171 = arith.constant 0 : i32
      %dma_wait3A_172 = tpu.memref_slice %arg3[%dma_wait3A_170, %dma_wait3A_171] : memref<10000x256xbf16, #tpu.memory_space<hbm>> -> memref<10000x256xbf16, #tpu.memory_space<hbm>>
      tpu.wait_indirect_dma semaphore(%arg17 : memref<!tpu.dma_semaphore, #tpu.memory_space<semaphore_mem>>) src(%dma_wait3A_172 : memref<10000x256xbf16, #tpu.memory_space<hbm>>) dst(%dma_wait3A_166 : memref<40x256xbf16, #tpu.memory_space<vmem>>)
      %dma_wait3A_173 = arith.constant 1 : i32
      %dma_wait3A_174 = arith.constant 1 : i32
      %dma_wait3A_175 = arith.constant 1 : i32
      %dma_wait3A_176 = arith.constant 0 : i32
      %dma_wait3A_177 = arith.constant 0 : i32
      %dma_wait3A_178 = tpu.memref_slice %arg10[%dma_wait3A_175, %dma_wait3A_176, %dma_wait3A_177] : memref<2x40x128xbf16, #tpu.memory_space<vmem>> -> memref<1x40x128xbf16, #tpu.memory_space<vmem>>
      %dma_wait3A_179 = tpu.memref_squeeze %dma_wait3A_178 : memref<1x40x128xbf16, #tpu.memory_space<vmem>> -> memref<40x128xbf16, #tpu.memory_space<vmem>>
      %dma_wait3A_180 = arith.constant 0 : i32
      %dma_wait3A_181 = tpu.memref_slice %arg8[%dma_wait3A_173, %dma_wait3A_174, %dma_wait3A_180] : memref<2x2x40xi32, #tpu.memory_space<vmem>> -> memref<1x1x40xi32, #tpu.memory_space<vmem>>
      %dma_wait3A_182 = tpu.memref_squeeze %dma_wait3A_181 : memref<1x1x40xi32, #tpu.memory_space<vmem>> -> memref<40xi32, #tpu.memory_space<vmem>>
      %dma_wait3A_183 = arith.constant 0 : i32
      %dma_wait3A_184 = arith.constant 0 : i32
      %dma_wait3A_185 = tpu.memref_slice %arg4[%dma_wait3A_183, %dma_wait3A_184] : memref<10000x128xbf16, #tpu.memory_space<hbm>> -> memref<10000x128xbf16, #tpu.memory_space<hbm>>
      tpu.wait_indirect_dma semaphore(%arg19 : memref<!tpu.dma_semaphore, #tpu.memory_space<semaphore_mem>>) src(%dma_wait3A_185 : memref<10000x128xbf16, #tpu.memory_space<hbm>>) dst(%dma_wait3A_179 : memref<40x128xbf16, #tpu.memory_space<vmem>>)
      %add3A_186 = arith.constant 1 : i32
      %add3A_187 = arith.addi %add3A_159, %add3A_186 : i32
      %lt3A_188 = arith.constant 250 : i32
      %lt3A_189 = arith.cmpi slt, %add3A_187, %lt3A_188 : i32
      %convert_element_type3A_190 = arith.extui %lt3A_189 : i1 to i32
      %cond3A_191 = arith.constant 0 : i32
      %cond3A_192 = arith.cmpi ne, %convert_element_type3A_190, %cond3A_191 : i32
      scf.if %cond3A_192 {
        %add3A_210 = arith.constant 1 : i32
        %add3A_211 = arith.addi %add3A_159, %add3A_210 : i32
        %mul3A_212 = arith.constant 32 : i32
        %mul3A_213 = arith.muli %add3A_211, %mul3A_212 : i32
        %add3A_214 = arith.addi %mul3A_213, %add3A : i32
        %mul3A_215 = arith.constant 40 : i32
        %mul3A_216 = arith.muli %add3A_214, %mul3A_215 : i32
        %dma_wait3A_217 = arith.constant 0 : i32
        %dma_wait3A_218 = arith.constant 0 : i32
        %dma_wait3A_219 = arith.constant 0 : i32
        %dma_wait3A_220 = tpu.memref_slice %arg8[%dma_wait3A_217, %dma_wait3A_218, %dma_wait3A_219] : memref<2x2x40xi32, #tpu.memory_space<vmem>> -> memref<1x2x40xi32, #tpu.memory_space<vmem>>
        %dma_wait3A_221 = tpu.memref_squeeze %dma_wait3A_220 : memref<1x2x40xi32, #tpu.memory_space<vmem>> -> memref<2x40xi32, #tpu.memory_space<vmem>>
        %dma_wait3A_222 = arith.constant 0 : i32
        %dma_wait3A_223 = tpu.memref_slice %arg2[%dma_wait3A_222, %mul3A_216] : memref<2x320000xi32, #tpu.memory_space<hbm>> -> memref<2x40xi32, #tpu.memory_space<hbm>>
        %dma_wait3A_224 = arith.constant 0 : i32
        %dma_wait3A_225 = arith.constant 0 : i32
        %dma_wait3A_226 = tpu.memref_slice %arg8[%dma_wait3A_217, %dma_wait3A_224, %dma_wait3A_225] : memref<2x2x40xi32, #tpu.memory_space<vmem>> -> memref<1x2x40xi32, #tpu.memory_space<vmem>>
        %dma_wait3A_227 = tpu.memref_squeeze %dma_wait3A_226 : memref<1x2x40xi32, #tpu.memory_space<vmem>> -> memref<2x40xi32, #tpu.memory_space<vmem>>
        %dma_wait3A_228 = arith.constant 0 : i32
        %dma_wait3A_229 = tpu.memref_slice %arg2[%dma_wait3A_228, %mul3A_216] : memref<2x320000xi32, #tpu.memory_space<hbm>> -> memref<2x40xi32, #tpu.memory_space<hbm>>
        tpu.wait_dma2 semaphore(%arg14 : memref<!tpu.dma_semaphore, #tpu.memory_space<semaphore_mem>>) src(%dma_wait3A_229 : memref<2x40xi32, #tpu.memory_space<hbm>>) dst(%dma_wait3A_227 : memref<2x40xi32, #tpu.memory_space<vmem>>)
        %dma_start3A_230 = arith.constant 0 : i32
        %dma_start3A_231 = arith.constant 0 : i32
        %dma_start3A_232 = arith.constant 0 : i32
        %dma_start3A_233 = arith.constant 0 : i32
        %dma_start3A_234 = arith.constant 0 : i32
        %dma_start3A_235 = tpu.memref_slice %arg9[%dma_start3A_232, %dma_start3A_233, %dma_start3A_234] : memref<2x40x256xbf16, #tpu.memory_space<vmem>> -> memref<1x40x256xbf16, #tpu.memory_space<vmem>>
        %dma_start3A_236 = tpu.memref_squeeze %dma_start3A_235 : memref<1x40x256xbf16, #tpu.memory_space<vmem>> -> memref<40x256xbf16, #tpu.memory_space<vmem>>
        %dma_start3A_237 = arith.constant 0 : i32
        %dma_start3A_238 = tpu.memref_slice %arg8[%dma_start3A_230, %dma_start3A_231, %dma_start3A_237] : memref<2x2x40xi32, #tpu.memory_space<vmem>> -> memref<1x1x40xi32, #tpu.memory_space<vmem>>
        %dma_start3A_239 = tpu.memref_squeeze %dma_start3A_238 : memref<1x1x40xi32, #tpu.memory_space<vmem>> -> memref<40xi32, #tpu.memory_space<vmem>>
        %dma_start3A_240 = arith.constant 0 : i32
        %dma_start3A_241 = arith.constant 0 : i32
        %dma_start3A_242 = tpu.memref_slice %arg3[%dma_start3A_240, %dma_start3A_241] : memref<10000x256xbf16, #tpu.memory_space<hbm>> -> memref<10000x256xbf16, #tpu.memory_space<hbm>>
        tpu.enqueue_indirect_dma source(%dma_start3A_242 : memref<10000x256xbf16, #tpu.memory_space<hbm>>) target(%dma_start3A_236 : memref<40x256xbf16, #tpu.memory_space<vmem>>) offsets(%dma_start3A_239 : memref<40xi32, #tpu.memory_space<vmem>>) semaphore(%arg16 : memref<!tpu.dma_semaphore, #tpu.memory_space<semaphore_mem>>)
        %dma_start3A_243 = arith.constant 0 : i32
        %dma_start3A_244 = arith.constant 1 : i32
        %dma_start3A_245 = arith.constant 0 : i32
        %dma_start3A_246 = arith.constant 0 : i32
        %dma_start3A_247 = arith.constant 0 : i32
        %dma_start3A_248 = tpu.memref_slice %arg10[%dma_start3A_245, %dma_start3A_246, %dma_start3A_247] : memref<2x40x128xbf16, #tpu.memory_space<vmem>> -> memref<1x40x128xbf16, #tpu.memory_space<vmem>>
        %dma_start3A_249 = tpu.memref_squeeze %dma_start3A_248 : memref<1x40x128xbf16, #tpu.memory_space<vmem>> -> memref<40x128xbf16, #tpu.memory_space<vmem>>
        %dma_start3A_250 = arith.constant 0 : i32
        %dma_start3A_251 = tpu.memref_slice %arg8[%dma_start3A_243, %dma_start3A_244, %dma_start3A_250] : memref<2x2x40xi32, #tpu.memory_space<vmem>> -> memref<1x1x40xi32, #tpu.memory_space<vmem>>
        %dma_start3A_252 = tpu.memref_squeeze %dma_start3A_251 : memref<1x1x40xi32, #tpu.memory_space<vmem>> -> memref<40xi32, #tpu.memory_space<vmem>>
        %dma_start3A_253 = arith.constant 0 : i32
        %dma_start3A_254 = arith.constant 0 : i32
        %dma_start3A_255 = tpu.memref_slice %arg4[%dma_start3A_253, %dma_start3A_254] : memref<10000x128xbf16, #tpu.memory_space<hbm>> -> memref<10000x128xbf16, #tpu.memory_space<hbm>>
        tpu.enqueue_indirect_dma source(%dma_start3A_255 : memref<10000x128xbf16, #tpu.memory_space<hbm>>) target(%dma_start3A_249 : memref<40x128xbf16, #tpu.memory_space<vmem>>) offsets(%dma_start3A_252 : memref<40xi32, #tpu.memory_space<vmem>>) semaphore(%arg18 : memref<!tpu.dma_semaphore, #tpu.memory_space<semaphore_mem>>)
      } else {
      }
      %parallel_loop3A_193 = arith.constant 0 : i32
      %parallel_loop3A_194 = arith.constant 40 : i32
      %parallel_loop3A_195 = arith.constant 1 : i32
      %parallel_loop3A_196 = arith.constant 1 : i32
      %parallel_loop3A_197 = arith.constant 1 : i32
      %parallel_loop3A_198 = arith.constant 1 : i32
      scf.for %parallel_loop3A_210 = %parallel_loop3A_193 to %parallel_loop3A_194 step %parallel_loop3A_195  : i32 {
        %parallel_loop3A_211 = arith.constant 0 : i32
        %parallel_loop3A_212 = arith.constant 0 : i32
        %parallel_loop3A_213 = tpu.memref_slice %arg9[%parallel_loop3A_196, %parallel_loop3A_211, %parallel_loop3A_212] : memref<2x40x256xbf16, #tpu.memory_space<vmem>> -> memref<1x40x256xbf16, #tpu.memory_space<vmem>>
        %parallel_loop3A_214 = tpu.memref_squeeze %parallel_loop3A_213 : memref<1x40x256xbf16, #tpu.memory_space<vmem>> -> memref<40x256xbf16, #tpu.memory_space<vmem>>
        %parallel_loop3A_215 = arith.index_cast %parallel_loop3A_210 : i32 to index
        %parallel_loop3A_216 = arith.constant 0 : index
        %parallel_loop3A_217 = tpu.vector_load %parallel_loop3A_214[%parallel_loop3A_215, %parallel_loop3A_216] {strides = array<i32>} : memref<40x256xbf16, #tpu.memory_space<vmem>>, vector<32xbf16>,
        %parallel_loop3A_218 = arith.constant 0 : i32
        %parallel_loop3A_219 = arith.constant 0 : i32
        %parallel_loop3A_220 = tpu.memref_slice %arg10[%parallel_loop3A_197, %parallel_loop3A_218, %parallel_loop3A_219] : memref<2x40x128xbf16, #tpu.memory_space<vmem>> -> memref<1x40x128xbf16, #tpu.memory_space<vmem>>
        %parallel_loop3A_221 = tpu.memref_squeeze %parallel_loop3A_220 : memref<1x40x128xbf16, #tpu.memory_space<vmem>> -> memref<40x128xbf16, #tpu.memory_space<vmem>>
        %parallel_loop3A_222 = arith.index_cast %parallel_loop3A_210 : i32 to index
        %parallel_loop3A_223 = arith.constant 0 : index
        %parallel_loop3A_224 = tpu.vector_load %parallel_loop3A_221[%parallel_loop3A_222, %parallel_loop3A_223] {strides = array<i32>} : memref<40x128xbf16, #tpu.memory_space<vmem>>, vector<32xbf16>,
        %parallel_loop3A_225 = arith.addf %parallel_loop3A_217, %parallel_loop3A_224 : vector<32xbf16>
        %parallel_loop3A_226 = tpu.unpack_subelements %parallel_loop3A_225, 0 {pack_format = #tpu.pack_format<interleaved>} : vector<32xbf16> -> vector<16xf32>
        %parallel_loop3A_227 = tpu.unpack_subelements %parallel_loop3A_225, 1 {pack_format = #tpu.pack_format<interleaved>} : vector<32xbf16> -> vector<16xf32>
        %parallel_loop3A_228 = arith.constant 6.000000e-01 : f32
        %parallel_loop3A_229 = vector.broadcast %parallel_loop3A_228 : f32 to vector<16xf32>
        %parallel_loop3A_230 = arith.mulf %parallel_loop3A_229, %parallel_loop3A_226 : vector<16xf32>
        %parallel_loop3A_231 = math.absf %parallel_loop3A_226 : vector<16xf32>
        %parallel_loop3A_232 = arith.constant 4.000000e-01 : f32
        %parallel_loop3A_233 = vector.broadcast %parallel_loop3A_232 : f32 to vector<16xf32>
        %parallel_loop3A_234 = arith.mulf %parallel_loop3A_233, %parallel_loop3A_231 : vector<16xf32>
        %parallel_loop3A_235 = arith.addf %parallel_loop3A_230, %parallel_loop3A_234 : vector<16xf32>
        %parallel_loop3A_236 = arith.mulf %parallel_loop3A_235, %get3A_1 : vector<16xf32>
        %parallel_loop3A_237 = arith.constant 6.000000e-01 : f32
        %parallel_loop3A_238 = vector.broadcast %parallel_loop3A_237 : f32 to vector<16xf32>
        %parallel_loop3A_239 = arith.mulf %parallel_loop3A_238, %parallel_loop3A_227 : vector<16xf32>
        %parallel_loop3A_240 = math.absf %parallel_loop3A_227 : vector<16xf32>
        %parallel_loop3A_241 = arith.constant 4.000000e-01 : f32
        %parallel_loop3A_242 = vector.broadcast %parallel_loop3A_241 : f32 to vector<16xf32>
        %parallel_loop3A_243 = arith.mulf %parallel_loop3A_242, %parallel_loop3A_240 : vector<16xf32>
        %parallel_loop3A_244 = arith.addf %parallel_loop3A_239, %parallel_loop3A_243 : vector<16xf32>
        %parallel_loop3A_245 = arith.mulf %parallel_loop3A_244, %get3A_3 : vector<16xf32>
        %parallel_loop3A_246 = arith.constant 0 : i32
        %parallel_loop3A_247 = arith.constant 0 : i32
        %parallel_loop3A_248 = tpu.memref_slice %arg9[%parallel_loop3A_196, %parallel_loop3A_246, %parallel_loop3A_247] : memref<2x40x256xbf16, #tpu.memory_space<vmem>> -> memref<1x40x256xbf16, #tpu.memory_space<vmem>>
        %parallel_loop3A_249 = tpu.memref_squeeze %parallel_loop3A_248 : memref<1x40x256xbf16, #tpu.memory_space<vmem>> -> memref<40x256xbf16, #tpu.memory_space<vmem>>
        %parallel_loop3A_250 = arith.index_cast %parallel_loop3A_210 : i32 to index
        %parallel_loop3A_251 = arith.constant 32 : index
        %parallel_loop3A_252 = tpu.vector_load %parallel_loop3A_249[%parallel_loop3A_250, %parallel_loop3A_251] {strides = array<i32>} : memref<40x256xbf16, #tpu.memory_space<vmem>>, vector<32xbf16>,
        %parallel_loop3A_253 = arith.constant 0 : i32
        %parallel_loop3A_254 = arith.constant 0 : i32
        %parallel_loop3A_255 = tpu.memref_slice %arg10[%parallel_loop3A_197, %parallel_loop3A_253, %parallel_loop3A_254] : memref<2x40x128xbf16, #tpu.memory_space<vmem>> -> memref<1x40x128xbf16, #tpu.memory_space<vmem>>
        %parallel_loop3A_256 = tpu.memref_squeeze %parallel_loop3A_255 : memref<1x40x128xbf16, #tpu.memory_space<vmem>> -> memref<40x128xbf16, #tpu.memory_space<vmem>>
        %parallel_loop3A_257 = arith.index_cast %parallel_loop3A_210 : i32 to index
        %parallel_loop3A_258 = arith.constant 32 : index
        %parallel_loop3A_259 = tpu.vector_load %parallel_loop3A_256[%parallel_loop3A_257, %parallel_loop3A_258] {strides = array<i32>} : memref<40x128xbf16, #tpu.memory_space<vmem>>, vector<32xbf16>,
        %parallel_loop3A_260 = arith.addf %parallel_loop3A_252, %parallel_loop3A_259 : vector<32xbf16>
        %parallel_loop3A_261 = tpu.unpack_subelements %parallel_loop3A_260, 0 {pack_format = #tpu.pack_format<interleaved>} : vector<32xbf16> -> vector<16xf32>
        %parallel_loop3A_262 = tpu.unpack_subelements %parallel_loop3A_260, 1 {pack_format = #tpu.pack_format<interleaved>} : vector<32xbf16> -> vector<16xf32>
        %parallel_loop3A_263 = arith.constant 6.000000e-01 : f32
        %parallel_loop3A_264 = vector.broadcast %parallel_loop3A_263 : f32 to vector<16xf32>
        %parallel_loop3A_265 = arith.mulf %parallel_loop3A_264, %parallel_loop3A_261 : vector<16xf32>
        %parallel_loop3A_266 = math.absf %parallel_loop3A_261 : vector<16xf32>
        %parallel_loop3A_267 = arith.constant 4.000000e-01 : f32
        %parallel_loop3A_268 = vector.broadcast %parallel_loop3A_267 : f32 to vector<16xf32>
        %parallel_loop3A_269 = arith.mulf %parallel_loop3A_268, %parallel_loop3A_266 : vector<16xf32>
        %parallel_loop3A_270 = arith.addf %parallel_loop3A_265, %parallel_loop3A_269 : vector<16xf32>
        %parallel_loop3A_271 = arith.mulf %parallel_loop3A_270, %get3A_5 : vector<16xf32>
        %parallel_loop3A_272 = arith.constant 6.000000e-01 : f32
        %parallel_loop3A_273 = vector.broadcast %parallel_loop3A_272 : f32 to vector<16xf32>
        %parallel_loop3A_274 = arith.mulf %parallel_loop3A_273, %parallel_loop3A_262 : vector<16xf32>
        %parallel_loop3A_275 = math.absf %parallel_loop3A_262 : vector<16xf32>
        %parallel_loop3A_276 = arith.constant 4.000000e-01 : f32
        %parallel_loop3A_277 = vector.broadcast %parallel_loop3A_276 : f32 to vector<16xf32>
        %parallel_loop3A_278 = arith.mulf %parallel_loop3A_277, %parallel_loop3A_275 : vector<16xf32>
        %parallel_loop3A_279 = arith.addf %parallel_loop3A_274, %parallel_loop3A_278 : vector<16xf32>
        %parallel_loop3A_280 = arith.mulf %parallel_loop3A_279, %get3A_7 : vector<16xf32>
        %parallel_loop3A_281 = arith.addf %parallel_loop3A_236, %parallel_loop3A_245 : vector<16xf32>
        %parallel_loop3A_282 = arith.addf %parallel_loop3A_271, %parallel_loop3A_280 : vector<16xf32>
        %parallel_loop3A_283 = arith.addf %parallel_loop3A_281, %parallel_loop3A_282 : vector<16xf32>
        %parallel_loop3A_284 = arith.constant true
        %parallel_loop3A_285 = vector.broadcast %parallel_loop3A_284 : i1 to vector<16xi1>
        %parallel_loop3A_286 = tpu.scan <sum>, %parallel_loop3A_283 masked %parallel_loop3A_285 : vector<16xf32>, vector<16xi1> -> vector<16xf32>
        %parallel_loop3A_287 = vector.extract %parallel_loop3A_286[15] : f32 from vector<16xf32>
        %parallel_loop3A_288 = arith.constant 0 : i32
        %parallel_loop3A_289 = arith.constant 0 : i32
        %parallel_loop3A_290 = tpu.memref_slice %arg9[%parallel_loop3A_196, %parallel_loop3A_288, %parallel_loop3A_289] : memref<2x40x256xbf16, #tpu.memory_space<vmem>> -> memref<1x40x256xbf16, #tpu.memory_space<vmem>>
        %parallel_loop3A_291 = tpu.memref_squeeze %parallel_loop3A_290 : memref<1x40x256xbf16, #tpu.memory_space<vmem>> -> memref<40x256xbf16, #tpu.memory_space<vmem>>
        %parallel_loop3A_292 = arith.index_cast %parallel_loop3A_210 : i32 to index
        %parallel_loop3A_293 = arith.constant 64 : index
        %parallel_loop3A_294 = tpu.vector_load %parallel_loop3A_291[%parallel_loop3A_292, %parallel_loop3A_293] {strides = array<i32>} : memref<40x256xbf16, #tpu.memory_space<vmem>>, vector<32xbf16>,
        %parallel_loop3A_295 = arith.constant 0 : i32
        %parallel_loop3A_296 = arith.constant 0 : i32
        %parallel_loop3A_297 = tpu.memref_slice %arg10[%parallel_loop3A_197, %parallel_loop3A_295, %parallel_loop3A_296] : memref<2x40x128xbf16, #tpu.memory_space<vmem>> -> memref<1x40x128xbf16, #tpu.memory_space<vmem>>
        %parallel_loop3A_298 = tpu.memref_squeeze %parallel_loop3A_297 : memref<1x40x128xbf16, #tpu.memory_space<vmem>> -> memref<40x128xbf16, #tpu.memory_space<vmem>>
        %parallel_loop3A_299 = arith.index_cast %parallel_loop3A_210 : i32 to index
        %parallel_loop3A_300 = arith.constant 64 : index
        %parallel_loop3A_301 = tpu.vector_load %parallel_loop3A_298[%parallel_loop3A_299, %parallel_loop3A_300] {strides = array<i32>} : memref<40x128xbf16, #tpu.memory_space<vmem>>, vector<32xbf16>,
        %parallel_loop3A_302 = arith.addf %parallel_loop3A_294, %parallel_loop3A_301 : vector<32xbf16>
        %parallel_loop3A_303 = tpu.unpack_subelements %parallel_loop3A_302, 0 {pack_format = #tpu.pack_format<interleaved>} : vector<32xbf16> -> vector<16xf32>
        %parallel_loop3A_304 = tpu.unpack_subelements %parallel_loop3A_302, 1 {pack_format = #tpu.pack_format<interleaved>} : vector<32xbf16> -> vector<16xf32>
        %parallel_loop3A_305 = arith.constant 6.000000e-01 : f32
        %parallel_loop3A_306 = vector.broadcast %parallel_loop3A_305 : f32 to vector<16xf32>
        %parallel_loop3A_307 = arith.mulf %parallel_loop3A_306, %parallel_loop3A_303 : vector<16xf32>
        %parallel_loop3A_308 = math.absf %parallel_loop3A_303 : vector<16xf32>
        %parallel_loop3A_309 = arith.constant 4.000000e-01 : f32
        %parallel_loop3A_310 = vector.broadcast %parallel_loop3A_309 : f32 to vector<16xf32>
        %parallel_loop3A_311 = arith.mulf %parallel_loop3A_310, %parallel_loop3A_308 : vector<16xf32>
        %parallel_loop3A_312 = arith.addf %parallel_loop3A_307, %parallel_loop3A_311 : vector<16xf32>
        %parallel_loop3A_313 = arith.mulf %parallel_loop3A_312, %get3A_9 : vector<16xf32>
        %parallel_loop3A_314 = arith.constant 6.000000e-01 : f32
        %parallel_loop3A_315 = vector.broadcast %parallel_loop3A_314 : f32 to vector<16xf32>
        %parallel_loop3A_316 = arith.mulf %parallel_loop3A_315, %parallel_loop3A_304 : vector<16xf32>
        %parallel_loop3A_317 = math.absf %parallel_loop3A_304 : vector<16xf32>
        %parallel_loop3A_318 = arith.constant 4.000000e-01 : f32
        %parallel_loop3A_319 = vector.broadcast %parallel_loop3A_318 : f32 to vector<16xf32>
        %parallel_loop3A_320 = arith.mulf %parallel_loop3A_319, %parallel_loop3A_317 : vector<16xf32>
        %parallel_loop3A_321 = arith.addf %parallel_loop3A_316, %parallel_loop3A_320 : vector<16xf32>
        %parallel_loop3A_322 = arith.mulf %parallel_loop3A_321, %get3A_11 : vector<16xf32>
        %parallel_loop3A_323 = arith.constant 0 : i32
        %parallel_loop3A_324 = arith.constant 0 : i32
        %parallel_loop3A_325 = tpu.memref_slice %arg9[%parallel_loop3A_196, %parallel_loop3A_323, %parallel_loop3A_324] : memref<2x40x256xbf16, #tpu.memory_space<vmem>> -> memref<1x40x256xbf16, #tpu.memory_space<vmem>>
        %parallel_loop3A_326 = tpu.memref_squeeze %parallel_loop3A_325 : memref<1x40x256xbf16, #tpu.memory_space<vmem>> -> memref<40x256xbf16, #tpu.memory_space<vmem>>
        %parallel_loop3A_327 = arith.index_cast %parallel_loop3A_210 : i32 to index
        %parallel_loop3A_328 = arith.constant 96 : index
        %parallel_loop3A_329 = tpu.vector_load %parallel_loop3A_326[%parallel_loop3A_327, %parallel_loop3A_328] {strides = array<i32>} : memref<40x256xbf16, #tpu.memory_space<vmem>>, vector<32xbf16>,
        %parallel_loop3A_330 = arith.constant 0 : i32
        %parallel_loop3A_331 = arith.constant 0 : i32
        %parallel_loop3A_332 = tpu.memref_slice %arg10[%parallel_loop3A_197, %parallel_loop3A_330, %parallel_loop3A_331] : memref<2x40x128xbf16, #tpu.memory_space<vmem>> -> memref<1x40x128xbf16, #tpu.memory_space<vmem>>
        %parallel_loop3A_333 = tpu.memref_squeeze %parallel_loop3A_332 : memref<1x40x128xbf16, #tpu.memory_space<vmem>> -> memref<40x128xbf16, #tpu.memory_space<vmem>>
        %parallel_loop3A_334 = arith.index_cast %parallel_loop3A_210 : i32 to index
        %parallel_loop3A_335 = arith.constant 96 : index
        %parallel_loop3A_336 = tpu.vector_load %parallel_loop3A_333[%parallel_loop3A_334, %parallel_loop3A_335] {strides = array<i32>} : memref<40x128xbf16, #tpu.memory_space<vmem>>, vector<32xbf16>,
        %parallel_loop3A_337 = arith.addf %parallel_loop3A_329, %parallel_loop3A_336 : vector<32xbf16>
        %parallel_loop3A_338 = tpu.unpack_subelements %parallel_loop3A_337, 0 {pack_format = #tpu.pack_format<interleaved>} : vector<32xbf16> -> vector<16xf32>
        %parallel_loop3A_339 = tpu.unpack_subelements %parallel_loop3A_337, 1 {pack_format = #tpu.pack_format<interleaved>} : vector<32xbf16> -> vector<16xf32>
        %parallel_loop3A_340 = arith.constant 6.000000e-01 : f32
        %parallel_loop3A_341 = vector.broadcast %parallel_loop3A_340 : f32 to vector<16xf32>
        %parallel_loop3A_342 = arith.mulf %parallel_loop3A_341, %parallel_loop3A_338 : vector<16xf32>
        %parallel_loop3A_343 = math.absf %parallel_loop3A_338 : vector<16xf32>
        %parallel_loop3A_344 = arith.constant 4.000000e-01 : f32
        %parallel_loop3A_345 = vector.broadcast %parallel_loop3A_344 : f32 to vector<16xf32>
        %parallel_loop3A_346 = arith.mulf %parallel_loop3A_345, %parallel_loop3A_343 : vector<16xf32>
        %parallel_loop3A_347 = arith.addf %parallel_loop3A_342, %parallel_loop3A_346 : vector<16xf32>
        %parallel_loop3A_348 = arith.mulf %parallel_loop3A_347, %get3A_13 : vector<16xf32>
        %parallel_loop3A_349 = arith.constant 6.000000e-01 : f32
        %parallel_loop3A_350 = vector.broadcast %parallel_loop3A_349 : f32 to vector<16xf32>
        %parallel_loop3A_351 = arith.mulf %parallel_loop3A_350, %parallel_loop3A_339 : vector<16xf32>
        %parallel_loop3A_352 = math.absf %parallel_loop3A_339 : vector<16xf32>
        %parallel_loop3A_353 = arith.constant 4.000000e-01 : f32
        %parallel_loop3A_354 = vector.broadcast %parallel_loop3A_353 : f32 to vector<16xf32>
        %parallel_loop3A_355 = arith.mulf %parallel_loop3A_354, %parallel_loop3A_352 : vector<16xf32>
        %parallel_loop3A_356 = arith.addf %parallel_loop3A_351, %parallel_loop3A_355 : vector<16xf32>
        %parallel_loop3A_357 = arith.mulf %parallel_loop3A_356, %get3A_15 : vector<16xf32>
        %parallel_loop3A_358 = arith.addf %parallel_loop3A_313, %parallel_loop3A_322 : vector<16xf32>
        %parallel_loop3A_359 = arith.addf %parallel_loop3A_348, %parallel_loop3A_357 : vector<16xf32>
        %parallel_loop3A_360 = arith.addf %parallel_loop3A_358, %parallel_loop3A_359 : vector<16xf32>
        %parallel_loop3A_361 = arith.constant true
        %parallel_loop3A_362 = vector.broadcast %parallel_loop3A_361 : i1 to vector<16xi1>
        %parallel_loop3A_363 = tpu.scan <sum>, %parallel_loop3A_360 masked %parallel_loop3A_362 : vector<16xf32>, vector<16xi1> -> vector<16xf32>
        %parallel_loop3A_364 = vector.extract %parallel_loop3A_363[15] : f32 from vector<16xf32>
        %parallel_loop3A_365 = vector.broadcast %parallel_loop3A_287 : f32 to vector<16xf32>
        %parallel_loop3A_366 = math.exp %parallel_loop3A_365 : vector<16xf32>
        %parallel_loop3A_367 = vector.broadcast %parallel_loop3A_364 : f32 to vector<16xf32>
        %parallel_loop3A_368 = math.exp %parallel_loop3A_367 : vector<16xf32>
        %parallel_loop3A_369 = arith.constant 0 : i32
        %parallel_loop3A_370 = vector.broadcast %parallel_loop3A_369 : i32 to vector<16xi32>
        %parallel_loop3A_371 = arith.cmpi eq, %iota3A, %parallel_loop3A_370 : vector<16xi32>
        %parallel_loop3A_372 = arith.constant 1 : i32
        %parallel_loop3A_373 = vector.broadcast %parallel_loop3A_372 : i32 to vector<16xi32>
        %parallel_loop3A_374 = arith.cmpi eq, %iota3A, %parallel_loop3A_373 : vector<16xi32>
        %parallel_loop3A_375 = arith.constant 0.000000e+00 : f32
        %parallel_loop3A_376 = vector.broadcast %parallel_loop3A_375 : f32 to vector<16xf32>
        %parallel_loop3A_377 = arith.select %parallel_loop3A_374, %parallel_loop3A_368, %parallel_loop3A_376 : vector<16xi1>, vector<16xf32>
        %parallel_loop3A_378 = arith.select %parallel_loop3A_371, %parallel_loop3A_366, %parallel_loop3A_377 : vector<16xi1>, vector<16xf32>
        %parallel_loop3A_379 = arith.constant 0 : i32
        %parallel_loop3A_380 = arith.constant 0 : i32
        %parallel_loop3A_381 = tpu.memref_slice %arg11[%parallel_loop3A_198, %parallel_loop3A_379, %parallel_loop3A_380] : memref<2x40x144xf32, #tpu.memory_space<vmem>> -> memref<1x40x144xf32, #tpu.memory_space<vmem>>
        %parallel_loop3A_382 = tpu.memref_squeeze %parallel_loop3A_381 : memref<1x40x144xf32, #tpu.memory_space<vmem>> -> memref<40x144xf32, #tpu.memory_space<vmem>>
        %parallel_loop3A_383 = arith.index_cast %parallel_loop3A_210 : i32 to index
        %parallel_loop3A_384 = arith.constant 128 : index
        %parallel_loop3A_385 = tpu.vector_load %parallel_loop3A_382[%parallel_loop3A_383, %parallel_loop3A_384] {strides = array<i32>} : memref<40x144xf32, #tpu.memory_space<vmem>>, vector<16xf32>,
        tpu.vector_store %parallel_loop3A_382[%parallel_loop3A_383, %parallel_loop3A_384], %parallel_loop3A_378 {strides = array<i32>} : memref<40x144xf32, #tpu.memory_space<vmem>>, vector<16xf32>,
        %parallel_loop3A_386 = arith.constant 0 : i32
        %parallel_loop3A_387 = arith.constant 0 : i32
        %parallel_loop3A_388 = tpu.memref_slice %arg9[%parallel_loop3A_196, %parallel_loop3A_386, %parallel_loop3A_387] : memref<2x40x256xbf16, #tpu.memory_space<vmem>> -> memref<1x40x256xbf16, #tpu.memory_space<vmem>>
        %parallel_loop3A_389 = tpu.memref_squeeze %parallel_loop3A_388 : memref<1x40x256xbf16, #tpu.memory_space<vmem>> -> memref<40x256xbf16, #tpu.memory_space<vmem>>
        %parallel_loop3A_390 = arith.index_cast %parallel_loop3A_210 : i32 to index
        %parallel_loop3A_391 = arith.constant 128 : index
        %parallel_loop3A_392 = tpu.vector_load %parallel_loop3A_389[%parallel_loop3A_390, %parallel_loop3A_391] {strides = array<i32>} : memref<40x256xbf16, #tpu.memory_space<vmem>>, vector<32xbf16>,
        %parallel_loop3A_393 = tpu.unpack_subelements %parallel_loop3A_392, 0 {pack_format = #tpu.pack_format<interleaved>} : vector<32xbf16> -> vector<16xf32>
        %parallel_loop3A_394 = tpu.unpack_subelements %parallel_loop3A_392, 1 {pack_format = #tpu.pack_format<interleaved>} : vector<32xbf16> -> vector<16xf32>
        %parallel_loop3A_395 = arith.mulf %parallel_loop3A_393, %parallel_loop3A_366 : vector<16xf32>
        %parallel_loop3A_396 = arith.constant 0 : i32
        %parallel_loop3A_397 = arith.constant 0 : i32
        %parallel_loop3A_398 = tpu.memref_slice %arg11[%parallel_loop3A_198, %parallel_loop3A_396, %parallel_loop3A_397] : memref<2x40x144xf32, #tpu.memory_space<vmem>> -> memref<1x40x144xf32, #tpu.memory_space<vmem>>
        %parallel_loop3A_399 = tpu.memref_squeeze %parallel_loop3A_398 : memref<1x40x144xf32, #tpu.memory_space<vmem>> -> memref<40x144xf32, #tpu.memory_space<vmem>>
        %parallel_loop3A_400 = arith.index_cast %parallel_loop3A_210 : i32 to index
        %parallel_loop3A_401 = arith.constant 0 : index
        %parallel_loop3A_402 = tpu.vector_load %parallel_loop3A_399[%parallel_loop3A_400, %parallel_loop3A_401] {strides = array<i32>} : memref<40x144xf32, #tpu.memory_space<vmem>>, vector<16xf32>,
        tpu.vector_store %parallel_loop3A_399[%parallel_loop3A_400, %parallel_loop3A_401], %parallel_loop3A_395 {strides = array<i32>} : memref<40x144xf32, #tpu.memory_space<vmem>>, vector<16xf32>,
        %parallel_loop3A_403 = arith.mulf %parallel_loop3A_394, %parallel_loop3A_366 : vector<16xf32>
        %parallel_loop3A_404 = arith.constant 0 : i32
        %parallel_loop3A_405 = arith.constant 0 : i32
        %parallel_loop3A_406 = tpu.memref_slice %arg11[%parallel_loop3A_198, %parallel_loop3A_404, %parallel_loop3A_405] : memref<2x40x144xf32, #tpu.memory_space<vmem>> -> memref<1x40x144xf32, #tpu.memory_space<vmem>>
        %parallel_loop3A_407 = tpu.memref_squeeze %parallel_loop3A_406 : memref<1x40x144xf32, #tpu.memory_space<vmem>> -> memref<40x144xf32, #tpu.memory_space<vmem>>
        %parallel_loop3A_408 = arith.index_cast %parallel_loop3A_210 : i32 to index
        %parallel_loop3A_409 = arith.constant 16 : index
        %parallel_loop3A_410 = tpu.vector_load %parallel_loop3A_407[%parallel_loop3A_408, %parallel_loop3A_409] {strides = array<i32>} : memref<40x144xf32, #tpu.memory_space<vmem>>, vector<16xf32>,
        tpu.vector_store %parallel_loop3A_407[%parallel_loop3A_408, %parallel_loop3A_409], %parallel_loop3A_403 {strides = array<i32>} : memref<40x144xf32, #tpu.memory_space<vmem>>, vector<16xf32>,
        %parallel_loop3A_411 = arith.constant 0 : i32
        %parallel_loop3A_412 = arith.constant 0 : i32
        %parallel_loop3A_413 = tpu.memref_slice %arg9[%parallel_loop3A_196, %parallel_loop3A_411, %parallel_loop3A_412] : memref<2x40x256xbf16, #tpu.memory_space<vmem>> -> memref<1x40x256xbf16, #tpu.memory_space<vmem>>
        %parallel_loop3A_414 = tpu.memref_squeeze %parallel_loop3A_413 : memref<1x40x256xbf16, #tpu.memory_space<vmem>> -> memref<40x256xbf16, #tpu.memory_space<vmem>>
        %parallel_loop3A_415 = arith.index_cast %parallel_loop3A_210 : i32 to index
        %parallel_loop3A_416 = arith.constant 160 : index
        %parallel_loop3A_417 = tpu.vector_load %parallel_loop3A_414[%parallel_loop3A_415, %parallel_loop3A_416] {strides = array<i32>} : memref<40x256xbf16, #tpu.memory_space<vmem>>, vector<32xbf16>,
        %parallel_loop3A_418 = tpu.unpack_subelements %parallel_loop3A_417, 0 {pack_format = #tpu.pack_format<interleaved>} : vector<32xbf16> -> vector<16xf32>
        %parallel_loop3A_419 = tpu.unpack_subelements %parallel_loop3A_417, 1 {pack_format = #tpu.pack_format<interleaved>} : vector<32xbf16> -> vector<16xf32>
        %parallel_loop3A_420 = arith.mulf %parallel_loop3A_418, %parallel_loop3A_366 : vector<16xf32>
        %parallel_loop3A_421 = arith.constant 0 : i32
        %parallel_loop3A_422 = arith.constant 0 : i32
        %parallel_loop3A_423 = tpu.memref_slice %arg11[%parallel_loop3A_198, %parallel_loop3A_421, %parallel_loop3A_422] : memref<2x40x144xf32, #tpu.memory_space<vmem>> -> memref<1x40x144xf32, #tpu.memory_space<vmem>>
        %parallel_loop3A_424 = tpu.memref_squeeze %parallel_loop3A_423 : memref<1x40x144xf32, #tpu.memory_space<vmem>> -> memref<40x144xf32, #tpu.memory_space<vmem>>
        %parallel_loop3A_425 = arith.index_cast %parallel_loop3A_210 : i32 to index
        %parallel_loop3A_426 = arith.constant 32 : index
        %parallel_loop3A_427 = tpu.vector_load %parallel_loop3A_424[%parallel_loop3A_425, %parallel_loop3A_426] {strides = array<i32>} : memref<40x144xf32, #tpu.memory_space<vmem>>, vector<16xf32>,
        tpu.vector_store %parallel_loop3A_424[%parallel_loop3A_425, %parallel_loop3A_426], %parallel_loop3A_420 {strides = array<i32>} : memref<40x144xf32, #tpu.memory_space<vmem>>, vector<16xf32>,
        %parallel_loop3A_428 = arith.mulf %parallel_loop3A_419, %parallel_loop3A_366 : vector<16xf32>
        %parallel_loop3A_429 = arith.constant 0 : i32
        %parallel_loop3A_430 = arith.constant 0 : i32
        %parallel_loop3A_431 = tpu.memref_slice %arg11[%parallel_loop3A_198, %parallel_loop3A_429, %parallel_loop3A_430] : memref<2x40x144xf32, #tpu.memory_space<vmem>> -> memref<1x40x144xf32, #tpu.memory_space<vmem>>
        %parallel_loop3A_432 = tpu.memref_squeeze %parallel_loop3A_431 : memref<1x40x144xf32, #tpu.memory_space<vmem>> -> memref<40x144xf32, #tpu.memory_space<vmem>>
        %parallel_loop3A_433 = arith.index_cast %parallel_loop3A_210 : i32 to index
        %parallel_loop3A_434 = arith.constant 48 : index
        %parallel_loop3A_435 = tpu.vector_load %parallel_loop3A_432[%parallel_loop3A_433, %parallel_loop3A_434] {strides = array<i32>} : memref<40x144xf32, #tpu.memory_space<vmem>>, vector<16xf32>,
        tpu.vector_store %parallel_loop3A_432[%parallel_loop3A_433, %parallel_loop3A_434], %parallel_loop3A_428 {strides = array<i32>} : memref<40x144xf32, #tpu.memory_space<vmem>>, vector<16xf32>,
        %parallel_loop3A_436 = arith.constant 0 : i32
        %parallel_loop3A_437 = arith.constant 0 : i32
        %parallel_loop3A_438 = tpu.memref_slice %arg9[%parallel_loop3A_196, %parallel_loop3A_436, %parallel_loop3A_437] : memref<2x40x256xbf16, #tpu.memory_space<vmem>> -> memref<1x40x256xbf16, #tpu.memory_space<vmem>>
        %parallel_loop3A_439 = tpu.memref_squeeze %parallel_loop3A_438 : memref<1x40x256xbf16, #tpu.memory_space<vmem>> -> memref<40x256xbf16, #tpu.memory_space<vmem>>
        %parallel_loop3A_440 = arith.index_cast %parallel_loop3A_210 : i32 to index
        %parallel_loop3A_441 = arith.constant 192 : index
        %parallel_loop3A_442 = tpu.vector_load %parallel_loop3A_439[%parallel_loop3A_440, %parallel_loop3A_441] {strides = array<i32>} : memref<40x256xbf16, #tpu.memory_space<vmem>>, vector<32xbf16>,
        %parallel_loop3A_443 = tpu.unpack_subelements %parallel_loop3A_442, 0 {pack_format = #tpu.pack_format<interleaved>} : vector<32xbf16> -> vector<16xf32>
        %parallel_loop3A_444 = tpu.unpack_subelements %parallel_loop3A_442, 1 {pack_format = #tpu.pack_format<interleaved>} : vector<32xbf16> -> vector<16xf32>
        %parallel_loop3A_445 = arith.mulf %parallel_loop3A_443, %parallel_loop3A_368 : vector<16xf32>
        %parallel_loop3A_446 = arith.constant 0 : i32
        %parallel_loop3A_447 = arith.constant 0 : i32
        %parallel_loop3A_448 = tpu.memref_slice %arg11[%parallel_loop3A_198, %parallel_loop3A_446, %parallel_loop3A_447] : memref<2x40x144xf32, #tpu.memory_space<vmem>> -> memref<1x40x144xf32, #tpu.memory_space<vmem>>
        %parallel_loop3A_449 = tpu.memref_squeeze %parallel_loop3A_448 : memref<1x40x144xf32, #tpu.memory_space<vmem>> -> memref<40x144xf32, #tpu.memory_space<vmem>>
        %parallel_loop3A_450 = arith.index_cast %parallel_loop3A_210 : i32 to index
        %parallel_loop3A_451 = arith.constant 64 : index
        %parallel_loop3A_452 = tpu.vector_load %parallel_loop3A_449[%parallel_loop3A_450, %parallel_loop3A_451] {strides = array<i32>} : memref<40x144xf32, #tpu.memory_space<vmem>>, vector<16xf32>,
        tpu.vector_store %parallel_loop3A_449[%parallel_loop3A_450, %parallel_loop3A_451], %parallel_loop3A_445 {strides = array<i32>} : memref<40x144xf32, #tpu.memory_space<vmem>>, vector<16xf32>,
        %parallel_loop3A_453 = arith.mulf %parallel_loop3A_444, %parallel_loop3A_368 : vector<16xf32>
        %parallel_loop3A_454 = arith.constant 0 : i32
        %parallel_loop3A_455 = arith.constant 0 : i32
        %parallel_loop3A_456 = tpu.memref_slice %arg11[%parallel_loop3A_198, %parallel_loop3A_454, %parallel_loop3A_455] : memref<2x40x144xf32, #tpu.memory_space<vmem>> -> memref<1x40x144xf32, #tpu.memory_space<vmem>>
        %parallel_loop3A_457 = tpu.memref_squeeze %parallel_loop3A_456 : memref<1x40x144xf32, #tpu.memory_space<vmem>> -> memref<40x144xf32, #tpu.memory_space<vmem>>
        %parallel_loop3A_458 = arith.index_cast %parallel_loop3A_210 : i32 to index
        %parallel_loop3A_459 = arith.constant 80 : index
        %parallel_loop3A_460 = tpu.vector_load %parallel_loop3A_457[%parallel_loop3A_458, %parallel_loop3A_459] {strides = array<i32>} : memref<40x144xf32, #tpu.memory_space<vmem>>, vector<16xf32>,
        tpu.vector_store %parallel_loop3A_457[%parallel_loop3A_458, %parallel_loop3A_459], %parallel_loop3A_453 {strides = array<i32>} : memref<40x144xf32, #tpu.memory_space<vmem>>, vector<16xf32>,
        %parallel_loop3A_461 = arith.constant 0 : i32
        %parallel_loop3A_462 = arith.constant 0 : i32
        %parallel_loop3A_463 = tpu.memref_slice %arg9[%parallel_loop3A_196, %parallel_loop3A_461, %parallel_loop3A_462] : memref<2x40x256xbf16, #tpu.memory_space<vmem>> -> memref<1x40x256xbf16, #tpu.memory_space<vmem>>
        %parallel_loop3A_464 = tpu.memref_squeeze %parallel_loop3A_463 : memref<1x40x256xbf16, #tpu.memory_space<vmem>> -> memref<40x256xbf16, #tpu.memory_space<vmem>>
        %parallel_loop3A_465 = arith.index_cast %parallel_loop3A_210 : i32 to index
        %parallel_loop3A_466 = arith.constant 224 : index
        %parallel_loop3A_467 = tpu.vector_load %parallel_loop3A_464[%parallel_loop3A_465, %parallel_loop3A_466] {strides = array<i32>} : memref<40x256xbf16, #tpu.memory_space<vmem>>, vector<32xbf16>,
        %parallel_loop3A_468 = tpu.unpack_subelements %parallel_loop3A_467, 0 {pack_format = #tpu.pack_format<interleaved>} : vector<32xbf16> -> vector<16xf32>
        %parallel_loop3A_469 = tpu.unpack_subelements %parallel_loop3A_467, 1 {pack_format = #tpu.pack_format<interleaved>} : vector<32xbf16> -> vector<16xf32>
        %parallel_loop3A_470 = arith.mulf %parallel_loop3A_468, %parallel_loop3A_368 : vector<16xf32>
        %parallel_loop3A_471 = arith.constant 0 : i32
        %parallel_loop3A_472 = arith.constant 0 : i32
        %parallel_loop3A_473 = tpu.memref_slice %arg11[%parallel_loop3A_198, %parallel_loop3A_471, %parallel_loop3A_472] : memref<2x40x144xf32, #tpu.memory_space<vmem>> -> memref<1x40x144xf32, #tpu.memory_space<vmem>>
        %parallel_loop3A_474 = tpu.memref_squeeze %parallel_loop3A_473 : memref<1x40x144xf32, #tpu.memory_space<vmem>> -> memref<40x144xf32, #tpu.memory_space<vmem>>
        %parallel_loop3A_475 = arith.index_cast %parallel_loop3A_210 : i32 to index
        %parallel_loop3A_476 = arith.constant 96 : index
        %parallel_loop3A_477 = tpu.vector_load %parallel_loop3A_474[%parallel_loop3A_475, %parallel_loop3A_476] {strides = array<i32>} : memref<40x144xf32, #tpu.memory_space<vmem>>, vector<16xf32>,
        tpu.vector_store %parallel_loop3A_474[%parallel_loop3A_475, %parallel_loop3A_476], %parallel_loop3A_470 {strides = array<i32>} : memref<40x144xf32, #tpu.memory_space<vmem>>, vector<16xf32>,
        %parallel_loop3A_478 = arith.mulf %parallel_loop3A_469, %parallel_loop3A_368 : vector<16xf32>
        %parallel_loop3A_479 = arith.constant 0 : i32
        %parallel_loop3A_480 = arith.constant 0 : i32
        %parallel_loop3A_481 = tpu.memref_slice %arg11[%parallel_loop3A_198, %parallel_loop3A_479, %parallel_loop3A_480] : memref<2x40x144xf32, #tpu.memory_space<vmem>> -> memref<1x40x144xf32, #tpu.memory_space<vmem>>
        %parallel_loop3A_482 = tpu.memref_squeeze %parallel_loop3A_481 : memref<1x40x144xf32, #tpu.memory_space<vmem>> -> memref<40x144xf32, #tpu.memory_space<vmem>>
        %parallel_loop3A_483 = arith.index_cast %parallel_loop3A_210 : i32 to index
        %parallel_loop3A_484 = arith.constant 112 : index
        %parallel_loop3A_485 = tpu.vector_load %parallel_loop3A_482[%parallel_loop3A_483, %parallel_loop3A_484] {strides = array<i32>} : memref<40x144xf32, #tpu.memory_space<vmem>>, vector<16xf32>,
        tpu.vector_store %parallel_loop3A_482[%parallel_loop3A_483, %parallel_loop3A_484], %parallel_loop3A_478 {strides = array<i32>} : memref<40x144xf32, #tpu.memory_space<vmem>>, vector<16xf32>,
      } {sc.loop_unroll_factor = 4 : i64, sc.parallel_access}
      %run_scoped3A_199 = arith.constant 1 : i32
      %run_scoped3A_200 = arith.constant 1 : i32
      %run_scoped3A_201 = arith.constant 1 : i32
      "tpu.region"() ({
        %run_scoped3A_210 = tpu.sem_alloc : memref<!tpu.dma_semaphore, #tpu.memory_space<semaphore_mem>>
        %dma_start3A_211 = arith.constant 0 : i32
        %dma_start3A_212 = arith.constant 0 : i32
        %dma_start3A_213 = tpu.memref_slice %arg11[%run_scoped3A_199, %dma_start3A_211, %dma_start3A_212] : memref<2x40x144xf32, #tpu.memory_space<vmem>> -> memref<1x40x144xf32, #tpu.memory_space<vmem>>
        %dma_start3A_214 = tpu.memref_squeeze %dma_start3A_213 : memref<1x40x144xf32, #tpu.memory_space<vmem>> -> memref<40x144xf32, #tpu.memory_space<vmem>>
        %dma_start3A_215 = arith.constant 0 : i32
        %dma_start3A_216 = tpu.memref_slice %arg8[%run_scoped3A_200, %run_scoped3A_201, %dma_start3A_215] : memref<2x2x40xi32, #tpu.memory_space<vmem>> -> memref<1x1x40xi32, #tpu.memory_space<vmem>>
        %dma_start3A_217 = tpu.memref_squeeze %dma_start3A_216 : memref<1x1x40xi32, #tpu.memory_space<vmem>> -> memref<40xi32, #tpu.memory_space<vmem>>
        %dma_start3A_218 = arith.constant 0 : i32
        %dma_start3A_219 = arith.constant 0 : i32
        %dma_start3A_220 = tpu.memref_slice %arg13[%dma_start3A_218, %dma_start3A_219] : memref<10000x144xf32, #tpu.memory_space<vmem_shared>> -> memref<10000x144xf32, #tpu.memory_space<vmem_shared>>
        tpu.enqueue_indirect_dma source(%dma_start3A_214 : memref<40x144xf32, #tpu.memory_space<vmem>>) target(%dma_start3A_220 : memref<10000x144xf32, #tpu.memory_space<vmem_shared>>) offsets(%dma_start3A_217 : memref<40xi32, #tpu.memory_space<vmem>>) semaphore(%run_scoped3A_210 : memref<!tpu.dma_semaphore, #tpu.memory_space<semaphore_mem>>) {add = true}
        %dma_wait3A_221 = arith.constant 0 : i32
        %dma_wait3A_222 = arith.constant 0 : i32
        %dma_wait3A_223 = tpu.memref_slice %arg11[%run_scoped3A_199, %dma_wait3A_221, %dma_wait3A_222] : memref<2x40x144xf32, #tpu.memory_space<vmem>> -> memref<1x40x144xf32, #tpu.memory_space<vmem>>
        %dma_wait3A_224 = tpu.memref_squeeze %dma_wait3A_223 : memref<1x40x144xf32, #tpu.memory_space<vmem>> -> memref<40x144xf32, #tpu.memory_space<vmem>>
        %dma_wait3A_225 = arith.constant 0 : i32
        %dma_wait3A_226 = tpu.memref_slice %arg8[%run_scoped3A_200, %run_scoped3A_201, %dma_wait3A_225] : memref<2x2x40xi32, #tpu.memory_space<vmem>> -> memref<1x1x40xi32, #tpu.memory_space<vmem>>
        %dma_wait3A_227 = tpu.memref_squeeze %dma_wait3A_226 : memref<1x1x40xi32, #tpu.memory_space<vmem>> -> memref<40xi32, #tpu.memory_space<vmem>>
        %dma_wait3A_228 = arith.constant 0 : i32
        %dma_wait3A_229 = arith.constant 0 : i32
        %dma_wait3A_230 = tpu.memref_slice %arg13[%dma_wait3A_228, %dma_wait3A_229] : memref<10000x144xf32, #tpu.memory_space<vmem_shared>> -> memref<10000x144xf32, #tpu.memory_space<vmem_shared>>
        tpu.wait_indirect_dma semaphore(%run_scoped3A_210 : memref<!tpu.dma_semaphore, #tpu.memory_space<semaphore_mem>>) src(%dma_wait3A_224 : memref<40x144xf32, #tpu.memory_space<vmem>>) dst(%dma_wait3A_230 : memref<10000x144xf32, #tpu.memory_space<vmem_shared>>)
        tpu.yield
      }) : () -> ()
      %add3A_202 = arith.constant 2 : i32
      %add3A_203 = arith.addi %add3A_159, %add3A_202 : i32
      %lt3A_204 = arith.constant 250 : i32
      %lt3A_205 = arith.cmpi slt, %add3A_203, %lt3A_204 : i32
      %convert_element_type3A_206 = arith.extui %lt3A_205 : i1 to i32
      %cond3A_207 = arith.constant 0 : i32
      %cond3A_208 = arith.cmpi ne, %convert_element_type3A_206, %cond3A_207 : i32
      scf.if %cond3A_208 {
        %add3A_210 = arith.constant 2 : i32
        %add3A_211 = arith.addi %add3A_159, %add3A_210 : i32
        %mul3A_212 = arith.constant 32 : i32
        %mul3A_213 = arith.muli %add3A_211, %mul3A_212 : i32
        %add3A_214 = arith.addi %mul3A_213, %add3A : i32
        %mul3A_215 = arith.constant 40 : i32
        %mul3A_216 = arith.muli %add3A_214, %mul3A_215 : i32
        %dma_start3A_217 = arith.constant 1 : i32
        %dma_start3A_218 = arith.constant 0 : i32
        %dma_start3A_219 = arith.constant 0 : i32
        %dma_start3A_220 = tpu.memref_slice %arg8[%dma_start3A_217, %dma_start3A_218, %dma_start3A_219] : memref<2x2x40xi32, #tpu.memory_space<vmem>> -> memref<1x2x40xi32, #tpu.memory_space<vmem>>
        %dma_start3A_221 = tpu.memref_squeeze %dma_start3A_220 : memref<1x2x40xi32, #tpu.memory_space<vmem>> -> memref<2x40xi32, #tpu.memory_space<vmem>>
        %dma_start3A_222 = arith.constant 0 : i32
        %dma_start3A_223 = tpu.memref_slice %arg2[%dma_start3A_222, %mul3A_216] : memref<2x320000xi32, #tpu.memory_space<hbm>> -> memref<2x40xi32, #tpu.memory_space<hbm>>
        %dma_start3A_224 = arith.constant 0 : i32
        %dma_start3A_225 = arith.constant 0 : i32
        %dma_start3A_226 = tpu.memref_slice %arg8[%dma_start3A_217, %dma_start3A_224, %dma_start3A_225] : memref<2x2x40xi32, #tpu.memory_space<vmem>> -> memref<1x2x40xi32, #tpu.memory_space<vmem>>
        %dma_start3A_227 = tpu.memref_squeeze %dma_start3A_226 : memref<1x2x40xi32, #tpu.memory_space<vmem>> -> memref<2x40xi32, #tpu.memory_space<vmem>>
        %dma_start3A_228 = arith.constant 0 : i32
        %dma_start3A_229 = tpu.memref_slice %arg2[%dma_start3A_228, %mul3A_216] : memref<2x320000xi32, #tpu.memory_space<hbm>> -> memref<2x40xi32, #tpu.memory_space<hbm>>
        tpu.enqueue_dma source(%dma_start3A_229 : memref<2x40xi32, #tpu.memory_space<hbm>>) target(%dma_start3A_227 : memref<2x40xi32, #tpu.memory_space<vmem>>) target_semaphore(%arg15 : memref<!tpu.dma_semaphore, #tpu.memory_space<semaphore_mem>>)
      } else {
      }
      %scan3A_209 = arith.constant 0 : i32
      scf.yield %scan3A_209 : i32
    }
    %scan3A_96 = arith.constant 125 : i32
    %barrier3A_97 = arith.constant 0 : index
    tpu.barrier barrier_id(%barrier3A_97)
    %lt3A_98 = arith.constant 10 : i32
    %lt3A_99 = arith.cmpi slt, %arg1, %lt3A_98 : i32
    %convert_element_type3A_100 = arith.extui %lt3A_99 : i1 to i32
    %cond3A_101 = arith.constant 0 : i32
    %cond3A_102 = arith.cmpi ne, %convert_element_type3A_100, %cond3A_101 : i32
    scf.if %cond3A_102 {
      "tpu.region"() ({
        %run_scoped3A = tpu.sem_alloc : memref<!tpu.dma_semaphore, #tpu.memory_space<semaphore_mem>>
        %dma_start3A_103 = arith.constant 0 : i32
        %dma_start3A_104 = tpu.memref_slice %arg7[%arg0, %mul3A_17, %dma_start3A_103] : memref<2x10000x144xf32, #tpu.memory_space<hbm>> -> memref<1x1000x144xf32, #tpu.memory_space<hbm>>
        %dma_start3A_105 = tpu.memref_squeeze %dma_start3A_104 : memref<1x1000x144xf32, #tpu.memory_space<hbm>> -> memref<1000x144xf32, #tpu.memory_space<hbm>>
        %dma_start3A_106 = arith.constant 0 : i32
        %dma_start3A_107 = tpu.memref_slice %arg13[%mul3A_17, %dma_start3A_106] : memref<10000x144xf32, #tpu.memory_space<vmem_shared>> -> memref<1000x144xf32, #tpu.memory_space<vmem_shared>>
        tpu.enqueue_dma source(%dma_start3A_107 : memref<1000x144xf32, #tpu.memory_space<vmem_shared>>) target(%dma_start3A_105 : memref<1000x144xf32, #tpu.memory_space<hbm>>) target_semaphore(%run_scoped3A : memref<!tpu.dma_semaphore, #tpu.memory_space<semaphore_mem>>)
        %dma_wait3A_108 = arith.constant 0 : i32
        %dma_wait3A_109 = tpu.memref_slice %arg7[%arg0, %mul3A_17, %dma_wait3A_108] : memref<2x10000x144xf32, #tpu.memory_space<hbm>> -> memref<1x1000x144xf32, #tpu.memory_space<hbm>>
        %dma_wait3A_110 = tpu.memref_squeeze %dma_wait3A_109 : memref<1x1000x144xf32, #tpu.memory_space<hbm>> -> memref<1000x144xf32, #tpu.memory_space<hbm>>
        %dma_wait3A_111 = arith.constant 0 : i32
        %dma_wait3A_112 = tpu.memref_slice %arg13[%mul3A_17, %dma_wait3A_111] : memref<10000x144xf32, #tpu.memory_space<vmem_shared>> -> memref<1000x144xf32, #tpu.memory_space<vmem_shared>>
        tpu.wait_dma2 semaphore(%run_scoped3A : memref<!tpu.dma_semaphore, #tpu.memory_space<semaphore_mem>>) src(%dma_wait3A_112 : memref<1000x144xf32, #tpu.memory_space<vmem_shared>>) dst(%dma_wait3A_110 : memref<1000x144xf32, #tpu.memory_space<hbm>>)
        tpu.yield
      }) : () -> ()
    } else {
    }
    return
  }
}

module attributes {stable_mosaic.version = 14 : i64} {
  func.func @_proj_body(%arg0: i32, %arg1: memref<2000x128xf32, #tpu.memory_space<vmem>>, %arg2: memref<128x256xf32, #tpu.memory_space<vmem>>, %arg3: memref<128x128xf32, #tpu.memory_space<vmem>>, %arg4: memref<128x128xf32, #tpu.memory_space<vmem>>, %arg5: memref<1x128xf32, #tpu.memory_space<vmem>>, %arg6: memref<1x128xf32, #tpu.memory_space<vmem>>, %arg7: memref<2000x256xbf16, #tpu.memory_space<vmem>>, %arg8: memref<2000x128xbf16, #tpu.memory_space<vmem>>, %arg9: memref<2000x144xf32, #tpu.memory_space<vmem>>) attributes {dimension_semantics = [#tpu.dimension_semantics<arbitrary>], iteration_bounds = array<i64: 5>, scalar_prefetch = 0 : i64, scratch_operands = 0 : i64, tpu.core_type = #tpu.core_type<tc>, window_params = [{transform_indices = @transform_0, window_bounds = array<i64: 2000, 128>}, {pipeline_mode = #tpu.pipeline_mode<synchronous>, transform_indices = @transform_1, window_bounds = array<i64: 128, 256>}, {pipeline_mode = #tpu.pipeline_mode<synchronous>, transform_indices = @transform_2, window_bounds = array<i64: 128, 128>}, {pipeline_mode = #tpu.pipeline_mode<synchronous>, transform_indices = @transform_3, window_bounds = array<i64: 128, 128>}, {pipeline_mode = #tpu.pipeline_mode<synchronous>, transform_indices = @transform_4, window_bounds = array<i64: 1, 128>}, {pipeline_mode = #tpu.pipeline_mode<synchronous>, transform_indices = @transform_5, window_bounds = array<i64: 1, 128>}, {transform_indices = @transform_6, window_bounds = array<i64: 2000, 256>}, {transform_indices = @transform_7, window_bounds = array<i64: 2000, 128>}, {transform_indices = @transform_8, window_bounds = array<i64: 2000, 144>}]} {
    %get3A = arith.constant 0 : index
    %get3A_0 = arith.constant 0 : index
    %get3A_1 = vector.load %arg1[%get3A, %get3A_0] : memref<2000x128xf32, #tpu.memory_space<vmem>>, vector<2000x128xf32>
    %get3A_2 = arith.constant 0 : index
    %get3A_3 = arith.constant 0 : index
    %get3A_4 = vector.load %arg2[%get3A_2, %get3A_3] : memref<128x256xf32, #tpu.memory_space<vmem>>, vector<128x256xf32>
    %dot_general3A = arith.constant dense<0.000000e+00> : vector<2000x256xf32>
    %dot_general3A_5 = tpu.matmul %get3A_1, %get3A_4, %dot_general3A {dimension_numbers = #tpu.dot_dimension_numbers<[1], [0], [0], [1], [0, 0, 1, 1], [], []>, transpose_lhs_hint = false} : vector<2000x128xf32>, vector<128x256xf32>, vector<2000x256xf32> -> vector<2000x256xf32>
    %get3A_6 = arith.constant 0 : index
    %get3A_7 = arith.constant 0 : index
    %get3A_8 = vector.load %arg3[%get3A_6, %get3A_7] : memref<128x128xf32, #tpu.memory_space<vmem>>, vector<128x128xf32>
    %dot_general3A_9 = arith.constant dense<0.000000e+00> : vector<2000x128xf32>
    %dot_general3A_10 = tpu.matmul %get3A_1, %get3A_8, %dot_general3A_9 {dimension_numbers = #tpu.dot_dimension_numbers<[1], [0], [0], [1], [0, 0, 1, 1], [], []>, transpose_lhs_hint = false} : vector<2000x128xf32>, vector<128x128xf32>, vector<2000x128xf32> -> vector<2000x128xf32>
    %get3A_11 = arith.constant 0 : index
    %get3A_12 = arith.constant 0 : index
    %get3A_13 = vector.load %arg5[%get3A_11, %get3A_12] : memref<1x128xf32, #tpu.memory_space<vmem>>, vector<1x128xf32>
    %get3A_14 = vector.shape_cast %get3A_13 : vector<1x128xf32> to vector<128xf32>
    %broadcast_in_dim3A = vector.shape_cast %get3A_14 : vector<128xf32> to vector<1x128xf32>
    %add3A = vector.broadcast %broadcast_in_dim3A : vector<1x128xf32> to vector<2000x128xf32>
    %add3A_15 = arith.addf %dot_general3A_10, %add3A : vector<2000x128xf32>
    %convert_element_type3A = arith.truncf %dot_general3A_5 : vector<2000x256xf32> to vector<2000x256xbf16>
    %swap3A = arith.constant 0 : index
    %swap3A_16 = arith.constant 0 : index
    %swap3A_17 = vector.load %arg7[%swap3A, %swap3A_16] : memref<2000x256xbf16, #tpu.memory_space<vmem>>, vector<2000x256xbf16>
    tpu.vector_store %arg7[%swap3A, %swap3A_16], %convert_element_type3A {strides = array<i32>} : memref<2000x256xbf16, #tpu.memory_space<vmem>>, vector<2000x256xbf16>,
    %convert_element_type3A_18 = arith.truncf %add3A_15 : vector<2000x128xf32> to vector<2000x128xbf16>
    %swap3A_19 = arith.constant 0 : index
    %swap3A_20 = arith.constant 0 : index
    %swap3A_21 = vector.load %arg8[%swap3A_19, %swap3A_20] : memref<2000x128xbf16, #tpu.memory_space<vmem>>, vector<2000x128xbf16>
    tpu.vector_store %arg8[%swap3A_19, %swap3A_20], %convert_element_type3A_18 {strides = array<i32>} : memref<2000x128xbf16, #tpu.memory_space<vmem>>, vector<2000x128xbf16>,
    %slice3A = vector.extract_strided_slice %dot_general3A_5 {offsets = [0, 0], sizes = [2000, 128], strides = [1, 1]} : vector<2000x256xf32> to vector<2000x128xf32>
    %add3A_22 = arith.addf %slice3A, %add3A_15 : vector<2000x128xf32>
    %mul3A = arith.constant 6.000000e-01 : f32
    %mul3A_23 = vector.broadcast %mul3A : f32 to vector<2000x128xf32>
    %mul3A_24 = arith.mulf %mul3A_23, %add3A_22 : vector<2000x128xf32>
    %abs3A = math.absf %add3A_22 : vector<2000x128xf32>
    %mul3A_25 = arith.constant 4.000000e-01 : f32
    %mul3A_26 = vector.broadcast %mul3A_25 : f32 to vector<2000x128xf32>
    %mul3A_27 = arith.mulf %mul3A_26, %abs3A : vector<2000x128xf32>
    %add3A_28 = arith.addf %mul3A_24, %mul3A_27 : vector<2000x128xf32>
    %get3A_29 = arith.constant 0 : index
    %get3A_30 = arith.constant 0 : index
    %get3A_31 = vector.load %arg6[%get3A_29, %get3A_30] : memref<1x128xf32, #tpu.memory_space<vmem>>, vector<1x128xf32>
    %get3A_32 = vector.shape_cast %get3A_31 : vector<1x128xf32> to vector<128xf32>
    %slice3A_33 = vector.extract_strided_slice %add3A_28 {offsets = [0, 0], sizes = [2000, 64], strides = [1, 1]} : vector<2000x128xf32> to vector<2000x64xf32>
    %slice3A_34 = vector.extract_strided_slice %get3A_32 {offsets = [0], sizes = [64], strides = [1]} : vector<128xf32> to vector<64xf32>
    %broadcast_in_dim3A_35 = vector.shape_cast %slice3A_34 : vector<64xf32> to vector<1x64xf32>
    %mul3A_36 = vector.broadcast %broadcast_in_dim3A_35 : vector<1x64xf32> to vector<2000x64xf32>
    %mul3A_37 = arith.mulf %slice3A_33, %mul3A_36 : vector<2000x64xf32>
    %reduce_sum3A = arith.constant dense<0.000000e+00> : vector<2000xf32>
    %reduce_sum3A_38 = vector.multi_reduction <add>, %mul3A_37, %reduce_sum3A [1] : vector<2000x64xf32> to vector<2000xf32>
    %slice3A_39 = vector.extract_strided_slice %add3A_28 {offsets = [0, 64], sizes = [2000, 64], strides = [1, 1]} : vector<2000x128xf32> to vector<2000x64xf32>
    %slice3A_40 = vector.extract_strided_slice %get3A_32 {offsets = [64], sizes = [64], strides = [1]} : vector<128xf32> to vector<64xf32>
    %broadcast_in_dim3A_41 = vector.shape_cast %slice3A_40 : vector<64xf32> to vector<1x64xf32>
    %mul3A_42 = vector.broadcast %broadcast_in_dim3A_41 : vector<1x64xf32> to vector<2000x64xf32>
    %mul3A_43 = arith.mulf %slice3A_39, %mul3A_42 : vector<2000x64xf32>
    %reduce_sum3A_44 = arith.constant dense<0.000000e+00> : vector<2000xf32>
    %reduce_sum3A_45 = vector.multi_reduction <add>, %mul3A_43, %reduce_sum3A_44 [1] : vector<2000x64xf32> to vector<2000xf32>
    %exp3A = math.exp %reduce_sum3A_38 : vector<2000xf32>
    %exp3A_46 = math.exp %reduce_sum3A_45 : vector<2000xf32>
    %get3A_47 = arith.constant 0 : index
    %get3A_48 = arith.constant 0 : index
    %get3A_49 = vector.load %arg4[%get3A_47, %get3A_48] : memref<128x128xf32, #tpu.memory_space<vmem>>, vector<128x128xf32>
    %dot_general3A_50 = arith.constant dense<0.000000e+00> : vector<2000x128xf32>
    %dot_general3A_51 = tpu.matmul %get3A_1, %get3A_49, %dot_general3A_50 {dimension_numbers = #tpu.dot_dimension_numbers<[1], [0], [0], [1], [0, 0, 1, 1], [], []>, transpose_lhs_hint = false} : vector<2000x128xf32>, vector<128x128xf32>, vector<2000x128xf32> -> vector<2000x128xf32>
    %broadcast_in_dim3A_52 = vector.shape_cast %exp3A : vector<2000xf32> to vector<2000x1xf32>
    %slice3A_53 = vector.extract_strided_slice %dot_general3A_51 {offsets = [0, 0], sizes = [2000, 64], strides = [1, 1]} : vector<2000x128xf32> to vector<2000x64xf32>
    %mul3A_54 = vector.broadcast %broadcast_in_dim3A_52 : vector<2000x1xf32> to vector<2000x64xf32>
    %mul3A_55 = arith.mulf %mul3A_54, %slice3A_53 : vector<2000x64xf32>
    %broadcast_in_dim3A_56 = vector.shape_cast %exp3A_46 : vector<2000xf32> to vector<2000x1xf32>
    %slice3A_57 = vector.extract_strided_slice %dot_general3A_51 {offsets = [0, 64], sizes = [2000, 64], strides = [1, 1]} : vector<2000x128xf32> to vector<2000x64xf32>
    %mul3A_58 = vector.broadcast %broadcast_in_dim3A_56 : vector<2000x1xf32> to vector<2000x64xf32>
    %mul3A_59 = arith.mulf %mul3A_58, %slice3A_57 : vector<2000x64xf32>
    %broadcast_in_dim3A_60 = vector.shape_cast %exp3A : vector<2000xf32> to vector<2000x1xf32>
    %broadcast_in_dim3A_61 = vector.shape_cast %exp3A_46 : vector<2000xf32> to vector<2000x1xf32>
    %broadcast_in_dim3A_62 = arith.constant 0.000000e+00 : f32
    %broadcast_in_dim3A_63 = vector.broadcast %broadcast_in_dim3A_62 : f32 to vector<2000x14xf32>
    %concatenate3A = tpu.concatenate %mul3A_55, %mul3A_59, %broadcast_in_dim3A_60, %broadcast_in_dim3A_61, %broadcast_in_dim3A_63 in 1 : vector<2000x64xf32>, vector<2000x64xf32>, vector<2000x1xf32>, vector<2000x1xf32>, vector<2000x14xf32> -> vector<2000x144xf32>
    %mul3A_64 = arith.constant 5.000000e-01 : f32
    %mul3A_65 = vector.broadcast %mul3A_64 : f32 to vector<2000x144xf32>
    %mul3A_66 = arith.mulf %mul3A_65, %concatenate3A : vector<2000x144xf32>
    %swap3A_67 = arith.constant 0 : index
    %swap3A_68 = arith.constant 0 : index
    %swap3A_69 = vector.load %arg9[%swap3A_67, %swap3A_68] : memref<2000x144xf32, #tpu.memory_space<vmem>>, vector<2000x144xf32>
    tpu.vector_store %arg9[%swap3A_67, %swap3A_68], %mul3A_66 {strides = array<i32>} : memref<2000x144xf32, #tpu.memory_space<vmem>>, vector<2000x144xf32>,
    return
  }
  func.func @transform_0(%arg0: i32) -> (i32, i32) {
    %c0_i32 = arith.constant 0 : i32
    %c0_i32_0 = arith.constant 0 : i32
    return %arg0, %c0_i32 : i32, i32
  }
  func.func @transform_1(%arg0: i32) -> (i32, i32) {
    %c0_i32 = arith.constant 0 : i32
    %c0_i32_0 = arith.constant 0 : i32
    %c0_i32_1 = arith.constant 0 : i32
    return %c0_i32, %c0_i32_0 : i32, i32
  }
  func.func @transform_2(%arg0: i32) -> (i32, i32) {
    %c0_i32 = arith.constant 0 : i32
    %c0_i32_0 = arith.constant 0 : i32
    %c0_i32_1 = arith.constant 0 : i32
    return %c0_i32, %c0_i32_0 : i32, i32
  }
  func.func @transform_3(%arg0: i32) -> (i32, i32) {
    %c0_i32 = arith.constant 0 : i32
    %c0_i32_0 = arith.constant 0 : i32
    %c0_i32_1 = arith.constant 0 : i32
    return %c0_i32, %c0_i32_0 : i32, i32
  }
  func.func @transform_4(%arg0: i32) -> (i32, i32) {
    %c0_i32 = arith.constant 0 : i32
    %c0_i32_0 = arith.constant 0 : i32
    %c0_i32_1 = arith.constant 0 : i32
    return %c0_i32, %c0_i32_0 : i32, i32
  }
  func.func @transform_5(%arg0: i32) -> (i32, i32) {
    %c0_i32 = arith.constant 0 : i32
    %c0_i32_0 = arith.constant 0 : i32
    %c0_i32_1 = arith.constant 0 : i32
    return %c0_i32, %c0_i32_0 : i32, i32
  }
  func.func @transform_6(%arg0: i32) -> (i32, i32) {
    %c0_i32 = arith.constant 0 : i32
    %c0_i32_0 = arith.constant 0 : i32
    return %arg0, %c0_i32 : i32, i32
  }
  func.func @transform_7(%arg0: i32) -> (i32, i32) {
    %c0_i32 = arith.constant 0 : i32
    %c0_i32_0 = arith.constant 0 : i32
    return %arg0, %c0_i32 : i32, i32
  }
  func.func @transform_8(%arg0: i32) -> (i32, i32) {
    %c0_i32 = arith.constant 0 : i32
    %c0_i32_0 = arith.constant 0 : i32
    return %arg0, %c0_i32 : i32, i32
  }
}

module attributes {stable_mosaic.version = 14 : i64} {
  func.func @_final_body(%arg0: i32, %arg1: memref<2x2000x144xf32, #tpu.memory_space<vmem>>, %arg2: memref<128x128xf32, #tpu.memory_space<vmem>>, %arg3: memref<1x128xf32, #tpu.memory_space<vmem>>, %arg4: memref<128x4xf32, #tpu.memory_space<vmem>>, %arg5: memref<1x4xf32, #tpu.memory_space<vmem>>, %arg6: memref<2000x4xf32, #tpu.memory_space<vmem>>) attributes {dimension_semantics = [#tpu.dimension_semantics<arbitrary>], iteration_bounds = array<i64: 5>, scalar_prefetch = 0 : i64, scratch_operands = 0 : i64, tpu.core_type = #tpu.core_type<tc>, window_params = [{transform_indices = @transform_0, window_bounds = array<i64: 2, 2000, 144>}, {pipeline_mode = #tpu.pipeline_mode<synchronous>, transform_indices = @transform_1, window_bounds = array<i64: 128, 128>}, {pipeline_mode = #tpu.pipeline_mode<synchronous>, transform_indices = @transform_2, window_bounds = array<i64: 1, 128>}, {pipeline_mode = #tpu.pipeline_mode<synchronous>, transform_indices = @transform_3, window_bounds = array<i64: 128, 4>}, {pipeline_mode = #tpu.pipeline_mode<synchronous>, transform_indices = @transform_4, window_bounds = array<i64: 1, 4>}, {transform_indices = @transform_5, window_bounds = array<i64: 2000, 4>}]} {
    %get3A = arith.constant 0 : index
    %get3A_0 = arith.constant 0 : index
    %get3A_1 = arith.constant 0 : index
    %get3A_2 = vector.load %arg1[%get3A, %get3A_0, %get3A_1] : memref<2x2000x144xf32, #tpu.memory_space<vmem>>, vector<1x2000x144xf32>
    %get3A_3 = vector.shape_cast %get3A_2 : vector<1x2000x144xf32> to vector<2000x144xf32>
    %get3A_4 = arith.constant 1 : index
    %get3A_5 = arith.constant 0 : index
    %get3A_6 = arith.constant 0 : index
    %get3A_7 = vector.load %arg1[%get3A_4, %get3A_5, %get3A_6] : memref<2x2000x144xf32, #tpu.memory_space<vmem>>, vector<1x2000x144xf32>
    %get3A_8 = vector.shape_cast %get3A_7 : vector<1x2000x144xf32> to vector<2000x144xf32>
    %add3A = arith.addf %get3A_3, %get3A_8 : vector<2000x144xf32>
    %slice3A = vector.extract_strided_slice %add3A {offsets = [0, 0], sizes = [2000, 64], strides = [1, 1]} : vector<2000x144xf32> to vector<2000x64xf32>
    %slice3A_9 = vector.extract_strided_slice %add3A {offsets = [0, 128], sizes = [2000, 1], strides = [1, 1]} : vector<2000x144xf32> to vector<2000x1xf32>
    %div3A = vector.broadcast %slice3A_9 : vector<2000x1xf32> to vector<2000x64xf32>
    %div3A_10 = arith.divf %slice3A, %div3A : vector<2000x64xf32>
    %slice3A_11 = vector.extract_strided_slice %add3A {offsets = [0, 64], sizes = [2000, 64], strides = [1, 1]} : vector<2000x144xf32> to vector<2000x64xf32>
    %slice3A_12 = vector.extract_strided_slice %add3A {offsets = [0, 129], sizes = [2000, 1], strides = [1, 1]} : vector<2000x144xf32> to vector<2000x1xf32>
    %div3A_13 = vector.broadcast %slice3A_12 : vector<2000x1xf32> to vector<2000x64xf32>
    %div3A_14 = arith.divf %slice3A_11, %div3A_13 : vector<2000x64xf32>
    %concatenate3A = tpu.concatenate %div3A_10, %div3A_14 in 1 : vector<2000x64xf32>, vector<2000x64xf32> -> vector<2000x128xf32>
    %get3A_15 = arith.constant 0 : index
    %get3A_16 = arith.constant 0 : index
    %get3A_17 = vector.load %arg2[%get3A_15, %get3A_16] : memref<128x128xf32, #tpu.memory_space<vmem>>, vector<128x128xf32>
    %dot_general3A = arith.constant dense<0.000000e+00> : vector<2000x128xf32>
    %dot_general3A_18 = tpu.matmul %concatenate3A, %get3A_17, %dot_general3A {dimension_numbers = #tpu.dot_dimension_numbers<[1], [0], [0], [1], [0, 0, 1, 1], [], []>, transpose_lhs_hint = false} : vector<2000x128xf32>, vector<128x128xf32>, vector<2000x128xf32> -> vector<2000x128xf32>
    %get3A_19 = arith.constant 0 : index
    %get3A_20 = arith.constant 0 : index
    %get3A_21 = vector.load %arg3[%get3A_19, %get3A_20] : memref<1x128xf32, #tpu.memory_space<vmem>>, vector<1x128xf32>
    %get3A_22 = vector.shape_cast %get3A_21 : vector<1x128xf32> to vector<128xf32>
    %broadcast_in_dim3A = vector.shape_cast %get3A_22 : vector<128xf32> to vector<1x128xf32>
    %add3A_23 = vector.broadcast %broadcast_in_dim3A : vector<1x128xf32> to vector<2000x128xf32>
    %add3A_24 = arith.addf %dot_general3A_18, %add3A_23 : vector<2000x128xf32>
    %max3A = arith.constant 0.000000e+00 : f32
    %max3A_25 = vector.broadcast %max3A : f32 to vector<2000x128xf32>
    %max3A_26 = arith.maximumf %add3A_24, %max3A_25 : vector<2000x128xf32>
    %get3A_27 = arith.constant 0 : index
    %get3A_28 = arith.constant 0 : index
    %get3A_29 = vector.load %arg4[%get3A_27, %get3A_28] : memref<128x4xf32, #tpu.memory_space<vmem>>, vector<128x4xf32>
    %dot_general3A_30 = arith.constant dense<0.000000e+00> : vector<2000x4xf32>
    %dot_general3A_31 = tpu.matmul %max3A_26, %get3A_29, %dot_general3A_30 {dimension_numbers = #tpu.dot_dimension_numbers<[1], [0], [0], [1], [0, 0, 1, 1], [], []>, transpose_lhs_hint = false} : vector<2000x128xf32>, vector<128x4xf32>, vector<2000x4xf32> -> vector<2000x4xf32>
    %get3A_32 = arith.constant 0 : index
    %get3A_33 = arith.constant 0 : index
    %get3A_34 = vector.load %arg5[%get3A_32, %get3A_33] : memref<1x4xf32, #tpu.memory_space<vmem>>, vector<1x4xf32>
    %get3A_35 = vector.shape_cast %get3A_34 : vector<1x4xf32> to vector<4xf32>
    %broadcast_in_dim3A_36 = vector.shape_cast %get3A_35 : vector<4xf32> to vector<1x4xf32>
    %add3A_37 = vector.broadcast %broadcast_in_dim3A_36 : vector<1x4xf32> to vector<2000x4xf32>
    %add3A_38 = arith.addf %dot_general3A_31, %add3A_37 : vector<2000x4xf32>
    %reduce_max3A = arith.constant dense<0xFF800000> : vector<2000xf32>
    %reduce_max3A_39 = vector.multi_reduction <maximumf>, %add3A_38, %reduce_max3A [1] : vector<2000x4xf32> to vector<2000xf32>
    %broadcast_in_dim3A_40 = vector.shape_cast %reduce_max3A_39 : vector<2000xf32> to vector<2000x1xf32>
    %sub3A = vector.broadcast %broadcast_in_dim3A_40 : vector<2000x1xf32> to vector<2000x4xf32>
    %sub3A_41 = arith.subf %add3A_38, %sub3A : vector<2000x4xf32>
    %exp3A = math.exp %sub3A_41 : vector<2000x4xf32>
    %reduce_sum3A = arith.constant dense<0.000000e+00> : vector<2000xf32>
    %reduce_sum3A_42 = vector.multi_reduction <add>, %exp3A, %reduce_sum3A [1] : vector<2000x4xf32> to vector<2000xf32>
    %broadcast_in_dim3A_43 = vector.shape_cast %reduce_sum3A_42 : vector<2000xf32> to vector<2000x1xf32>
    %div3A_44 = vector.broadcast %broadcast_in_dim3A_43 : vector<2000x1xf32> to vector<2000x4xf32>
    %div3A_45 = arith.divf %exp3A, %div3A_44 : vector<2000x4xf32>
    %swap3A = arith.constant 0 : index
    %swap3A_46 = arith.constant 0 : index
    %swap3A_47 = vector.load %arg6[%swap3A, %swap3A_46] : memref<2000x4xf32, #tpu.memory_space<vmem>>, vector<2000x4xf32>
    tpu.vector_store %arg6[%swap3A, %swap3A_46], %div3A_45 {strides = array<i32>} : memref<2000x4xf32, #tpu.memory_space<vmem>>, vector<2000x4xf32>,
    return
  }
  func.func @transform_0(%arg0: i32) -> (i32, i32, i32) {
    %c0_i32 = arith.constant 0 : i32
    %c0_i32_0 = arith.constant 0 : i32
    %c0_i32_1 = arith.constant 0 : i32
    return %c0_i32, %arg0, %c0_i32_0 : i32, i32, i32
  }
  func.func @transform_1(%arg0: i32) -> (i32, i32) {
    %c0_i32 = arith.constant 0 : i32
    %c0_i32_0 = arith.constant 0 : i32
    %c0_i32_1 = arith.constant 0 : i32
    return %c0_i32, %c0_i32_0 : i32, i32
  }
  func.func @transform_2(%arg0: i32) -> (i32, i32) {
    %c0_i32 = arith.constant 0 : i32
    %c0_i32_0 = arith.constant 0 : i32
    %c0_i32_1 = arith.constant 0 : i32
    return %c0_i32, %c0_i32_0 : i32, i32
  }
  func.func @transform_3(%arg0: i32) -> (i32, i32) {
    %c0_i32 = arith.constant 0 : i32
    %c0_i32_0 = arith.constant 0 : i32
    %c0_i32_1 = arith.constant 0 : i32
    return %c0_i32, %c0_i32_0 : i32, i32
  }
  func.func @transform_4(%arg0: i32) -> (i32, i32) {
    %c0_i32 = arith.constant 0 : i32
    %c0_i32_0 = arith.constant 0 : i32
    %c0_i32_1 = arith.constant 0 : i32
    return %c0_i32, %c0_i32_0 : i32, i32
  }
  func.func @transform_5(%arg0: i32) -> (i32, i32) {
    %c0_i32 = arith.constant 0 : i32
    %c0_i32_0 = arith.constant 0 : i32
    return %arg0, %c0_i32 : i32, i32
  }
}

</mosaic_0001>

<sc_bundles>
// kernel: kernel.5.cloned.1.call-start
scs
__scs_entry_jumppad:
0x0: {  	(pc) =	sbr.rel $0x88, $3  }
0x1: {  	(tag) =	ssettag $0x0;
	lr =	simm.s32 $0x1  }
0x2: {  	[smem:$0x3F97] =	sst lr;
	_ =	strace $0xD0000000  }
0x3: {  	_ = 	snop  }
0x4: {  	_ = 	snop  }
0x5: {  	_ = 	snop  }
0x6: {  	_ = 	snop  }
0x7: {  	_ = 	snop  }
__scs_overlays_trampoline_lowered:
0x8: {  	[smem:$0x3FA6] =	sst s0  }
0x9: {  	[smem:$0x3FA7] =	sst s1  }
0xa: {  	[smem:$0x3FA8] =	sst s2  }
0xb: {  	[smem:$0x3FA9] =	sst s3  }
0xc: {  	[smem:$0x3FAA] =	sst s4  }
0xd: {  	[smem:$0x3FAB] =	sst s5  }
0xe: {  	[smem:$0x3FAC] =	sst s6  }
0xf: {  	[smem:$0x3FAD] =	sst s7  }
0x10: {  	[smem:$0x3FAE] =	sst s8  }
0x11: {  	[smem:$0x3FAF] =	sst s9;
	s0 =	simm.s32 @!p0 $0x0  }
0x12: {  	s1 =	sld [smem:$0x3F95];
	s0 =	simm.s32 @p0 $0x1  }
0x13: {  	[smem:$0x3FB0] =	sst s0;
	s0 =	simm.s32 @!p1 $0x0  }
0x14: {  	s2 =	sld [smem:$0x3F94];
	s0 =	simm.s32 @p1 $0x1  }
0x15: {  	[smem:$0x3FB1] =	sst s0;
	s0 =	simm.s32 @!p2 $0x0  }
0x16: {  	s3 =	sld [smem:$0x3FDB];
	s0 =	simm.s32 @p2 $0x1  }
0x17: {  	s4 =	simm.s32 $0x1BF5;
	[smem:$0x3FB3] =	sst s0  }
0x18: {  	s0 =	sld [smem:$0x3F96];
	_ =	swait.ge [sflag:s4], $0x0  }
0x19: {  	s7 =	sld [smem:$0x3F97]  }
0x1a: {  	s8 =	sadd.s32 $0xFFFFE003, lr  }
0x1b: {  	s9 =	sadd.s32 $0xFFFFFEF7, lr;
	s5 =	simm.s32 $0xFFFFFFFF;
	p2 =	slt.u32 s8, $0xFFFFF086  }
0x1c: {  	p1 =	slt.u32 s9, $0xF7A;
	s5 =	simm.s32 @!p2 $0x0  }
0x1d: {  	s5 =	simm.s32 @p1 $0x1;
	p0 =	seq.s32 s7, s2  }
0x1e: {  	s7 =	smul.u32 @!p0 $0xF7A, s2;
	p2 =	seq.s32 @!p0 s5, $0x0  }
0x1f: {  	s9 =	smul.u32 $0xF7A, s1;
	s8 =	simm.s32 @!p0 $0x1BF5;
	p2 =	por !p2, p0  }
0x20: {  	[sflag:s8] =	ssyncset.s32 @!p0 $0xFFFFF086;
	s6 =	sadd.s32 @!p0 s3, s7;
	s7 =	simm.s32 @!p0 $0x108  }
0x21: {  	s3 =	sadd.s32 s3, s9;
	s6 =	sadd.s32 @!p0 $0x88, s6;
	s7 =	simm.s32 @p2 $0x1082  }
0x22: {  	[simem:s7], [sflag:s8] =	dma.local @!p0 [hbm:s6], $0xF7A  }
0x23: {  	s9 =	sor.u32 $0xD0000000, s2;
	s6 =	simm.s32 $0x108;
	_ =	swait.ge @!p0 [sflag:s8], $0x0  }
0x24: {  	s3 =	sadd.s32 $0x88, s3;
	s6 =	simm.s32 @!p1 $0x1082;
	[sflag:s4] =	ssyncset.s32 $0xFFFFF086  }
0x25: {  	[simem:s6], [sflag:s4] =	dma.local [hbm:s3], $0xF7A  }
0x26: {  	[smem:$0x3F97] =	sst s1;
	(tag) =	ssettag s2;
	_ =	strace s9  }
0x27: {  	s1 =	sld [smem:$0x3FA7]  }
0x28: {  	s2 =	sld [smem:$0x3FA8]  }
0x29: {  	s4 =	sld [smem:$0x3FAA]  }
0x2a: {  	p0 =	seq.s32 s5, $0x0;
	s5 =	sld [smem:$0x3FAB]  }
0x2b: {  	s6 =	sld [smem:$0x3FAC]  }
0x2c: {  	s7 =	sld [smem:$0x3FAD]  }
0x2d: {  	s3 =	simm.s32 $0x108;
	s8 =	sld [smem:$0x3FAE]  }
0x2e: {  	s3 =	simm.s32 @!p0 $0x1082;
	s9 =	sld [smem:$0x3FAF]  }
0x2f: {  	lr =	sadd.s32 s0, s3;
	s0 =	sld [smem:$0x3FA6]  }
0x30: {  	s3 =	sld [smem:$0x3FA9]  }
0x31: {  	[smem:$0x3FB2] =	sst s10  }
0x32: {  	s10 =	sld [smem:$0x3FB0];
	_ =	sdelay $0x3  }
0x33: {  	p0 =	seq.s32 s10, $0x1;
	s10 =	sld [smem:$0x3FB2];
	_ =	sdelay $0x3  }
0x34: {  	[smem:$0x3FB2] =	sst s10  }
0x35: {  	s10 =	sld [smem:$0x3FB1];
	_ =	sdelay $0x3  }
0x36: {  	p1 =	seq.s32 s10, $0x1;
	s10 =	sld [smem:$0x3FB2];
	_ =	sdelay $0x3  }
0x37: {  	[smem:$0x3FB2] =	sst s10  }
0x38: {  	s10 =	sld [smem:$0x3FB3]  }
0x39: {  	_ = 	snop;
	(pc) =	sbr.ind lr, $3  }
0x3a: {  	_ = 	snop  }
0x3b: {  	_ = 	snop  }
0x3c: {  	p2 =	seq.s32 s10, $0x1;
	s10 =	sld [smem:$0x3FB2]  }
0x3d: {  	_ =	shalt  }
0x3e: {  	_ =	shalt  }
0x3f: {  	_ =	shalt  }
0x40: {  	_ =	shalt  }
0x41: {  	_ =	shalt  }
0x42: {  	_ =	shalt  }
0x43: {  	_ =	shalt  }
0x44: {  	_ =	shalt  }
0x45: {  	_ =	shalt  }
0x46: {  	_ =	shalt  }
0x47: {  	_ =	shalt  }
0x48: {  	_ =	shalt  }
0x49: {  	_ =	shalt  }
0x4a: {  	_ =	shalt  }
0x4b: {  	_ =	shalt  }
0x4c: {  	_ =	shalt  }
0x4d: {  	_ =	shalt  }
0x4e: {  	_ =	shalt  }
0x4f: {  	_ =	shalt  }
0x50: {  	_ =	shalt  }
0x51: {  	_ =	shalt  }
0x52: {  	_ =	shalt  }
0x53: {  	_ =	shalt  }
0x54: {  	_ =	shalt  }
0x55: {  	_ =	shalt  }
0x56: {  	_ =	shalt  }
0x57: {  	_ =	shalt  }
0x58: {  	_ =	shalt  }
0x59: {  	_ =	shalt  }
0x5a: {  	_ =	shalt  }
0x5b: {  	_ =	shalt  }
0x5c: {  	_ =	shalt  }
0x5d: {  	_ =	shalt  }
0x5e: {  	_ =	shalt  }
0x5f: {  	_ =	shalt  }
0x60: {  	_ =	shalt  }
0x61: {  	_ =	shalt  }
0x62: {  	_ =	shalt  }
0x63: {  	_ =	shalt  }
0x64: {  	_ =	shalt  }
0x65: {  	_ =	shalt  }
0x66: {  	_ =	shalt  }
0x67: {  	_ =	shalt  }
0x68: {  	_ =	shalt  }
0x69: {  	_ =	shalt  }
0x6a: {  	_ =	shalt  }
0x6b: {  	_ =	shalt  }
0x6c: {  	_ =	shalt  }
0x6d: {  	_ =	shalt  }
0x6e: {  	_ =	shalt  }
0x6f: {  	_ =	shalt  }
0x70: {  	_ =	shalt  }
0x71: {  	_ =	shalt  }
0x72: {  	_ =	shalt  }
0x73: {  	_ =	shalt  }
0x74: {  	_ =	shalt  }
0x75: {  	_ =	shalt  }
0x76: {  	_ =	shalt  }
0x77: {  	_ =	shalt  }
0x78: {  	_ =	shalt  }
0x79: {  	_ =	shalt  }
0x7a: {  	_ =	shalt  }
0x7b: {  	_ =	shalt  }
0x7c: {  	_ =	shalt  }
0x7d: {  	_ =	shalt  }
0x7e: {  	_ =	shalt  }
0x7f: {  	_ =	shalt  }
0x80: {  	_ =	shalt  }
0x81: {  	_ =	shalt  }
0x82: {  	_ =	shalt  }
0x83: {  	_ =	shalt  }
0x84: {  	_ =	shalt  }
0x85: {  	_ =	shalt  }
0x86: {  	_ =	shalt  }
0x87: {  	_ =	shalt  }
.Lfunc_end0:
.L_simem_size_0:
called_computation_lowered:
.L_overlay_start_0:
0x88: {  	s2 =	sld [smem:$0x3FD9]  }
0x89: {  	s3 =	sld [smem:$0x3FFE];
	_ =	sdelay $0x1  }
0x8a: {  	s1 =	srdreg.scid  }
0x8b: {  	s0 =	sand.u32 $0x1, s1  }
0x8c: {  	s17 =	sshll.u32 s0, $0xA;
	s2 =	sadd.s32 s3, s2  }
0x8d: {  	s2 =	sadd.s32 s2, s17  }
0x8e: {  	[smem:$0x3FBE] =	sst s2  }
0x8f: {  	_ = 	snop  }
0x90: {  	s2 =	sld [smem:$0x3FD0];
	(tm) =	ssettm $0x1  }
0x91: {  	s18 =	sld [smem:$0x3FFB];
	_ =	sdelay $0x3  }
0x92: {  	_ =	strace s18  }
0x93: {  	s3 =	sld [smem:$0x3FFC];
	_ =	sdelay $0x3  }
0x94: {  	_ =	strace s3  }
0x95: {  	s3 =	sld [smem:$0x3FFD];
	_ =	sdelay $0x3  }
0x96: {  	_ =	strace s3  }
0x97: {  	_ =	strace $0x8FFFFFFF  }
0x98: {  	s19 =	sld [smem:$0x3FDB];
	_ =	sdelay $0x1  }
0x99: {  	s4 =	simm.s32 $_scs_section_size  }
0x9a: {  	s5 =	simm.s32 $_size__tile_overlayer_lowered;
	s6 =	simm.s32 $_tile_overlayer_lowered  }
0x9b: {  	s22 =	simm.s32 $0x1BFF;
	s21 =	sshll.u32 s6, $0x1;
	s3 =	sadd.s32 s4, s19  }
0x9c: {  	s7 =	simm.s32 $0x0;
	s20 =	sshll.u32 s5, $0x1;
	s5 =	sadd.s32 s21, s3  }
0x9d: {  	[timem:s7], [sflag:s22] =	dma.local [hbm:s5], s20  }
0x9e: {  	_ =	swait.ge [sflag:s22], s20  }
0x9f: {  	s4 =	ssub.s32 $0x0, s20;
	[sflag:s22] =	ssyncset.done $0x0  }
0xa0: {  	[sflag:s22] =	ssyncadd.s32 s4;
	_ =	sdelay $0x1  }
0xa1: {  	s23 =	simm.s32 $0x1B8B  }
0xa2: {  	_ =	swait.ge [sflag:s23], $0x1  }
0xa3: {  	[sflag:s23] =	ssyncset.done $0x0  }
0xa4: {  	s25 =	simm.s32 $0x1B8E;
	s24 =	sld [smem:$0x3FFE];
	[sflag:s23] =	ssyncadd.s32 $0xFFFFFFFF  }
0xa5: {  	s26 =	simm.s32 $execute0_lowered;
	[smem:$0x3FD2] =	sst s25  }
0xa6: {  	s5 =	sshll.u32 s26, $0x1;
	_ =	strace $0x80000046;
	[dreg:$0x1] =	wrdreg $0xFFFFFFFF  }
0xa7: {  	s28 =	simm.s32 $_size_execute0_lowered;
	s3 =	sadd.s32 s3, s5;
	[dreg:$0x0] =	wrdreg $0x0  }
0xa8: {  	s5 =	sshll.u32 s28, $0x1;
	[dreg:$0x2] =	wrdreg s3  }
0xa9: {  	[dreg:$0x3] =	wrdreg s5  }
0xaa: {  	[dreg:$0x4] =	wrdreg $0xC0  }
0xab: {  	_ =	task [dreg:s7], $0x5FFFF  }
0xac: {  	[dreg:$0x1] =	wrdreg $0xFFFFFFFF  }
0xad: {  	[dreg:$0x0] =	wrdreg $0x60  }
0xae: {  	[dreg:$0x2] =	wrdreg s24  }
0xaf: {  	[dreg:$0x3] =	wrdreg s2  }
0xb0: {  	[dreg:$0x4] =	wrdreg $0x6A200  }
0xb1: {  	[dreg:$0x5] =	wrdreg $0x9  }
0xb2: {  	_ =	task.clear_ibuf [dreg:s7], $0x6FFFF;
	_ =	strace $0x90000046  }
0xb3: {  	s29 =	simm.s32 $0x9;
	_ =	strace $0x80000048  }
0xb4: {  	_ =	swait.ge [sflag:s29], $0x1  }
0xb5: {  	[sflag:s29] =	ssyncadd.s32 $0xFFFFFFFF  }
0xb6: {  	_ =	strace $0x90000048  }
0xb7: {  	_ =	sfence  }
0xb8: {  	s30 =	sld [smem:$0x0];
	_ =	sdelay $0x2  }
0xb9: {  	s31 =	sshll.u32 s1, $0xD;
	s1 =	sshrl.u32 s1, $0x2  }
0xba: {  	s3 =	sand.u32 $0x4000, s31;
	s1 =	sadd.s32 s1, s30  }
0xbb: {  	s0 =	sor.u32 s3, s0;
	s1 =	sshll.u32 s1, $0x11  }
0xbc: {  	s0 =	sor.u32 s1, s0  }
0xbd: {  	s0 =	sadd.s32 $0x8F2B, s0  }
0xbe: {  	[sflag:s0] =	ssyncadd.remote.s32 $0x1  }
0xbf: {  	_ =	sfence.sel $0xFFFF  }
0xc0: {  	[dreg:$0x0] =	wrdreg $0xFFFFFFFF;
	(pc) =	sbr.abs _section_cstart, $3  }
0xc1: {  	[dreg:$0x1] =	wrdreg $0xFFFFFFFF  }
0xc2: {  	_ =	task.clear_ibuf [dreg:s7], $0x2FFFF;
	_ =	strace $0x9FFFFFFF  }
0xc3: {  	(tm) =	ssettm $0x7FFFFFFF  }
tec
execute0_lowered:
.L_overlay_start_1:
0x0: {  	(tag) =	ssettag $0x1  }
0x1: {  	s0 =	rddreg [dreg:$0x0]  }
0x2: {  	s3 =	rddreg [dreg:$0x2];
	s1 =	simm.s32 $0x0  }
0x3: {  	s13 =	stileid.u32;
	s21 =	srdreg.scid;
	s16 =	simm.s32 $0x7  }
0x4: {  	s19 =	simm.s32 $0x28;
	s20 =	simm.s32 $0x4E200;
	s28 =	simm.s32 $0x2  }
0x5: {  	s29 =	simm.s32 $0x14A0;
	s30 =	simm.s32 $0x78;
	s31 =	simm.s32 $0x32A0  }
0x6: {  	[smem:$0x7FF] =	sst s1;
	s2 =	smul.u32 $0x23280, s13;
	s1 =	sand.u32 $0x1, s21  }
0x7: {  	s5 =	sadd.s32 $0x2E600, s0;
	s6 =	sadd.s32 $0x50800, s0;
	s7 =	sadd.s32 $0x77A00, s0  }
0x8: {  	s8 =	sshll.u32 s13, $0x1;
	p0 =	sgt.u32 s13, $0x9;
	_ =	strace $0x80000047  }
0x9: {  	s4 =	smul.u32 $0x15F900, s1;
	s8 =	sor.u32 s1, s8;
	s1 =	ssub.s32 $0x2, s1  }
0xa: {  	s9 =	sshrl.u32 s2, $0x3;
	s10 =	smul.u32 $0x28, s8;
	s22 =	sshrl.u32 s1, $0x1  }
0xb: {  	s23 =	smul.u32 $0x5, s8;
	s11 =	sor.u32 $0x40, s8;
	s12 =	sor.u32 $0x60, s8  }
0xc: {  	s4 =	sadd.s32 s2, s4;
	s9 =	sadd.s32 s9, s0;
	s1 =	ssub.s32 s1, s22  }
0xd: {  	s2 =	sadd.s32 s2, s3;
	s22 =	simm.s32 $0x50;
	s4 =	sshrl.u32 s4, $0x3  }
0xe: {  	s10 =	sshrl.u32 s10, $0x3;
	s9 =	sadd.s32 $0x2600, s9;
	s26 =	smax.u32 s1, $0x1  }
0xf: {  	s1 =	simm.s32 $0x0;
	s0 =	sadd.s32 s4, s0;
	[dreg:$0x4] =	wrdreg s9  }
0x10: {  	s24 =	sadd.s32 s5, s10;
	s4 =	sadd.s32 s5, s23;
	[dreg:$0x8] =	wrdreg s26  }
.Ltmp0:
0x11: {  	[dreg:$0x5] =	wrdreg s4;
	s25 =	sadd.s32 $0xA0, s24;
	(pc) =	sbr.rel .LBB2_1-.Ltmp0, $4  }
0x12: {  	s26 =	simm.s32 $0x5;
	s0 =	sadd.s32 $0x8B400, s0;
	[dreg:$0x6] =	wrdreg s25  }
0x13: {  	[dreg:$0x7] =	wrdreg s0;
	s0 =	sshll.u32 @!p0 s13, $0x6;
	s13 =	sshrl.u32 @!p0 s2, $0x3  }
0x14: {  	s25 =	simm.s32 $0x3;
	s10 =	sor.u32 @!p0 $0x1C07, s0;
	[dreg:$0xa] =	wrdreg s13  }
0x15: {  	vm0 =	vcmask $0x3F08;
	vm1 =	vmmov $0x1;
	s2 =	simm.s32 $0x5320;
	s0 =	simm.s32 $0x3CA0;
	[dreg:$0x9] =	wrdreg s10  }
.LBB2_8:
0x16: {  	[bflag:$0x0] =	sbarrier.arrive $0xFFFF  }
0x17: {  	s4 =	rddreg [dreg:$0x7]  }
0x18: {  	s10 =	rddreg [dreg:$0x9]  }
0x19: {  	s13 =	rddreg [dreg:$0xa]  }
0x1a: {  	[hbm:s4], [sflag:s10] =	dma.local @!p0 [spmem:s13], $0x4650  }
0x1b: {  	s4 =	simm.s32 @!p0 $0x7  }
0x1c: {  	_ =	swait.ge @!p0 [sflag:s4], $0x4650  }
0x1d: {  	s1 =	sadd.s32 $0x1, s1;
	s8 =	rddreg [dreg:$0x8]  }
0x1e: {  	p1 =	sne.s32 s1, s8  }
.Ltmp1:
0x1f: {  	_ = 	snop;
	(pc) =	sbr.rel @!p1 .LBB2_9-.Ltmp1, $3  }
0x20: {  	_ =	sdelay $0x1  }
0x21: {  	[sflag:s4] =	ssyncset.done @!p0 $0x0  }
0x22: {  	[sflag:s4] =	ssyncadd.s32 @!p0 $0xFFFFB9B0  }
.LBB2_1:
0x23: {  	s4 =	rddreg [dreg:$0x1];
	s8 =	simm.s32 $0x0;
	s9 =	simm.s32 $0x69A0  }
0x24: {  	[tilespmem:s9], [sflag:$0x7] =	stream.linear.gather [hbm4b:s4+s8], $0x80, $0x38;
	[tilespmem:$0x1C9B0] =	vst v63  }
0x25: {  	_ =	swait.ge [sflag:s16], $0x80  }
0x26: {  	[sflag:s16] =	ssyncset.done $0x0  }
0x27: {  	[sflag:s16] =	ssyncadd.s32 $0xFFFFFF80  }
0x28: {  	v60 =	vld [tilespmem:$0x69A0]  }
0x29: {  	v61 =	vld [tilespmem:$0x69B0]  }
0x2a: {  	v62 =	vld [tilespmem:$0x69C0]  }
0x2b: {  	v63 =	vld [tilespmem:$0x69D0]  }
0x2c: {  	v50 =	vld [tilespmem:$0x69E0]  }
0x2d: {  	v53 =	vld [tilespmem:$0x69F0]  }
0x2e: {  	s4 =	rddreg [dreg:$0x4];
	v54 =	vld [tilespmem:$0x6A00]  }
0x2f: {  	v47 =	vld [tilespmem:$0x6A10];
	[spmem:s13], [sflag:s10] =	dma.local @!p0 [hbm:s4], $0x4650  }
0x30: {  	s4 =	simm.s32 @!p0 $0x7  }
0x31: {  	_ =	swait.ge @!p0 [sflag:s4], $0x4650  }
0x32: {  	[sflag:s4] =	ssyncset.done @!p0 $0x0  }
0x33: {  	[sflag:s4] =	ssyncadd.s32 @!p0 $0xFFFFB9B0  }
0x34: {  	[bflag:$0x0] =	sbarrier.arrive $0xFFFF  }
0x35: {  	s18 =	simm.s32 $0x1;
	s17 =	rddreg [dreg:$0x5]  }
0x36: {  	[tilespmem:s8], [sflag:$0x1] =	stream.strided.gather [hbm4b:s17+s19], $0x50, s20, s19, $0x38;
	[tilespmem:$0x1C9B0] =	vst v63  }
0x37: {  	_ =	swait.ge [sflag:s18], $0x50  }
0x38: {  	[tilespmem:$0x1FF80] =	vst v60  }
0x39: {  	[tilespmem:$0x1FF90] =	vst v61  }
0x3a: {  	[tilespmem:$0x1FFA0] =	vst v62  }
0x3b: {  	[tilespmem:$0x1FFB0] =	vst v63  }
0x3c: {  	[sflag:s18] =	ssyncset.done $0x0;
	[tilespmem:$0x1FFC0] =	vst v50  }
0x3d: {  	s21 =	rddreg [dreg:$0x6];
	[tilespmem:$0x1FFD0] =	vst v54;
	[sflag:s18] =	ssyncadd.s32 $0xFFFFFFB0  }
0x3e: {  	[tilespmem:s22], [sflag:$0x2] =	stream.strided.gather [hbm4b:s21+s19], $0x50, s20, s19, $0x38;
	[tilespmem:$0x1C9B0] =	vst v63  }
0x3f: {  	s23 =	simm.s32 $0xA0;
	[tilespmem:$0x1FFE0] =	vst v47  }
0x40: {  	[tilespmem:s23], [sflag:$0x3] =	stream.indirect.gather [hbm4b:s6+s19], $0x80, s8, s19, $0xb8;
	[tilespmem:$0x1C9B0] =	vst v63  }
0x41: {  	s24 =	simm.s32 $0x28A0;
	s15 =	simm.s32 $0x0;
	[tilespmem:$0x1FFF0] =	vst v53  }
0x42: {  	[tilespmem:s24], [sflag:$0x5] =	stream.indirect.gather [hbm4b:s7+s19], $0x40, s19, s19, $0xb8;
	[tilespmem:$0x1C9B0] =	vst v63  }
.LBB2_2:
0x43: {  	_ =	swait.ge [sflag:s25], $0x1400  }
0x44: {  	[sflag:s25] =	ssyncset.done $0x0  }
0x45: {  	[sflag:s25] =	ssyncadd.s32 $0xFFFFEC00  }
0x46: {  	_ =	swait.ge [sflag:s26], $0xA00  }
0x47: {  	[sflag:s26] =	ssyncset.done $0x0  }
0x48: {  	[sflag:s26] =	ssyncadd.s32 $0xFFFFF600  }
0x49: {  	_ =	swait.ge [sflag:s28], $0x50  }
0x4a: {  	[sflag:s28] =	ssyncset.done $0x0  }
0x4b: {  	[sflag:s28] =	ssyncadd.s32 $0xFFFFFFB0  }
0x4c: {  	[tilespmem:s29], [sflag:$0x4] =	stream.indirect.gather [hbm4b:s6+s19], $0x80, s22, s19, $0xb8;
	[tilespmem:$0x1C9B0] =	vst v63  }
0x4d: {  	s10 =	simm.s32 $0x1A0  }
0x4e: {  	[tilespmem:s31], [sflag:$0x6] =	stream.indirect.gather [hbm4b:s7+s19], $0x40, s30, s19, $0xb8;
	[tilespmem:$0x1C9B0] =	vst v63  }
0x4f: {  	s4 =	simm.s32 $0x2920;
	v8 =	vld [tilespmem:s10+$0x80]  }
0x50: {  	v9 =	vld [tilespmem:s4+$0x40]  }
0x51: {  	v10 =	vld [tilespmem:s10+$0x90]  }
0x52: {  	v11 =	vld [tilespmem:s4+$0x50]  }
0x53: {  	v12 =	vld [tilespmem:s10+$0xA0]  }
0x54: {  	v13 =	vld [tilespmem:s4+$0x60]  }
0x55: {  	v14 =	vld [tilespmem:s10+$0xB0]  }
0x56: {  	v15 =	vld [tilespmem:s4+$0x70];
	_ =	sdelay $0x2  }
0x57: {  	v8 =	vadd.bf16 v9, v8  }
0x58: {  	v10 =	vadd.bf16 v11, v10;
	v12 =	vadd.bf16 v13, v12  }
0x59: {  	v13 =	vadd.bf16 v15, v14;
	v14 =	vunpack.i.u.bf16.f32 v8;
	v8 =	vunpack.i.l.bf16.f32 v8  }
0x5a: {  	v19 =	vunpack.i.u.bf16.f32 v10;
	v10 =	vunpack.i.l.bf16.f32 v10;
	v21 =	vunpack.i.u.bf16.f32 v12  }
0x5b: {  	v12 =	vunpack.i.l.bf16.f32 v12;
	v25 =	vunpack.i.u.bf16.f32 v13;
	v22 =	vmul.f32 $6.000000240e-01, v8  }
0x5c: {  	v16 =	vld [tilespmem:s10+$0xFFFFFF20];
	v13 =	vunpack.i.l.bf16.f32 v13;
	v24 =	vmul.f32 $6.000000240e-01, v14;
	v26 =	vmul.f32 $6.000000240e-01, v10  }
0x5d: {  	v17 =	vld [tilespmem:s4+$0xFFFFFFA0];
	v28 =	vmul.f32 $6.000000240e-01, v19;
	v8 =	vand.u32 $0x7FFFFFFF, v8;
	v14 =	vand.u32 $0x7FFFFFFF, v14  }
0x5e: {  	v18 =	vld [tilespmem:s10+$0xFFFFFF30];
	v10 =	vand.u32 $0x7FFFFFFF, v10;
	v30 =	vmul.f32 $6.000000240e-01, v12;
	v19 =	vand.u32 $0x7FFFFFFF, v19  }
0x5f: {  	v20 =	vld [tilespmem:s10+$0xFFFFFFB0];
	v32 =	vmul.f32 $6.000000240e-01, v21;
	v33 =	vmul.f32 $6.000000240e-01, v13;
	v12 =	vand.u32 $0x7FFFFFFF, v12  }
0x60: {  	v34 =	vmul.f32 $6.000000240e-01, v25;
	v21 =	vand.u32 $0x7FFFFFFF, v21;
	v8 =	vmul.f32 $4.000000060e-01, v8  }
0x61: {  	v23 =	vld [tilespmem:s4+$0xFFFFFFF0];
	v13 =	vand.u32 $0x7FFFFFFF, v13;
	v14 =	vmul.f32 $4.000000060e-01, v14;
	v10 =	vmul.f32 $4.000000060e-01, v10  }
0x62: {  	v27 =	vld [tilespmem:s10+$0x20];
	v25 =	vand.u32 $0x7FFFFFFF, v25;
	v19 =	vmul.f32 $4.000000060e-01, v19;
	v12 =	vmul.f32 $4.000000060e-01, v12  }
0x63: {  	v9 =	vld [tilespmem:s4+$0xFFFFFFB0];
	v21 =	vmul.f32 $4.000000060e-01, v21;
	v8 =	vadd.f32 v8, v22;
	v14 =	vadd.f32 v14, v24  }
0x64: {  	v11 =	vld [tilespmem:s10+$0xFFFFFFA0];
	v13 =	vmul.f32 $4.000000060e-01, v13;
	v10 =	vadd.f32 v10, v26;
	v19 =	vadd.f32 v19, v28  }
0x65: {  	v15 =	vld [tilespmem:s4+$0xFFFFFFE0];
	v25 =	vmul.f32 $4.000000060e-01, v25;
	v12 =	vadd.f32 v12, v30;
	v21 =	vadd.f32 v21, v32  }
0x66: {  	v29 =	vld [tilespmem:s4+$0x20];
	v13 =	vadd.f32 v13, v33;
	v8 =	vmul.f32 v8, v60;
	v14 =	vmul.f32 v14, v61  }
0x67: {  	v31 =	vld [tilespmem:s10+$0x30];
	v25 =	vadd.f32 v25, v34;
	v10 =	vmul.f32 v10, v62;
	v19 =	vmul.f32 v19, v63  }
0x68: {  	v35 =	vld [tilespmem:s4+$0x30];
	v9 =	vadd.bf16 v9, v18;
	v12 =	vmul.f32 v12, v50;
	v13 =	vmul.f32 v13, v54  }
0x69: {  	v18 =	vld [tilespmem:s10+$0x10];
	v10 =	vadd.f32 v10, v19;
	v19 =	vmul.f32 v21, v53;
	v21 =	vmul.f32 v25, v47  }
0x6a: {  	v11 =	vadd.bf16 v15, v11;
	v15 =	vld [tilespmem:s4+$0x10];
	v8 =	vadd.f32 v8, v14  }
0x6b: {  	v37 =	vld [tilespmem:s10+$0xFFFFFF10];
	v12 =	vadd.f32 v12, v19;
	v13 =	vadd.f32 v13, v21  }
0x6c: {  	v22 =	vld [tilespmem:s4+$0xFFFFFF90];
	v8 =	vadd.f32 v10, v8  }
0x6d: {  	v16 =	vadd.bf16 v17, v16;
	v24 =	vld [tilespmem:s10+$0xFFFFFF80];
	v12 =	vadd.f32 v13, v12  }
0x6e: {  	v20 =	vadd.bf16 v23, v20;
	v26 =	vld [tilespmem:s4+$0xFFFFFFC0];
	v23 =	vunpack.i.u.bf16.f32 v9;
	v25 =	vunpack.i.u.bf16.f32 v11;
	(xrf2) =	vadd.scan.msk.f32 $0xffff, v8  }
0x6f: {  	v28 =	vld [tilespmem:s10+$0xFFFFFF90];
	v11 =	vunpack.i.l.bf16.f32 v11;
	v15 =	vadd.bf16 v15, v18;
	v19 =	vunpack.i.u.bf16.f32 v16;
	(xrf2) =	vadd.scan.msk.f32 $0xffff, v12  }
0x70: {  	v30 =	vld [tilespmem:s4+$0xFFFFFFD0];
	v16 =	vunpack.i.l.bf16.f32 v16;
	v21 =	vadd.bf16 v29, v27;
	v29 =	vand.u32 $0x7FFFFFFF, v23  }
0x71: {  	v45 =	vunpack.i.u.bf16.f32 v15;
	v15 =	vunpack.i.l.bf16.f32 v15;
	v23 =	vmul.f32 $6.000000240e-01, v23  }
0x72: {  	v27 =	vand.u32 $0x7FFFFFFF, v19;
	v29 =	vmul.f32 $4.000000060e-01, v29;
	v19 =	vmul.f32 $6.000000240e-01, v19  }
0x73: {  	v55 =	vand.u32 $0x7FFFFFFF, v15;
	v56 =	vand.u32 $0x7FFFFFFF, v45;
	v15 =	vmul.f32 $6.000000240e-01, v15  }
0x74: {  	v13 =	vadd.bf16 v22, v37;
	v8 =	vunpack.i.l.bf16.f32 v9;
	v9 =	vadd.bf16 v35, v31  }
0x75: {  	v17 =	vld [tilespmem:s4+$0x0];
	v22 =	vadd.bf16 v26, v24;
	v24 =	vadd.bf16 v30, v28;
	v26 =	vand.u32 $0x7FFFFFFF, v16  }
0x76: {  	v14 =	vld [tilespmem:s10+$0x0];
	v30 =	vand.u32 $0x7FFFFFFF, v11;
	v27 =	vmul.f32 $4.000000060e-01, v27;
	v16 =	vmul.f32 $6.000000240e-01, v16  }
0x77: {  	v31 =	vand.u32 $0x7FFFFFFF, v25;
	v11 =	vmul.f32 $6.000000240e-01, v11;
	v25 =	vmul.f32 $6.000000240e-01, v25  }
0x78: {  	v18 =	vunpack.i.u.bf16.f32 v21;
	v26 =	vmul.f32 $4.000000060e-01, v26;
	v30 =	vmul.f32 $4.000000060e-01, v30;
	v40, _, _ =	vpop (xrf2)  }
0x79: {  	v28 =	vand.u32 $0x7FFFFFFF, v8;
	v31 =	vmul.f32 $4.000000060e-01, v31;
	v6 =	vmul.f32 $6.000000240e-01, v8;
	v43, _, _ =	vpop (xrf2)  }
0x7a: {  	v2 =	vand.u32 $0x7FFFFFFF, v18;
	v18 =	vmul.f32 $6.000000240e-01, v18;
	v43 =	vmul.f32 $1.442695020e+00, v43  }
0x7b: {  	v23 =	vadd.f32 v29, v23;
	v12 =	vadd.bf16 v17, v14;
	v40 =	vmul.f32 $1.442695020e+00, v40  }
0x7c: {  	v36 =	vld [tilespmem:s4+$0xFFFFFF80];
	v14 =	vunpack.i.u.bf16.f32 v20;
	v17 =	vunpack.i.l.bf16.f32 v20;
	v43 =	vbroadcast v43, $0xF  }
0x7d: {  	v10 =	vld [tilespmem:s10+$0xFFFFFF00];
	v20 =	vunpack.i.l.bf16.f32 v21;
	v21 =	vunpack.i.u.bf16.f32 v9;
	v40 =	vbroadcast v40, $0xF  }
0x7e: {  	v9 =	vunpack.i.l.bf16.f32 v9;
	v39 =	vunpack.i.u.bf16.f32 v13;
	(erf) = vpow2.f32 v43  }
0x7f: {  	v13 =	vunpack.i.l.bf16.f32 v13;
	v41 =	vunpack.i.u.bf16.f32 v22;
	(erf) = vpow2.f32 v40  }
0x80: {  	v22 =	vunpack.i.l.bf16.f32 v22;
	v42 =	vunpack.i.u.bf16.f32 v24;
	v24 =	vunpack.i.l.bf16.f32 v24  }
0x81: {  	v28 =	vmul.f32 $4.000000060e-01, v28;
	v35 =	vmul.f32 $4.000000060e-01, v2;
	v19 =	vadd.f32 v27, v19  }
0x82: {  	v10 =	vadd.bf16 v36, v10;
	v59 =	vand.u32 $0x7FFFFFFF, v17;
	v0 =	vand.u32 $0x7FFFFFFF, v14  }
0x83: {  	v1 =	vand.u32 $0x7FFFFFFF, v20;
	v3 =	vand.u32 $0x7FFFFFFF, v9;
	v38 =	vand.u32 $0x7FFFFFFF, v21  }
0x84: {  	v48 =	vand.u32 $0x7FFFFFFF, v13;
	v4 =	vand.u32 $0x7FFFFFFF, v22;
	v49 =	vand.u32 $0x7FFFFFFF, v41  }
0x85: {  	v5 =	vand.u32 $0x7FFFFFFF, v24;
	v17 =	vmul.f32 $6.000000240e-01, v17;
	v14 =	vmul.f32 $6.000000240e-01, v14  }
0x86: {  	v51 =	vand.u32 $0x7FFFFFFF, v42;
	v20 =	vmul.f32 $6.000000240e-01, v20;
	v9 =	vmul.f32 $6.000000240e-01, v9  }
0x87: {  	v21 =	vmul.f32 $6.000000240e-01, v21;
	v16 =	vadd.f32 v26, v16;
	v25 =	vadd.f32 v31, v25;
	v2 =	vpop (erf)  }
0x88: {  	v31 =	vmul.f32 $4.000000060e-01, v56;
	v13 =	vmul.f32 $6.000000240e-01, v13;
	v57 =	vsel vm0, $0x0, v2;
	v58 =	vpop (erf)  }
0x89: {  	s23 =	simm.s32 $0x3DC0;
	v22 =	vmul.f32 $6.000000240e-01, v22;
	v24 =	vmul.f32 $6.000000240e-01, v24;
	v57 =	vsel vm1, v58, v57  }
0x8a: {  	v11 =	vadd.f32 v30, v11;
	v32 =	vmul.f32 $4.000000060e-01, v59;
	v33 =	vmul.f32 $4.000000060e-01, v0;
	[tilespmem:s23+$0x110] =	vst v57  }
0x8b: {  	v44 =	vunpack.i.u.bf16.f32 v12;
	v34 =	vmul.f32 $4.000000060e-01, v1;
	v36 =	vmul.f32 $4.000000060e-01, v3;
	v27 =	vld [tilespmem:s10+$0xC0]  }
0x8c: {  	v12 =	vunpack.i.l.bf16.f32 v12;
	v38 =	vmul.f32 $4.000000060e-01, v38;
	v26 =	vmul.f32 $4.000000060e-01, v48  }
0x8d: {  	v28 =	vadd.f32 v28, v6;
	v59 =	vmul.f32 $4.000000060e-01, v5;
	v29 =	vmul.f32 $4.000000060e-01, v51  }
0x8e: {  	v5 =	vmul.f32 $4.000000060e-01, v55;
	v18 =	vadd.f32 v35, v18;
	v37 =	vunpack.i.u.bf16.f32 v10  }
0x8f: {  	v10 =	vunpack.i.l.bf16.f32 v10;
	v52 =	vand.u32 $0x7FFFFFFF, v12;
	v7 =	vand.u32 $0x7FFFFFFF, v44  }
0x90: {  	v12 =	vmul.f32 $6.000000240e-01, v12;
	v40 =	vmul.f32 $4.000000060e-01, v4;
	v6 =	vunpack.i.l.bf16.f32 v27  }
0x91: {  	v4 =	vmul.f32 $4.000000060e-01, v52;
	v27 =	vunpack.i.u.bf16.f32 v27;
	v52 =	vmul.f32 v6, v58  }
0x92: {  	v46 =	vand.u32 $0x7FFFFFFF, v10;
	v30 =	vmul.f32 $4.000000060e-01, v7;
	v27 =	vmul.f32 v58, v27  }
0x93: {  	v47 =	vand.u32 $0x7FFFFFFF, v37;
	v10 =	vmul.f32 $6.000000240e-01, v10;
	v37 =	vmul.f32 $6.000000240e-01, v37;
	[tilespmem:s23+$0x90] =	vst v52  }
0x94: {  	v17 =	vadd.f32 v32, v17;
	v14 =	vadd.f32 v33, v14;
	v46 =	vmul.f32 $4.000000060e-01, v46;
	[tilespmem:s23+$0xA0] =	vst v27  }
0x95: {  	v7 =	vmul.f32 $6.000000240e-01, v41;
	v20 =	vadd.f32 v34, v20;
	v9 =	vadd.f32 v36, v9;
	v0 =	vld [tilespmem:$0x1FFC0]  }
0x96: {  	v41 =	vmul.f32 $6.000000240e-01, v42;
	v21 =	vadd.f32 v38, v21;
	v10 =	vadd.f32 v46, v10;
	v46 =	vld [tilespmem:$0x1FFD0]  }
0x97: {  	v1 =	vmovc v53;
	v13 =	vadd.f32 v26, v13;
	v24 =	vadd.f32 v59, v24;
	v47 =	vmul.f32 $4.000000060e-01, v47;
	v48 =	vld [tilespmem:$0x1FFE0]  }
0x98: {  	v15 =	vadd.f32 v5, v15;
	v19 =	vmul.f32 v19, v1;
	v57 =	vmul.f32 $4.000000060e-01, v49;
	v49 =	vld [tilespmem:$0x1FFC0]  }
0x99: {  	v18 =	vmul.f32 v18, v1;
	v13 =	vmul.f32 v13, v62;
	v43 =	vand.u32 $0x7FFFFFFF, v39;
	v50 =	vld [tilespmem:$0x1FFD0]  }
0x9a: {  	v39 =	vmul.f32 $6.000000240e-01, v39;
	v43 =	vmul.f32 $4.000000060e-01, v43;
	v12 =	vadd.f32 v4, v12;
	v51 =	vld [tilespmem:$0x1FFE0]  }
0x9b: {  	v29 =	vadd.f32 v29, v41;
	v15 =	vmul.f32 v15, v62;
	v10 =	vmul.f32 v10, v60;
	v52 =	vld [tilespmem:$0x1FFC0]  }
0x9c: {  	v26 =	vadd.f32 v43, v39;
	v22 =	vadd.f32 v40, v22;
	v12 =	vmul.f32 v12, v60;
	v53 =	vld [tilespmem:$0x1FFD0]  }
0x9d: {  	v32 =	vadd.f32 v57, v7;
	v27 =	vmul.f32 $6.000000240e-01, v44;
	v44 =	vmul.f32 $6.000000240e-01, v45  }
0x9e: {  	v45 =	vadd.f32 v47, v37;
	v54 =	vld [tilespmem:$0x1FFE0];
	v16 =	vmul.f32 v16, v0;
	v28 =	vmul.f32 v28, v46  }
0x9f: {  	v42 =	vld [tilespmem:s10+$0xD0];
	v27 =	vadd.f32 v30, v27;
	v23 =	vmul.f32 v23, v48;
	v11 =	vmul.f32 v11, v49  }
0xa0: {  	v30 =	vadd.f32 v31, v44;
	v17 =	vmul.f32 v17, v50;
	v14 =	vmul.f32 v14, v51  }
0xa1: {  	v20 =	vmul.f32 v20, v52;
	v9 =	vmul.f32 v9, v53;
	v16 =	vadd.f32 v16, v19  }
0xa2: {  	v19 =	vmul.f32 v25, v1;
	v23 =	vadd.f32 v28, v23;
	v14 =	vadd.f32 v17, v14  }
0xa3: {  	v17 =	vmul.f32 v21, v54;
	v18 =	vadd.f32 v20, v18;
	v20 =	vmul.f32 v26, v63  }
0xa4: {  	v47 =	vunpack.i.l.bf16.f32 v42;
	v21 =	vmul.f32 v22, v60;
	v22 =	vmul.f32 v24, v62  }
0xa5: {  	v11 =	vadd.f32 v11, v19;
	v19 =	vmul.f32 v45, v61;
	v16 =	vadd.f32 v23, v16  }
0xa6: {  	v9 =	vadd.f32 v9, v17;
	v17 =	vmul.f32 v32, v61;
	v13 =	vadd.f32 v13, v20  }
0xa7: {  	v10 =	vadd.f32 v10, v19;
	v19 =	vmul.f32 v29, v63;
	v11 =	vadd.f32 v14, v11  }
0xa8: {  	(xrf2) =	vadd.scan.msk.f32 $0xffff, v16;
	v14 =	vmul.f32 v27, v61;
	v9 =	vadd.f32 v9, v18;
	v18 =	vmul.f32 v30, v63  }
0xa9: {  	v16 =	vadd.f32 v21, v17;
	v17 =	vadd.f32 v22, v19;
	(xrf2) =	vadd.scan.msk.f32 $0xffff, v11;
	v11 =	vunpack.i.u.bf16.f32 v42  }
0xaa: {  	s18 =	simm.s32 $0x2A20;
	(xrf2) =	vadd.scan.msk.f32 $0xffff, v9;
	v9 =	vmul.f32 v11, v58;
	v11 =	vadd.f32 v12, v14;
	v12 =	vadd.f32 v15, v18  }
0xab: {  	s24 =	simm.s32 $0x3A0;
	v10 =	vadd.f32 v13, v10;
	v13 =	vmul.f32 v47, v58;
	v16 =	vadd.f32 v17, v16;
	v17 =	vld [tilespmem:s18+$0x50]  }
0xac: {  	[tilespmem:s23+$0xC0] =	vst v9;
	v9 =	vadd.f32 v12, v11;
	v11 =	vld [tilespmem:s24+$0x80]  }
0xad: {  	[tilespmem:s23+$0xB0] =	vst v13;
	v12 =	vld [tilespmem:s18+$0x40]  }
0xae: {  	(xrf2) =	vadd.scan.msk.f32 $0xffff, v10;
	v10 =	vld [tilespmem:s10+$0xE0]  }
0xaf: {  	(xrf2) =	vadd.scan.msk.f32 $0xffff, v16;
	v16 =	vld [tilespmem:s24+$0x90];
	_ =	sdelay $0x3  }
0xb0: {  	(xrf2) =	vadd.scan.msk.f32 $0xffff, v9;
	v9, _, _ =	vpop (xrf2);
	v11 =	vadd.bf16 v12, v11  }
0xb1: {  	v9 =	vmul.f32 $1.442695020e+00, v9;
	v13 =	vunpack.i.l.bf16.f32 v10;
	v12 =	vadd.bf16 v17, v16  }
0xb2: {  	v15, _, _ =	vpop (xrf2);
	v3 =	vmul.f32 v13, v2;
	v16 =	vunpack.i.u.bf16.f32 v11;
	v11 =	vunpack.i.l.bf16.f32 v11  }
0xb3: {  	v14 =	vbroadcast v9, $0xF;
	v13 =	vmul.f32 $1.442695020e+00, v15;
	v17 =	vunpack.i.u.bf16.f32 v12  }
0xb4: {  	v12 =	vunpack.i.l.bf16.f32 v12;
	v25 =	vmul.f32 $6.000000240e-01, v11;
	v26 =	vmul.f32 $6.000000240e-01, v16  }
0xb5: {  	v15, _, _ =	vpop (xrf2);
	v29 =	vmul.f32 $6.000000240e-01, v12;
	v30 =	vmul.f32 $6.000000240e-01, v17  }
0xb6: {  	v20 =	vld [tilespmem:s18+$0x60];
	(erf) = vpow2.f32 v14;
	v14 =	vmul.f32 $1.442695020e+00, v15;
	v15, _, _ =	vpop (xrf2)  }
0xb7: {  	v21 =	vld [tilespmem:s24+$0xB0];
	v11 =	vand.u32 $0x7FFFFFFF, v11;
	v13 =	vbroadcast v13, $0xF;
	v15 =	vmul.f32 $1.442695020e+00, v15;
	v19, _, _ =	vpop (xrf2)  }
0xb8: {  	v16 =	vand.u32 $0x7FFFFFFF, v16;
	v11 =	vmul.f32 $4.000000060e-01, v11;
	v19 =	vmul.f32 $1.442695020e+00, v19  }
0xb9: {  	v12 =	vand.u32 $0x7FFFFFFF, v12;
	(erf) = vpow2.f32 v13;
	v13 =	vbroadcast v15, $0xF;
	v15 =	vld [tilespmem:s18+$0x70]  }
0xba: {  	v18 =	vld [tilespmem:s24+$0xA0];
	v17 =	vand.u32 $0x7FFFFFFF, v17;
	v16 =	vmul.f32 $4.000000060e-01, v16;
	v14 =	vbroadcast v14, $0xF  }
0xbb: {  	v12 =	vmul.f32 $4.000000060e-01, v12;
	v17 =	vmul.f32 $4.000000060e-01, v17;
	v11 =	vadd.f32 v11, v25  }
0xbc: {  	v16 =	vadd.f32 v16, v26;
	(erf) = vpow2.f32 v14;
	v14 =	vbroadcast v19, $0xF;
	v19, _, _ =	vpop (xrf2)  }
0xbd: {  	v12 =	vadd.f32 v12, v29;
	(erf) = vpow2.f32 v13;
	v13 =	vmul.f32 $1.442695020e+00, v19  }
0xbe: {  	v17 =	vadd.f32 v17, v30;
	v15 =	vadd.bf16 v15, v21  }
0xbf: {  	v11 =	vmul.f32 v11, v60;
	v23 =	vbroadcast v13, $0xF;
	v13 =	vadd.bf16 v20, v18  }
0xc0: {  	v29 =	vmul.f32 v16, v61;
	v28 =	vunpack.i.u.bf16.f32 v15;
	v15 =	vunpack.i.l.bf16.f32 v15  }
0xc1: {  	v21 =	vunpack.i.u.bf16.f32 v13;
	v13 =	vunpack.i.l.bf16.f32 v13;
	v57 =	vmul.f32 $6.000000240e-01, v15  }
0xc2: {  	v53 =	vld [tilespmem:$0x1FFD0];
	v58 =	vmul.f32 $6.000000240e-01, v28;
	v15 =	vand.u32 $0x7FFFFFFF, v15;
	v28 =	vand.u32 $0x7FFFFFFF, v28  }
0xc3: {  	v54 =	vld [tilespmem:$0x1FFE0];
	v55 =	vmul.f32 $6.000000240e-01, v13;
	v56 =	vmul.f32 $6.000000240e-01, v21;
	v13 =	vand.u32 $0x7FFFFFFF, v13  }
0xc4: {  	v50 =	vld [tilespmem:$0x1FFC0];
	v21 =	vand.u32 $0x7FFFFFFF, v21;
	v15 =	vmul.f32 $4.000000060e-01, v15;
	v26 =	vmul.f32 $4.000000060e-01, v28  }
0xc5: {  	v35 =	vld [tilespmem:s18+$0x20];
	v13 =	vmul.f32 $4.000000060e-01, v13;
	v21 =	vmul.f32 $4.000000060e-01, v21  }
0xc6: {  	v31 =	vld [tilespmem:s18+$0xFFFFFFF0];
	v49 =	vmul.f32 v17, v63;
	v15 =	vadd.f32 v15, v57;
	v17 =	vadd.f32 v26, v58  }
0xc7: {  	v24 =	vld [tilespmem:s18+$0xFFFFFFE0];
	v48 =	vmul.f32 v12, v62;
	v33 =	vadd.f32 v13, v55;
	v12 =	vadd.f32 v21, v56  }
0xc8: {  	v32 =	vld [tilespmem:s24+$0x20];
	v11 =	vadd.f32 v11, v29;
	v15 =	vmul.f32 v15, v53;
	v29 =	vmul.f32 v17, v54  }
0xc9: {  	v22 =	vld [tilespmem:s24+$0xFFFFFF20];
	v33 =	vmul.f32 v33, v50;
	v51 =	vmul.f32 v12, v1  }
0xca: {  	v47 =	vld [tilespmem:s24+$0xFFFFFF10];
	(erf) = vpow2.f32 v14;
	v34 =	vadd.f32 v48, v49  }
0xcb: {  	v25 =	vld [tilespmem:s18+$0xFFFFFF90];
	(erf) = vpow2.f32 v23;
	v15 =	vadd.f32 v15, v29;
	v23 =	vadd.f32 v33, v51  }
0xcc: {  	v14 =	vld [tilespmem:s24+$0xFFFFFF30];
	v11 =	vadd.f32 v34, v11  }
0xcd: {  	v18 =	vld [tilespmem:s18+$0xFFFFFFB0];
	v15 =	vadd.f32 v15, v23  }
0xce: {  	v19 =	vld [tilespmem:s18+$0xFFFFFFA0];
	(xrf2) =	vadd.scan.msk.f32 $0xffff, v11  }
0xcf: {  	v20 =	vld [tilespmem:s24+$0xFFFFFFA0];
	(xrf2) =	vadd.scan.msk.f32 $0xffff, v15  }
0xd0: {  	v30 =	vld [tilespmem:s18+$0xFFFFFFC0];
	v25 =	vadd.bf16 v25, v47;
	v11 =	vadd.bf16 v35, v32  }
0xd1: {  	v28 =	vld [tilespmem:s24+$0xFFFFFF80]  }
0xd2: {  	v47 =	vunpack.i.u.bf16.f32 v25;
	v32 =	vunpack.i.l.bf16.f32 v11;
	v26 =	vld [tilespmem:s18+$0xFFFFFFD0];
	v14 =	vadd.bf16 v18, v14  }
0xd3: {  	v25 =	vunpack.i.l.bf16.f32 v25;
	v19 =	vadd.bf16 v19, v22;
	v4 =	vand.u32 $0x7FFFFFFF, v32;
	v21 =	vld [tilespmem:s24+$0xFFFFFF90]  }
0xd4: {  	v27 =	vld [tilespmem:s24+$0xFFFFFFB0];
	v20 =	vadd.bf16 v24, v20;
	v24 =	vunpack.i.u.bf16.f32 v14;
	v14 =	vunpack.i.l.bf16.f32 v14  }
0xd5: {  	v32 =	vmul.f32 $6.000000240e-01, v32;
	v41 =	vmul.f32 $4.000000060e-01, v4;
	v58 =	vand.u32 $0x7FFFFFFF, v14  }
0xd6: {  	v46 =	vld [tilespmem:s18+$0xFFFFFF80];
	v29 =	vunpack.i.u.bf16.f32 v19;
	v19 =	vunpack.i.l.bf16.f32 v19;
	v35 =	vmul.f32 $4.000000060e-01, v58  }
0xd7: {  	v18 =	vld [tilespmem:s24+$0xFFFFFF00];
	v58 =	vand.u32 $0x7FFFFFFF, v47;
	v47 =	vmul.f32 $6.000000240e-01, v47;
	v57 =	vand.u32 $0x7FFFFFFF, v29  }
0xd8: {  	v22 =	vld [tilespmem:s24+$0x10];
	v29 =	vmul.f32 $6.000000240e-01, v29;
	v21 =	vadd.bf16 v26, v21;
	v61, _, _ =	vpop (xrf2);
	v15 =	vadd.bf16 v30, v28  }
0xd9: {  	v56 =	vld [tilespmem:s18+$0x10];
	v23 =	vadd.bf16 v31, v27;
	v31 =	vunpack.i.u.bf16.f32 v11;
	v11 =	vand.u32 $0x7FFFFFFF, v19;
	v63, _, _ =	vpop (xrf2)  }
0xda: {  	v59 =	vld [tilespmem:s24+$0x30];
	v48 =	vunpack.i.u.bf16.f32 v15;
	v50 =	vunpack.i.l.bf16.f32 v15;
	v15 =	vmul.f32 $1.442695020e+00, v63  }
0xdb: {  	v45 =	vld [tilespmem:s18+$0x30];
	v51 =	vunpack.i.u.bf16.f32 v21;
	v49 =	vunpack.i.l.bf16.f32 v21;
	v21 =	vmul.f32 $1.442695020e+00, v61  }
0xdc: {  	v18 =	vadd.bf16 v46, v18;
	v44 =	vmul.f32 $4.000000060e-01, v11;
	v11 =	vbroadcast v15, $0xF  }
0xdd: {  	v58 =	vmul.f32 $4.000000060e-01, v58;
	v26 =	vunpack.i.u.bf16.f32 v20;
	v15 =	vbroadcast v21, $0xF  }
0xde: {  	v20 =	vunpack.i.l.bf16.f32 v20;
	v22 =	vadd.bf16 v56, v22;
	(erf) = vpow2.f32 v11  }
0xdf: {  	v34 =	vmul.f32 $4.000000060e-01, v57;
	v57 =	vand.u32 $0x7FFFFFFF, v25;
	(erf) = vpow2.f32 v15  }
0xe0: {  	v25 =	vmul.f32 $6.000000240e-01, v25;
	v27 =	vadd.bf16 v45, v59;
	v59 =	vand.u32 $0x7FFFFFFF, v24  }
0xe1: {  	v6 =	vpop (erf);
	v37 =	vand.u32 $0x7FFFFFFF, v20;
	v38 =	vand.u32 $0x7FFFFFFF, v26;
	v19 =	vmul.f32 $6.000000240e-01, v19  }
0xe2: {  	v52 =	vld [tilespmem:s24+$0x0];
	v5 =	vpop (erf);
	v45 =	vunpack.i.u.bf16.f32 v18;
	v24 =	vmul.f32 $6.000000240e-01, v24;
	v20 =	vmul.f32 $6.000000240e-01, v20  }
0xe3: {  	v55 =	vld [tilespmem:s18+$0x0];
	v4 =	vpop (erf);
	v18 =	vunpack.i.l.bf16.f32 v18;
	v26 =	vmul.f32 $6.000000240e-01, v26;
	v57 =	vmul.f32 $4.000000060e-01, v57  }
0xe4: {  	v53 =	vunpack.i.u.bf16.f32 v22;
	v54 =	vunpack.i.l.bf16.f32 v22;
	v30 =	vunpack.i.u.bf16.f32 v23;
	v22 =	vpop (erf)  }
0xe5: {  	v7 =	vand.u32 $0x7FFFFFFF, v31;
	v36 =	vmul.f32 $4.000000060e-01, v59;
	v37 =	vmul.f32 $4.000000060e-01, v37;
	v21 =	vpop (erf)  }
0xe6: {  	v56 =	vand.u32 $0x7FFFFFFF, v45;
	v38 =	vmul.f32 $4.000000060e-01, v38;
	v31 =	vmul.f32 $6.000000240e-01, v31;
	v15 =	vpop (erf)  }
0xe7: {  	v29 =	vadd.f32 v34, v29;
	v0 =	vand.u32 $0x7FFFFFFF, v30;
	v9 =	vmul.f32 $6.000000240e-01, v30;
	v30 =	vpop (erf)  }
0xe8: {  	v28 =	vadd.bf16 v55, v52;
	v42 =	vmul.f32 $4.000000060e-01, v7;
	v7 =	vsel vm0, $0x0, v30;
	v34 =	vpop (erf)  }
0xe9: {  	s8 =	simm.s32 $0x4000;
	v33 =	vunpack.i.u.bf16.f32 v27;
	v19 =	vadd.f32 v44, v19;
	v44 =	vsel vm1, v34, v7  }
0xea: {  	v23 =	vunpack.i.l.bf16.f32 v23;
	v27 =	vunpack.i.l.bf16.f32 v27;
	v62 =	vand.u32 $0x7FFFFFFF, v33;
	[tilespmem:s8+$0x110] =	vst v44  }
0xeb: {  	v55 =	vand.u32 $0x7FFFFFFF, v18;
	v61 =	vand.u32 $0x7FFFFFFF, v49;
	v46 =	vmul.f32 $4.000000060e-01, v62;
	v62 =	vld [tilespmem:s24+$0xC0]  }
0xec: {  	v56 =	vmul.f32 $4.000000060e-01, v56;
	v18 =	vmul.f32 $6.000000240e-01, v18;
	v25 =	vadd.f32 v57, v25  }
0xed: {  	v39 =	vand.u32 $0x7FFFFFFF, v23;
	v40 =	vmul.f32 $4.000000060e-01, v0;
	v0 =	vmul.f32 $6.000000240e-01, v14  }
0xee: {  	v60 =	vand.u32 $0x7FFFFFFF, v27;
	v23 =	vmul.f32 $6.000000240e-01, v23;
	v24 =	vadd.f32 v36, v24  }
0xef: {  	v20 =	vadd.f32 v37, v20;
	v35 =	vadd.f32 v35, v0;
	v0 =	vand.u32 $0x7FFFFFFF, v53  }
0xf0: {  	v36 =	vmul.f32 $4.000000060e-01, v0;
	v44 =	vand.u32 $0x7FFFFFFF, v54;
	v0 =	vunpack.i.l.bf16.f32 v62  }
0xf1: {  	v37 =	vmul.f32 $4.000000060e-01, v44;
	v7 =	vunpack.i.u.bf16.f32 v62;
	v44 =	vmul.f32 v0, v34  }
0xf2: {  	v26 =	vadd.f32 v38, v26;
	v38 =	vmul.f32 $6.000000240e-01, v45;
	v45 =	vmul.f32 v34, v7  }
0xf3: {  	v55 =	vmul.f32 $4.000000060e-01, v55;
	v61 =	vmul.f32 $4.000000060e-01, v61;
	v52 =	vunpack.i.u.bf16.f32 v28;
	[tilespmem:s8+$0x90] =	vst v44  }
0xf4: {  	v28 =	vunpack.i.l.bf16.f32 v28;
	v39 =	vmul.f32 $4.000000060e-01, v39;
	v43 =	vmul.f32 $4.000000060e-01, v60;
	[tilespmem:s8+$0xA0] =	vst v45  }
0xf5: {  	v31 =	vadd.f32 v42, v31;
	v59 =	vand.u32 $0x7FFFFFFF, v50;
	v60 =	vand.u32 $0x7FFFFFFF, v48;
	v7 =	vld [tilespmem:s24+$0xD0]  }
0xf6: {  	v14 =	vand.u32 $0x7FFFFFFF, v28;
	v48 =	vmul.f32 $6.000000240e-01, v48;
	v28 =	vmul.f32 $6.000000240e-01, v28  }
0xf7: {  	v59 =	vmul.f32 $4.000000060e-01, v59;
	v23 =	vadd.f32 v39, v23;
	v39 =	vmul.f32 $6.000000240e-01, v50  }
0xf8: {  	v18 =	vadd.f32 v55, v18;
	v38 =	vadd.f32 v56, v38;
	v60 =	vmul.f32 $4.000000060e-01, v60  }
0xf9: {  	v56 =	vadd.f32 v58, v47;
	v14 =	vmul.f32 $4.000000060e-01, v14;
	v39 =	vadd.f32 v59, v39  }
0xfa: {  	v58 =	vadd.f32 v60, v48;
	v63 =	vand.u32 $0x7FFFFFFF, v51;
	v59 =	vunpack.i.l.bf16.f32 v7  }
0xfb: {  	v63 =	vmul.f32 $4.000000060e-01, v63;
	v55 =	vld [tilespmem:$0x1FFC0];
	v42 =	vunpack.i.u.bf16.f32 v7;
	v48 =	vmul.f32 v59, v34  }
0xfc: {  	v14 =	vadd.f32 v14, v28;
	v44 =	vmul.f32 $6.000000240e-01, v51;
	v57 =	vld [tilespmem:$0x1FFD0];
	v28 =	vmul.f32 v42, v34  }
0xfd: {  	v32 =	vadd.f32 v41, v32;
	v8 =	vand.u32 $0x7FFFFFFF, v52;
	v41 =	vmul.f32 $6.000000240e-01, v52;
	v60 =	vld [tilespmem:$0x1FFE0];
	[tilespmem:s8+$0xB0] =	vst v48  }
0xfe: {  	v52 =	vmul.f32 $6.000000240e-01, v54;
	v50 =	vmul.f32 $6.000000240e-01, v49;
	v44 =	vadd.f32 v63, v44;
	v63 =	vld [tilespmem:$0x1FFC0];
	[tilespmem:s8+$0xC0] =	vst v28  }
0xff: {  	v9 =	vadd.f32 v40, v9;
	v7 =	vld [tilespmem:$0x1FFD0]  }
0x100: {  	v8 =	vmul.f32 $4.000000060e-01, v8;
	v40 =	vadd.f32 v61, v50;
	v61 =	vadd.f32 v37, v52;
	v37 =	vld [tilespmem:$0x1FFE0]  }
0x101: {  	v28 =	vld [tilespmem:s24+$0xE0]  }
0x102: {  	v27 =	vmul.f32 $6.000000240e-01, v27;
	v8 =	vadd.f32 v8, v41;
	v41 =	vld [tilespmem:$0x1FFC0]  }
0x103: {  	v42 =	vld [tilespmem:$0x1FFD0]  }
0x104: {  	v27 =	vadd.f32 v43, v27;
	v43 =	vld [tilespmem:$0x1FFE0]  }
0x105: {  	v45 =	vld [tilespmem:$0x1FF80]  }
0x106: {  	v10 =	vunpack.i.u.bf16.f32 v10;
	v48 =	vld [tilespmem:$0x1FF90]  }
0x107: {  	v10 =	vmul.f32 v10, v2;
	v16 =	vsel vm0, $0x0, v6;
	v33 =	vmul.f32 $6.000000240e-01, v33;
	v49 =	vld [tilespmem:$0x1FFA0]  }
0x108: {  	v17 =	vsel vm0, $0x0, v5;
	v29 =	vmul.f32 v29, v1;
	v16 =	vsel vm1, v22, v16;
	v50 =	vld [tilespmem:$0x1FFB0];
	[tilespmem:s23+$0xD0] =	vst v3  }
0x109: {  	v26 =	vmul.f32 v26, v1;
	v33 =	vadd.f32 v46, v33;
	v54 =	vmul.f32 $6.000000240e-01, v53;
	v51 =	vld [tilespmem:$0x1FF80]  }
0x10a: {  	v31 =	vmul.f32 v31, v1;
	v17 =	vsel vm1, v21, v17;
	v19 =	vmul.f32 v19, v55;
	v52 =	vld [tilespmem:$0x1FF90]  }
0x10b: {  	v36 =	vadd.f32 v36, v54;
	v35 =	vmul.f32 v35, v57;
	v24 =	vmul.f32 v24, v60;
	v55 =	vld [tilespmem:$0x1FFA0];
	[tilespmem:s23+$0xFFFFFF60] =	vst v16  }
0x10c: {  	v62 =	vsel vm0, $0x0, v4;
	v19 =	vadd.f32 v19, v29;
	[tilespmem:s23+$0xE0] =	vst v10;
	v20 =	vmul.f32 v20, v63  }
0x10d: {  	v24 =	vadd.f32 v35, v24;
	v57 =	vld [tilespmem:$0x1FFB0];
	[tilespmem:s23+$0xFFFFFFF0] =	vst v17;
	v23 =	vmul.f32 v23, v7;
	v9 =	vmul.f32 v9, v37  }
0x10e: {  	v17 =	vsel vm1, v15, v62;
	v59 =	vld [tilespmem:$0x1FF90];
	v29 =	vmul.f32 v32, v41;
	v18 =	vmul.f32 v18, v45  }
0x10f: {  	v16 =	vadd.f32 v24, v19;
	v25 =	vmul.f32 v25, v49;
	v53 =	vmul.f32 v58, v52;
	v58 =	vld [tilespmem:$0x1FF80];
	[tilespmem:s23+$0x80] =	vst v17  }
0x110: {  	v54 =	vunpack.i.l.bf16.f32 v28;
	v20 =	vadd.f32 v20, v26;
	v26 =	vmul.f32 v27, v42;
	v60 =	vld [tilespmem:$0x1FFA0]  }
0x111: {  	v10 =	vunpack.i.u.bf16.f32 v28;
	v27 =	vmul.f32 v33, v43;
	v24 =	vmul.f32 v54, v30  }
0x112: {  	v9 =	vadd.f32 v23, v9;
	v23 =	vmul.f32 v38, v48;
	v29 =	vadd.f32 v29, v31  }
0x113: {  	v19 =	vld [tilespmem:s10+$0xFFFFFF40];
	v31 =	vmul.f32 v56, v50;
	v56 =	vmul.f32 v40, v55;
	v26 =	vadd.f32 v26, v27  }
0x114: {  	(xrf2) =	vadd.scan.msk.f32 $0xffff, v16;
	v16 =	vld [tilespmem:s10+$0xFFFFFFC0];
	v18 =	vadd.f32 v18, v23;
	v23 =	vmul.f32 v44, v57;
	v9 =	vadd.f32 v9, v20  }
0x115: {  	v27 =	vmul.f32 v39, v51;
	v20 =	vadd.f32 v25, v31;
	v25 =	vmul.f32 v61, v60;
	v61 =	vld [tilespmem:$0x1FFB0]  }
0x116: {  	v10 =	vmul.f32 v10, v30;
	(xrf2) =	vadd.scan.msk.f32 $0xffff, v9;
	v9 =	vadd.f32 v56, v23;
	v23 =	vadd.f32 v26, v29  }
0x117: {  	v28 =	vld [tilespmem:s10+$0x40];
	v8 =	vmul.f32 v8, v59;
	v17 =	vadd.f32 v27, v53;
	v14 =	vmul.f32 v14, v58  }
0x118: {  	v18 =	vadd.f32 v20, v18;
	[tilespmem:s8+$0xD0] =	vst v24;
	v24 =	vunpack.i.l.bf16.f32 v19;
	(xrf2) =	vadd.scan.msk.f32 $0xffff, v23;
	v23 =	vld [tilespmem:s10+$0xF0]  }
0x119: {  	[tilespmem:s8+$0xE0] =	vst v10;
	v10 =	vunpack.i.u.bf16.f32 v19;
	v8 =	vadd.f32 v14, v8;
	v14 =	vmul.f32 v24, v22  }
0x11a: {  	v24 =	vunpack.i.l.bf16.f32 v16;
	v16 =	vunpack.i.u.bf16.f32 v16;
	v27 =	vmul.f32 v36, v61  }
0x11b: {  	v9 =	vadd.f32 v9, v17;
	v16 =	vmul.f32 v21, v16;
	[tilespmem:s23+$0xFFFFFEE0] =	vst v14;
	v14 =	vmul.f32 v24, v21;
	v24 =	vld [tilespmem:s24+$0xF0]  }
0x11c: {  	v10 =	vmul.f32 v22, v10;
	v17 =	vunpack.i.l.bf16.f32 v28;
	v19 =	vadd.f32 v25, v27  }
0x11d: {  	v17 =	vmul.f32 v17, v15;
	[tilespmem:s23+$0xFFFFFF80] =	vst v16;
	v16 =	vunpack.i.u.bf16.f32 v23  }
0x11e: {  	(xrf2) =	vadd.scan.msk.f32 $0xffff, v18;
	[tilespmem:s23+$0xFFFFFEF0] =	vst v10;
	v10 =	vunpack.i.u.bf16.f32 v28;
	v8 =	vadd.f32 v19, v8  }
0x11f: {  	(xrf2) =	vadd.scan.msk.f32 $0xffff, v9;
	v10 =	vmul.f32 v15, v10;
	[tilespmem:s23+$0x0] =	vst v17;
	v9, _, _ =	vpop (xrf2)  }
0x120: {  	[tilespmem:s23+$0xFFFFFF70] =	vst v14;
	v14 =	vld [tilespmem:s10+$0xFFFFFF50];
	v7 =	vmul.f32 v16, v2;
	v16, _, _ =	vpop (xrf2);
	(xrf2) =	vadd.scan.msk.f32 $0xffff, v8;
	v8 =	vunpack.i.u.bf16.f32 v24  }
0x121: {  	v9 =	vmul.f32 $1.442695020e+00, v9;
	[tilespmem:s23+$0x10] =	vst v10;
	v25 =	vld [tilespmem:s10+$0xFFFFFFD0];
	v62 =	vmul.f32 v8, v30  }
0x122: {  	s9 =	simm.s32 $0x5A0;
	v26 =	vld [tilespmem:s10+$0x50]  }
0x123: {  	s21 =	simm.s32 $0x2B20;
	v27 =	vld [tilespmem:s9+$0x80];
	v9 =	vbroadcast v9, $0xF;
	v16 =	vmul.f32 $1.442695020e+00, v16;
	[tilespmem:$0x1FF70] =	vst v62  }
0x124: {  	v8 =	vld [tilespmem:s21+$0x40]  }
0x125: {  	v10 =	vunpack.i.l.bf16.f32 v23;
	(erf) = vpow2.f32 v9;
	v9 =	vbroadcast v16, $0xF;
	v28 =	vld [tilespmem:s9+$0x90]  }
0x126: {  	v19 =	vmul.f32 v10, v2;
	v10 =	vunpack.i.l.bf16.f32 v14;
	v14 =	vunpack.i.u.bf16.f32 v14;
	v29 =	vld [tilespmem:s21+$0x50]  }
0x127: {  	v20 =	vmul.f32 v10, v22;
	v23 =	vunpack.i.l.bf16.f32 v25;
	v16, _, _ =	vpop (xrf2);
	(erf) = vpow2.f32 v9;
	v9 =	vld [tilespmem:s9+$0xA0]  }
0x128: {  	v10 =	vmul.f32 $1.442695020e+00, v16;
	v16 =	vmul.f32 v14, v22;
	v14 =	vunpack.i.u.bf16.f32 v25;
	v25 =	vld [tilespmem:s21+$0x60]  }
0x129: {  	v22, _, _ =	vpop (xrf2)  }
0x12a: {  	v31 =	vmul.f32 $1.442695020e+00, v22  }
0x12b: {  	v23 =	vmul.f32 v23, v21;
	v10 =	vbroadcast v10, $0xF  }
0x12c: {  	v21 =	vmul.f32 v14, v21;
	v31 =	vbroadcast v31, $0xF;
	v8 =	vadd.bf16 v8, v27  }
0x12d: {  	v63 =	vld [tilespmem:s9+$0xB0];
	v14, _, _ =	vpop (xrf2);
	(erf) = vpow2.f32 v10;
	v27 =	vadd.bf16 v29, v28;
	v9 =	vadd.bf16 v25, v9  }
0x12e: {  	v10 =	vmul.f32 $1.442695020e+00, v14;
	v14 =	vld [tilespmem:s21+$0x70];
	v29 =	vunpack.i.u.bf16.f32 v8;
	v8 =	vunpack.i.l.bf16.f32 v8  }
0x12f: {  	v54 =	vld [tilespmem:$0x1FFC0];
	v0 =	vunpack.i.u.bf16.f32 v27;
	v27 =	vunpack.i.l.bf16.f32 v27;
	v2 =	vunpack.i.u.bf16.f32 v9  }
0x130: {  	v33 =	vld [tilespmem:s9+$0xFFFFFF20];
	v9 =	vunpack.i.l.bf16.f32 v9;
	v3 =	vmul.f32 $6.000000240e-01, v8;
	v58 =	vmul.f32 $6.000000240e-01, v29  }
0x131: {  	v34 =	vld [tilespmem:s21+$0xFFFFFFE0];
	v60 =	vmul.f32 $6.000000240e-01, v27;
	v61 =	vmul.f32 $6.000000240e-01, v0;
	v8 =	vand.u32 $0x7FFFFFFF, v8  }
0x132: {  	v36 =	vld [tilespmem:s9+$0xFFFFFFB0];
	v29 =	vand.u32 $0x7FFFFFFF, v29;
	v27 =	vand.u32 $0x7FFFFFFF, v27;
	v32 =	vand.u32 $0x7FFFFFFF, v0  }
0x133: {  	v40 =	vld [tilespmem:s21+$0xFFFFFFF0];
	v62 =	vmul.f32 $6.000000240e-01, v9;
	v14 =	vadd.bf16 v14, v63;
	v27 =	vmul.f32 $4.000000060e-01, v27  }
0x134: {  	v43 =	vld [tilespmem:s9+$0x20];
	v9 =	vand.u32 $0x7FFFFFFF, v9;
	v35 =	vand.u32 $0x7FFFFFFF, v2;
	v32 =	vmul.f32 $4.000000060e-01, v32  }
0x135: {  	v29 =	vmul.f32 $4.000000060e-01, v29;
	v59 =	vunpack.i.u.bf16.f32 v14;
	v27 =	vadd.f32 v27, v60;
	v60 =	vld [tilespmem:$0x1FF90]  }
0x136: {  	v9 =	vmul.f32 $4.000000060e-01, v9;
	v32 =	vadd.f32 v32, v61;
	v61 =	vld [tilespmem:$0x1FFA0];
	v39 =	vand.u32 $0x7FFFFFFF, v59  }
0x137: {  	v29 =	vadd.f32 v29, v58;
	v57 =	vmul.f32 $6.000000240e-01, v59;
	v59 =	vld [tilespmem:$0x1FF80];
	v58 =	vmul.f32 $4.000000060e-01, v39  }
0x138: {  	v63 =	vmul.f32 $6.000000240e-01, v2;
	v8 =	vmul.f32 $4.000000060e-01, v8;
	v9 =	vadd.f32 v9, v62;
	v62 =	vld [tilespmem:$0x1FFB0]  }
0x139: {  	v35 =	vmul.f32 $4.000000060e-01, v35;
	v14 =	vunpack.i.l.bf16.f32 v14;
	v38 =	vadd.f32 v58, v57;
	v57 =	vld [tilespmem:$0x1FFD0]  }
0x13a: {  	v8 =	vadd.f32 v8, v3;
	v56 =	vmul.f32 $6.000000240e-01, v14;
	v14 =	vand.u32 $0x7FFFFFFF, v14;
	v58 =	vld [tilespmem:$0x1FFE0]  }
0x13b: {  	v44 =	vld [tilespmem:s21+$0x20];
	(erf) = vpow2.f32 v31;
	v14 =	vmul.f32 $4.000000060e-01, v14  }
0x13c: {  	v51 =	vld [tilespmem:s21+$0xFFFFFF80];
	v35 =	vadd.f32 v35, v63;
	v29 =	vmul.f32 v29, v60;
	v8 =	vmul.f32 v8, v59  }
0x13d: {  	v52 =	vld [tilespmem:s9+$0xFFFFFF10];
	v9 =	vmul.f32 v9, v54;
	v14 =	vadd.f32 v14, v56;
	v27 =	vmul.f32 v27, v61  }
0x13e: {  	v53 =	vld [tilespmem:s21+$0xFFFFFF90];
	v32 =	vmul.f32 v32, v62;
	v8 =	vadd.f32 v8, v29;
	v29 =	vmul.f32 v35, v1  }
0x13f: {  	v22 =	vunpack.i.l.bf16.f32 v26;
	v31 =	vld [tilespmem:s21+$0xFFFFFFA0];
	v14 =	vmul.f32 v14, v57;
	v59 =	vmul.f32 v38, v58  }
0x140: {  	v26 =	vunpack.i.u.bf16.f32 v26;
	v28 =	vld [tilespmem:s21+$0xFFFFFFB0];
	v10 =	vbroadcast v10, $0xF;
	v27 =	vadd.f32 v27, v32  }
0x141: {  	v25 =	vld [tilespmem:s9+$0xFFFFFFA0];
	v9 =	vadd.f32 v9, v29;
	v14 =	vadd.f32 v14, v59  }
0x142: {  	(erf) = vpow2.f32 v10;
	v10 =	vld [tilespmem:s9+$0xFFFFFF30];
	v8 =	vadd.f32 v27, v8  }
0x143: {  	v41 =	vld [tilespmem:s9+$0xFFFFFF90];
	v17 =	vmul.f32 v26, v15;
	v26, _, _ =	vpop (xrf2);
	v9 =	vadd.f32 v14, v9  }
0x144: {  	v26 =	vmul.f32 $1.442695020e+00, v26;
	v63 =	vld [tilespmem:s21+$0xFFFFFFD0];
	(xrf2) =	vadd.scan.msk.f32 $0xffff, v8  }
0x145: {  	v27 =	vld [tilespmem:s9+$0xFFFFFF00];
	(xrf2) =	vadd.scan.msk.f32 $0xffff, v9  }
0x146: {  	v37 =	vld [tilespmem:s9+$0xFFFFFF80];
	v26 =	vbroadcast v26, $0xF;
	v31 =	vadd.bf16 v31, v33  }
0x147: {  	v22 =	vmul.f32 v22, v15;
	v25 =	vadd.bf16 v34, v25;
	v39 =	vld [tilespmem:s21+$0xFFFFFFC0];
	v10 =	vadd.bf16 v28, v10  }
0x148: {  	(erf) = vpow2.f32 v26;
	v28 =	vunpack.i.u.bf16.f32 v31;
	v31 =	vunpack.i.l.bf16.f32 v31  }
0x149: {  	v55 =	vld [tilespmem:s9+$0x0];
	v34 =	vunpack.i.u.bf16.f32 v10;
	v60 =	vadd.bf16 v40, v36;
	v61 =	vadd.bf16 v44, v43  }
0x14a: {  	v56 =	vld [tilespmem:s21+$0x0];
	v63 =	vadd.bf16 v63, v41;
	v40 =	vand.u32 $0x7FFFFFFF, v31;
	v9 =	vadd.bf16 v51, v27  }
0x14b: {  	v47 =	vld [tilespmem:s9+$0x30];
	v41 =	vand.u32 $0x7FFFFFFF, v28;
	v28 =	vmul.f32 $6.000000240e-01, v28;
	v8 =	vadd.bf16 v53, v52  }
0x14c: {  	v50 =	vld [tilespmem:s21+$0x30];
	v62 =	vadd.bf16 v39, v37;
	v32 =	vunpack.i.u.bf16.f32 v60;
	v33 =	vunpack.i.l.bf16.f32 v60  }
0x14d: {  	v26 =	vld [tilespmem:s9+$0x10];
	v35 =	vunpack.i.l.bf16.f32 v61;
	v3 =	vand.u32 $0x7FFFFFFF, v33;
	v33 =	vmul.f32 $6.000000240e-01, v33  }
0x14e: {  	v38 =	vunpack.i.u.bf16.f32 v25;
	v29 =	vld [tilespmem:s21+$0x10];
	v51 =	vunpack.i.u.bf16.f32 v9;
	v52 =	vunpack.i.l.bf16.f32 v9;
	v9, _, _ =	vpop (xrf2)  }
0x14f: {  	v54 =	vunpack.i.u.bf16.f32 v8;
	v27 =	vadd.bf16 v56, v55;
	v55 =	vunpack.i.l.bf16.f32 v8;
	v8, _, _ =	vpop (xrf2)  }
0x150: {  	v25 =	vunpack.i.l.bf16.f32 v25;
	v48 =	vand.u32 $0x7FFFFFFF, v35;
	v8 =	vmul.f32 $1.442695020e+00, v8  }
0x151: {  	v46 =	vmul.f32 $4.000000060e-01, v3;
	v2 =	vand.u32 $0x7FFFFFFF, v38;
	v9 =	vmul.f32 $1.442695020e+00, v9  }
0x152: {  	v14 =	vunpack.i.l.bf16.f32 v10;
	v10 =	vadd.bf16 v50, v47;
	v8 =	vbroadcast v8, $0xF  }
0x153: {  	v45 =	vmul.f32 $4.000000060e-01, v2;
	v26 =	vadd.bf16 v29, v26;
	v9 =	vbroadcast v9, $0xF  }
0x154: {  	v39 =	vunpack.i.u.bf16.f32 v10;
	v42 =	vunpack.i.l.bf16.f32 v10;
	(erf) = vpow2.f32 v8  }
0x155: {  	v10 =	vand.u32 $0x7FFFFFFF, v14;
	v58 =	vunpack.i.u.bf16.f32 v27;
	(erf) = vpow2.f32 v9  }
0x156: {  	v59 =	vunpack.i.l.bf16.f32 v27;
	v60 =	vunpack.i.u.bf16.f32 v26;
	v27 =	vmul.f32 $4.000000060e-01, v40  }
0x157: {  	v3 =	vpop (erf);
	v40 =	vunpack.i.l.bf16.f32 v26;
	v26 =	vmul.f32 $4.000000060e-01, v41;
	v8 =	vmul.f32 $6.000000240e-01, v31  }
0x158: {  	v47 =	vand.u32 $0x7FFFFFFF, v32;
	v2 =	vpop (erf);
	v29 =	vunpack.i.u.bf16.f32 v61;
	v14 =	vmul.f32 $6.000000240e-01, v14  }
0x159: {  	v61 =	vmul.f32 $4.000000060e-01, v10;
	v10 =	vpop (erf);
	v13 =	vadd.f32 v27, v8;
	v27 =	vmul.f32 $6.000000240e-01, v25  }
0x15a: {  	v35 =	vmul.f32 $6.000000240e-01, v35;
	v0 =	vand.u32 $0x7FFFFFFF, v25;
	v47 =	vmul.f32 $4.000000060e-01, v47;
	v25 =	vpop (erf)  }
0x15b: {  	v48 =	vmul.f32 $4.000000060e-01, v48;
	v44 =	vmul.f32 $4.000000060e-01, v0;
	v15 =	vadd.f32 v26, v28;
	v26 =	vpop (erf)  }
0x15c: {  	v33 =	vadd.f32 v46, v33;
	v32 =	vmul.f32 $6.000000240e-01, v32;
	v61 =	vadd.f32 v61, v14;
	v14 =	vpop (erf)  }
0x15d: {  	v43 =	vand.u32 $0x7FFFFFFF, v34;
	v35 =	vadd.f32 v48, v35;
	v44 =	vadd.f32 v44, v27;
	v27 =	vpop (erf)  }
0x15e: {  	v50 =	vand.u32 $0x7FFFFFFF, v42;
	v32 =	vadd.f32 v47, v32;
	v0 =	vsel vm0, $0x0, v27;
	v47 =	vpop (erf)  }
0x15f: {  	s13 =	simm.s32 $0x4240;
	v42 =	vmul.f32 $6.000000240e-01, v42;
	v48 =	vmul.f32 $4.000000060e-01, v50;
	v46 =	vsel vm1, v47, v0  }
0x160: {  	v34 =	vmul.f32 $6.000000240e-01, v34;
	v43 =	vmul.f32 $4.000000060e-01, v43;
	[tilespmem:s13+$0x110] =	vst v46  }
0x161: {  	v42 =	vadd.f32 v48, v42;
	v48 =	vld [tilespmem:s9+$0xC0]  }
0x162: {  	v37 =	vunpack.i.l.bf16.f32 v63;
	v34 =	vadd.f32 v43, v34  }
0x163: {  	v36 =	vunpack.i.l.bf16.f32 v62;
	v56 =	vunpack.i.u.bf16.f32 v62;
	v62 =	vand.u32 $0x7FFFFFFF, v51  }
0x164: {  	v57 =	vunpack.i.u.bf16.f32 v63;
	v51 =	vmul.f32 $6.000000240e-01, v51;
	v62 =	vmul.f32 $4.000000060e-01, v62  }
0x165: {  	v49 =	vand.u32 $0x7FFFFFFF, v29;
	v63 =	vand.u32 $0x7FFFFFFF, v55;
	v55 =	vmul.f32 $6.000000240e-01, v55  }
0x166: {  	v41 =	vand.u32 $0x7FFFFFFF, v52;
	v51 =	vadd.f32 v62, v51;
	v62 =	vunpack.i.l.bf16.f32 v48  }
0x167: {  	v0 =	vmul.f32 $6.000000240e-01, v52;
	v48 =	vunpack.i.u.bf16.f32 v48;
	v52 =	vmul.f32 v62, v47  }
0x168: {  	v53 =	vand.u32 $0x7FFFFFFF, v39;
	v43 =	vmul.f32 $4.000000060e-01, v49;
	v48 =	vmul.f32 v47, v48  }
0x169: {  	v49 =	vmul.f32 $4.000000060e-01, v53;
	v53 =	vmul.f32 $4.000000060e-01, v63;
	[tilespmem:s13+$0x90] =	vst v52  }
0x16a: {  	v29 =	vmul.f32 $6.000000240e-01, v29;
	[tilespmem:s13+$0xA0] =	vst v48  }
0x16b: {  	v39 =	vmul.f32 $6.000000240e-01, v39;
	v63 =	vand.u32 $0x7FFFFFFF, v40;
	v53 =	vadd.f32 v53, v55;
	v55 =	vld [tilespmem:s9+$0xD0]  }
0x16c: {  	v28 =	vand.u32 $0x7FFFFFFF, v37;
	v29 =	vadd.f32 v43, v29;
	v41 =	vmul.f32 $4.000000060e-01, v41  }
0x16d: {  	v43 =	vand.u32 $0x7FFFFFFF, v58;
	v37 =	vmul.f32 $6.000000240e-01, v37;
	v28 =	vmul.f32 $4.000000060e-01, v28  }
0x16e: {  	v39 =	vadd.f32 v49, v39;
	v50 =	vmul.f32 $4.000000060e-01, v63;
	v58 =	vmul.f32 $6.000000240e-01, v58  }
0x16f: {  	v28 =	vadd.f32 v28, v37;
	v41 =	vadd.f32 v41, v0;
	v0 =	vand.u32 $0x7FFFFFFF, v60  }
0x170: {  	v31 =	vand.u32 $0x7FFFFFFF, v56;
	v49 =	vmul.f32 $4.000000060e-01, v0;
	v0 =	vunpack.i.l.bf16.f32 v55  }
0x171: {  	v56 =	vmul.f32 $6.000000240e-01, v56;
	v63 =	vld [tilespmem:$0x1FFC0];
	v55 =	vunpack.i.u.bf16.f32 v55;
	v37 =	vmul.f32 v0, v47  }
0x172: {  	v31 =	vmul.f32 $4.000000060e-01, v31;
	v62 =	vld [tilespmem:$0x1FFD0];
	v47 =	vmul.f32 v55, v47  }
0x173: {  	v43 =	vmul.f32 $4.000000060e-01, v43;
	v46 =	vand.u32 $0x7FFFFFFF, v59;
	v55 =	vld [tilespmem:$0x1FFE0];
	[tilespmem:s13+$0xB0] =	vst v37  }
0x174: {  	v31 =	vadd.f32 v31, v56;
	v59 =	vmul.f32 $6.000000240e-01, v59;
	v46 =	vmul.f32 $4.000000060e-01, v46;
	v56 =	vld [tilespmem:$0x1FFC0];
	[tilespmem:s13+$0xC0] =	vst v47  }
0x175: {  	v43 =	vadd.f32 v43, v58;
	v60 =	vmul.f32 $6.000000240e-01, v60;
	v58 =	vld [tilespmem:$0x1FFD0]  }
0x176: {  	v46 =	vadd.f32 v46, v59;
	v59 =	vld [tilespmem:$0x1FFE0];
	[tilespmem:s23+$0xFFFFFF00] =	vst v20  }
0x177: {  	v49 =	vadd.f32 v49, v60;
	v60 =	vld [tilespmem:$0x1FFC0];
	[tilespmem:s23+$0xFFFFFF10] =	vst v16  }
0x178: {  	v13 =	vmul.f32 v13, v63;
	v63 =	vmul.f32 v61, v62;
	v62 =	vld [tilespmem:$0x1FFD0]  }
0x179: {  	v38 =	vmul.f32 $6.000000240e-01, v38;
	_ =	sdelay $0x1  }
0x17a: {  	v38 =	vadd.f32 v45, v38;
	v45 =	vand.u32 $0x7FFFFFFF, v57;
	v34 =	vmul.f32 v34, v55  }
0x17b: {  	v57 =	vmul.f32 $6.000000240e-01, v57;
	v45 =	vmul.f32 $4.000000060e-01, v45  }
0x17c: {  	v40 =	vmul.f32 $6.000000240e-01, v40;
	v20 =	vadd.f32 v63, v34;
	v63 =	vmul.f32 v42, v62;
	v42 =	vld [tilespmem:$0x1FFE0];
	[tilespmem:s23+$0xFFFFFF90] =	vst v23  }
0x17d: {  	v12 =	vand.u32 $0x7FFFFFFF, v36;
	v38 =	vmul.f32 v38, v1;
	v15 =	vmul.f32 v15, v1;
	v47 =	vld [tilespmem:$0x1FF80]  }
0x17e: {  	v45 =	vadd.f32 v45, v57;
	v40 =	vadd.f32 v50, v40;
	v57 =	vmul.f32 v44, v56;
	v50 =	vld [tilespmem:$0x1FF90];
	[tilespmem:s23+$0xFFFFFFA0] =	vst v21  }
0x17f: {  	v29 =	vmul.f32 v29, v1;
	v52 =	vsel vm0, $0x0, v3;
	v13 =	vadd.f32 v13, v15;
	v56 =	vld [tilespmem:$0x1FFA0]  }
0x180: {  	v15 =	vmul.f32 v33, v58;
	v16 =	vadd.f32 v57, v38;
	v57 =	vsel vm1, v25, v52;
	v58 =	vld [tilespmem:$0x1FFB0]  }
0x181: {  	v11 =	vand.u32 $0x7FFFFFFF, v54;
	v32 =	vmul.f32 v32, v59;
	v61 =	vmul.f32 v35, v60;
	v59 =	vld [tilespmem:$0x1FF80];
	[tilespmem:s8+$0xFFFFFF60] =	vst v57  }
0x182: {  	v54 =	vmul.f32 $6.000000240e-01, v54;
	v48 =	vsel vm0, $0x0, v2;
	v33 =	vld [tilespmem:s9+$0xE0];
	[tilespmem:s23+$0x20] =	vst v22;
	v44 =	vmul.f32 v39, v42  }
0x183: {  	v11 =	vmul.f32 $4.000000060e-01, v11;
	v21 =	vadd.f32 v61, v29;
	v61 =	vsel vm1, v26, v48;
	v60 =	vld [tilespmem:$0x1FF90]  }
0x184: {  	v36 =	vmul.f32 $6.000000240e-01, v36;
	v12 =	vmul.f32 $4.000000060e-01, v12;
	v35 =	vadd.f32 v63, v44;
	v63 =	vld [tilespmem:$0x1FFA0];
	[tilespmem:s8+$0xFFFFFFF0] =	vst v61  }
0x185: {  	v11 =	vadd.f32 v11, v54;
	v54 =	vsel vm0, $0x0, v10;
	v62 =	vld [tilespmem:s24+$0xFFFFFF40];
	[tilespmem:s23+$0x30] =	vst v17  }
0x186: {  	v12 =	vadd.f32 v12, v36;
	v38 =	vsel vm1, v14, v54;
	v15 =	vadd.f32 v15, v32;
	v37 =	vld [tilespmem:$0x1FFB0]  }
0x187: {  	v13 =	vadd.f32 v20, v13;
	v23 =	vmul.f32 v41, v47;
	v55 =	vmul.f32 v51, v50;
	v34 =	vld [tilespmem:s24+$0xFFFFFFC0];
	[tilespmem:s8+$0x80] =	vst v38  }
0x188: {  	v15 =	vadd.f32 v15, v16;
	v29 =	vmul.f32 v53, v56;
	v11 =	vmul.f32 v11, v58;
	v39 =	vld [tilespmem:$0x1FF80]  }
0x189: {  	v12 =	vmul.f32 v12, v59;
	v22 =	vmul.f32 v31, v60;
	v31 =	vunpack.i.l.bf16.f32 v33;
	v41 =	vld [tilespmem:$0x1FF90]  }
0x18a: {  	v16 =	vld [tilespmem:s10+$0xFFFFFF60];
	v33 =	vunpack.i.u.bf16.f32 v33;
	v17 =	vadd.f32 v23, v55;
	v31 =	vmul.f32 v31, v27  }
0x18b: {  	(xrf2) =	vadd.scan.msk.f32 $0xffff, v13;
	v13 =	vunpack.i.l.bf16.f32 v62;
	v33 =	vmul.f32 v33, v27;
	v11 =	vadd.f32 v29, v11  }
0x18c: {  	v13 =	vmul.f32 v13, v25;
	v21 =	vadd.f32 v35, v21;
	v12 =	vadd.f32 v12, v22;
	v22 =	vld [tilespmem:s24+$0x40];
	[tilespmem:s13+$0xD0] =	vst v31  }
0x18d: {  	(xrf2) =	vadd.scan.msk.f32 $0xffff, v15;
	v11 =	vadd.f32 v11, v17;
	v28 =	vmul.f32 v28, v63;
	v42 =	vld [tilespmem:$0x1FFA0];
	v23 =	vmul.f32 v45, v37  }
0x18e: {  	v15 =	vunpack.i.l.bf16.f32 v34;
	v20 =	vmul.f32 v46, v39;
	v29 =	vmul.f32 v43, v41;
	v43 =	vld [tilespmem:$0x1FFB0];
	[tilespmem:s13+$0xE0] =	vst v33  }
0x18f: {  	v17 =	vunpack.i.l.bf16.f32 v16;
	v45 =	vunpack.i.u.bf16.f32 v62;
	[tilespmem:s8+$0xFFFFFEE0] =	vst v13;
	v13 =	vmul.f32 v15, v26  }
0x190: {  	v23 =	vadd.f32 v28, v23;
	v28 =	vmul.f32 v25, v45;
	v15 =	vadd.f32 v20, v29;
	v20 =	vld [tilespmem:s9+$0xF0]  }
0x191: {  	(xrf2) =	vadd.scan.msk.f32 $0xffff, v21;
	v16 =	vunpack.i.u.bf16.f32 v16;
	v17 =	vmul.f32 v17, v6;
	[tilespmem:s8+$0xFFFFFF70] =	vst v13;
	v13 =	vld [tilespmem:s10+$0x60]  }
0x192: {  	v16 =	vmul.f32 v16, v6;
	v46 =	vunpack.i.u.bf16.f32 v34;
	v29 =	vunpack.i.l.bf16.f32 v22;
	[tilespmem:s8+$0xFFFFFEF0] =	vst v28;
	v28 =	vld [tilespmem:s10+$0xFFFFFFE0]  }
0x193: {  	v33 =	vmul.f32 v26, v46;
	v21 =	vunpack.i.u.bf16.f32 v22;
	v22 =	vmul.f32 v29, v14  }
0x194: {  	s14 =	simm.s32 $0x7A0;
	v24 =	vunpack.i.l.bf16.f32 v24;
	(xrf2) =	vadd.scan.msk.f32 $0xffff, v11;
	v31 =	vmul.f32 v40, v42;
	v44 =	vmul.f32 v49, v43  }
0x195: {  	s21 =	simm.s32 $0x2C20;
	v50 =	vld [tilespmem:s14+$0x90];
	v29 =	vmul.f32 v14, v21;
	v21 =	vmul.f32 v24, v30;
	[tilespmem:s8+$0x0] =	vst v22;
	v22 =	vunpack.i.u.bf16.f32 v20  }
0x196: {  	v51 =	vld [tilespmem:s21+$0x50];
	[tilespmem:s23+$0xFFFFFF30] =	vst v16;
	v12 =	vadd.f32 v23, v12;
	v31 =	vadd.f32 v31, v44;
	v16 =	vunpack.i.l.bf16.f32 v13  }
0x197: {  	[tilespmem:s23+$0xFFFFFF20] =	vst v17;
	v11 =	vld [tilespmem:s24+$0xFFFFFF50];
	v17 =	vunpack.i.u.bf16.f32 v28;
	v24 =	vunpack.i.l.bf16.f32 v28;
	v23 =	vmul.f32 v22, v27  }
0x198: {  	[tilespmem:s8+$0xFFFFFF80] =	vst v33;
	v13 =	vunpack.i.u.bf16.f32 v13;
	v47 =	vmul.f32 v24, v5;
	v17 =	vmul.f32 v17, v5;
	v22, _, _ =	vpop (xrf2)  }
0x199: {  	[tilespmem:s8+$0x10] =	vst v29;
	v29 =	vld [tilespmem:s24+$0xFFFFFFD0];
	v20 =	vunpack.i.l.bf16.f32 v20;
	v24 =	vmul.f32 v16, v4;
	v22 =	vmul.f32 $1.442695020e+00, v22;
	v16, _, _ =	vpop (xrf2)  }
0x19a: {  	v20 =	vmul.f32 v20, v27;
	v15 =	vadd.f32 v31, v15;
	v16 =	vmul.f32 $1.442695020e+00, v16  }
0x19b: {  	v52 =	vld [tilespmem:s14+$0xA0];
	[tilespmem:s23+$0xFFFFFFC0] =	vst v17;
	v17 =	vadd.bf16 v51, v50;
	v27, _, _ =	vpop (xrf2);
	v30 =	vbroadcast v22, $0xF;
	v22 =	vmul.f32 v13, v4  }
0x19c: {  	v54 =	vld [tilespmem:s14+$0xB0];
	(xrf2) =	vadd.scan.msk.f32 $0xffff, v12;
	v13 =	vunpack.i.u.bf16.f32 v11;
	v11 =	vunpack.i.l.bf16.f32 v11;
	v27 =	vmul.f32 $1.442695020e+00, v27  }
0x19d: {  	v12 =	vld [tilespmem:s10+$0xFFFFFF70];
	v35 =	vunpack.i.u.bf16.f32 v17;
	v17 =	vunpack.i.l.bf16.f32 v17;
	v16 =	vbroadcast v16, $0xF  }
0x19e: {  	v28 =	vld [tilespmem:s24+$0x50];
	v31 =	vmul.f32 v11, v25;
	v11 =	vunpack.i.u.bf16.f32 v29;
	v60 =	vmul.f32 $6.000000240e-01, v17  }
0x19f: {  	v48 =	vld [tilespmem:s14+$0x80];
	v29 =	vunpack.i.l.bf16.f32 v29;
	v61 =	vmul.f32 $6.000000240e-01, v35;
	(erf) = vpow2.f32 v30  }
0x1a0: {  	v17 =	vand.u32 $0x7FFFFFFF, v17;
	v30 =	vmul.f32 v13, v25;
	v13 =	vld [tilespmem:s21+$0x60];
	v27 =	vbroadcast v27, $0xF  }
0x1a1: {  	v53, _, _ =	vpop (xrf2);
	v35 =	vand.u32 $0x7FFFFFFF, v35;
	v25 =	vmul.f32 v29, v26;
	v26 =	vmul.f32 v11, v26;
	v11 =	vld [tilespmem:s21+$0x70]  }
0x1a2: {  	v49 =	vld [tilespmem:s21+$0x40];
	v29 =	vmul.f32 $1.442695020e+00, v53;
	v38 =	vunpack.i.u.bf16.f32 v12;
	v17 =	vmul.f32 $4.000000060e-01, v17  }
0x1a3: {  	(erf) = vpow2.f32 v16;
	v16 =	vunpack.i.u.bf16.f32 v28;
	v28 =	vunpack.i.l.bf16.f32 v28  }
0x1a4: {  	v32 =	vld [tilespmem:s14+$0xFFFFFF20];
	v12 =	vunpack.i.l.bf16.f32 v12;
	v35 =	vmul.f32 $4.000000060e-01, v35;
	(erf) = vpow2.f32 v27  }
0x1a5: {  	v37 =	vld [tilespmem:s14+$0xFFFFFF30];
	v27 =	vmul.f32 v28, v14;
	v55 =	vbroadcast v29, $0xF;
	v17 =	vadd.f32 v17, v60  }
0x1a6: {  	v34 =	vld [tilespmem:s21+$0xFFFFFFA0];
	v29 =	vmul.f32 v16, v14;
	v28, _, _ =	vpop (xrf2);
	v13 =	vadd.bf16 v13, v52;
	v11 =	vadd.bf16 v11, v54  }
0x1a7: {  	v41 =	vld [tilespmem:s21+$0xFFFFFFB0];
	v14 =	vmul.f32 $1.442695020e+00, v28;
	v28 =	vmul.f32 v12, v6;
	v12 =	vadd.bf16 v49, v48  }
0x1a8: {  	v39 =	vld [tilespmem:s21+$0x30];
	v56 =	vunpack.i.u.bf16.f32 v13;
	v13 =	vunpack.i.l.bf16.f32 v13;
	v59 =	vunpack.i.u.bf16.f32 v11  }
0x1a9: {  	v45 =	vld [tilespmem:s14+$0xFFFFFFA0];
	[tilespmem:s23+$0xFFFFFFB0] =	vst v47;
	v33 =	vunpack.i.u.bf16.f32 v12;
	v12 =	vunpack.i.l.bf16.f32 v12;
	v62 =	vmul.f32 $6.000000240e-01, v13  }
0x1aa: {  	v60 =	vld [tilespmem:$0x1FF90];
	v63 =	vmul.f32 $6.000000240e-01, v56;
	v57 =	vmul.f32 $6.000000240e-01, v59;
	v13 =	vand.u32 $0x7FFFFFFF, v13  }
0x1ab: {  	v42 =	vand.u32 $0x7FFFFFFF, v59;
	v59 =	vld [tilespmem:$0x1FF80];
	v58 =	vmul.f32 $6.000000240e-01, v33;
	v33 =	vand.u32 $0x7FFFFFFF, v33  }
0x1ac: {  	v0 =	vmul.f32 $6.000000240e-01, v12;
	v12 =	vand.u32 $0x7FFFFFFF, v12;
	v33 =	vmul.f32 $4.000000060e-01, v33  }
0x1ad: {  	v35 =	vadd.f32 v35, v61;
	v61 =	vld [tilespmem:$0x1FFA0];
	v13 =	vmul.f32 $4.000000060e-01, v13;
	v12 =	vmul.f32 $4.000000060e-01, v12  }
0x1ae: {  	v36 =	vand.u32 $0x7FFFFFFF, v56;
	v56 =	vld [tilespmem:$0x1FFC0];
	v33 =	vadd.f32 v33, v58;
	v58 =	vmul.f32 $4.000000060e-01, v42  }
0x1af: {  	(erf) = vpow2.f32 v55;
	v13 =	vadd.f32 v13, v62;
	v62 =	vld [tilespmem:$0x1FFB0];
	v12 =	vadd.f32 v12, v0  }
0x1b0: {  	v11 =	vunpack.i.l.bf16.f32 v11;
	v36 =	vmul.f32 $4.000000060e-01, v36;
	v55 =	vadd.f32 v58, v57;
	v58 =	vld [tilespmem:$0x1FFD0]  }
0x1b1: {  	v50 =	vmul.f32 $6.000000240e-01, v11;
	v11 =	vand.u32 $0x7FFFFFFF, v11;
	v12 =	vmul.f32 v12, v59;
	v59 =	vld [tilespmem:$0x1FFE0]  }
0x1b2: {  	v46 =	vld [tilespmem:s21+$0xFFFFFFE0];
	v11 =	vmul.f32 $4.000000060e-01, v11;
	v36 =	vadd.f32 v36, v63  }
0x1b3: {  	v43 =	vld [tilespmem:s14+$0xFFFFFF10];
	v17 =	vmul.f32 v17, v61  }
0x1b4: {  	v44 =	vld [tilespmem:s21+$0xFFFFFF90];
	v11 =	vadd.f32 v11, v50;
	v13 =	vmul.f32 v13, v56;
	v36 =	vmul.f32 v36, v1  }
0x1b5: {  	(xrf2) =	vadd.scan.msk.f32 $0xffff, v15;
	v15 =	vld [tilespmem:s21+$0xFFFFFFF0];
	v33 =	vmul.f32 v33, v60;
	v63 =	vmul.f32 v35, v62  }
0x1b6: {  	v53 =	vld [tilespmem:s21+$0x20];
	v11 =	vmul.f32 v11, v58;
	v51 =	vmul.f32 v55, v59  }
0x1b7: {  	v16 =	vld [tilespmem:s10+$0xFFFFFFF0];
	v12 =	vadd.f32 v12, v33;
	v17 =	vadd.f32 v17, v63  }
0x1b8: {  	v52 =	vld [tilespmem:s14+$0x20];
	v13 =	vadd.f32 v13, v36;
	v11 =	vadd.f32 v11, v51  }
0x1b9: {  	v49 =	vld [tilespmem:s14+$0xFFFFFFB0];
	v12 =	vadd.f32 v17, v12  }
0x1ba: {  	v54 =	vld [tilespmem:s14+$0x30];
	v11 =	vadd.f32 v11, v13  }
0x1bb: {  	v48 =	vld [tilespmem:s14+$0xFFFFFF80];
	(xrf2) =	vadd.scan.msk.f32 $0xffff, v12  }
0x1bc: {  	v61 =	vld [tilespmem:s14+$0xFFFFFF90];
	v14 =	vbroadcast v14, $0xF;
	(xrf2) =	vadd.scan.msk.f32 $0xffff, v11  }
0x1bd: {  	v32 =	vadd.bf16 v34, v32;
	v40 =	vunpack.i.u.bf16.f32 v16;
	v16 =	vunpack.i.l.bf16.f32 v16;
	v42 =	vld [tilespmem:s21+$0xFFFFFF80]  }
0x1be: {  	(erf) = vpow2.f32 v14;
	v14 =	vadd.bf16 v41, v37;
	v15 =	vadd.bf16 v15, v49;
	v57 =	vld [tilespmem:s21+$0xFFFFFFC0]  }
0x1bf: {  	v34 =	vmul.f32 v40, v5;
	v41 =	vadd.bf16 v44, v43;
	v0 =	vadd.bf16 v46, v45;
	v60, _, _ =	vpop (xrf2);
	v12 =	vld [tilespmem:s14+$0x10]  }
0x1c0: {  	v47 =	vunpack.i.l.bf16.f32 v15;
	v35 =	vmul.f32 v38, v6;
	v38 =	vmul.f32 $1.442695020e+00, v60;
	v13 =	vld [tilespmem:s14+$0xFFFFFF00]  }
0x1c1: {  	v33 =	vmul.f32 v16, v5;
	v5 =	vadd.bf16 v53, v52;
	v53 =	vand.u32 $0x7FFFFFFF, v47;
	v11 =	vld [tilespmem:s21+$0x10]  }
0x1c2: {  	v43 =	vunpack.i.l.bf16.f32 v14;
	v62 =	vld [tilespmem:s21+$0xFFFFFFD0];
	v47 =	vmul.f32 $6.000000240e-01, v47;
	v53 =	vmul.f32 $4.000000060e-01, v53  }
0x1c3: {  	v45 =	vunpack.i.u.bf16.f32 v0;
	v36 =	vunpack.i.u.bf16.f32 v15;
	v40 =	vunpack.i.l.bf16.f32 v5  }
0x1c4: {  	v47 =	vadd.f32 v53, v47;
	v17 =	vbroadcast v38, $0xF;
	v38 =	vunpack.i.u.bf16.f32 v14  }
0x1c5: {  	v14 =	vadd.bf16 v39, v54;
	v39 =	vadd.bf16 v57, v48;
	v54 =	vand.u32 $0x7FFFFFFF, v36;
	v6, _, _ =	vpop (xrf2)  }
0x1c6: {  	v13 =	vadd.bf16 v42, v13;
	v37 =	vadd.bf16 v11, v12;
	v11 =	vunpack.i.u.bf16.f32 v5;
	v5, _, _ =	vpop (xrf2)  }
0x1c7: {  	v16 =	vld [tilespmem:s14+$0x0];
	v44 =	vadd.bf16 v62, v61;
	(erf) = vpow2.f32 v17;
	v56 =	vmul.f32 $1.442695020e+00, v5  }
0x1c8: {  	v63 =	vld [tilespmem:s21+$0x0];
	v59 =	vunpack.i.u.bf16.f32 v13;
	v60 =	vunpack.i.l.bf16.f32 v13;
	v13 =	vmul.f32 $1.442695020e+00, v6  }
0x1c9: {  	v17 =	vunpack.i.u.bf16.f32 v32;
	v32 =	vunpack.i.l.bf16.f32 v32;
	v56 =	vbroadcast v56, $0xF  }
0x1ca: {  	v48 =	vunpack.i.u.bf16.f32 v14;
	v49 =	vunpack.i.l.bf16.f32 v14;
	v13 =	vbroadcast v13, $0xF  }
0x1cb: {  	v14 =	vand.u32 $0x7FFFFFFF, v43;
	v12 =	vand.u32 $0x7FFFFFFF, v32;
	(erf) = vpow2.f32 v56  }
0x1cc: {  	v51 =	vand.u32 $0x7FFFFFFF, v45;
	v12 =	vmul.f32 $4.000000060e-01, v12;
	(erf) = vpow2.f32 v13  }
0x1cd: {  	v46 =	vadd.bf16 v63, v16;
	v15 =	vand.u32 $0x7FFFFFFF, v17;
	v32 =	vmul.f32 $6.000000240e-01, v32  }
0x1ce: {  	v16 =	vand.u32 $0x7FFFFFFF, v38;
	v15 =	vmul.f32 $4.000000060e-01, v15;
	v6 =	vmul.f32 $4.000000060e-01, v14;
	v14 =	vpop (erf)  }
0x1cf: {  	v61 =	vunpack.i.u.bf16.f32 v41;
	v54 =	vmul.f32 $4.000000060e-01, v54;
	v16 =	vmul.f32 $4.000000060e-01, v16;
	v13 =	vpop (erf)  }
0x1d0: {  	v45 =	vmul.f32 $6.000000240e-01, v45;
	v17 =	vmul.f32 $6.000000240e-01, v17;
	v18 =	vadd.f32 v12, v32;
	v12 =	vpop (erf)  }
0x1d1: {  	v41 =	vunpack.i.l.bf16.f32 v41;
	v51 =	vmul.f32 $4.000000060e-01, v51;
	v38 =	vmul.f32 $6.000000240e-01, v38;
	v32 =	vpop (erf)  }
0x1d2: {  	v43 =	vmul.f32 $6.000000240e-01, v43;
	v58 =	vand.u32 $0x7FFFFFFF, v49;
	v17 =	vadd.f32 v15, v17;
	v15 =	vpop (erf)  }
0x1d3: {  	v52 =	vand.u32 $0x7FFFFFFF, v48;
	v38 =	vadd.f32 v16, v38;
	v5 =	vmul.f32 $6.000000240e-01, v36;
	v16 =	vpop (erf)  }
0x1d4: {  	v63 =	vunpack.i.u.bf16.f32 v44;
	v49 =	vmul.f32 $6.000000240e-01, v49;
	v48 =	vmul.f32 $6.000000240e-01, v48;
	v36 =	vpop (erf)  }
0x1d5: {  	v43 =	vadd.f32 v6, v43;
	v53 =	vadd.f32 v54, v5;
	v6 =	vsel vm0, $0x0, v36;
	v54 =	vpop (erf)  }
0x1d6: {  	s4 =	simm.s32 $0x4480;
	v58 =	vmul.f32 $4.000000060e-01, v58;
	v45 =	vadd.f32 v51, v45;
	v51 =	vsel vm1, v54, v6  }
0x1d7: {  	v62 =	vld [tilespmem:$0x1FFA0];
	v52 =	vmul.f32 $4.000000060e-01, v52;
	v42 =	vunpack.i.l.bf16.f32 v0;
	v0 =	vand.u32 $0x7FFFFFFF, v40;
	[tilespmem:s4+$0x110] =	vst v51  }
0x1d8: {  	v40 =	vmul.f32 $6.000000240e-01, v40;
	v50 =	vand.u32 $0x7FFFFFFF, v42;
	v42 =	vmul.f32 $6.000000240e-01, v42;
	v51 =	vld [tilespmem:s14+$0xC0]  }
0x1d9: {  	v55 =	vmul.f32 $4.000000060e-01, v0;
	v50 =	vmul.f32 $4.000000060e-01, v50;
	v57 =	vand.u32 $0x7FFFFFFF, v11  }
0x1da: {  	v0 =	vand.u32 $0x7FFFFFFF, v60;
	v11 =	vmul.f32 $6.000000240e-01, v11;
	v60 =	vmul.f32 $6.000000240e-01, v60  }
0x1db: {  	v42 =	vadd.f32 v50, v42;
	v50 =	vmul.f32 $4.000000060e-01, v0;
	v0 =	vand.u32 $0x7FFFFFFF, v59  }
0x1dc: {  	v49 =	vadd.f32 v58, v49;
	v59 =	vmul.f32 $6.000000240e-01, v59;
	v58 =	vmul.f32 $4.000000060e-01, v0  }
0x1dd: {  	v40 =	vadd.f32 v55, v40;
	v50 =	vadd.f32 v50, v60;
	v60 =	vunpack.i.l.bf16.f32 v51  }
0x1de: {  	[tilespmem:s23+$0x100] =	vst v7;
	v58 =	vadd.f32 v58, v59;
	v51 =	vunpack.i.u.bf16.f32 v51;
	v59 =	vmul.f32 v60, v54  }
0x1df: {  	[tilespmem:s23+$0xF0] =	vst v19;
	v5 =	vand.u32 $0x7FFFFFFF, v41;
	v41 =	vmul.f32 $6.000000240e-01, v41;
	v51 =	vmul.f32 v54, v51  }
0x1e0: {  	v55 =	vmul.f32 $4.000000060e-01, v5;
	v56 =	vunpack.i.u.bf16.f32 v39;
	v6 =	vand.u32 $0x7FFFFFFF, v61;
	[tilespmem:s4+$0x90] =	vst v59  }
0x1e1: {  	v48 =	vadd.f32 v52, v48;
	v52 =	vmul.f32 $4.000000060e-01, v6;
	v6 =	vand.u32 $0x7FFFFFFF, v56;
	[tilespmem:s4+$0xA0] =	vst v51  }
0x1e2: {  	v57 =	vmul.f32 $4.000000060e-01, v57;
	v41 =	vadd.f32 v55, v41;
	v55 =	vmul.f32 $4.000000060e-01, v6;
	v6 =	vld [tilespmem:$0x1FF70]  }
0x1e3: {  	v44 =	vunpack.i.l.bf16.f32 v44;
	v0 =	vmul.f32 $6.000000240e-01, v61;
	v39 =	vunpack.i.l.bf16.f32 v39  }
0x1e4: {  	v11 =	vadd.f32 v57, v11;
	v57 =	vunpack.i.u.bf16.f32 v46;
	v5 =	vand.u32 $0x7FFFFFFF, v39  }
0x1e5: {  	v46 =	vunpack.i.l.bf16.f32 v46;
	v39 =	vmul.f32 $6.000000240e-01, v39;
	v61 =	vmul.f32 $4.000000060e-01, v5;
	v51 =	vld [tilespmem:s14+$0xD0]  }
0x1e6: {  	v17 =	vmul.f32 v17, v1;
	v7 =	vand.u32 $0x7FFFFFFF, v46;
	v56 =	vmul.f32 $6.000000240e-01, v56  }
0x1e7: {  	v46 =	vmul.f32 $6.000000240e-01, v46;
	v5 =	vand.u32 $0x7FFFFFFF, v63;
	v39 =	vadd.f32 v61, v39;
	[tilespmem:s8+$0x100] =	vst v6  }
0x1e8: {  	v55 =	vadd.f32 v55, v56;
	v56 =	vmul.f32 $4.000000060e-01, v5;
	v5 =	vmul.f32 $6.000000240e-01, v63;
	v63 =	vld [tilespmem:$0x1FFB0];
	[tilespmem:s8+$0xF0] =	vst v21  }
0x1e9: {  	v52 =	vadd.f32 v52, v0;
	v0 =	vand.u32 $0x7FFFFFFF, v44;
	v44 =	vmul.f32 $6.000000240e-01, v44;
	[tilespmem:s13+$0x100] =	vst v23  }
0x1ea: {  	v60 =	vmul.f32 $4.000000060e-01, v7;
	v59 =	vmul.f32 $4.000000060e-01, v0;
	v7 =	vunpack.i.l.bf16.f32 v51;
	v61 =	vld [tilespmem:$0x1FF90];
	[tilespmem:s8+$0xFFFFFF00] =	vst v31  }
0x1eb: {  	v0 =	vand.u32 $0x7FFFFFFF, v57;
	v23 =	vadd.f32 v56, v5;
	v56 =	vmul.f32 v7, v54;
	[tilespmem:s23+$0x40] =	vst v24  }
0x1ec: {  	v57 =	vmul.f32 $6.000000240e-01, v57;
	v51 =	vunpack.i.u.bf16.f32 v51;
	v24 =	vadd.f32 v60, v46;
	v60 =	vld [tilespmem:$0x1FF80]  }
0x1ed: {  	v19 =	vunpack.i.u.bf16.f32 v37;
	v6 =	vmul.f32 $4.000000060e-01, v0;
	v51 =	vmul.f32 v51, v54;
	v54 =	vld [tilespmem:$0x1FFD0];
	[tilespmem:s4+$0xB0] =	vst v56  }
0x1ee: {  	v0 =	vand.u32 $0x7FFFFFFF, v19;
	v19 =	vmul.f32 $6.000000240e-01, v19;
	v21 =	vunpack.i.l.bf16.f32 v37;
	v56 =	vld [tilespmem:$0x1FFE0]  }
0x1ef: {  	v44 =	vadd.f32 v59, v44;
	v5 =	vmul.f32 $4.000000060e-01, v0;
	v31 =	vand.u32 $0x7FFFFFFF, v21;
	v0 =	vld [tilespmem:$0x1FFC0];
	[tilespmem:s4+$0xC0] =	vst v51  }
0x1f0: {  	v21 =	vmul.f32 $6.000000240e-01, v21;
	v31 =	vmul.f32 $4.000000060e-01, v31;
	[tilespmem:s8+$0xFFFFFF10] =	vst v30  }
0x1f1: {  	v11 =	vmul.f32 v11, v1;
	v37 =	vadd.f32 v6, v57;
	v57 =	vmul.f32 v44, v62;
	v6 =	vld [tilespmem:$0x1FFC0]  }
0x1f2: {  	v19 =	vadd.f32 v5, v19;
	v21 =	vadd.f32 v31, v21;
	v23 =	vmul.f32 v23, v63  }
0x1f3: {  	[tilespmem:s23+$0x50] =	vst v22;
	v31 =	vmul.f32 v43, v54;
	v30 =	vmul.f32 v38, v56  }
0x1f4: {  	v46 =	vld [tilespmem:s14+$0xE0];
	[tilespmem:s8+$0xFFFFFF90] =	vst v25;
	v19 =	vmul.f32 v19, v63;
	v21 =	vmul.f32 v21, v62  }
0x1f5: {  	v22 =	vmul.f32 v47, v54;
	v25 =	vadd.f32 v31, v30;
	v30 =	vmul.f32 v53, v56;
	v53 =	vld [tilespmem:$0x1FFC0];
	[tilespmem:s8+$0xFFFFFFA0] =	vst v26  }
0x1f6: {  	v18 =	vmul.f32 v18, v0;
	v7 =	vmul.f32 v42, v6;
	[tilespmem:s8+$0x20] =	vst v27  }
0x1f7: {  	v59 =	vsel vm0, $0x0, v12;
	v26 =	vmul.f32 v49, v54;
	v27 =	vmul.f32 v48, v56;
	[tilespmem:s8+$0x30] =	vst v29  }
0x1f8: {  	v19 =	vadd.f32 v21, v19;
	v29 =	vmul.f32 v58, v61;
	[tilespmem:s23+$0xFFFFFF40] =	vst v28;
	v28 =	vmul.f32 v52, v63  }
0x1f9: {  	v52 =	vunpack.i.u.bf16.f32 v46;
	v22 =	vadd.f32 v22, v30;
	v30 =	vmul.f32 v50, v60  }
0x1fa: {  	v17 =	vadd.f32 v18, v17;
	v26 =	vadd.f32 v26, v27;
	v27 =	vmul.f32 v52, v36  }
0x1fb: {  	v18 =	vmul.f32 v45, v1;
	v29 =	vadd.f32 v30, v29;
	v30 =	vsel vm0, $0x0, v14  }
0x1fc: {  	v21 =	vsel vm1, v16, v59;
	v51 =	vunpack.i.l.bf16.f32 v46;
	[tilespmem:s4+$0xE0] =	vst v27;
	v27 =	vsel vm1, v32, v30  }
0x1fd: {  	v18 =	vadd.f32 v7, v18;
	v31 =	vmul.f32 v40, v53;
	v40 =	vmul.f32 v51, v36;
	[tilespmem:s13+$0xFFFFFF60] =	vst v27  }
0x1fe: {  	[tilespmem:s13+$0x80] =	vst v21;
	v50 =	vmul.f32 v41, v62;
	v17 =	vadd.f32 v25, v17;
	v30 =	vsel vm0, $0x0, v13;
	v25 =	vld [tilespmem:s9+$0xFFFFFF40]  }
0x1ff: {  	v18 =	vadd.f32 v22, v18;
	v22 =	vld [tilespmem:s9+$0x40];
	v30 =	vsel vm1, v15, v30;
	v11 =	vadd.f32 v31, v11;
	[tilespmem:s4+$0xD0] =	vst v40  }
0x200: {  	v55 =	vmul.f32 v55, v61;
	v28 =	vadd.f32 v50, v28;
	[tilespmem:s13+$0xFFFFFFF0] =	vst v30;
	v27 =	vld [tilespmem:s14+$0xF0]  }
0x201: {  	v24 =	vmul.f32 v24, v60;
	v23 =	vadd.f32 v57, v23;
	(xrf2) =	vadd.scan.msk.f32 $0xffff, v17;
	v17 =	vld [tilespmem:s9+$0xFFFFFFC0];
	v11 =	vadd.f32 v26, v11  }
0x202: {  	v58 =	vmul.f32 v37, v61;
	[tilespmem:s13+$0xF0] =	vst v20;
	v20 =	vadd.f32 v28, v29;
	(xrf2) =	vadd.scan.msk.f32 $0xffff, v18  }
0x203: {  	[tilespmem:s23+$0xFFFFFF50] =	vst v35;
	v31 =	vmul.f32 v39, v60;
	v30 =	vld [tilespmem:s24+$0xFFFFFF60];
	(xrf2) =	vadd.scan.msk.f32 $0xffff, v11;
	v28 =	vunpack.i.l.bf16.f32 v25  }
0x204: {  	v24 =	vadd.f32 v24, v58;
	v18 =	vld [tilespmem:s10+$0x70];
	(xrf2) =	vadd.scan.msk.f32 $0xffff, v20;
	v20 =	vunpack.i.l.bf16.f32 v22;
	v28 =	vmul.f32 v28, v32  }
0x205: {  	[tilespmem:s23+$0xFFFFFFD0] =	vst v33;
	v31 =	vadd.f32 v31, v55;
	v26 =	vld [tilespmem:s24+$0xFFFFFFE0];
	v21 =	vunpack.i.u.bf16.f32 v27;
	v20 =	vmul.f32 v20, v16  }
0x206: {  	v24 =	vadd.f32 v19, v24;
	v11 =	vunpack.i.l.bf16.f32 v17;
	v21 =	vmul.f32 v21, v36;
	[tilespmem:s13+$0xFFFFFEE0] =	vst v28  }
0x207: {  	v29 =	vld [tilespmem:s24+$0x60];
	v23 =	vadd.f32 v23, v31;
	v25 =	vunpack.i.u.bf16.f32 v25;
	v11 =	vmul.f32 v11, v15;
	[tilespmem:s13+$0x0] =	vst v20  }
0x208: {  	v19 =	vunpack.i.u.bf16.f32 v30;
	v17 =	vunpack.i.u.bf16.f32 v17;
	[tilespmem:s4+$0x100] =	vst v21;
	v21 =	vmul.f32 v32, v25  }
0x209: {  	v31 =	vmul.f32 v19, v3;
	v17 =	vmul.f32 v15, v17;
	[tilespmem:s13+$0xFFFFFF70] =	vst v11;
	v11 =	vunpack.i.u.bf16.f32 v18  }
0x20a: {  	v19 =	vunpack.i.l.bf16.f32 v27;
	v28 =	vunpack.i.u.bf16.f32 v26;
	v25 =	vunpack.i.l.bf16.f32 v30;
	[tilespmem:s13+$0xFFFFFEF0] =	vst v21  }
0x20b: {  	v20 =	vmul.f32 v19, v36;
	[tilespmem:s13+$0xFFFFFF80] =	vst v17;
	v25 =	vmul.f32 v25, v3;
	v21 =	vunpack.i.u.bf16.f32 v22;
	v17 =	vld [tilespmem:s9+$0xFFFFFF50]  }
0x20c: {  	[tilespmem:s23+$0xFFFFFFE0] =	vst v34;
	v19 =	vunpack.i.l.bf16.f32 v29;
	v30 =	vmul.f32 v16, v21;
	v21 =	vmul.f32 v11, v4;
	v11, _, _ =	vpop (xrf2)  }
0x20d: {  	v18 =	vunpack.i.l.bf16.f32 v18;
	v28 =	vmul.f32 v28, v2;
	(xrf2) =	vadd.scan.msk.f32 $0xffff, v23;
	v23 =	vld [tilespmem:s9+$0xFFFFFFD0];
	v11 =	vmul.f32 $1.442695020e+00, v11  }
0x20e: {  	[tilespmem:s8+$0xFFFFFF30] =	vst v31;
	v19 =	vmul.f32 v19, v10;
	v22 =	vmul.f32 v18, v4;
	v18 =	vunpack.i.l.bf16.f32 v26  }
0x20f: {  	v26 =	vmul.f32 v18, v2;
	v18 =	vunpack.i.u.bf16.f32 v29;
	[tilespmem:s8+$0xFFFFFF20] =	vst v25;
	v25, _, _ =	vpop (xrf2);
	v11 =	vbroadcast v11, $0xF  }
0x210: {  	[tilespmem:s8+$0xFFFFFFC0] =	vst v28;
	v18 =	vmul.f32 v18, v10;
	v27 =	vmul.f32 $1.442695020e+00, v25;
	v29 =	vunpack.i.l.bf16.f32 v17  }
0x211: {  	[tilespmem:s13+$0x10] =	vst v30;
	(xrf2) =	vadd.scan.msk.f32 $0xffff, v24;
	v24 =	vld [tilespmem:s24+$0xFFFFFF70];
	(erf) = vpow2.f32 v11;
	v29 =	vmul.f32 v29, v32  }
0x212: {  	[tilespmem:s8+$0xFFFFFFB0] =	vst v26;
	v25 =	vld [tilespmem:s9+$0x50];
	v30, _, _ =	vpop (xrf2);
	v11 =	vunpack.i.u.bf16.f32 v17;
	v27 =	vbroadcast v27, $0xF;
	v17 =	vunpack.i.u.bf16.f32 v23  }
0x213: {  	s17 =	simm.s32 $0x9A0;
	v33 =	vmovc v2;
	v34 =	vmovc v3;
	s10 =	simm.s32 $0xC;
	v26 =	vunpack.i.l.bf16.f32 v23;
	v28 =	vmul.f32 $1.442695020e+00, v30;
	v23 =	vld [tilespmem:s24+$0xFFFFFFF0];
	v11 =	vmul.f32 v11, v32;
	[tilespmem:s13+$0xFFFFFF00] =	vst v29  }
.LBB2_3:
0x214: {  	[tilespmem:s8+$0x50] =	vst v18  }
0x215: {  	[tilespmem:s8+$0x40] =	vst v19  }
0x216: {  	v29 =	vld [tilespmem:s17+$0x80];
	(erf) = vpow2.f32 v27;
	[tilespmem:s13+$0xFFFFFF10] =	vst v11;
	v11 =	vmul.f32 v26, v15  }
0x217: {  	v26 =	vld [tilespmem:s17+$0x90];
	v15 =	vmul.f32 v17, v15;
	[tilespmem:s23+$0x70] =	vst v21;
	v27 =	vunpack.i.u.bf16.f32 v25;
	v25 =	vunpack.i.l.bf16.f32 v25  }
0x218: {  	s21 =	sadd.s32 $0x100, s21;
	[tilespmem:s13+$0xFFFFFF90] =	vst v11;
	v17 =	vunpack.i.u.bf16.f32 v24;
	v18 =	vunpack.i.l.bf16.f32 v24;
	v24 =	vld [tilespmem:s17+$0xA0];
	v11 =	vmul.f32 v25, v16  }
0x219: {  	v19 =	vbroadcast v28, $0xF;
	[tilespmem:s13+$0xFFFFFFA0] =	vst v15;
	v15 =	vmul.f32 v27, v16;
	v27 =	vld [tilespmem:s21+$0x60];
	v28, _, _ =	vpop (xrf2)  }
0x21a: {  	v31 =	vld [tilespmem:s21+$0x50];
	v28 =	vmul.f32 $1.442695020e+00, v28;
	[tilespmem:s13+$0x20] =	vst v11  }
0x21b: {  	v30 =	vld [tilespmem:s21+$0x40];
	(erf) = vpow2.f32 v19;
	v16 =	vunpack.i.u.bf16.f32 v23;
	v11 =	vmul.f32 v18, v34;
	[tilespmem:s13+$0x30] =	vst v15;
	v25, _, _ =	vpop (xrf2)  }
0x21c: {  	v23 =	vunpack.i.l.bf16.f32 v23;
	v15 =	vmul.f32 v17, v34;
	v17 =	vld [tilespmem:s21+$0x70];
	v0 =	vpop (erf);
	[tilespmem:s23+$0x60] =	vst v22;
	v19 =	vbroadcast v28, $0xF  }
0x21d: {  	v2 =	vmul.f32 $1.442695020e+00, v25;
	v28 =	vld [tilespmem:s17+$0xB0];
	v3 =	vsel vm0, $0x0, v0;
	v25, _, _ =	vpop (xrf2);
	[tilespmem:s8+$0xFFFFFF40] =	vst v11;
	v11 =	vmul.f32 v23, v33  }
0x21e: {  	v23 =	vld [tilespmem:s17+$0xFFFFFF20];
	v25 =	vmul.f32 $1.442695020e+00, v25;
	[tilespmem:s8+$0xFFFFFF50] =	vst v15;
	v15 =	vmul.f32 v16, v33;
	v22 =	vadd.bf16 v27, v24  }
0x21f: {  	v16 =	vadd.bf16 v31, v26;
	(erf) = vpow2.f32 v19;
	v19 =	vbroadcast v2, $0xF;
	[tilespmem:s8+$0xFFFFFFD0] =	vst v11  }
0x220: {  	v36 =	vld [tilespmem:s17+$0x20];
	v5 =	vpop (erf);
	v11 =	vbroadcast v25, $0xF;
	[tilespmem:s8+$0xFFFFFFE0] =	vst v15;
	v15 =	vadd.bf16 v30, v29;
	v29 =	vunpack.i.u.bf16.f32 v22  }
0x221: {  	v39 =	vld [tilespmem:s21+$0x20];
	v22 =	vunpack.i.l.bf16.f32 v22;
	(erf) = vpow2.f32 v19;
	v19 =	vsel vm0, $0x0, v5  }
0x222: {  	v42 =	vmul.f32 $6.000000240e-01, v22;
	v43 =	vmul.f32 $6.000000240e-01, v29;
	v22 =	vand.u32 $0x7FFFFFFF, v22  }
0x223: {  	v29 =	vand.u32 $0x7FFFFFFF, v29;
	v24 =	vadd.bf16 v17, v28;
	(erf) = vpow2.f32 v11  }
0x224: {  	v27 =	vunpack.i.u.bf16.f32 v15;
	v15 =	vunpack.i.l.bf16.f32 v15;
	v28 =	vunpack.i.u.bf16.f32 v16  }
0x225: {  	v16 =	vunpack.i.l.bf16.f32 v16;
	v22 =	vmul.f32 $4.000000060e-01, v22;
	v29 =	vmul.f32 $4.000000060e-01, v29  }
0x226: {  	v41 =	vld [tilespmem:s17+$0x30];
	v36 =	vadd.bf16 v39, v36;
	v31 =	vmul.f32 $6.000000240e-01, v15;
	v55 =	vmul.f32 $6.000000240e-01, v27  }
0x227: {  	v44 =	vld [tilespmem:s21+$0x30];
	v37 =	vmul.f32 $6.000000240e-01, v16;
	v38 =	vmul.f32 $6.000000240e-01, v28;
	v40 =	vand.u32 $0x7FFFFFFF, v15  }
0x228: {  	v32 =	vld [tilespmem:s21+$0xFFFFFFA0];
	v27 =	vand.u32 $0x7FFFFFFF, v27;
	v16 =	vand.u32 $0x7FFFFFFF, v16;
	v28 =	vand.u32 $0x7FFFFFFF, v28  }
0x229: {  	v17 =	vmovc v10;
	v10 =	vld [tilespmem:$0x1FFF0];
	v35 =	vunpack.i.u.bf16.f32 v24;
	v40 =	vmul.f32 $4.000000060e-01, v40;
	v27 =	vmul.f32 $4.000000060e-01, v27  }
0x22a: {  	v6 =	vld [tilespmem:s17+$0xFFFFFF30];
	v24 =	vunpack.i.l.bf16.f32 v24;
	v49 =	vmul.f32 $4.000000060e-01, v16;
	v28 =	vmul.f32 $4.000000060e-01, v28  }
0x22b: {  	v25 =	vld [tilespmem:s21+$0xFFFFFFB0];
	v22 =	vadd.f32 v22, v42;
	v29 =	vadd.f32 v29, v43;
	v45 =	vmul.f32 $6.000000240e-01, v24  }
0x22c: {  	v26 =	vld [tilespmem:s17+$0xFFFFFFA0];
	v46 =	vmul.f32 $6.000000240e-01, v35;
	v24 =	vand.u32 $0x7FFFFFFF, v24;
	v35 =	vand.u32 $0x7FFFFFFF, v35  }
0x22d: {  	v21 =	vld [tilespmem:s21+$0xFFFFFFE0];
	v31 =	vadd.f32 v40, v31;
	v27 =	vadd.f32 v27, v55;
	v24 =	vmul.f32 $4.000000060e-01, v24  }
0x22e: {  	[tilespmem:s4+$0xF0] =	vst v20;
	v20 =	vld [tilespmem:s17+$0xFFFFFFB0];
	v37 =	vadd.f32 v49, v37;
	v35 =	vmul.f32 $4.000000060e-01, v35;
	v29 =	vmul.f32 v29, v10  }
0x22f: {  	v30 =	vld [tilespmem:s21+$0xFFFFFFF0];
	v28 =	vadd.f32 v28, v38;
	v31 =	vmul.f32 v31, v60;
	v27 =	vmul.f32 v27, v61  }
0x230: {  	v51 =	vld [tilespmem:s17+$0xFFFFFF80];
	v61 =	vmul.f32 v22, v53;
	v22 =	vadd.f32 v24, v45;
	v24 =	vadd.f32 v35, v46  }
0x231: {  	v57 =	vld [tilespmem:s21+$0xFFFFFFC0];
	v2 =	vadd.bf16 v44, v41;
	v37 =	vmul.f32 v37, v62;
	v28 =	vmul.f32 v28, v63  }
0x232: {  	v58 =	vld [tilespmem:s17+$0xFFFFFF90];
	v23 =	vadd.bf16 v32, v23;
	v63 =	vmul.f32 v22, v54;
	v24 =	vmul.f32 v24, v56  }
0x233: {  	v59 =	vld [tilespmem:s21+$0xFFFFFFD0];
	v33 =	vunpack.i.u.bf16.f32 v36;
	v27 =	vadd.f32 v31, v27;
	v28 =	vadd.f32 v37, v28  }
0x234: {  	v36 =	vunpack.i.l.bf16.f32 v36;
	v29 =	vadd.f32 v61, v29;
	v24 =	vadd.f32 v63, v24  }
0x235: {  	v42 =	vunpack.i.u.bf16.f32 v2;
	v25 =	vadd.bf16 v25, v6;
	v27 =	vadd.f32 v28, v27  }
0x236: {  	[tilespmem:$0x1FF30] =	vst v3;
	v39 =	vunpack.i.l.bf16.f32 v2;
	v30 =	vadd.bf16 v30, v20;
	v20 =	vadd.f32 v24, v29  }
0x237: {  	v52 =	vand.u32 $0x7FFFFFFF, v33;
	v33 =	vmul.f32 $6.000000240e-01, v33;
	v26 =	vadd.bf16 v21, v26;
	(xrf2) =	vadd.scan.msk.f32 $0xffff, v27  }
0x238: {  	v32 =	vunpack.i.l.bf16.f32 v23;
	v34 =	vadd.bf16 v57, v51;
	v38 =	vadd.bf16 v59, v58;
	(xrf2) =	vadd.scan.msk.f32 $0xffff, v20  }
0x239: {  	v51 =	vand.u32 $0x7FFFFFFF, v36;
	v52 =	vmul.f32 $4.000000060e-01, v52;
	v36 =	vmul.f32 $6.000000240e-01, v36  }
0x23a: {  	v3 =	vand.u32 $0x7FFFFFFF, v32;
	v51 =	vmul.f32 $4.000000060e-01, v51;
	v32 =	vmul.f32 $6.000000240e-01, v32  }
0x23b: {  	v40 =	vunpack.i.u.bf16.f32 v26;
	v26 =	vunpack.i.l.bf16.f32 v26;
	v41 =	vunpack.i.u.bf16.f32 v30  }
0x23c: {  	v30 =	vunpack.i.l.bf16.f32 v30;
	v53 =	vand.u32 $0x7FFFFFFF, v39;
	v58 =	vunpack.i.u.bf16.f32 v34  }
0x23d: {  	v60 =	vld [tilespmem:s17+$0x0];
	v34 =	vunpack.i.l.bf16.f32 v34;
	v59 =	vunpack.i.u.bf16.f32 v38;
	v38 =	vunpack.i.l.bf16.f32 v38  }
0x23e: {  	v62 =	vld [tilespmem:s21+$0x0];
	v43 =	vmul.f32 $4.000000060e-01, v3;
	v39 =	vmul.f32 $6.000000240e-01, v39;
	v33 =	vadd.f32 v52, v33  }
0x23f: {  	[tilespmem:$0x1FF40] =	vst v5;
	v4 =	vand.u32 $0x7FFFFFFF, v30;
	v5 =	vand.u32 $0x7FFFFFFF, v41;
	v2 =	vand.u32 $0x7FFFFFFF, v58  }
0x240: {  	v7 =	vpop (erf);
	v3 =	vand.u32 $0x7FFFFFFF, v38;
	v53 =	vmul.f32 $4.000000060e-01, v53;
	v30 =	vmul.f32 $6.000000240e-01, v30  }
0x241: {  	v41 =	vmul.f32 $6.000000240e-01, v41;
	v38 =	vmul.f32 $6.000000240e-01, v38;
	v36 =	vadd.f32 v51, v36;
	v6, _, _ =	vpop (xrf2)  }
0x242: {  	[tilespmem:$0x1FF60] =	vst v7;
	v22 =	vsel vm0, $0x0, v7;
	v56 =	vand.u32 $0x7FFFFFFF, v42;
	v49 =	vmul.f32 $4.000000060e-01, v4;
	v7, _, _ =	vpop (xrf2)  }
0x243: {  	v42 =	vmul.f32 $6.000000240e-01, v42;
	v35 =	vadd.bf16 v62, v60;
	v60 =	vmul.f32 $1.442695020e+00, v7  }
0x244: {  	v1 =	vmovc v13;
	v48 =	vld [tilespmem:s17+$0xFFFFFF10];
	v37 =	vunpack.i.u.bf16.f32 v23;
	v2 =	vmul.f32 $4.000000060e-01, v2;
	v54 =	vmul.f32 $1.442695020e+00, v6  }
0x245: {  	v50 =	vld [tilespmem:s21+$0xFFFFFF90];
	v11 =	vpop (erf);
	v4 =	vand.u32 $0x7FFFFFFF, v59;
	v3 =	vmul.f32 $4.000000060e-01, v3;
	v60 =	vbroadcast v60, $0xF  }
0x246: {  	[tilespmem:$0x1FF20] =	vst v1;
	v1 =	vld [tilespmem:s21+$0x10];
	v15 =	vpop (erf);
	v32 =	vadd.f32 v43, v32;
	v56 =	vmul.f32 $4.000000060e-01, v56;
	v54 =	vbroadcast v54, $0xF  }
0x247: {  	v31 =	vld [tilespmem:s17+$0x10];
	v16 =	vpop (erf);
	v44 =	vand.u32 $0x7FFFFFFF, v37;
	v37 =	vmul.f32 $6.000000240e-01, v37;
	(erf) = vpow2.f32 v60  }
0x248: {  	v4 =	vmul.f32 $4.000000060e-01, v4;
	v39 =	vadd.f32 v53, v39;
	(erf) = vpow2.f32 v54  }
0x249: {  	v44 =	vmul.f32 $4.000000060e-01, v44;
	v30 =	vadd.f32 v49, v30;
	v3 =	vadd.f32 v3, v38  }
0x24a: {  	v42 =	vadd.f32 v56, v42;
	v27 =	vunpack.i.u.bf16.f32 v25;
	v29 =	vadd.bf16 v50, v48  }
0x24b: {  	v47 =	vld [tilespmem:s21+$0xFFFFFF80];
	v25 =	vunpack.i.l.bf16.f32 v25;
	v48 =	vand.u32 $0x7FFFFFFF, v40;
	v50 =	vmul.f32 $4.000000060e-01, v5  }
0x24c: {  	v53 =	vld [tilespmem:$0x1FFC0];
	v40 =	vmul.f32 $6.000000240e-01, v40;
	v37 =	vadd.f32 v44, v37;
	v31 =	vadd.bf16 v1, v31  }
0x24d: {  	v28 =	vld [tilespmem:s17+$0xFFFFFF00];
	v45 =	vand.u32 $0x7FFFFFFF, v25;
	v46 =	vand.u32 $0x7FFFFFFF, v27;
	v61 =	vunpack.i.u.bf16.f32 v35  }
0x24e: {  	v35 =	vunpack.i.l.bf16.f32 v35;
	v48 =	vmul.f32 $4.000000060e-01, v48;
	v27 =	vmul.f32 $6.000000240e-01, v27  }
0x24f: {  	v18 =	vmovc v14;
	v57 =	vunpack.i.u.bf16.f32 v29;
	v29 =	vunpack.i.l.bf16.f32 v29;
	v45 =	vmul.f32 $4.000000060e-01, v45  }
0x250: {  	v46 =	vmul.f32 $4.000000060e-01, v46;
	v5 =	vand.u32 $0x7FFFFFFF, v35;
	v6 =	vmul.f32 $6.000000240e-01, v25;
	v25 =	vpop (erf)  }
0x251: {  	s23 =	smov.u32 s8;
	v41 =	vadd.f32 v50, v41;
	v35 =	vmul.f32 $6.000000240e-01, v35;
	v14 =	vsel vm0, $0x0, v25;
	v9 =	vpop (erf)  }
0x252: {  	s8 =	smov.u32 s13;
	s13 =	smov.u32 s4;
	s4 =	sadd.s32 $0x240, s4;
	v32 =	vmul.f32 v32, v53;
	v28 =	vadd.bf16 v47, v28;
	v14 =	vsel vm1, v9, v14  }
0x253: {  	v47 =	vand.u32 $0x7FFFFFFF, v26;
	v62 =	vunpack.i.u.bf16.f32 v31;
	v1 =	vand.u32 $0x7FFFFFFF, v29;
	[tilespmem:s4+$0x110] =	vst v14  }
0x254: {  	v31 =	vunpack.i.l.bf16.f32 v31;
	v26 =	vmul.f32 $6.000000240e-01, v26;
	v5 =	vmul.f32 $4.000000060e-01, v5;
	v43 =	vld [tilespmem:s17+$0xC0]  }
0x255: {  	v40 =	vadd.f32 v48, v40;
	v29 =	vmul.f32 $6.000000240e-01, v29;
	v48 =	vmul.f32 $6.000000240e-01, v58  }
0x256: {  	v47 =	vmul.f32 $4.000000060e-01, v47;
	v8 =	vand.u32 $0x7FFFFFFF, v31;
	v13 =	vand.u32 $0x7FFFFFFF, v62  }
0x257: {  	v1 =	vmul.f32 $4.000000060e-01, v1;
	v27 =	vadd.f32 v46, v27;
	v55 =	vunpack.i.u.bf16.f32 v28  }
0x258: {  	[tilespmem:$0x1FF50] =	vst v0;
	v31 =	vmul.f32 $6.000000240e-01, v31;
	v50 =	vmul.f32 $6.000000240e-01, v62;
	v0 =	vand.u32 $0x7FFFFFFF, v55  }
0x259: {  	v56 =	vld [tilespmem:$0x1FFE0];
	v6 =	vadd.f32 v45, v6;
	v45 =	vmul.f32 $6.000000240e-01, v55;
	v55 =	vunpack.i.l.bf16.f32 v43  }
0x25a: {  	v8 =	vmul.f32 $4.000000060e-01, v8;
	v43 =	vunpack.i.u.bf16.f32 v43;
	v46 =	vmul.f32 v55, v9  }
0x25b: {  	v21 =	vld [tilespmem:s9+$0xFFFFFF60];
	v28 =	vunpack.i.l.bf16.f32 v28;
	v13 =	vmul.f32 $4.000000060e-01, v13;
	v43 =	vmul.f32 v9, v43  }
0x25c: {  	v62 =	vld [tilespmem:$0x1FFA0];
	v2 =	vadd.f32 v2, v48;
	v5 =	vadd.f32 v5, v35;
	v63 =	vand.u32 $0x7FFFFFFF, v28;
	[tilespmem:s4+$0x90] =	vst v46  }
0x25d: {  	v26 =	vadd.f32 v47, v26;
	v28 =	vmul.f32 $6.000000240e-01, v28;
	v47 =	vmul.f32 $6.000000240e-01, v57;
	[tilespmem:s4+$0xA0] =	vst v43  }
0x25e: {  	v1 =	vadd.f32 v1, v29;
	v29 =	vmul.f32 v37, v10;
	v27 =	vmul.f32 v27, v56;
	v49 =	vld [tilespmem:s17+$0xD0]  }
0x25f: {  	v63 =	vmul.f32 $4.000000060e-01, v63;
	v0 =	vmul.f32 $4.000000060e-01, v0;
	v8 =	vadd.f32 v8, v31  }
0x260: {  	v31 =	vmul.f32 v40, v10;
	v26 =	vmul.f32 v26, v53;
	v54 =	vand.u32 $0x7FFFFFFF, v34  }
0x261: {  	v48 =	vunpack.i.u.bf16.f32 v21;
	v1 =	vmul.f32 v1, v62;
	v44 =	vmul.f32 $4.000000060e-01, v54;
	v54 =	vld [tilespmem:$0x1FFD0]  }
0x262: {  	v28 =	vadd.f32 v63, v28;
	v63 =	vld [tilespmem:$0x1FFB0];
	v3 =	vmul.f32 v3, v62;
	v8 =	vmul.f32 v8, v62  }
0x263: {  	v26 =	vadd.f32 v26, v31;
	v60 =	vand.u32 $0x7FFFFFFF, v57;
	v57 =	vunpack.i.l.bf16.f32 v49  }
0x264: {  	v31 =	vmul.f32 v36, v53;
	v58 =	vunpack.i.u.bf16.f32 v49;
	v37 =	vmul.f32 v57, v9  }
0x265: {  	v13 =	vadd.f32 v13, v50;
	v36 =	vmul.f32 v42, v56;
	v9 =	vmul.f32 v58, v9  }
0x266: {  	v29 =	vadd.f32 v32, v29;
	v6 =	vmul.f32 v6, v54;
	v14 =	vmul.f32 $4.000000060e-01, v60;
	v60 =	vld [tilespmem:$0x1FF80];
	[tilespmem:s4+$0xB0] =	vst v37  }
0x267: {  	v7 =	vand.u32 $0x7FFFFFFF, v61;
	v13 =	vmul.f32 v13, v63;
	v43 =	vmul.f32 $6.000000240e-01, v61;
	v61 =	vld [tilespmem:$0x1FF90];
	[tilespmem:s4+$0xC0] =	vst v9  }
0x268: {  	v42 =	vsel vm1, v15, v19;
	v6 =	vadd.f32 v6, v27;
	v9 =	vmul.f32 v30, v54;
	v30 =	vld [tilespmem:s17+$0xE0]  }
0x269: {  	v7 =	vmul.f32 $4.000000060e-01, v7;
	v0 =	vadd.f32 v0, v45;
	v8 =	vadd.f32 v8, v13  }
0x26a: {  	v34 =	vmul.f32 $6.000000240e-01, v34;
	v27 =	vmul.f32 v41, v56;
	v6 =	vadd.f32 v6, v29  }
0x26b: {  	v14 =	vadd.f32 v14, v47;
	v28 =	vmul.f32 v28, v60;
	v5 =	vmul.f32 v5, v60  }
0x26c: {  	v41 =	vld [tilespmem:$0x1FF30];
	v46 =	vmul.f32 $6.000000240e-01, v59;
	v59 =	vmul.f32 v33, v10;
	v7 =	vadd.f32 v7, v43  }
0x26d: {  	v23 =	vld [tilespmem:s9+$0xFFFFFFE0];
	v43 =	vsel vm1, v16, v22;
	v0 =	vmul.f32 v0, v61;
	v38 =	vunpack.i.l.bf16.f32 v30  }
0x26e: {  	v24 =	vld [tilespmem:s9+$0x60];
	v7 =	vmul.f32 v7, v61;
	v30 =	vunpack.i.u.bf16.f32 v30;
	v33 =	vmul.f32 v38, v25  }
0x26f: {  	v20 =	vld [tilespmem:s24+$0x70];
	s24 =	smov.u32 s9;
	s9 =	smov.u32 s14;
	[tilespmem:s13+$0x80] =	vst v43;
	v0 =	vadd.f32 v28, v0;
	v9 =	vadd.f32 v9, v27;
	v28 =	vmul.f32 v30, v25  }
0x270: {  	v14 =	vmul.f32 v14, v63;
	v4 =	vadd.f32 v4, v46;
	v47 =	vld [tilespmem:s9+$0x40];
	v27 =	vmul.f32 v39, v54;
	[tilespmem:s4+$0xD0] =	vst v33  }
0x271: {  	v39 =	vadd.f32 v5, v7;
	v7 =	vsel vm1, v11, v41;
	v9 =	vadd.f32 v9, v26;
	[tilespmem:s4+$0xE0] =	vst v28  }
0x272: {  	v34 =	vadd.f32 v44, v34;
	(xrf2) =	vadd.scan.msk.f32 $0xffff, v6;
	v4 =	vmul.f32 v4, v63;
	[tilespmem:s13+$0xFFFFFF60] =	vst v7;
	v40 =	vld [tilespmem:s17+$0xF0]  }
0x273: {  	v19 =	vunpack.i.l.bf16.f32 v23;
	v1 =	vadd.f32 v1, v14;
	v31 =	vadd.f32 v31, v59;
	v14 =	vld [tilespmem:s9+$0xFFFFFF40];
	(xrf2) =	vadd.scan.msk.f32 $0xffff, v9  }
0x274: {  	v2 =	vmul.f32 v2, v61;
	v3 =	vadd.f32 v3, v4;
	v49 =	vunpack.i.l.bf16.f32 v21  }
0x275: {  	[tilespmem:s13+$0xFFFFFFF0] =	vst v42;
	v21 =	vunpack.i.l.bf16.f32 v24;
	v4 =	vunpack.i.l.bf16.f32 v47;
	v27 =	vadd.f32 v27, v36  }
0x276: {  	v45 =	vld [tilespmem:s9+$0xFFFFFFC0];
	v37 =	vmul.f32 v34, v60;
	v0 =	vadd.f32 v1, v0;
	v4 =	vmul.f32 v4, v16  }
0x277: {  	v46 =	vadd.f32 v8, v39;
	v13 =	vadd.f32 v27, v31;
	v8 =	vunpack.i.u.bf16.f32 v40  }
0x278: {  	v2 =	vadd.f32 v37, v2;
	v33 =	vld [tilespmem:$0x1FF20];
	v22 =	vunpack.i.u.bf16.f32 v14;
	v8 =	vmul.f32 v8, v25  }
0x279: {  	v34 =	vmovc v18;
	(xrf2) =	vadd.scan.msk.f32 $0xffff, v13;
	v14 =	vunpack.i.l.bf16.f32 v14;
	v13 =	vmul.f32 v11, v22;
	v22 =	vunpack.i.u.bf16.f32 v47  }
0x27a: {  	v18 =	vunpack.i.u.bf16.f32 v23;
	v51 =	vmul.f32 v48, v34;
	[tilespmem:s4+$0x100] =	vst v8;
	v8 =	vmul.f32 v14, v11  }
0x27b: {  	v7 =	vmul.f32 v49, v34;
	v44 =	vadd.f32 v3, v2;
	v2 =	vunpack.i.l.bf16.f32 v45;
	[tilespmem:s13+$0xFFFFFEF0] =	vst v13  }
0x27c: {  	v2 =	vmul.f32 v2, v15;
	v13 =	vmul.f32 v16, v22;
	v22, _, _ =	vpop (xrf2);
	v14 =	vunpack.i.u.bf16.f32 v45;
	[tilespmem:s13+$0xFFFFFEE0] =	vst v8  }
0x27d: {  	[tilespmem:s13+$0x0] =	vst v4;
	v9 =	vunpack.i.u.bf16.f32 v24;
	v52 =	vmul.f32 v19, v33;
	v55, _, _ =	vpop (xrf2);
	v8 =	vmul.f32 v15, v14;
	v50 =	vld [tilespmem:s9+$0xFFFFFF50]  }
0x27e: {  	[tilespmem:s13+$0xFFFFFF70] =	vst v2;
	(xrf2) =	vadd.scan.msk.f32 $0xffff, v0;
	v19 =	vmul.f32 v21, v12;
	v4 =	vmul.f32 $1.442695020e+00, v55  }
0x27f: {  	s10 =	sadd.s32 $0x4, s10;
	v57 =	vld [tilespmem:$0x1FF60];
	v23 =	vmul.f32 $1.442695020e+00, v22;
	v14 =	vunpack.i.u.bf16.f32 v20;
	v20 =	vunpack.i.l.bf16.f32 v20;
	[tilespmem:s13+$0xFFFFFF80] =	vst v8  }
0x280: {  	p1 =	slt.u32 s10, $0x24;
	(xrf2) =	vadd.scan.msk.f32 $0xffff, v44;
	[tilespmem:s13+$0x10] =	vst v13;
	v27 =	vbroadcast v4, $0xF;
	v22 =	vmul.f32 v20, v17;
	v26 =	vld [tilespmem:s9+$0xFFFFFFD0]  }
.Ltmp2:
0x281: {  	v13 =	vld [tilespmem:$0x1FF40];
	v5 =	vunpack.i.l.bf16.f32 v40;
	v21 =	vmul.f32 v14, v17;
	[tilespmem:s8+$0xFFFFFF20] =	vst v7;
	v8 =	vmul.f32 v18, v33;
	(pc) =	sbr.rel @p1 .LBB2_3-.Ltmp2, $4  }
0x282: {  	v14 =	vld [tilespmem:$0x1FF50];
	[tilespmem:s8+$0xFFFFFF30] =	vst v51;
	v18 =	vmul.f32 v9, v12;
	v9 =	vbroadcast v23, $0xF;
	v0 =	vunpack.i.l.bf16.f32 v50  }
0x283: {  	(xrf2) =	vadd.scan.msk.f32 $0xffff, v46;
	v59, _, _ =	vpop (xrf2);
	v20 =	vmul.f32 v5, v25;
	v25 =	vld [tilespmem:s9+$0x50];
	[tilespmem:s8+$0xFFFFFFB0] =	vst v52;
	v0 =	vmul.f32 v0, v11  }
0x284: {  	v28 =	vmul.f32 $1.442695020e+00, v59;
	v24 =	vld [tilespmem:s24+$0xFFFFFF70];
	(erf) = vpow2.f32 v9;
	[tilespmem:s8+$0xFFFFFFC0] =	vst v8;
	v58 =	vunpack.i.u.bf16.f32 v50  }
0x285: {  	s14 =	smov.u32 s17;
	v10 =	vmovc v12;
	s17 =	sadd.s32 $0x200, s17;
	v12 =	vmovc v57;
	v23 =	vld [tilespmem:s24+$0xFFFFFFF0];
	v11 =	vmul.f32 v58, v11;
	v17 =	vunpack.i.u.bf16.f32 v26;
	v26 =	vunpack.i.l.bf16.f32 v26;
	[tilespmem:s13+$0xFFFFFF00] =	vst v0  }
0x286: {  	_ =	sdelay $0x1  }
0x287: {  	v0, _, _ =	vpop (xrf2)  }
0x288: {  	v0 =	vmul.f32 $1.442695020e+00, v0  }
0x289: {  	v1 =	vbroadcast v28, $0xF  }
0x28a: {  	(erf) = vpow2.f32 v27;
	v2, _, _ =	vpop (xrf2);
	v0 =	vbroadcast v0, $0xF  }
0x28b: {  	(erf) = vpow2.f32 v1;
	v41 =	vmul.f32 $1.442695020e+00, v2  }
0x28c: {  	(erf) = vpow2.f32 v0;
	v42, _, _ =	vpop (xrf2)  }
0x28d: {  	v1 =	vbroadcast v41, $0xF;
	v0 =	vmul.f32 $1.442695020e+00, v42;
	_ =	sdelay $0x1  }
0x28e: {  	[tilespmem:s8+$0x40] =	vst v19;
	(erf) = vpow2.f32 v1;
	v0 =	vbroadcast v0, $0xF  }
0x28f: {  	v43 =	vmul.f32 v26, v15;
	[tilespmem:s8+$0x50] =	vst v18  }
0x290: {  	v45 =	vmul.f32 v17, v15;
	[tilespmem:s13+$0xFFFFFF10] =	vst v11;
	v44 =	vunpack.i.l.bf16.f32 v25;
	(erf) = vpow2.f32 v0  }
0x291: {  	v3 =	vunpack.i.u.bf16.f32 v25;
	[tilespmem:s13+$0xFFFFFF90] =	vst v43;
	v0 =	vmul.f32 v44, v16  }
0x292: {  	[tilespmem:s13+$0xFFFFFFA0] =	vst v45;
	v46 =	vunpack.i.l.bf16.f32 v24;
	v47 =	vmul.f32 v3, v16;
	v17 =	vpop (erf)  }
0x293: {  	v49 =	vunpack.i.u.bf16.f32 v24;
	v48 =	vmul.f32 v46, v34;
	v15 =	vpop (erf);
	[tilespmem:s13+$0x20] =	vst v0  }
0x294: {  	v1 =	vmul.f32 v49, v34;
	[tilespmem:s13+$0x30] =	vst v47;
	v11 =	vpop (erf)  }
0x295: {  	v55 =	vunpack.i.l.bf16.f32 v23;
	v50 =	vsel vm0, $0x0, v17;
	[tilespmem:s8+$0xFFFFFF40] =	vst v48;
	v51 =	vpop (erf)  }
0x296: {  	v57 =	vmul.f32 v55, v33;
	[tilespmem:s8+$0xFFFFFF50] =	vst v1;
	v52 =	vsel vm1, v51, v50  }
0x297: {  	v32 =	vunpack.i.u.bf16.f32 v23;
	v4 =	vsel vm0, $0x0, v15;
	v9 =	vld [tilespmem:s9+$0xFFFFFFE0];
	v5 =	vpop (erf);
	[tilespmem:s4+$0xFFFFFF60] =	vst v52  }
0x298: {  	v33 =	vmul.f32 v32, v33;
	[tilespmem:s8+$0xFFFFFFD0] =	vst v57;
	v58 =	vsel vm1, v5, v4;
	v59 =	vld [tilespmem:s14+$0xFFFFFF40]  }
0x299: {  	v7 =	vsel vm0, $0x0, v11;
	[tilespmem:s4+$0xFFFFFFF0] =	vst v58;
	v6 =	vpop (erf)  }
0x29a: {  	[tilespmem:s8+$0xFFFFFFE0] =	vst v33;
	v35 =	vld [tilespmem:s14+$0xFFFFFFC0];
	v34 =	vsel vm1, v6, v7  }
0x29b: {  	[tilespmem:s4+$0x80] =	vst v34  }
0x29c: {  	[tilespmem:s23+$0x60] =	vst v22;
	v43 =	vunpack.i.l.bf16.f32 v9;
	v9 =	vunpack.i.u.bf16.f32 v9;
	v0 =	vld [tilespmem:s14+$0x40]  }
0x29d: {  	[tilespmem:s23+$0x70] =	vst v21;
	v45 =	vmul.f32 v9, v13;
	v36 =	vunpack.i.l.bf16.f32 v59  }
0x29e: {  	[tilespmem:s4+$0xF0] =	vst v20;
	v2 =	vunpack.i.u.bf16.f32 v59;
	v1 =	vmul.f32 v36, v51  }
0x29f: {  	v37 =	vld [tilespmem:s9+$0xFFFFFF60];
	[tilespmem:s13+$0xFFFFFFC0] =	vst v45;
	v2 =	vmul.f32 v51, v2;
	v8 =	vunpack.i.l.bf16.f32 v35  }
0x2a0: {  	v4 =	vunpack.i.u.bf16.f32 v35;
	[tilespmem:s4+$0xFFFFFEE0] =	vst v1;
	v38 =	vmul.f32 v8, v5  }
0x2a1: {  	v44 =	vld [tilespmem:s9+$0x60];
	v4 =	vmul.f32 v5, v4;
	[tilespmem:s4+$0xFFFFFEF0] =	vst v2;
	v8 =	vunpack.i.l.bf16.f32 v0  }
0x2a2: {  	v2 =	vmul.f32 v43, v13;
	[tilespmem:s4+$0xFFFFFF70] =	vst v38;
	v39 =	vmul.f32 v8, v6;
	v8 =	vld [tilespmem:s14+$0xFFFFFF50]  }
0x2a3: {  	v0 =	vunpack.i.u.bf16.f32 v0;
	[tilespmem:s4+$0xFFFFFF80] =	vst v4  }
0x2a4: {  	v40 =	vunpack.i.l.bf16.f32 v37;
	[tilespmem:s13+$0xFFFFFFB0] =	vst v2;
	v0 =	vmul.f32 v6, v0;
	v42 =	vld [tilespmem:s14+$0xFFFFFFD0]  }
0x2a5: {  	v41 =	vunpack.i.u.bf16.f32 v37;
	v1 =	vmul.f32 v40, v14;
	[tilespmem:s4+$0x0] =	vst v39  }
0x2a6: {  	v4 =	vmul.f32 v41, v14;
	v33 =	vld [tilespmem:s9+$0xFFFFFFF0];
	[tilespmem:s4+$0x10] =	vst v0;
	v0 =	vunpack.i.u.bf16.f32 v44  }
0x2a7: {  	[tilespmem:s13+$0xFFFFFF20] =	vst v1;
	v46 =	vld [tilespmem:s14+$0x50];
	v0 =	vmul.f32 v0, v12;
	v9 =	vunpack.i.l.bf16.f32 v8  }
0x2a8: {  	[tilespmem:s13+$0xFFFFFF30] =	vst v4;
	v8 =	vunpack.i.u.bf16.f32 v8;
	v9 =	vmul.f32 v9, v51  }
0x2a9: {  	v38 =	vld [tilespmem:s24+$0x70];
	v47 =	vunpack.i.l.bf16.f32 v42;
	[tilespmem:s13+$0x50] =	vst v0;
	v48 =	vmul.f32 v8, v51  }
0x2aa: {  	v7 =	vunpack.i.u.bf16.f32 v42;
	v2 =	vmul.f32 v47, v5;
	[tilespmem:s4+$0xFFFFFF00] =	vst v9  }
0x2ab: {  	v49 =	vld [tilespmem:s9+$0xFFFFFF70];
	v40 =	vunpack.i.u.bf16.f32 v33;
	v50 =	vmul.f32 v7, v5;
	[tilespmem:s4+$0xFFFFFF10] =	vst v48  }
0x2ac: {  	v42 =	vmul.f32 v40, v13;
	[tilespmem:s4+$0xFFFFFF90] =	vst v2;
	v55 =	vunpack.i.l.bf16.f32 v46  }
0x2ad: {  	[tilespmem:s4+$0xFFFFFFA0] =	vst v50;
	v57 =	vunpack.i.u.bf16.f32 v46;
	v52 =	vld [tilespmem:s14+$0xFFFFFF60];
	v58 =	vmul.f32 v55, v6  }
0x2ae: {  	v45 =	vunpack.i.l.bf16.f32 v38;
	[tilespmem:s13+$0xFFFFFFE0] =	vst v42;
	v1 =	vmul.f32 v57, v6  }
0x2af: {  	v8 =	vunpack.i.l.bf16.f32 v44;
	v47 =	vmul.f32 v45, v10;
	v59 =	vld [tilespmem:s14+$0xFFFFFFE0];
	[tilespmem:s4+$0x20] =	vst v58  }
0x2b0: {  	v51 =	vmul.f32 v8, v12;
	v32 =	vunpack.i.l.bf16.f32 v49;
	[tilespmem:s4+$0x30] =	vst v1  }
0x2b1: {  	v3 =	vunpack.i.u.bf16.f32 v49;
	v0 =	vmul.f32 v32, v14;
	[tilespmem:s8+$0x60] =	vst v47;
	v36 =	vld [tilespmem:s14+$0x60]  }
0x2b2: {  	v34 =	vmul.f32 v3, v14;
	[tilespmem:s13+$0x40] =	vst v51;
	v35 =	vunpack.i.l.bf16.f32 v52  }
0x2b3: {  	[tilespmem:s13+$0xFFFFFF40] =	vst v0;
	v2 =	vunpack.i.u.bf16.f32 v52;
	v3 =	vmul.f32 v35, v17  }
0x2b4: {  	[tilespmem:s13+$0xFFFFFF50] =	vst v34;
	v37 =	vunpack.i.l.bf16.f32 v59;
	v2 =	vmul.f32 v2, v17  }
0x2b5: {  	v48 =	vld [tilespmem:s9+$0x70];
	v5 =	vunpack.i.u.bf16.f32 v59;
	v1 =	vmul.f32 v37, v15;
	[tilespmem:s4+$0xFFFFFF20] =	vst v3  }
0x2b6: {  	v5 =	vmul.f32 v5, v15;
	[tilespmem:s4+$0xFFFFFF30] =	vst v2;
	v43 =	vunpack.i.l.bf16.f32 v36  }
0x2b7: {  	[tilespmem:s4+$0xFFFFFFB0] =	vst v1;
	v0 =	vunpack.i.u.bf16.f32 v36;
	v41 =	vld [tilespmem:s14+$0xFFFFFF70];
	v2 =	vmul.f32 v43, v11  }
0x2b8: {  	v39 =	vunpack.i.l.bf16.f32 v33;
	[tilespmem:s4+$0xFFFFFFC0] =	vst v5;
	v0 =	vmul.f32 v0, v11  }
0x2b9: {  	v46 =	vunpack.i.u.bf16.f32 v38;
	v3 =	vmul.f32 v39, v13;
	v44 =	vld [tilespmem:s14+$0xFFFFFFF0];
	[tilespmem:s4+$0x40] =	vst v2  }
0x2ba: {  	v59 =	vunpack.i.u.bf16.f32 v48;
	v1 =	vmul.f32 v46, v10;
	[tilespmem:s4+$0x50] =	vst v0  }
0x2bb: {  	v57 =	vunpack.i.l.bf16.f32 v48;
	v5 =	vmul.f32 v59, v12;
	[tilespmem:s13+$0xFFFFFFD0] =	vst v3;
	v51 =	vld [tilespmem:s14+$0x70]  }
0x2bc: {  	[tilespmem:s8+$0x70] =	vst v1;
	v1 =	vmul.f32 v57, v12;
	v49 =	vunpack.i.l.bf16.f32 v41  }
0x2bd: {  	[tilespmem:s13+$0x70] =	vst v5;
	v50 =	vunpack.i.u.bf16.f32 v41;
	v0 =	vmul.f32 v49, v17  }
0x2be: {  	[tilespmem:s13+$0x60] =	vst v1;
	v52 =	vunpack.i.l.bf16.f32 v44;
	v2 =	vmul.f32 v50, v17  }
0x2bf: {  	v3 =	vunpack.i.u.bf16.f32 v44;
	v55 =	vmul.f32 v52, v15;
	[tilespmem:s4+$0xFFFFFF40] =	vst v0  }
0x2c0: {  	v58 =	vmul.f32 v3, v15;
	[tilespmem:s4+$0xFFFFFF50] =	vst v2;
	v6 =	vunpack.i.l.bf16.f32 v51  }
0x2c1: {  	[tilespmem:s4+$0xFFFFFFD0] =	vst v55;
	v7 =	vunpack.i.u.bf16.f32 v51;
	v2 =	vmul.f32 v6, v11  }
0x2c2: {  	[tilespmem:s4+$0xFFFFFFE0] =	vst v58;
	v32 =	vmul.f32 v7, v11  }
0x2c3: {  	[tilespmem:s4+$0x60] =	vst v2  }
0x2c4: {  	[tilespmem:s4+$0x70] =	vst v32  }
0x2c5: {  	[spmem:s3] =	stream.indirect.scatter.add.f32 [tilespmem:s0], [sflag:$0x7], $0x90, s19, s19, $0xb8;
	[tilespmem:$0x1C9B0] =	vst v63  }
0x2c6: {  	_ =	swait.ge [sflag:s16], $0x1680  }
0x2c7: {  	p1 =	seq.s32 s15, $0x7C;
	[sflag:s16] =	ssyncset.done $0x0  }
0x2c8: {  	s4 =	simm.s32 @p1 $0x4;
	[sflag:s16] =	ssyncadd.s32 $0xFFFFE980  }
0x2c9: {  	_ =	swait.ge @p1 [sflag:s4], $0x1400  }
0x2ca: {  	s23 =	sshll.u32 s15, $0x6;
	[sflag:s4] =	ssyncset.done @p1 $0x0  }
0x2cb: {  	s8 =	sadd.s32 @!p1 s11, s23;
	[sflag:s4] =	ssyncadd.s32 @p1 $0xFFFFEC00;
	s4 =	simm.s32 @p1 $0x6  }
0x2cc: {  	s8 =	smul.u32 @!p1 $0x5, s8;
	_ =	swait.ge @p1 [sflag:s4], $0xA00  }
0x2cd: {  	s10 =	simm.s32 @!p1 $0x0;
	s9 =	simm.s32 @!p1 $0x4E200;
	[sflag:s4] =	ssyncset.done @p1 $0x0  }
0x2ce: {  	[sflag:s4] =	ssyncadd.s32 @p1 $0xFFFFF600;
	s4 =	sadd.s32 @!p1 s5, s8;
	s8 =	simm.s32 @!p1 $0x28  }
0x2cf: {  	[tilespmem:s10], [sflag:$0x1] =	stream.strided.gather @!p1 [hbm4b:s4+s8], $0x50, s9, s8, $0x38;
	[tilespmem:$0x1C9B0] =	vst v63  }
0x2d0: {  	s4 =	simm.s32 @!p1 $0x4  }
0x2d1: {  	_ =	swait.ge @!p1 [sflag:s4], $0x1400  }
0x2d2: {  	[sflag:s4] =	ssyncset.done @!p1 $0x0  }
0x2d3: {  	[sflag:s4] =	ssyncadd.s32 @!p1 $0xFFFFEC00;
	s4 =	simm.s32 @!p1 $0x6  }
0x2d4: {  	_ =	swait.ge @!p1 [sflag:s4], $0xA00  }
0x2d5: {  	[sflag:s4] =	ssyncset.done @!p1 $0x0  }
0x2d6: {  	[sflag:s4] =	ssyncadd.s32 @!p1 $0xFFFFF600;
	s4 =	simm.s32 @!p1 $0x1  }
0x2d7: {  	_ =	swait.ge @!p1 [sflag:s4], $0x50  }
0x2d8: {  	[sflag:s4] =	ssyncset.done @!p1 $0x0  }
0x2d9: {  	[sflag:s4] =	ssyncadd.s32 @!p1 $0xFFFFFFB0;
	s4 =	simm.s32 @!p1 $0xA0  }
0x2da: {  	[tilespmem:s4], [sflag:$0x3] =	stream.indirect.gather @!p1 [hbm4b:s6+s8], $0x80, s10, s8, $0xb8;
	[tilespmem:$0x1C9B0] =	vst v63  }
0x2db: {  	s13 =	simm.s32 $0x1690;
	s4 =	simm.s32 @!p1 $0x28A0  }
0x2dc: {  	[tilespmem:s4], [sflag:$0x5] =	stream.indirect.gather @!p1 [hbm4b:s7+s8], $0x40, s8, s8, $0xb8;
	[tilespmem:$0x1C9B0] =	vst v63  }
0x2dd: {  	s17 =	simm.s32 $0x3390;
	v33 =	vld [tilespmem:s13+$0xFFFFFF90]  }
0x2de: {  	v34 =	vld [tilespmem:s17+$0xFFFFFFD0]  }
0x2df: {  	v35 =	vld [tilespmem:s13+$0xFFFFFFA0]  }
0x2e0: {  	v36 =	vld [tilespmem:s17+$0xFFFFFFE0]  }
0x2e1: {  	v37 =	vld [tilespmem:s13+$0xFFFFFFB0]  }
0x2e2: {  	v38 =	vld [tilespmem:s17+$0xFFFFFFF0]  }
0x2e3: {  	v39 =	vld [tilespmem:s13+$0xFFFFFFC0]  }
0x2e4: {  	v40 =	vld [tilespmem:s17+$0x0]  }
0x2e5: {  	v8 =	vld [tilespmem:s13+$0xFFFFFE30]  }
0x2e6: {  	v9 =	vld [tilespmem:s17+$0xFFFFFF30]  }
0x2e7: {  	v10 =	vld [tilespmem:s13+$0xFFFFFE40]  }
0x2e8: {  	v41 =	vld [tilespmem:s17+$0xFFFFFF40]  }
0x2e9: {  	v42 =	vld [tilespmem:s13+$0xFFFFFEB0]  }
0x2ea: {  	v45 =	vld [tilespmem:s17+$0xFFFFFF70]  }
0x2eb: {  	v12 =	vld [tilespmem:s13+$0xFFFFFEC0]  }
0x2ec: {  	v15 =	vld [tilespmem:s17+$0xFFFFFF80]  }
0x2ed: {  	v23 =	vld [tilespmem:s13+$0xFFFFFF40]  }
0x2ee: {  	v27 =	vld [tilespmem:s17+$0xFFFFFFC0]  }
0x2ef: {  	v0 =	vadd.bf16 v34, v33;
	v2 =	vadd.bf16 v36, v35  }
0x2f0: {  	v4 =	vadd.bf16 v38, v37;
	v43 =	vadd.bf16 v40, v39  }
0x2f1: {  	v8 =	vadd.bf16 v9, v8;
	v1 =	vadd.bf16 v41, v10  }
0x2f2: {  	v3 =	vadd.bf16 v45, v42;
	v12 =	vadd.bf16 v15, v12  }
0x2f3: {  	v51 =	vadd.bf16 v27, v23;
	v44 =	vunpack.i.u.bf16.f32 v0;
	v0 =	vunpack.i.l.bf16.f32 v0  }
0x2f4: {  	v11 =	vunpack.i.u.bf16.f32 v2;
	v2 =	vunpack.i.l.bf16.f32 v2;
	v13 =	vunpack.i.u.bf16.f32 v4  }
0x2f5: {  	v4 =	vunpack.i.l.bf16.f32 v4;
	v17 =	vunpack.i.u.bf16.f32 v43;
	v5 =	vunpack.i.l.bf16.f32 v43  }
0x2f6: {  	v46 =	vld [tilespmem:s13+$0xFFFFFF10];
	v15 =	vunpack.i.u.bf16.f32 v1;
	v50 =	vunpack.i.l.bf16.f32 v1;
	v14 =	vmul.f32 $6.000000240e-01, v0  }
0x2f7: {  	v48 =	vld [tilespmem:s17+$0xFFFFFFA0];
	v55 =	vunpack.i.u.bf16.f32 v12;
	v16 =	vmul.f32 $6.000000240e-01, v44;
	v18 =	vmul.f32 $6.000000240e-01, v2  }
0x2f8: {  	v9 =	vld [tilespmem:s17+$0xFFFFFF90];
	v20 =	vmul.f32 $6.000000240e-01, v11;
	v0 =	vand.u32 $0x7FFFFFFF, v0;
	v6 =	vand.u32 $0x7FFFFFFF, v44  }
0x2f9: {  	v10 =	vld [tilespmem:s13+$0xFFFFFF20];
	v2 =	vand.u32 $0x7FFFFFFF, v2;
	v22 =	vmul.f32 $6.000000240e-01, v4;
	v11 =	vand.u32 $0x7FFFFFFF, v11  }
0x2fa: {  	v24 =	vmul.f32 $6.000000240e-01, v13;
	v25 =	vmul.f32 $6.000000240e-01, v5;
	v4 =	vand.u32 $0x7FFFFFFF, v4  }
0x2fb: {  	v26 =	vmul.f32 $6.000000240e-01, v17;
	v13 =	vand.u32 $0x7FFFFFFF, v13;
	v0 =	vmul.f32 $4.000000060e-01, v0  }
0x2fc: {  	v5 =	vand.u32 $0x7FFFFFFF, v5;
	v6 =	vmul.f32 $4.000000060e-01, v6;
	v2 =	vmul.f32 $4.000000060e-01, v2  }
0x2fd: {  	v17 =	vand.u32 $0x7FFFFFFF, v17;
	v11 =	vmul.f32 $4.000000060e-01, v11;
	v4 =	vmul.f32 $4.000000060e-01, v4  }
0x2fe: {  	v13 =	vmul.f32 $4.000000060e-01, v13;
	v52 =	vadd.bf16 v9, v46;
	v7 =	vadd.bf16 v48, v10  }
0x2ff: {  	v5 =	vmul.f32 $4.000000060e-01, v5;
	v0 =	vadd.f32 v0, v14;
	v6 =	vadd.f32 v6, v16  }
0x300: {  	v58 =	vld [tilespmem:$0x1FFF0];
	v17 =	vmul.f32 $4.000000060e-01, v17;
	v2 =	vadd.f32 v2, v18;
	v11 =	vadd.f32 v11, v20  }
0x301: {  	v29 =	vld [tilespmem:s13+$0xFFFFFE20];
	v1 =	vunpack.i.l.bf16.f32 v51;
	v4 =	vadd.f32 v4, v22;
	v13 =	vadd.f32 v13, v24  }
0x302: {  	v9 =	vunpack.i.l.bf16.f32 v12;
	v14 =	vld [tilespmem:s17+$0xFFFFFF20];
	v5 =	vadd.f32 v5, v25;
	v17 =	vadd.f32 v17, v26  }
0x303: {  	v16 =	vld [tilespmem:s13+$0xFFFFFE90];
	v24 =	vand.u32 $0x7FFFFFFF, v9;
	v25 =	vand.u32 $0x7FFFFFFF, v55;
	v9 =	vmul.f32 $6.000000240e-01, v9  }
0x304: {  	v18 =	vld [tilespmem:s17+$0xFFFFFF50];
	v36 =	vunpack.i.u.bf16.f32 v52;
	v24 =	vmul.f32 $4.000000060e-01, v24;
	v25 =	vmul.f32 $4.000000060e-01, v25  }
0x305: {  	v20 =	vld [tilespmem:s13+$0xFFFFFEA0];
	v37 =	vunpack.i.u.bf16.f32 v7;
	v0 =	vmul.f32 v0, v60;
	v6 =	vmul.f32 v6, v61  }
0x306: {  	v22 =	vld [tilespmem:s17+$0xFFFFFF60];
	v7 =	vunpack.i.l.bf16.f32 v7;
	v2 =	vmul.f32 v2, v62;
	v11 =	vmul.f32 v11, v63  }
0x307: {  	v19 =	vld [tilespmem:s13+$0xFFFFFF30];
	v4 =	vmul.f32 v4, v53;
	v5 =	vmul.f32 v5, v54;
	v9 =	vadd.f32 v24, v9  }
0x308: {  	v21 =	vld [tilespmem:s17+$0xFFFFFFB0];
	v48 =	vand.u32 $0x7FFFFFFF, v37;
	v0 =	vadd.f32 v0, v6;
	v2 =	vadd.f32 v2, v11  }
0x309: {  	v28 =	vld [tilespmem:s17+$0xFFFFFF10];
	v11 =	vmul.f32 v13, v58;
	v13 =	vmul.f32 v17, v56;
	v17 =	vunpack.i.u.bf16.f32 v3  }
0x30a: {  	v47 =	vld [tilespmem:s13+$0xFFFFFE10];
	v3 =	vunpack.i.l.bf16.f32 v3;
	v6 =	vmul.f32 $6.000000240e-01, v55;
	v49 =	vadd.bf16 v14, v29  }
0x30b: {  	v14 =	vadd.bf16 v18, v16;
	v16 =	vadd.bf16 v22, v20;
	v20 =	vand.u32 $0x7FFFFFFF, v50  }
0x30c: {  	v22 =	vand.u32 $0x7FFFFFFF, v3;
	v23 =	vand.u32 $0x7FFFFFFF, v17;
	v3 =	vmul.f32 $6.000000240e-01, v3  }
0x30d: {  	v17 =	vmul.f32 $6.000000240e-01, v17;
	v9 =	vmul.f32 v9, v54;
	v0 =	vadd.f32 v2, v0  }
0x30e: {  	v4 =	vadd.f32 v4, v11;
	v11 =	vunpack.i.u.bf16.f32 v8;
	v5 =	vadd.f32 v5, v13  }
0x30f: {  	v8 =	vunpack.i.l.bf16.f32 v8;
	v13 =	vadd.bf16 v21, v19;
	v2 =	vadd.bf16 v28, v47  }
0x310: {  	v21 =	vand.u32 $0x7FFFFFFF, v15;
	v20 =	vmul.f32 $4.000000060e-01, v20;
	v22 =	vmul.f32 $4.000000060e-01, v22  }
0x311: {  	v28 =	vand.u32 $0x7FFFFFFF, v1;
	v23 =	vmul.f32 $4.000000060e-01, v23;
	v15 =	vmul.f32 $6.000000240e-01, v15  }
0x312: {  	v47 =	vand.u32 $0x7FFFFFFF, v7;
	v1 =	vmul.f32 $6.000000240e-01, v1;
	v6 =	vadd.f32 v25, v6  }
0x313: {  	v7 =	vmul.f32 $6.000000240e-01, v7;
	v18 =	vand.u32 $0x7FFFFFFF, v8;
	v19 =	vand.u32 $0x7FFFFFFF, v11  }
0x314: {  	v31 =	vunpack.i.u.bf16.f32 v49;
	v33 =	vunpack.i.u.bf16.f32 v14;
	v14 =	vunpack.i.l.bf16.f32 v14  }
0x315: {  	v34 =	vunpack.i.u.bf16.f32 v16;
	v21 =	vmul.f32 $4.000000060e-01, v21;
	v28 =	vmul.f32 $4.000000060e-01, v28  }
0x316: {  	v16 =	vunpack.i.l.bf16.f32 v16;
	v44 =	vmul.f32 $6.000000240e-01, v8;
	v11 =	vmul.f32 $6.000000240e-01, v11  }
0x317: {  	v4 =	vadd.f32 v5, v4;
	v10 =	vunpack.i.u.bf16.f32 v13;
	v12 =	vunpack.i.l.bf16.f32 v13  }
0x318: {  	v13 =	vunpack.i.u.bf16.f32 v51;
	v29 =	vunpack.i.u.bf16.f32 v2;
	v2 =	vunpack.i.l.bf16.f32 v2  }
0x319: {  	v5 =	vunpack.i.l.bf16.f32 v49;
	v18 =	vmul.f32 $4.000000060e-01, v18;
	v19 =	vmul.f32 $4.000000060e-01, v19  }
0x31a: {  	(xrf2) =	vadd.scan.msk.f32 $0xffff, v0;
	v57 =	vand.u32 $0x7FFFFFFF, v31;
	v59 =	vand.u32 $0x7FFFFFFF, v14;
	v41 =	vand.u32 $0x7FFFFFFF, v33  }
0x31b: {  	v42 =	vand.u32 $0x7FFFFFFF, v16;
	v0 =	vmul.f32 $6.000000240e-01, v50;
	v3 =	vadd.f32 v22, v3;
	(xrf2) =	vadd.scan.msk.f32 $0xffff, v4  }
0x31c: {  	v17 =	vadd.f32 v23, v17;
	v31 =	vmul.f32 $6.000000240e-01, v31;
	v6 =	vmul.f32 v6, v56  }
0x31d: {  	v26 =	vand.u32 $0x7FFFFFFF, v12;
	v27 =	vand.u32 $0x7FFFFFFF, v10;
	v30 =	vand.u32 $0x7FFFFFFF, v13  }
0x31e: {  	v38 =	vand.u32 $0x7FFFFFFF, v2;
	v12 =	vmul.f32 $6.000000240e-01, v12;
	v10 =	vmul.f32 $6.000000240e-01, v10  }
0x31f: {  	v39 =	vand.u32 $0x7FFFFFFF, v29;
	v13 =	vmul.f32 $6.000000240e-01, v13;
	v2 =	vmul.f32 $6.000000240e-01, v2  }
0x320: {  	v40 =	vand.u32 $0x7FFFFFFF, v5;
	v29 =	vmul.f32 $6.000000240e-01, v29;
	v5 =	vmul.f32 $6.000000240e-01, v5  }
0x321: {  	v15 =	vadd.f32 v21, v15;
	v26 =	vmul.f32 $4.000000060e-01, v26;
	v27 =	vmul.f32 $4.000000060e-01, v27  }
0x322: {  	v1 =	vadd.f32 v28, v1;
	v30 =	vmul.f32 $4.000000060e-01, v30;
	v38 =	vmul.f32 $4.000000060e-01, v38  }
0x323: {  	v39 =	vmul.f32 $4.000000060e-01, v39;
	v18 =	vadd.f32 v18, v44;
	v40 =	vmul.f32 $4.000000060e-01, v40  }
0x324: {  	v11 =	vadd.f32 v19, v11;
	v0 =	vadd.f32 v20, v0;
	v3 =	vmul.f32 v3, v53;
	v32, _, _ =	vpop (xrf2)  }
0x325: {  	v17 =	vmul.f32 v17, v58;
	v6 =	vadd.f32 v9, v6;
	v15 =	vmul.f32 v15, v56;
	v35, _, _ =	vpop (xrf2)  }
0x326: {  	v1 =	vmul.f32 v1, v54;
	v12 =	vadd.f32 v26, v12;
	v35 =	vmul.f32 $1.442695020e+00, v35  }
0x327: {  	v10 =	vadd.f32 v27, v10;
	v2 =	vadd.f32 v38, v2;
	v32 =	vmul.f32 $1.442695020e+00, v32  }
0x328: {  	v18 =	vmul.f32 v18, v53;
	v13 =	vadd.f32 v30, v13;
	v35 =	vbroadcast v35, $0xF  }
0x329: {  	v28 =	vadd.f32 v39, v29;
	v11 =	vmul.f32 v11, v58;
	v32 =	vbroadcast v32, $0xF  }
0x32a: {  	v5 =	vadd.f32 v40, v5;
	v0 =	vmul.f32 v0, v54;
	(erf) = vpow2.f32 v35  }
0x32b: {  	v3 =	vadd.f32 v3, v17;
	v35 =	vmul.f32 $4.000000060e-01, v57;
	(erf) = vpow2.f32 v32  }
0x32c: {  	v11 =	vadd.f32 v18, v11;
	v12 =	vmul.f32 v12, v53;
	v10 =	vmul.f32 v10, v58  }
0x32d: {  	v9 =	vmul.f32 v13, v56;
	v2 =	vmul.f32 v2, v60;
	v29 =	vadd.f32 v35, v31  }
0x32e: {  	v0 =	vadd.f32 v0, v15;
	v13 =	vmul.f32 v28, v61;
	v5 =	vmul.f32 v5, v62  }
0x32f: {  	v3 =	vadd.f32 v6, v3;
	v10 =	vadd.f32 v12, v10;
	v12 =	vmul.f32 v29, v63  }
0x330: {  	v43 =	vand.u32 $0x7FFFFFFF, v34;
	v0 =	vadd.f32 v0, v11;
	v1 =	vadd.f32 v1, v9  }
0x331: {  	v23 =	vmul.f32 $4.000000060e-01, v48;
	v2 =	vadd.f32 v2, v13;
	v5 =	vadd.f32 v5, v12  }
0x332: {  	v14 =	vmul.f32 $6.000000240e-01, v14;
	v24 =	vmul.f32 $6.000000240e-01, v33;
	(xrf2) =	vadd.scan.msk.f32 $0xffff, v0;
	v1 =	vadd.f32 v1, v10  }
0x333: {  	v16 =	vmul.f32 $6.000000240e-01, v16;
	v25 =	vmul.f32 $6.000000240e-01, v34;
	(xrf2) =	vadd.scan.msk.f32 $0xffff, v3;
	v2 =	vadd.f32 v5, v2;
	v8 =	vpop (erf)  }
0x334: {  	v4 =	vunpack.i.l.bf16.f32 v52;
	v20 =	vmul.f32 $4.000000060e-01, v41;
	(xrf2) =	vadd.scan.msk.f32 $0xffff, v1;
	v49 =	vsel vm0, $0x0, v8;
	v50 =	vpop (erf)  }
0x335: {  	s24 =	simm.s32 $0x5550;
	v52 =	vmul.f32 $4.000000060e-01, v42;
	v32 =	vmul.f32 $4.000000060e-01, v59;
	(xrf2) =	vadd.scan.msk.f32 $0xffff, v2;
	v49 =	vsel vm1, v50, v49  }
0x336: {  	v21 =	vmul.f32 $4.000000060e-01, v43;
	v45 =	vand.u32 $0x7FFFFFFF, v4;
	v20 =	vadd.f32 v20, v24;
	[tilespmem:s24+$0x0] =	vst v49  }
0x337: {  	v4 =	vmul.f32 $6.000000240e-01, v4;
	v16 =	vadd.f32 v52, v16;
	v14 =	vadd.f32 v32, v14;
	v19 =	vld [tilespmem:s13+$0xFFFFFFD0]  }
0x338: {  	s8 =	simm.s32 $0x1890;
	v21 =	vadd.f32 v21, v25;
	v55 =	vmul.f32 $4.000000060e-01, v45;
	v9 =	vmul.f32 v20, v61  }
0x339: {  	v48 =	vld [tilespmem:s8+$0xFFFFFF90];
	v11 =	vmul.f32 v16, v62;
	v14 =	vmul.f32 v14, v60  }
0x33a: {  	s18 =	simm.s32 $0x3490;
	v46 =	vand.u32 $0x7FFFFFFF, v36;
	v52 =	vld [tilespmem:s8+$0xFFFFFFA0];
	v13 =	vmul.f32 v21, v63;
	v57 =	vmul.f32 $4.000000060e-01, v47  }
0x33b: {  	v22 =	vmul.f32 $4.000000060e-01, v46;
	v4 =	vadd.f32 v55, v4;
	v35 =	vld [tilespmem:s18+$0x0];
	v41 =	vadd.f32 v14, v9  }
0x33c: {  	v47, _, _ =	vpop (xrf2);
	v9 =	vadd.f32 v11, v13;
	v13 =	vld [tilespmem:s8+$0xFFFFFFC0];
	v59 =	vunpack.i.l.bf16.f32 v19;
	v19 =	vunpack.i.u.bf16.f32 v19  }
0x33d: {  	v27 =	vmul.f32 $6.000000240e-01, v37;
	v7 =	vadd.f32 v57, v7;
	v51, _, _ =	vpop (xrf2);
	v49 =	vld [tilespmem:s18+$0xFFFFFFD0];
	v19 =	vmul.f32 v50, v19  }
0x33e: {  	v40 =	vmul.f32 v4, v60;
	v57, _, _ =	vpop (xrf2);
	v44 =	vmul.f32 v59, v50;
	v59 =	vld [tilespmem:s18+$0xFFFFFFE0]  }
0x33f: {  	v7 =	vmul.f32 v7, v62;
	v33, _, _ =	vpop (xrf2);
	[tilespmem:s24+$0xFFFFFF90] =	vst v19;
	v19 =	vmul.f32 $6.000000240e-01, v36  }
0x340: {  	v55 =	vmul.f32 $1.442695020e+00, v51;
	v5 =	vmul.f32 $1.442695020e+00, v33  }
0x341: {  	v32 =	vmul.f32 $1.442695020e+00, v57;
	v12 =	vld [tilespmem:s18+$0xFFFFFFF0];
	v4 =	vadd.f32 v9, v41;
	[tilespmem:s24+$0xFFFFFF80] =	vst v44;
	v19 =	vadd.f32 v22, v19  }
0x342: {  	v26 =	vld [tilespmem:s13+$0xFFFFFFE0];
	v22 =	vadd.f32 v23, v27;
	v34 =	vbroadcast v5, $0xF;
	v5 =	vadd.bf16 v35, v13  }
0x343: {  	v11 =	vld [tilespmem:s8+$0xFFFFFFB0];
	(xrf2) =	vadd.scan.msk.f32 $0xffff, v4;
	v4 =	vbroadcast v55, $0xF;
	v39 =	vadd.bf16 v49, v48;
	v6 =	vadd.bf16 v59, v52  }
0x344: {  	v42 =	vmul.f32 v19, v61;
	v10 =	vmul.f32 v22, v63;
	v20 =	vunpack.i.u.bf16.f32 v5  }
0x345: {  	v5 =	vunpack.i.l.bf16.f32 v5;
	v13 =	vunpack.i.u.bf16.f32 v6;
	v6 =	vunpack.i.l.bf16.f32 v6  }
0x346: {  	v28 =	vmul.f32 $6.000000240e-01, v5;
	v29 =	vmul.f32 $6.000000240e-01, v20;
	v5 =	vand.u32 $0x7FFFFFFF, v5  }
0x347: {  	v24 =	vunpack.i.l.bf16.f32 v26;
	v0 =	vadd.f32 v40, v42;
	v46 =	vadd.f32 v7, v10  }
0x348: {  	v43 =	vunpack.i.u.bf16.f32 v26;
	v42 =	vadd.bf16 v12, v11;
	v12 =	vunpack.i.u.bf16.f32 v39  }
0x349: {  	v21 =	vmul.f32 $6.000000240e-01, v6;
	v22 =	vmul.f32 $6.000000240e-01, v13;
	v0 =	vadd.f32 v46, v0  }
0x34a: {  	v6 =	vand.u32 $0x7FFFFFFF, v6;
	v5 =	vmul.f32 $4.000000060e-01, v5;
	v44 =	vmul.f32 v24, v50  }
0x34b: {  	v13 =	vand.u32 $0x7FFFFFFF, v13;
	v45 =	vmul.f32 v43, v50;
	(xrf2) =	vadd.scan.msk.f32 $0xffff, v0;
	v0 =	vmul.f32 $1.442695020e+00, v47  }
0x34c: {  	v17 =	vmul.f32 $6.000000240e-01, v12;
	v12 =	vand.u32 $0x7FFFFFFF, v12;
	v6 =	vmul.f32 $4.000000060e-01, v6  }
0x34d: {  	v13 =	vmul.f32 $4.000000060e-01, v13;
	v7 =	vunpack.i.l.bf16.f32 v42;
	v0 =	vbroadcast v0, $0xF  }
0x34e: {  	v20 =	vand.u32 $0x7FFFFFFF, v20;
	v12 =	vmul.f32 $4.000000060e-01, v12;
	v25 =	vmul.f32 $6.000000240e-01, v7  }
0x34f: {  	v37 =	vld [tilespmem:s8+$0xFFFFFE30];
	v15 =	vunpack.i.u.bf16.f32 v42;
	(erf) = vpow2.f32 v0;
	v0 =	vbroadcast v32, $0xF  }
0x350: {  	v38 =	vld [tilespmem:s18+$0xFFFFFF30];
	v5 =	vadd.f32 v5, v28;
	v26 =	vmul.f32 $6.000000240e-01, v15;
	(erf) = vpow2.f32 v4  }
0x351: {  	v30 =	vld [tilespmem:s8+$0xFFFFFF40];
	v7 =	vand.u32 $0x7FFFFFFF, v7;
	(erf) = vpow2.f32 v0;
	v0 =	vunpack.i.l.bf16.f32 v39  }
0x352: {  	v18 =	vld [tilespmem:s18+$0xFFFFFF70];
	v15 =	vand.u32 $0x7FFFFFFF, v15;
	v16 =	vmul.f32 $6.000000240e-01, v0;
	v0 =	vand.u32 $0x7FFFFFFF, v0  }
0x353: {  	v31 =	vld [tilespmem:s18+$0xFFFFFFC0];
	v6 =	vadd.f32 v6, v21;
	v7 =	vmul.f32 $4.000000060e-01, v7;
	v0 =	vmul.f32 $4.000000060e-01, v0  }
0x354: {  	v23 =	vld [tilespmem:s18+$0xFFFFFF80];
	v15 =	vmul.f32 $4.000000060e-01, v15;
	v12 =	vadd.f32 v12, v17;
	v17 =	vadd.f32 v13, v22  }
0x355: {  	v19 =	vld [tilespmem:s8+$0xFFFFFEC0];
	v5 =	vmul.f32 v5, v54;
	v0 =	vadd.f32 v0, v16;
	v16 =	vmul.f32 $4.000000060e-01, v20  }
0x356: {  	v40 =	vld [tilespmem:s8+$0xFFFFFE40];
	[tilespmem:s24+$0xFFFFFFA0] =	vst v44;
	v21 =	vmul.f32 v12, v61;
	v7 =	vadd.f32 v7, v25;
	v12 =	vadd.f32 v15, v26  }
0x357: {  	v11 =	vld [tilespmem:s18+$0xFFFFFF40];
	[tilespmem:s24+$0xFFFFFFB0] =	vst v45;
	v25 =	vmul.f32 v17, v63;
	v0 =	vmul.f32 v0, v60;
	v17 =	vadd.f32 v16, v29  }
0x358: {  	v1 =	vld [tilespmem:s13+$0xFFFFFFF0];
	v6 =	vmul.f32 v6, v62;
	v7 =	vmul.f32 v7, v53  }
0x359: {  	v44 =	vld [tilespmem:s8+$0xFFFFFE20];
	v28 =	vmul.f32 v12, v58;
	v0 =	vadd.f32 v0, v21;
	v21 =	vmul.f32 v17, v56  }
0x35a: {  	v10, _, _ =	vpop (xrf2);
	v45 =	vld [tilespmem:s18+$0xFFFFFF20];
	v6 =	vadd.f32 v6, v25  }
0x35b: {  	v10 =	vmul.f32 $1.442695020e+00, v10;
	v15 =	vld [tilespmem:s8+$0xFFFFFEA0];
	v48 =	vadd.f32 v7, v28;
	v5 =	vadd.f32 v5, v21  }
0x35c: {  	v26 =	vld [tilespmem:s18+$0xFFFFFF60];
	v0 =	vadd.f32 v6, v0  }
0x35d: {  	v27 =	vld [tilespmem:s18+$0xFFFFFFB0];
	v50 =	vunpack.i.l.bf16.f32 v1;
	v4 =	vadd.f32 v5, v48  }
0x35e: {  	v24 =	vld [tilespmem:s8+$0xFFFFFF30];
	v36 =	vbroadcast v10, $0xF;
	v9 =	vmul.f32 v50, v8;
	v50 =	vadd.bf16 v23, v19;
	(xrf2) =	vadd.scan.msk.f32 $0xffff, v0  }
0x35f: {  	v22 =	vld [tilespmem:s18+$0xFFFFFF50];
	v2 =	vadd.bf16 v11, v40;
	v1 =	vunpack.i.u.bf16.f32 v1;
	v19 =	vadd.bf16 v45, v44;
	v10, _, _ =	vpop (xrf2);
	(xrf2) =	vadd.scan.msk.f32 $0xffff, v4  }
0x360: {  	(erf) = vpow2.f32 v34;
	v23 =	vunpack.i.u.bf16.f32 v50;
	v20 =	vld [tilespmem:s8+$0xFFFFFE90];
	v14 =	vmul.f32 $1.442695020e+00, v10;
	v13 =	vpop (erf)  }
0x361: {  	v43 =	vld [tilespmem:s18+$0xFFFFFF10];
	v15 =	vadd.bf16 v26, v15;
	(erf) = vpow2.f32 v36;
	v52 =	vand.u32 $0x7FFFFFFF, v23;
	v12 =	vpop (erf)  }
0x362: {  	v10 =	vmul.f32 v1, v8;
	v1 =	vadd.bf16 v38, v37;
	v41 =	vbroadcast v14, $0xF;
	v14 =	vld [tilespmem:s8+$0xFFFFFEB0];
	[tilespmem:$0x1FEF0] =	vst v12  }
0x363: {  	v39 =	vunpack.i.u.bf16.f32 v19;
	v23 =	vmul.f32 $6.000000240e-01, v23;
	v32 =	vmul.f32 $4.000000060e-01, v52;
	v47 =	vld [tilespmem:s8+$0xFFFFFF20]  }
0x364: {  	v19 =	vunpack.i.l.bf16.f32 v19;
	v42 =	vunpack.i.u.bf16.f32 v15;
	v7 =	vunpack.i.u.bf16.f32 v1;
	v49 =	vld [tilespmem:s8+$0xFFFFFE10]  }
0x365: {  	v23 =	vadd.f32 v32, v23;
	v26 =	vand.u32 $0x7FFFFFFF, v7;
	v51 =	vadd.bf16 v22, v20;
	v11 =	vld [tilespmem:s18+$0xFFFFFFA0]  }
0x366: {  	v1 =	vunpack.i.l.bf16.f32 v1;
	v7 =	vmul.f32 $6.000000240e-01, v7;
	v26 =	vmul.f32 $4.000000060e-01, v26  }
0x367: {  	(erf) = vpow2.f32 v41;
	v21 =	vadd.bf16 v31, v30;
	v40 =	vunpack.i.u.bf16.f32 v51  }
0x368: {  	v7 =	vadd.f32 v26, v7;
	v14 =	vadd.bf16 v18, v14;
	v0 =	vunpack.i.u.bf16.f32 v2;
	v54, _, _ =	vpop (xrf2)  }
0x369: {  	v18 =	vadd.bf16 v27, v24;
	v2 =	vunpack.i.l.bf16.f32 v2;
	v5 =	vunpack.i.l.bf16.f32 v50;
	v56, _, _ =	vpop (xrf2)  }
0x36a: {  	v29 =	vld [tilespmem:s8+$0xFFFFFF10];
	v6 =	vadd.bf16 v43, v49;
	v3 =	vadd.bf16 v11, v47;
	v41 =	vmul.f32 $1.442695020e+00, v56  }
0x36b: {  	v46 =	vld [tilespmem:s18+$0xFFFFFF90];
	v11 =	vand.u32 $0x7FFFFFFF, v1;
	v43 =	vunpack.i.l.bf16.f32 v15;
	v15 =	vmul.f32 $1.442695020e+00, v54  }
0x36c: {  	v25 =	vunpack.i.u.bf16.f32 v21;
	v45 =	vmul.f32 $4.000000060e-01, v11;
	v11 =	vbroadcast v41, $0xF  }
0x36d: {  	v27 =	vunpack.i.l.bf16.f32 v21;
	v50 =	vand.u32 $0x7FFFFFFF, v39;
	v15 =	vbroadcast v15, $0xF  }
0x36e: {  	v52 =	vand.u32 $0x7FFFFFFF, v40;
	v39 =	vmul.f32 $6.000000240e-01, v39;
	(erf) = vpow2.f32 v11  }
0x36f: {  	v21 =	vand.u32 $0x7FFFFFFF, v2;
	v28 =	vand.u32 $0x7FFFFFFF, v0;
	(erf) = vpow2.f32 v15  }
0x370: {  	v59 =	vand.u32 $0x7FFFFFFF, v27;
	v2 =	vmul.f32 $6.000000240e-01, v2;
	v22 =	vadd.bf16 v46, v29  }
0x371: {  	v31 =	vand.u32 $0x7FFFFFFF, v5;
	v0 =	vmul.f32 $6.000000240e-01, v0;
	v5 =	vmul.f32 $6.000000240e-01, v5  }
0x372: {  	v55 =	vand.u32 $0x7FFFFFFF, v25;
	v27 =	vmul.f32 $6.000000240e-01, v27;
	v25 =	vmul.f32 $6.000000240e-01, v25  }
0x373: {  	v50 =	vmul.f32 $4.000000060e-01, v50;
	v20 =	vunpack.i.u.bf16.f32 v14;
	v35 =	vmul.f32 $4.000000060e-01, v59;
	v59 =	vpop (erf)  }
0x374: {  	v14 =	vunpack.i.l.bf16.f32 v14;
	v44 =	vunpack.i.u.bf16.f32 v22;
	v36 =	vunpack.i.l.bf16.f32 v22;
	v22 =	vpop (erf)  }
0x375: {  	v16 =	vsel vm0, $0x0, v13;
	v52 =	vmul.f32 $4.000000060e-01, v52;
	v46 =	vmul.f32 $4.000000060e-01, v21;
	v21 =	vpop (erf)  }
0x376: {  	v17 =	vsel vm0, $0x0, v12;
	v7 =	vmul.f32 v7, v58;
	v1 =	vmul.f32 $6.000000240e-01, v1;
	v15 =	vpop (erf)  }
0x377: {  	v38 =	vmul.f32 $4.000000060e-01, v55;
	v29 =	vand.u32 $0x7FFFFFFF, v14;
	v55 =	vmul.f32 $6.000000240e-01, v14;
	v14 =	vpop (erf)  }
0x378: {  	v24 =	vunpack.i.u.bf16.f32 v18;
	v1 =	vadd.f32 v45, v1;
	v45 =	vsel vm0, $0x0, v14;
	v26 =	vpop (erf)  }
0x379: {  	s9 =	simm.s32 $0x5790;
	v18 =	vunpack.i.l.bf16.f32 v18;
	v4 =	vunpack.i.l.bf16.f32 v51;
	v45 =	vsel vm1, v26, v45  }
0x37a: {  	v28 =	vmul.f32 $4.000000060e-01, v28;
	v31 =	vmul.f32 $4.000000060e-01, v31;
	v30 =	vand.u32 $0x7FFFFFFF, v20;
	[tilespmem:s9+$0x0] =	vst v45  }
0x37b: {  	v53 =	vand.u32 $0x7FFFFFFF, v18;
	v20 =	vmul.f32 $6.000000240e-01, v20;
	v2 =	vadd.f32 v46, v2;
	v46 =	vld [tilespmem:s8+$0xFFFFFFD0]  }
0x37c: {  	v57 =	vand.u32 $0x7FFFFFFF, v24;
	v29 =	vmul.f32 $4.000000060e-01, v29;
	v30 =	vmul.f32 $4.000000060e-01, v30  }
0x37d: {  	v18 =	vmul.f32 $6.000000240e-01, v18;
	v34 =	vmul.f32 $4.000000060e-01, v57;
	v57 =	vand.u32 $0x7FFFFFFF, v44  }
0x37e: {  	v29 =	vadd.f32 v29, v55;
	v20 =	vadd.f32 v30, v20;
	v56 =	vand.u32 $0x7FFFFFFF, v36  }
0x37f: {  	v55 =	vmul.f32 $4.000000060e-01, v56;
	v41 =	vunpack.i.u.bf16.f32 v3;
	v3 =	vunpack.i.l.bf16.f32 v3  }
0x380: {  	v56 =	vmul.f32 $4.000000060e-01, v57;
	v45 =	vand.u32 $0x7FFFFFFF, v3;
	v57 =	vunpack.i.l.bf16.f32 v46  }
0x381: {  	v30 =	vmul.f32 $4.000000060e-01, v45;
	v46 =	vunpack.i.u.bf16.f32 v46;
	v45 =	vmul.f32 v57, v26  }
0x382: {  	v49 =	vand.u32 $0x7FFFFFFF, v19;
	v24 =	vmul.f32 $6.000000240e-01, v24;
	v46 =	vmul.f32 v26, v46  }
0x383: {  	v51 =	vand.u32 $0x7FFFFFFF, v4;
	v19 =	vmul.f32 $6.000000240e-01, v19;
	v4 =	vmul.f32 $6.000000240e-01, v4;
	[tilespmem:s9+$0xFFFFFF80] =	vst v45  }
0x384: {  	v50 =	vadd.f32 v50, v39;
	v33 =	vmul.f32 $4.000000060e-01, v53;
	v53 =	vand.u32 $0x7FFFFFFF, v43;
	[tilespmem:s9+$0xFFFFFF90] =	vst v46  }
0x385: {  	v49 =	vmul.f32 $4.000000060e-01, v49;
	v51 =	vmul.f32 $4.000000060e-01, v51;
	v0 =	vadd.f32 v28, v0;
	v45 =	vld [tilespmem:s8+$0xFFFFFFE0]  }
0x386: {  	v5 =	vadd.f32 v31, v5;
	v31 =	vmul.f32 $6.000000240e-01, v40;
	v32 =	vmul.f32 $6.000000240e-01, v43  }
0x387: {  	v40 =	vmul.f32 $6.000000240e-01, v42;
	v37 =	vunpack.i.u.bf16.f32 v6;
	v6 =	vunpack.i.l.bf16.f32 v6  }
0x388: {  	v53 =	vmul.f32 $4.000000060e-01, v53;
	v47 =	vand.u32 $0x7FFFFFFF, v6;
	v6 =	vmul.f32 $6.000000240e-01, v6  }
0x389: {  	v18 =	vadd.f32 v33, v18;
	v33 =	vmul.f32 $6.000000240e-01, v36;
	v47 =	vmul.f32 $4.000000060e-01, v47  }
0x38a: {  	v24 =	vadd.f32 v34, v24;
	v32 =	vadd.f32 v53, v32;
	v53 =	vunpack.i.l.bf16.f32 v45  }
0x38b: {  	v6 =	vadd.f32 v47, v6;
	v47 =	vld [tilespmem:$0x1FFC0];
	v34 =	vunpack.i.u.bf16.f32 v45;
	v39 =	vmul.f32 v53, v26  }
0x38c: {  	v4 =	vadd.f32 v51, v4;
	v3 =	vmul.f32 $6.000000240e-01, v3;
	v51 =	vld [tilespmem:$0x1FFD0];
	v26 =	vmul.f32 v34, v26  }
0x38d: {  	v48 =	vand.u32 $0x7FFFFFFF, v37;
	v37 =	vmul.f32 $6.000000240e-01, v37;
	v33 =	vadd.f32 v55, v33;
	v55 =	vld [tilespmem:$0x1FFE0];
	[tilespmem:s9+$0xFFFFFFA0] =	vst v39  }
0x38e: {  	v19 =	vadd.f32 v49, v19;
	v48 =	vmul.f32 $4.000000060e-01, v48;
	v3 =	vadd.f32 v30, v3;
	v30 =	vld [tilespmem:$0x1FFC0];
	[tilespmem:s9+$0xFFFFFFB0] =	vst v26  }
0x38f: {  	v27 =	vadd.f32 v35, v27;
	v25 =	vadd.f32 v38, v25;
	v44 =	vmul.f32 $6.000000240e-01, v44;
	v34 =	vld [tilespmem:$0x1FFE0]  }
0x390: {  	v20 =	vmul.f32 v20, v58;
	v19 =	vmul.f32 v19, v62;
	v37 =	vadd.f32 v48, v37  }
0x391: {  	v31 =	vadd.f32 v52, v31;
	v4 =	vmul.f32 v4, v60;
	v6 =	vmul.f32 v6, v60  }
0x392: {  	v54 =	vand.u32 $0x7FFFFFFF, v42;
	v37 =	vmul.f32 v37, v61;
	v1 =	vmul.f32 v1, v47  }
0x393: {  	v54 =	vmul.f32 $4.000000060e-01, v54;
	v36 =	vadd.f32 v56, v44;
	v2 =	vmul.f32 v2, v51;
	v56 =	vld [tilespmem:$0x1FFD0]  }
0x394: {  	v0 =	vmul.f32 v0, v55;
	v1 =	vadd.f32 v1, v7;
	v7 =	vmul.f32 v23, v34;
	v23 =	vld [tilespmem:$0x1FFC0]  }
0x395: {  	v16 =	vsel vm1, v22, v16;
	v38 =	vsel vm1, v21, v17;
	v6 =	vadd.f32 v6, v37  }
0x396: {  	v40 =	vadd.f32 v54, v40;
	v28 =	vand.u32 $0x7FFFFFFF, v41;
	v0 =	vadd.f32 v2, v0  }
0x397: {  	v28 =	vmul.f32 $4.000000060e-01, v28;
	v57 =	vsel vm0, $0x0, v59;
	v46 =	vmul.f32 $6.000000240e-01, v41;
	v26 =	vld [tilespmem:$0x1FFE0]  }
0x398: {  	v0 =	vadd.f32 v0, v1;
	v35 =	vld [tilespmem:s8+$0xFFFFFFF0];
	v29 =	vmul.f32 v29, v30;
	v5 =	vmul.f32 v5, v56  }
0x399: {  	v28 =	vadd.f32 v28, v46;
	v18 =	vmul.f32 v18, v23;
	v23 =	vmul.f32 v24, v58;
	v24 =	vld [tilespmem:$0x1FFD0]  }
0x39a: {  	(xrf2) =	vadd.scan.msk.f32 $0xffff, v0;
	v20 =	vadd.f32 v29, v20;
	v5 =	vadd.f32 v5, v7;
	[tilespmem:s24+$0xFFFFFEE0] =	vst v38  }
0x39b: {  	v3 =	vmul.f32 v3, v62;
	v42 =	vsel vm1, v15, v57;
	v44 =	vmul.f32 v28, v63;
	v43 =	vld [tilespmem:s13+$0xFFFFFED0]  }
0x39c: {  	v39 =	vmul.f32 v40, v63;
	v25 =	vmul.f32 v25, v26;
	v41 =	vadd.f32 v5, v20;
	[tilespmem:s24+$0xFFFFFE50] =	vst v16  }
0x39d: {  	v26 =	vmul.f32 v32, v62;
	[tilespmem:s24+$0xFFFFFFD0] =	vst v10;
	v10 =	vld [tilespmem:s13+$0xFFFFFE50];
	v18 =	vadd.f32 v18, v23;
	v23 =	vmul.f32 v50, v63  }
0x39e: {  	v2 =	vunpack.i.u.bf16.f32 v35;
	[tilespmem:s24+$0xFFFFFF70] =	vst v42;
	(xrf2) =	vadd.scan.msk.f32 $0xffff, v41;
	v24 =	vmul.f32 v27, v24  }
0x39f: {  	v40 =	vmul.f32 v2, v14;
	v45 =	vadd.f32 v26, v39;
	v17 =	vadd.f32 v19, v23;
	v23 =	vld [tilespmem:s13+$0xFFFFFF50]  }
0x3a0: {  	v20 =	vmul.f32 v36, v61;
	[tilespmem:s24+$0xFFFFFFC0] =	vst v9;
	v48 =	vunpack.i.l.bf16.f32 v43;
	v9 =	vadd.f32 v24, v25  }
0x3a1: {  	s21 =	simm.s32 $0x3590;
	v0 =	vunpack.i.u.bf16.f32 v43;
	v24 =	vmul.f32 v31, v61;
	v5 =	vmul.f32 v48, v21  }
0x3a2: {  	s10 =	simm.s32 $0x1A90;
	v36 =	vld [tilespmem:s21+$0xFFFFFFD0];
	v0 =	vmul.f32 v21, v0;
	v46 =	vadd.f32 v9, v18;
	v9 =	vunpack.i.l.bf16.f32 v10  }
0x3a3: {  	v42 =	vld [tilespmem:s10+$0xFFFFFFB0];
	v19 =	vmul.f32 v33, v60;
	v10 =	vunpack.i.u.bf16.f32 v10;
	[tilespmem:s24+$0xFFFFFE60] =	vst v5;
	v9 =	vmul.f32 v9, v22  }
0x3a4: {  	v53, _, _ =	vpop (xrf2);
	v4 =	vadd.f32 v4, v24;
	v51 =	vunpack.i.u.bf16.f32 v23;
	[tilespmem:s24+$0xFFFFFE70] =	vst v0;
	v49 =	vmul.f32 v22, v10;
	v10 =	vld [tilespmem:s13+$0x0]  }
0x3a5: {  	v50 =	vunpack.i.l.bf16.f32 v23;
	v0 =	vmul.f32 $1.442695020e+00, v53;
	v52 =	vmul.f32 v15, v51;
	v56 =	vld [tilespmem:s13+$0xFFFFFEE0];
	[tilespmem:s24+$0xFFFFFDD0] =	vst v9  }
0x3a6: {  	v41 =	vld [tilespmem:s21+$0xFFFFFFE0];
	(xrf2) =	vadd.scan.msk.f32 $0xffff, v46;
	v2 =	vadd.f32 v45, v4;
	v4 =	vmul.f32 v50, v15;
	[tilespmem:s24+$0xFFFFFDE0] =	vst v49  }
0x3a7: {  	v3 =	vadd.f32 v3, v44;
	v25 =	vunpack.i.l.bf16.f32 v35;
	v35 =	vld [tilespmem:s10+$0xFFFFFF90];
	[tilespmem:s24+$0xFFFFFF00] =	vst v52  }
0x3a8: {  	v47 =	vadd.f32 v19, v20;
	v6 =	vadd.f32 v17, v6;
	v32, _, _ =	vpop (xrf2);
	v0 =	vbroadcast v0, $0xF;
	v54 =	vld [tilespmem:s13+$0xFFFFFE60];
	[tilespmem:s24+$0xFFFFFEF0] =	vst v4  }
0x3a9: {  	v5 =	vmul.f32 $1.442695020e+00, v32;
	v33 =	vld [tilespmem:s13+$0xFFFFFF60];
	v55 =	vunpack.i.u.bf16.f32 v10;
	v57 =	vunpack.i.l.bf16.f32 v10  }
0x3aa: {  	v9 =	vunpack.i.l.bf16.f32 v56;
	v17 =	vmul.f32 v55, v8;
	v19 =	vmul.f32 v57, v8;
	v8 =	vld [tilespmem:s10+$0xFFFFFFA0]  }
0x3ab: {  	v16 =	vmul.f32 v25, v14;
	v1 =	vadd.f32 v3, v47;
	(xrf2) =	vadd.scan.msk.f32 $0xffff, v6;
	v23 =	vmul.f32 v9, v21;
	v9 =	vld [tilespmem:s21+$0xFFFFFFF0]  }
0x3ac: {  	(xrf2) =	vadd.scan.msk.f32 $0xffff, v2;
	(erf) = vpow2.f32 v0;
	v38 =	vbroadcast v5, $0xF  }
0x3ad: {  	(xrf2) =	vadd.scan.msk.f32 $0xffff, v1;
	v1 =	vadd.bf16 v36, v35;
	v37 =	vunpack.i.l.bf16.f32 v54;
	v2 =	vunpack.i.u.bf16.f32 v54  }
0x3ae: {  	[tilespmem:s9+$0xFFFFFFC0] =	vst v16;
	v20 =	vmul.f32 v37, v22;
	v16 =	vmul.f32 v2, v22;
	v22 =	vunpack.i.l.bf16.f32 v33  }
0x3af: {  	(erf) = vpow2.f32 v38;
	v6 =	vunpack.i.u.bf16.f32 v33;
	v22 =	vmul.f32 v22, v15  }
0x3b0: {  	v46 =	vld [tilespmem:s21+$0x0];
	v15 =	vmul.f32 v6, v15;
	v39, _, _ =	vpop (xrf2);
	v5 =	vadd.bf16 v41, v8;
	v0 =	vadd.bf16 v9, v42  }
0x3b1: {  	[tilespmem:s9+$0xFFFFFFD0] =	vst v40;
	v10 =	vld [tilespmem:s10+$0xFFFFFFC0];
	v9 =	vunpack.i.u.bf16.f32 v1;
	v1 =	vunpack.i.l.bf16.f32 v1;
	v40 =	vmul.f32 $1.442695020e+00, v39  }
0x3b2: {  	v25 =	vld [tilespmem:s10+$0xFFFFFE30];
	v29 =	vmul.f32 $6.000000240e-01, v1;
	v30 =	vmul.f32 $6.000000240e-01, v9;
	v1 =	vand.u32 $0x7FFFFFFF, v1  }
0x3b3: {  	v6 =	vld [tilespmem:s21+$0xFFFFFF30];
	v9 =	vand.u32 $0x7FFFFFFF, v9;
	v27 =	vunpack.i.u.bf16.f32 v0;
	v1 =	vmul.f32 $4.000000060e-01, v1  }
0x3b4: {  	v0 =	vunpack.i.l.bf16.f32 v0;
	v9 =	vmul.f32 $4.000000060e-01, v9;
	v3 =	vbroadcast v40, $0xF  }
0x3b5: {  	v51 =	vmul.f32 $6.000000240e-01, v0;
	v52 =	vmul.f32 $6.000000240e-01, v27;
	v0 =	vand.u32 $0x7FFFFFFF, v0  }
0x3b6: {  	v27 =	vand.u32 $0x7FFFFFFF, v27;
	(erf) = vpow2.f32 v3;
	v3 =	vadd.bf16 v46, v10  }
0x3b7: {  	v0 =	vmul.f32 $4.000000060e-01, v0;
	v27 =	vmul.f32 $4.000000060e-01, v27;
	v1 =	vadd.f32 v1, v29  }
0x3b8: {  	v28 =	vld [tilespmem:s10+$0xFFFFFEC0];
	v6 =	vadd.bf16 v6, v25;
	v31 =	vunpack.i.u.bf16.f32 v3;
	v3 =	vunpack.i.l.bf16.f32 v3  }
0x3b9: {  	v25 =	vld [tilespmem:$0x1FFD0];
	v10 =	vunpack.i.u.bf16.f32 v5;
	v53 =	vmul.f32 $6.000000240e-01, v3;
	v3 =	vand.u32 $0x7FFFFFFF, v3  }
0x3ba: {  	v50 =	vmul.f32 $6.000000240e-01, v10;
	v10 =	vand.u32 $0x7FFFFFFF, v10;
	v3 =	vmul.f32 $4.000000060e-01, v3  }
0x3bb: {  	v7 =	vld [tilespmem:s21+$0xFFFFFF40];
	v9 =	vadd.f32 v9, v30;
	v5 =	vunpack.i.l.bf16.f32 v5;
	v10 =	vmul.f32 $4.000000060e-01, v10  }
0x3bc: {  	v26 =	vld [tilespmem:s21+$0xFFFFFF70];
	v49 =	vmul.f32 $6.000000240e-01, v5;
	v5 =	vand.u32 $0x7FFFFFFF, v5;
	v3 =	vadd.f32 v3, v53  }
0x3bd: {  	v1 =	vmul.f32 v1, v60;
	v5 =	vmul.f32 $4.000000060e-01, v5;
	v10 =	vadd.f32 v10, v50;
	v50 =	vld [tilespmem:$0x1FFC0]  }
0x3be: {  	v54 =	vmul.f32 $6.000000240e-01, v31;
	v31 =	vand.u32 $0x7FFFFFFF, v31;
	v3 =	vmul.f32 v3, v25;
	v25 =	vld [tilespmem:$0x1FFE0]  }
0x3bf: {  	v24 =	vld [tilespmem:s8+$0x0];
	v9 =	vmul.f32 v9, v61;
	v27 =	vadd.f32 v27, v52;
	v30 =	vmul.f32 $4.000000060e-01, v31  }
0x3c0: {  	v32 =	vld [tilespmem:s21+$0xFFFFFF80];
	v0 =	vadd.f32 v0, v51;
	v5 =	vadd.f32 v5, v49  }
0x3c1: {  	v35 =	vld [tilespmem:s10+$0xFFFFFF30];
	v1 =	vadd.f32 v1, v9;
	v9 =	vmul.f32 v27, v58;
	v30 =	vadd.f32 v30, v54  }
0x3c2: {  	v36 =	vld [tilespmem:s21+$0xFFFFFFB0];
	v5 =	vmul.f32 v5, v62;
	v10 =	vmul.f32 v10, v63  }
0x3c3: {  	v43 =	vunpack.i.u.bf16.f32 v56;
	v56 =	vld [tilespmem:s10+$0xFFFFFE20];
	v0 =	vmul.f32 v0, v50;
	v25 =	vmul.f32 v30, v25  }
0x3c4: {  	v55 =	vld [tilespmem:s21+$0xFFFFFFC0];
	v44, _, _ =	vpop (xrf2);
	v5 =	vadd.f32 v5, v10  }
0x3c5: {  	v57 =	vld [tilespmem:s21+$0xFFFFFF20];
	v4 =	vmul.f32 $1.442695020e+00, v44;
	v45, _, _ =	vpop (xrf2);
	v0 =	vadd.f32 v0, v9;
	v3 =	vadd.f32 v3, v25  }
0x3c6: {  	v8 =	vld [tilespmem:s10+$0xFFFFFEB0];
	v47, _, _ =	vpop (xrf2);
	v1 =	vadd.f32 v5, v1  }
0x3c7: {  	v39 =	vld [tilespmem:s10+$0xFFFFFF40];
	v4 =	vbroadcast v4, $0xF;
	v48 =	vmul.f32 $1.442695020e+00, v47;
	v0 =	vadd.f32 v3, v0  }
0x3c8: {  	v2 =	vmul.f32 $1.442695020e+00, v45;
	v29 =	vld [tilespmem:s10+$0xFFFFFE90];
	(xrf2) =	vadd.scan.msk.f32 $0xffff, v1  }
0x3c9: {  	(erf) = vpow2.f32 v4;
	v4 =	vbroadcast v48, $0xF;
	v48 =	vld [tilespmem:s10+$0xFFFFFEA0];
	(xrf2) =	vadd.scan.msk.f32 $0xffff, v0  }
0x3ca: {  	v2 =	vbroadcast v2, $0xF;
	v31 =	vld [tilespmem:s21+$0xFFFFFF50]  }
0x3cb: {  	v51 =	vld [tilespmem:s10+$0xFFFFFF10]  }
0x3cc: {  	v34 =	vunpack.i.u.bf16.f32 v24;
	(erf) = vpow2.f32 v2;
	v2 =	vld [tilespmem:s10+$0xFFFFFE40];
	v27 =	vadd.bf16 v36, v35  }
0x3cd: {  	v21 =	vmul.f32 v43, v21;
	v18 =	vmul.f32 v34, v14;
	v10 =	vld [tilespmem:s21+$0xFFFFFF90]  }
0x3ce: {  	v8 =	vadd.bf16 v26, v8;
	v55 =	vadd.bf16 v55, v39;
	v49 =	vld [tilespmem:s21+$0xFFFFFF60];
	v33 =	vunpack.i.u.bf16.f32 v27  }
0x3cf: {  	v27 =	vunpack.i.l.bf16.f32 v27;
	v25 =	vadd.bf16 v32, v28;
	v28 =	vadd.bf16 v31, v29  }
0x3d0: {  	(erf) = vpow2.f32 v4;
	v54 =	vadd.bf16 v57, v56;
	v40 =	vand.u32 $0x7FFFFFFF, v27  }
0x3d1: {  	v41 =	vand.u32 $0x7FFFFFFF, v33;
	v33 =	vmul.f32 $6.000000240e-01, v33;
	v2 =	vadd.bf16 v7, v2  }
0x3d2: {  	v5 =	vunpack.i.l.bf16.f32 v8;
	v30 =	vunpack.i.u.bf16.f32 v8;
	v8 =	vadd.bf16 v10, v51;
	v57, _, _ =	vpop (xrf2)  }
0x3d3: {  	v29 =	vadd.bf16 v49, v48;
	v47 =	vunpack.i.u.bf16.f32 v28;
	v48 =	vunpack.i.l.bf16.f32 v28;
	v28, _, _ =	vpop (xrf2)  }
0x3d4: {  	v50 =	vunpack.i.u.bf16.f32 v8;
	v51 =	vunpack.i.l.bf16.f32 v8;
	v8 =	vmul.f32 $1.442695020e+00, v28  }
0x3d5: {  	v43 =	vld [tilespmem:s21+$0xFFFFFF10];
	v7 =	vunpack.i.u.bf16.f32 v6;
	v46 =	vunpack.i.u.bf16.f32 v54;
	v28 =	vmul.f32 $1.442695020e+00, v57  }
0x3d6: {  	v53 =	vld [tilespmem:s10+$0xFFFFFE10];
	v11 =	vunpack.i.l.bf16.f32 v54;
	v10 =	vand.u32 $0x7FFFFFFF, v7;
	v8 =	vbroadcast v8, $0xF  }
0x3d7: {  	v26 =	vunpack.i.u.bf16.f32 v2;
	v54 =	vmul.f32 $4.000000060e-01, v10;
	v10 =	vbroadcast v28, $0xF  }
0x3d8: {  	v2 =	vunpack.i.l.bf16.f32 v2;
	v31 =	vunpack.i.u.bf16.f32 v25;
	(erf) = vpow2.f32 v8  }
0x3d9: {  	v32 =	vunpack.i.l.bf16.f32 v25;
	v25 =	vand.u32 $0x7FFFFFFF, v2;
	(erf) = vpow2.f32 v10  }
0x3da: {  	v41 =	vmul.f32 $4.000000060e-01, v41;
	v35 =	vand.u32 $0x7FFFFFFF, v26;
	v25 =	vmul.f32 $4.000000060e-01, v25  }
0x3db: {  	v26 =	vmul.f32 $6.000000240e-01, v26;
	v56 =	vadd.bf16 v43, v53;
	v7 =	vmul.f32 $6.000000240e-01, v7;
	v1 =	vpop (erf)  }
0x3dc: {  	v37 =	vand.u32 $0x7FFFFFFF, v30;
	v2 =	vmul.f32 $6.000000240e-01, v2;
	v28 =	vmul.f32 $4.000000060e-01, v35;
	v8 =	vpop (erf)  }
0x3dd: {  	v30 =	vmul.f32 $6.000000240e-01, v30;
	v37 =	vmul.f32 $4.000000060e-01, v37;
	v39 =	vand.u32 $0x7FFFFFFF, v31;
	v10 =	vpop (erf)  }
0x3de: {  	v7 =	vadd.f32 v54, v7;
	v39 =	vmul.f32 $4.000000060e-01, v39;
	v2 =	vadd.f32 v25, v2;
	v25 =	vpop (erf)  }
0x3df: {  	v38 =	vand.u32 $0x7FFFFFFF, v32;
	v32 =	vmul.f32 $6.000000240e-01, v32;
	v54 =	vadd.f32 v28, v26;
	v26 =	vpop (erf)  }
0x3e0: {  	v3 =	vunpack.i.l.bf16.f32 v55;
	v31 =	vmul.f32 $6.000000240e-01, v31;
	v38 =	vmul.f32 $4.000000060e-01, v38;
	v28 =	vpop (erf)  }
0x3e1: {  	v52 =	vld [tilespmem:s10+$0xFFFFFF20];
	v30 =	vadd.f32 v37, v30;
	v37 =	vmul.f32 $6.000000240e-01, v27;
	v42 =	vand.u32 $0x7FFFFFFF, v3;
	v27 =	vpop (erf)  }
0x3e2: {  	s14 =	simm.s32 $0x59D0;
	v9 =	vld [tilespmem:s21+$0xFFFFFFA0];
	[tilespmem:$0x1FF00] =	vst v1;
	v32 =	vadd.f32 v38, v32;
	v31 =	vadd.f32 v39, v31;
	v38 =	vsel vm0, $0x0, v27;
	v39 =	vpop (erf)  }
0x3e3: {  	v3 =	vmul.f32 $6.000000240e-01, v3;
	v42 =	vmul.f32 $4.000000060e-01, v42;
	[tilespmem:$0x1FF10] =	vst v8;
	v38 =	vsel vm1, v39, v38  }
0x3e4: {  	v34 =	vunpack.i.u.bf16.f32 v55;
	v33 =	vadd.f32 v41, v33;
	v43 =	vunpack.i.u.bf16.f32 v56;
	[tilespmem:s14+$0x0] =	vst v38  }
0x3e5: {  	v53 =	vand.u32 $0x7FFFFFFF, v43;
	v43 =	vmul.f32 $6.000000240e-01, v43;
	v3 =	vadd.f32 v42, v3;
	v42 =	vld [tilespmem:s10+$0xFFFFFFD0]  }
0x3e6: {  	v49 =	vunpack.i.u.bf16.f32 v29;
	v29 =	vunpack.i.l.bf16.f32 v29;
	v0 =	vunpack.i.l.bf16.f32 v56  }
0x3e7: {  	v12 =	vmovc v58;
	v55 =	vand.u32 $0x7FFFFFFF, v11;
	v58 =	vand.u32 $0x7FFFFFFF, v29;
	v45 =	vand.u32 $0x7FFFFFFF, v0  }
0x3e8: {  	v56 =	vand.u32 $0x7FFFFFFF, v46;
	v41 =	vmul.f32 $4.000000060e-01, v45;
	v45 =	vmul.f32 $4.000000060e-01, v53  }
0x3e9: {  	v53 =	vmul.f32 $4.000000060e-01, v55;
	v55 =	vmul.f32 $4.000000060e-01, v56;
	v57 =	vand.u32 $0x7FFFFFFF, v47  }
0x3ea: {  	v56 =	vmul.f32 $4.000000060e-01, v57;
	v57 =	vmul.f32 $4.000000060e-01, v58;
	v58 =	vunpack.i.l.bf16.f32 v42  }
0x3eb: {  	v43 =	vadd.f32 v45, v43;
	v42 =	vunpack.i.u.bf16.f32 v42;
	v45 =	vmul.f32 v58, v39  }
0x3ec: {  	v42 =	vmul.f32 v39, v42  }
0x3ed: {  	[tilespmem:s14+$0xFFFFFF80] =	vst v45  }
0x3ee: {  	v6 =	vunpack.i.l.bf16.f32 v6;
	[tilespmem:s14+$0xFFFFFF90] =	vst v42  }
0x3ef: {  	v4 =	vadd.bf16 v9, v52;
	v9 =	vand.u32 $0x7FFFFFFF, v6;
	v42 =	vsel vm0, $0x0, v8;
	v8 =	vld [tilespmem:$0x1FFC0]  }
0x3f0: {  	v6 =	vmul.f32 $6.000000240e-01, v6;
	v9 =	vmul.f32 $4.000000060e-01, v9;
	_ =	sdelay $0x1  }
0x3f1: {  	v6 =	vadd.f32 v9, v6  }
0x3f2: {  	v58 =	vmul.f32 $6.000000240e-01, v11  }
0x3f3: {  	v6 =	vmul.f32 v6, v8;
	v8 =	vld [tilespmem:$0x1FFD0]  }
0x3f4: {  	v45 =	vsel vm0, $0x0, v1;
	v1 =	vadd.f32 v53, v58;
	v58 =	vld [tilespmem:s10+$0xFFFFFFE0];
	_ =	sdelay $0x2  }
0x3f5: {  	v47 =	vmul.f32 $6.000000240e-01, v47;
	v35 =	vand.u32 $0x7FFFFFFF, v48;
	v48 =	vmul.f32 $6.000000240e-01, v48  }
0x3f6: {  	v35 =	vmul.f32 $4.000000060e-01, v35;
	v2 =	vmul.f32 v2, v8;
	v8 =	vld [tilespmem:$0x1FFE0]  }
0x3f7: {  	v47 =	vadd.f32 v56, v47;
	v56 =	vunpack.i.l.bf16.f32 v58  }
0x3f8: {  	v35 =	vadd.f32 v35, v48;
	v48 =	vmul.f32 v56, v39  }
0x3f9: {  	v29 =	vmul.f32 $6.000000240e-01, v29  }
0x3fa: {  	v36 =	vand.u32 $0x7FFFFFFF, v5;
	[tilespmem:s14+$0xFFFFFFA0] =	vst v48  }
0x3fb: {  	v29 =	vadd.f32 v57, v29;
	v57 =	vunpack.i.u.bf16.f32 v58;
	v58 =	vmul.f32 v54, v8;
	v8 =	vld [tilespmem:$0x1FFC0]  }
0x3fc: {  	v5 =	vmul.f32 $6.000000240e-01, v5;
	v36 =	vmul.f32 $4.000000060e-01, v36  }
0x3fd: {  	v44 =	vand.u32 $0x7FFFFFFF, v34;
	v39 =	vmul.f32 v57, v39  }
0x3fe: {  	v34 =	vmul.f32 $6.000000240e-01, v34;
	v44 =	vmul.f32 $4.000000060e-01, v44;
	v5 =	vadd.f32 v36, v5  }
0x3ff: {  	[tilespmem:s14+$0xFFFFFFB0] =	vst v39  }
0x400: {  	v40 =	vmul.f32 $4.000000060e-01, v40;
	v34 =	vadd.f32 v44, v34;
	v5 =	vmul.f32 v5, v8;
	v8 =	vld [tilespmem:$0x1FFE0]  }
0x401: {  	v33 =	vmul.f32 v33, v12;
	v52 =	vunpack.i.u.bf16.f32 v4;
	v4 =	vunpack.i.l.bf16.f32 v4  }
0x402: {  	v36 =	vand.u32 $0x7FFFFFFF, v49;
	v49 =	vmul.f32 $6.000000240e-01, v49;
	v7 =	vmul.f32 v7, v12  }
0x403: {  	v37 =	vadd.f32 v40, v37;
	v36 =	vmul.f32 $4.000000060e-01, v36;
	v46 =	vmul.f32 $6.000000240e-01, v46  }
0x404: {  	v40 =	vand.u32 $0x7FFFFFFF, v51;
	v51 =	vmul.f32 $6.000000240e-01, v51;
	v0 =	vmul.f32 $6.000000240e-01, v0;
	v54 =	vld [tilespmem:$0x1FFD0];
	[tilespmem:s24+$0xFFFFFDF0] =	vst v20  }
0x405: {  	v44 =	vand.u32 $0x7FFFFFFF, v52;
	v52 =	vmul.f32 $6.000000240e-01, v52;
	v31 =	vmul.f32 v31, v8;
	v8 =	vld [tilespmem:$0x1FFC0]  }
0x406: {  	v30 =	vmul.f32 v30, v12;
	v0 =	vadd.f32 v41, v0;
	v41 =	vand.u32 $0x7FFFFFFF, v4  }
0x407: {  	v4 =	vmul.f32 $6.000000240e-01, v4;
	v41 =	vmul.f32 $4.000000060e-01, v41  }
0x408: {  	v24 =	vunpack.i.l.bf16.f32 v24;
	v40 =	vmul.f32 $4.000000060e-01, v40;
	v44 =	vmul.f32 $4.000000060e-01, v44  }
0x409: {  	v36 =	vadd.f32 v36, v49;
	v0 =	vmul.f32 v0, v60;
	v4 =	vadd.f32 v41, v4;
	[tilespmem:s24+$0xFFFFFE00] =	vst v16  }
0x40a: {  	v6 =	vadd.f32 v6, v7;
	v2 =	vadd.f32 v2, v58;
	v56 =	vmul.f32 v37, v8;
	v8 =	vld [tilespmem:$0x1FFD0]  }
0x40b: {  	v40 =	vadd.f32 v40, v51;
	v4 =	vmul.f32 v4, v62;
	v29 =	vmul.f32 v29, v62  }
0x40c: {  	v38 =	vand.u32 $0x7FFFFFFF, v50;
	v2 =	vadd.f32 v2, v6;
	v7 =	vmul.f32 v32, v54  }
0x40d: {  	v46 =	vadd.f32 v55, v46;
	v50 =	vmul.f32 $6.000000240e-01, v50;
	v38 =	vmul.f32 $4.000000060e-01, v38;
	v20 =	vld [tilespmem:s10+$0xFFFFFFF0]  }
0x40e: {  	(xrf2) =	vadd.scan.msk.f32 $0xffff, v2;
	v5 =	vadd.f32 v5, v30;
	v7 =	vadd.f32 v7, v31;
	v37 =	vmul.f32 v40, v60;
	v40 =	vld [tilespmem:s13+$0xFFFFFE70]  }
0x40f: {  	v55 =	vsel vm0, $0x0, v10;
	v1 =	vmul.f32 v1, v62;
	v3 =	vmul.f32 v3, v8;
	v8 =	vld [tilespmem:$0x1FFE0];
	[tilespmem:s24+$0xFFFFFE80] =	vst v23  }
0x410: {  	v30 =	vsel vm1, v25, v45;
	v31 =	vmul.f32 v46, v63;
	v5 =	vadd.f32 v7, v5;
	[tilespmem:s24+$0xFFFFFE90] =	vst v21  }
0x411: {  	v38 =	vadd.f32 v38, v50;
	v53 =	vadd.f32 v44, v52;
	v57 =	vsel vm1, v26, v42;
	[tilespmem:s9+$0xFFFFFE50] =	vst v30  }
0x412: {  	v1 =	vadd.f32 v1, v31;
	(xrf2) =	vadd.scan.msk.f32 $0xffff, v5;
	v23 =	vmul.f32 v43, v61;
	[tilespmem:s24+$0xFFFFFF10] =	vst v22  }
0x413: {  	v21 =	vadd.f32 v56, v33;
	v22 =	vmul.f32 v47, v61;
	v30 =	vunpack.i.l.bf16.f32 v20;
	[tilespmem:s9+$0xFFFFFEE0] =	vst v57  }
0x414: {  	v20 =	vunpack.i.u.bf16.f32 v20;
	[tilespmem:s24+$0xFFFFFF20] =	vst v15;
	v15 =	vmul.f32 v36, v63;
	v7 =	vunpack.i.u.bf16.f32 v40;
	v58 =	vld [tilespmem:s8+$0xFFFFFE50]  }
0x415: {  	v30 =	vmul.f32 v30, v27;
	v32 =	vld [tilespmem:s8+$0xFFFFFED0];
	v0 =	vadd.f32 v0, v23;
	v23 =	vsel vm1, v28, v55  }
0x416: {  	v48 =	vunpack.i.l.bf16.f32 v40;
	v20 =	vmul.f32 v20, v27;
	v47 =	vld [tilespmem:s13+$0xFFFFFF70];
	v7 =	vmul.f32 v7, v13;
	[tilespmem:s9+$0xFFFFFF70] =	vst v23  }
0x417: {  	s21 =	simm.s32 $0x1C90;
	v15 =	vadd.f32 v29, v15;
	v23 =	vmul.f32 v38, v61;
	[tilespmem:s14+$0xFFFFFFC0] =	vst v30;
	v30 =	vmul.f32 v53, v63  }
0x418: {  	v41 =	vld [tilespmem:s21+$0xFFFFFFA0];
	v53, _, _ =	vpop (xrf2);
	v0 =	vadd.f32 v1, v0;
	v1 =	vmul.f32 v48, v13;
	v16 =	vmul.f32 v34, v8  }
0x419: {  	v57 =	vld [tilespmem:s21+$0xFFFFFF90];
	[tilespmem:s14+$0xFFFFFFD0] =	vst v20;
	v5 =	vmul.f32 $1.442695020e+00, v53;
	v44 =	vadd.f32 v37, v23;
	v4 =	vadd.f32 v4, v30  }
0x41a: {  	s4 =	simm.s32 $0x3690;
	v45 =	vld [tilespmem:s10+$0x0];
	v39 =	vunpack.i.l.bf16.f32 v58;
	v3 =	vadd.f32 v3, v16;
	v16 =	vmul.f32 v35, v60  }
0x41b: {  	[tilespmem:s24+$0xFFFFFE20] =	vst v7;
	v20 =	vunpack.i.u.bf16.f32 v58;
	v42 =	vunpack.i.l.bf16.f32 v32;
	v54 =	vunpack.i.l.bf16.f32 v47;
	v58 =	vld [tilespmem:s4+$0xFFFFFFD0]  }
0x41c: {  	[tilespmem:s24+$0xFFFFFE10] =	vst v1;
	v5 =	vbroadcast v5, $0xF;
	v2 =	vmul.f32 v39, v25;
	v16 =	vadd.f32 v16, v22;
	v22 =	vld [tilespmem:s8+$0xFFFFFF50]  }
0x41d: {  	v56, _, _ =	vpop (xrf2);
	v20 =	vmul.f32 v25, v20;
	v43 =	vmul.f32 v42, v26;
	v55 =	vld [tilespmem:s13+$0xFFFFFE80];
	v3 =	vadd.f32 v3, v21  }
0x41e: {  	v4 =	vadd.f32 v4, v44;
	v7 =	vmul.f32 $1.442695020e+00, v56;
	v44 =	vld [tilespmem:s4+$0xFFFFFFE0];
	v21 =	vunpack.i.u.bf16.f32 v32;
	[tilespmem:s9+$0xFFFFFDD0] =	vst v2  }
0x41f: {  	(erf) = vpow2.f32 v5;
	[tilespmem:s9+$0xFFFFFDE0] =	vst v20;
	v20 =	vld [tilespmem:s13+$0xFFFFFEF0];
	v21 =	vmul.f32 v26, v21;
	(xrf2) =	vadd.scan.msk.f32 $0xffff, v3  }
0x420: {  	[tilespmem:s9+$0xFFFFFE60] =	vst v43;
	v51 =	vunpack.i.u.bf16.f32 v45;
	v2 =	vunpack.i.u.bf16.f32 v47;
	v6 =	vunpack.i.l.bf16.f32 v45;
	v47 =	vld [tilespmem:s4+$0xFFFFFFF0]  }
0x421: {  	v42 =	vbroadcast v7, $0xF;
	v49 =	vld [tilespmem:s8+$0xFFFFFE60];
	[tilespmem:s9+$0xFFFFFE70] =	vst v21;
	(xrf2) =	vadd.scan.msk.f32 $0xffff, v0;
	v23 =	vunpack.i.l.bf16.f32 v22  }
0x422: {  	v21 =	vmul.f32 v24, v14;
	v14 =	vld [tilespmem:s8+$0xFFFFFEE0];
	v46 =	vunpack.i.u.bf16.f32 v22;
	v22 =	vmul.f32 v23, v28  }
0x423: {  	v50 =	vadd.f32 v15, v16;
	(erf) = vpow2.f32 v42;
	v3 =	vmul.f32 v28, v46;
	v46 =	vld [tilespmem:s21+$0xFFFFFFB0]  }
0x424: {  	v24 =	vmul.f32 v54, v59;
	v36 =	vunpack.i.u.bf16.f32 v55;
	v52 =	vunpack.i.u.bf16.f32 v20;
	[tilespmem:s9+$0xFFFFFEF0] =	vst v22  }
0x425: {  	v15 =	vunpack.i.l.bf16.f32 v20;
	v20 =	vmul.f32 v6, v27;
	v6 =	vadd.bf16 v44, v41;
	[tilespmem:s9+$0xFFFFFF00] =	vst v3  }
0x426: {  	v11 =	vmovc v12;
	v23 =	vmul.f32 v51, v27;
	v40 =	vunpack.i.u.bf16.f32 v49;
	v0 =	vunpack.i.l.bf16.f32 v49;
	v12 =	vld [tilespmem:$0x1FEF0]  }
0x427: {  	v51 =	vadd.bf16 v58, v57;
	v31 =	vmul.f32 v0, v25;
	v22 =	vmul.f32 v2, v59;
	v16 =	vld [tilespmem:s8+$0xFFFFFF60]  }
0x428: {  	v49 =	vld [tilespmem:s4+$0x0];
	v45 =	vunpack.i.u.bf16.f32 v14;
	v14 =	vunpack.i.l.bf16.f32 v14;
	v2 =	vadd.bf16 v47, v46  }
0x429: {  	v30 =	vmul.f32 v40, v25;
	v3 =	vunpack.i.l.bf16.f32 v55;
	v25 =	vmul.f32 v14, v26;
	v14 =	vld [tilespmem:s21+$0xFFFFFFC0];
	v43, _, _ =	vpop (xrf2)  }
0x42a: {  	v26 =	vmul.f32 v45, v26;
	v7 =	vmul.f32 $1.442695020e+00, v43;
	v32 =	vunpack.i.u.bf16.f32 v2  }
0x42b: {  	v27, _, _ =	vpop (xrf2);
	v2 =	vunpack.i.l.bf16.f32 v2;
	v15 =	vmul.f32 v15, v12;
	v1 =	vmul.f32 v52, v12  }
0x42c: {  	v48 =	vunpack.i.u.bf16.f32 v16;
	v16 =	vunpack.i.l.bf16.f32 v16;
	v29 =	vmul.f32 $1.442695020e+00, v27  }
0x42d: {  	v56 =	vmul.f32 $6.000000240e-01, v2;
	v57 =	vmul.f32 $6.000000240e-01, v32;
	v2 =	vand.u32 $0x7FFFFFFF, v2;
	[tilespmem:s24+$0xFFFFFEA0] =	vst v15  }
0x42e: {  	v32 =	vand.u32 $0x7FFFFFFF, v32;
	v27 =	vmul.f32 v16, v28;
	v0 =	vadd.bf16 v49, v14;
	[tilespmem:s24+$0xFFFFFEB0] =	vst v1  }
0x42f: {  	v14 =	vunpack.i.u.bf16.f32 v51;
	v16 =	vunpack.i.u.bf16.f32 v6;
	v2 =	vmul.f32 $4.000000060e-01, v2;
	v8 =	vld [tilespmem:$0x1FFC0]  }
0x430: {  	v38 =	vld [tilespmem:s4+$0xFFFFFF40];
	(xrf2) =	vadd.scan.msk.f32 $0xffff, v50;
	v6 =	vunpack.i.l.bf16.f32 v6;
	v32 =	vmul.f32 $4.000000060e-01, v32;
	v50 =	vbroadcast v29, $0xF  }
0x431: {  	v37 =	vld [tilespmem:s21+$0xFFFFFE40];
	v29 =	vmul.f32 v48, v28;
	v28 =	vmul.f32 v3, v13;
	v3 =	vunpack.i.l.bf16.f32 v51  }
0x432: {  	v39 =	vld [tilespmem:s4+$0xFFFFFF10];
	v52 =	vmul.f32 $6.000000240e-01, v14;
	v54 =	vmul.f32 $6.000000240e-01, v6;
	v2 =	vadd.f32 v2, v56  }
0x433: {  	v42 =	vld [tilespmem:s4+$0xFFFFFF70];
	v55 =	vmul.f32 $6.000000240e-01, v16;
	v53 =	vunpack.i.u.bf16.f32 v0;
	v0 =	vunpack.i.l.bf16.f32 v0  }
0x434: {  	v58 =	vmul.f32 $6.000000240e-01, v0;
	v0 =	vand.u32 $0x7FFFFFFF, v0;
	v2 =	vmul.f32 v2, v8;
	v8 =	vld [tilespmem:$0x1FFD0]  }
0x435: {  	(xrf2) =	vadd.scan.msk.f32 $0xffff, v4;
	v4 =	vld [tilespmem:s4+$0xFFFFFF80];
	v14 =	vand.u32 $0x7FFFFFFF, v14;
	v6 =	vand.u32 $0x7FFFFFFF, v6;
	v0 =	vmul.f32 $4.000000060e-01, v0  }
0x436: {  	v44 =	vld [tilespmem:s21+$0xFFFFFE90];
	v16 =	vand.u32 $0x7FFFFFFF, v16;
	v33 =	vmul.f32 $6.000000240e-01, v3;
	v3 =	vand.u32 $0x7FFFFFFF, v3  }
0x437: {  	v40 =	vld [tilespmem:s21+$0xFFFFFE20];
	v14 =	vmul.f32 $4.000000060e-01, v14;
	v6 =	vmul.f32 $4.000000060e-01, v6;
	v0 =	vadd.f32 v0, v58  }
0x438: {  	v9 =	vmovc v59;
	v45 =	vld [tilespmem:s21+$0xFFFFFEC0];
	v16 =	vmul.f32 $4.000000060e-01, v16;
	v32 =	vadd.f32 v32, v57;
	v59 =	vmul.f32 $6.000000240e-01, v53  }
0x439: {  	v3 =	vmul.f32 $4.000000060e-01, v3;
	v35 =	vand.u32 $0x7FFFFFFF, v53;
	v0 =	vmul.f32 v0, v8;
	v8 =	vld [tilespmem:$0x1FFE0]  }
0x43a: {  	v47 =	vld [tilespmem:s21+$0xFFFFFE10];
	v14 =	vadd.f32 v14, v52;
	v6 =	vadd.f32 v6, v54;
	v54 =	vmul.f32 $4.000000060e-01, v35  }
0x43b: {  	v43 =	vld [tilespmem:s4+$0xFFFFFF20];
	v7 =	vbroadcast v7, $0xF;
	v16 =	vadd.f32 v16, v55;
	v3 =	vadd.f32 v3, v33  }
0x43c: {  	v49 =	vld [tilespmem:s4+$0xFFFFFFB0];
	v14 =	vmul.f32 v14, v61;
	v6 =	vmul.f32 v6, v62;
	v33 =	vadd.f32 v54, v59  }
0x43d: {  	v48 =	vld [tilespmem:s21+$0xFFFFFF30];
	v16 =	vmul.f32 v16, v63;
	v3 =	vmul.f32 v3, v60  }
0x43e: {  	v51 =	vld [tilespmem:s4+$0xFFFFFFC0];
	v32 =	vmul.f32 v32, v11;
	v33 =	vmul.f32 v33, v8  }
0x43f: {  	v5 =	vld [tilespmem:s13+$0xFFFFFF00];
	v6 =	vadd.f32 v6, v16;
	v3 =	vadd.f32 v3, v14  }
0x440: {  	(erf) = vpow2.f32 v7;
	v7 =	vld [tilespmem:s21+$0xFFFFFE30];
	v2 =	vadd.f32 v2, v32;
	v0 =	vadd.f32 v0, v33  }
0x441: {  	v15, _, _ =	vpop (xrf2);
	(erf) = vpow2.f32 v50;
	v50 =	vld [tilespmem:s21+$0xFFFFFF40];
	v3 =	vadd.f32 v6, v3  }
0x442: {  	v1 =	vmul.f32 $1.442695020e+00, v15;
	v15 =	vld [tilespmem:s4+$0xFFFFFF30];
	v35 =	vmul.f32 v36, v13;
	v13, _, _ =	vpop (xrf2);
	v0 =	vadd.f32 v0, v2  }
0x443: {  	v56 =	vld [tilespmem:s4+$0xFFFFFF50];
	v13 =	vmul.f32 $1.442695020e+00, v13;
	(xrf2) =	vadd.scan.msk.f32 $0xffff, v3  }
0x444: {  	v4 =	vadd.bf16 v4, v45;
	v53 =	vadd.bf16 v38, v37;
	v52 =	vld [tilespmem:s21+$0xFFFFFF20];
	v1 =	vbroadcast v1, $0xF;
	(xrf2) =	vadd.scan.msk.f32 $0xffff, v0  }
0x445: {  	v54 =	vld [tilespmem:s4+$0xFFFFFFA0];
	v55 =	vunpack.i.u.bf16.f32 v5;
	v5 =	vunpack.i.l.bf16.f32 v5;
	v59 =	vbroadcast v13, $0xF  }
0x446: {  	v41 =	vld [tilespmem:s21+$0xFFFFFEB0];
	v34 =	vmul.f32 v55, v12;
	v16 =	vadd.bf16 v49, v48;
	v55 =	vadd.bf16 v51, v50  }
0x447: {  	v57 =	vld [tilespmem:s21+$0xFFFFFEA0];
	(erf) = vpow2.f32 v1;
	v1 =	vadd.bf16 v39, v47;
	v7 =	vadd.bf16 v15, v7  }
0x448: {  	v58 =	vld [tilespmem:s21+$0xFFFFFF10];
	(erf) = vpow2.f32 v59;
	v15 =	vunpack.i.u.bf16.f32 v53;
	v32 =	vadd.bf16 v43, v40  }
0x449: {  	v14 =	vld [tilespmem:s4+$0xFFFFFF60];
	v40 =	vadd.bf16 v56, v44;
	v43 =	vunpack.i.u.bf16.f32 v55;
	v38 =	vunpack.i.l.bf16.f32 v55  }
0x44a: {  	v13 =	vld [tilespmem:s4+$0xFFFFFF90];
	v6 =	vunpack.i.u.bf16.f32 v7;
	v7 =	vunpack.i.l.bf16.f32 v7;
	v37 =	vadd.bf16 v54, v52  }
0x44b: {  	v52 =	vand.u32 $0x7FFFFFFF, v38;
	v54 =	vand.u32 $0x7FFFFFFF, v43;
	v38 =	vmul.f32 $6.000000240e-01, v38  }
0x44c: {  	v55 =	vunpack.i.u.bf16.f32 v32;
	v43 =	vmul.f32 $6.000000240e-01, v43;
	v52 =	vmul.f32 $4.000000060e-01, v52  }
0x44d: {  	v3 =	vunpack.i.l.bf16.f32 v53;
	v53 =	vunpack.i.u.bf16.f32 v1;
	v1 =	vunpack.i.l.bf16.f32 v1;
	v56, _, _ =	vpop (xrf2)  }
0x44e: {  	v33 =	vmul.f32 v5, v12;
	v12 =	vadd.bf16 v42, v41;
	v41 =	vadd.bf16 v14, v57;
	v57, _, _ =	vpop (xrf2)  }
0x44f: {  	v5 =	vadd.bf16 v13, v58;
	v42 =	vunpack.i.u.bf16.f32 v4;
	v50 =	vmul.f32 $1.442695020e+00, v57  }
0x450: {  	v13 =	vand.u32 $0x7FFFFFFF, v6;
	v6 =	vmul.f32 $6.000000240e-01, v6;
	v46 =	vmul.f32 $1.442695020e+00, v56  }
0x451: {  	v14 =	vand.u32 $0x7FFFFFFF, v3;
	v3 =	vmul.f32 $6.000000240e-01, v3;
	v50 =	vbroadcast v50, $0xF  }
0x452: {  	v36 =	vunpack.i.u.bf16.f32 v12;
	v56 =	vmul.f32 $4.000000060e-01, v13;
	v13 =	vbroadcast v46, $0xF  }
0x453: {  	v39 =	vunpack.i.l.bf16.f32 v12;
	v12 =	vand.u32 $0x7FFFFFFF, v7;
	(erf) = vpow2.f32 v50  }
0x454: {  	v4 =	vunpack.i.l.bf16.f32 v4;
	v12 =	vmul.f32 $4.000000060e-01, v12;
	(erf) = vpow2.f32 v13  }
0x455: {  	v47 =	vand.u32 $0x7FFFFFFF, v4;
	v48 =	vand.u32 $0x7FFFFFFF, v42;
	v4 =	vmul.f32 $6.000000240e-01, v4  }
0x456: {  	v2 =	vunpack.i.l.bf16.f32 v16;
	v7 =	vmul.f32 $6.000000240e-01, v7;
	v57 =	vmul.f32 $4.000000060e-01, v14;
	v14 =	vpop (erf)  }
0x457: {  	v0 =	vunpack.i.u.bf16.f32 v16;
	v16 =	vand.u32 $0x7FFFFFFF, v15;
	v15 =	vmul.f32 $6.000000240e-01, v15;
	v13 =	vpop (erf)  }
0x458: {  	v45 =	vand.u32 $0x7FFFFFFF, v36;
	v36 =	vmul.f32 $6.000000240e-01, v36;
	v7 =	vadd.f32 v12, v7;
	v12 =	vpop (erf)  }
0x459: {  	v48 =	vmul.f32 $4.000000060e-01, v48;
	v58 =	vmul.f32 $4.000000060e-01, v16;
	v46 =	vunpack.i.l.bf16.f32 v32;
	v32 =	vpop (erf)  }
0x45a: {  	v38 =	vadd.f32 v52, v38;
	v42 =	vmul.f32 $6.000000240e-01, v42;
	v45 =	vmul.f32 $4.000000060e-01, v45;
	v16 =	vpop (erf)  }
0x45b: {  	v59 =	vunpack.i.u.bf16.f32 v41;
	v6 =	vadd.f32 v56, v6;
	v56 =	vadd.f32 v58, v15;
	v15 =	vpop (erf)  }
0x45c: {  	v47 =	vmul.f32 $4.000000060e-01, v47;
	v44 =	vand.u32 $0x7FFFFFFF, v39;
	v45 =	vadd.f32 v45, v36;
	v36 =	vpop (erf)  }
0x45d: {  	v42 =	vadd.f32 v48, v42;
	v3 =	vadd.f32 v57, v3;
	v57 =	vsel vm0, $0x0, v36;
	v48 =	vpop (erf)  }
0x45e: {  	s17 =	simm.s32 $0x5C10;
	v49 =	vand.u32 $0x7FFFFFFF, v2;
	v4 =	vadd.f32 v47, v4;
	v47 =	vsel vm1, v48, v57  }
0x45f: {  	v39 =	vmul.f32 $6.000000240e-01, v39;
	v44 =	vmul.f32 $4.000000060e-01, v44;
	v51 =	vand.u32 $0x7FFFFFFF, v0;
	[tilespmem:s17+$0x0] =	vst v47  }
0x460: {  	v41 =	vunpack.i.l.bf16.f32 v41;
	v0 =	vmul.f32 $6.000000240e-01, v0;
	v51 =	vmul.f32 $4.000000060e-01, v51;
	v47 =	vld [tilespmem:s21+$0xFFFFFFD0]  }
0x461: {  	v2 =	vmul.f32 $6.000000240e-01, v2;
	v39 =	vadd.f32 v44, v39;
	v58 =	vand.u32 $0x7FFFFFFF, v1  }
0x462: {  	v1 =	vmul.f32 $6.000000240e-01, v1;
	v44 =	vmul.f32 $4.000000060e-01, v58;
	v0 =	vadd.f32 v51, v0  }
0x463: {  	v51 =	vand.u32 $0x7FFFFFFF, v53;
	v58 =	vmul.f32 $4.000000060e-01, v54;
	v53 =	vmul.f32 $6.000000240e-01, v53  }
0x464: {  	v51 =	vmul.f32 $4.000000060e-01, v51;
	v1 =	vadd.f32 v44, v1;
	v57 =	vand.u32 $0x7FFFFFFF, v46  }
0x465: {  	v43 =	vadd.f32 v58, v43;
	v44 =	vmul.f32 $4.000000060e-01, v57;
	v57 =	vunpack.i.l.bf16.f32 v47  }
0x466: {  	v51 =	vadd.f32 v51, v53;
	v47 =	vunpack.i.u.bf16.f32 v47;
	v53 =	vmul.f32 v57, v48  }
0x467: {  	v58 =	vand.u32 $0x7FFFFFFF, v55;
	v46 =	vmul.f32 $6.000000240e-01, v46;
	v47 =	vmul.f32 v48, v47  }
0x468: {  	v54 =	vmul.f32 $6.000000240e-01, v55;
	v52 =	vmul.f32 $4.000000060e-01, v58;
	v50 =	vunpack.i.u.bf16.f32 v40;
	[tilespmem:s17+$0xFFFFFF80] =	vst v53  }
0x469: {  	v49 =	vmul.f32 $4.000000060e-01, v49;
	v44 =	vadd.f32 v44, v46;
	v46 =	vand.u32 $0x7FFFFFFF, v50;
	[tilespmem:s17+$0xFFFFFF90] =	vst v47  }
0x46a: {  	v52 =	vadd.f32 v52, v54;
	v50 =	vmul.f32 $6.000000240e-01, v50;
	v46 =	vmul.f32 $4.000000060e-01, v46;
	v54 =	vld [tilespmem:$0x1FFD0]  }
0x46b: {  	v2 =	vadd.f32 v49, v2;
	v6 =	vmul.f32 v6, v11;
	v40 =	vunpack.i.l.bf16.f32 v40;
	[tilespmem:s24+$0xFFFFFFF0] =	vst v17;
	v47 =	vld [tilespmem:s21+$0xFFFFFFE0]  }
0x46c: {  	v55 =	vand.u32 $0x7FFFFFFF, v59;
	v58 =	vand.u32 $0x7FFFFFFF, v40;
	v46 =	vadd.f32 v46, v50;
	[tilespmem:s24+$0xFFFFFFE0] =	vst v19  }
0x46d: {  	v50 =	vmul.f32 $4.000000060e-01, v55;
	v57 =	vmul.f32 $4.000000060e-01, v58;
	v58 =	vand.u32 $0x7FFFFFFF, v41;
	[tilespmem:s9+$0xFFFFFFF0] =	vst v18  }
0x46e: {  	v49 =	vunpack.i.u.bf16.f32 v5;
	v17 =	vmul.f32 $4.000000060e-01, v58;
	v58 =	vmul.f32 $6.000000240e-01, v59;
	[tilespmem:s9+$0xFFFFFFE0] =	vst v21  }
0x46f: {  	v5 =	vunpack.i.l.bf16.f32 v5;
	v0 =	vmul.f32 v0, v11;
	v41 =	vmul.f32 $6.000000240e-01, v41;
	[tilespmem:s14+$0xFFFFFFF0] =	vst v23  }
0x470: {  	v40 =	vmul.f32 $6.000000240e-01, v40;
	v23 =	vadd.f32 v50, v58;
	v50 =	vld [tilespmem:$0x1FFC0];
	[tilespmem:s9+$0xFFFFFDF0] =	vst v31;
	v55 =	vunpack.i.l.bf16.f32 v47  }
0x471: {  	v17 =	vadd.f32 v17, v41;
	[tilespmem:s24+$0xFFFFFF30] =	vst v24;
	v47 =	vunpack.i.u.bf16.f32 v47;
	v41 =	vmul.f32 v55, v48  }
0x472: {  	v1 =	vmul.f32 v1, v60;
	v40 =	vadd.f32 v57, v40;
	[tilespmem:s9+$0xFFFFFE00] =	vst v30;
	v47 =	vmul.f32 v47, v48  }
0x473: {  	v57 =	vand.u32 $0x7FFFFFFF, v49;
	v49 =	vmul.f32 $6.000000240e-01, v49;
	v19 =	vunpack.i.u.bf16.f32 v37;
	[tilespmem:s17+$0xFFFFFFA0] =	vst v41  }
0x474: {  	v18 =	vand.u32 $0x7FFFFFFF, v5;
	v21 =	vunpack.i.l.bf16.f32 v37;
	v5 =	vmul.f32 $6.000000240e-01, v5;
	[tilespmem:s17+$0xFFFFFFB0] =	vst v47  }
0x475: {  	v59 =	vmul.f32 $4.000000060e-01, v57;
	v18 =	vmul.f32 $4.000000060e-01, v18;
	v57 =	vand.u32 $0x7FFFFFFF, v19;
	v8 =	vld [tilespmem:$0x1FFE0]  }
0x476: {  	v19 =	vmul.f32 $6.000000240e-01, v19;
	v31 =	vand.u32 $0x7FFFFFFF, v21;
	v21 =	vmul.f32 $6.000000240e-01, v21  }
0x477: {  	v24 =	vadd.f32 v59, v49;
	v58 =	vmul.f32 v45, v11;
	v31 =	vmul.f32 $4.000000060e-01, v31  }
0x478: {  	v5 =	vadd.f32 v18, v5;
	v18 =	vmul.f32 $4.000000060e-01, v57;
	v17 =	vmul.f32 v17, v62;
	v47 =	vld [tilespmem:$0x1FFE0]  }
0x479: {  	v23 =	vmul.f32 v23, v63;
	v24 =	vmul.f32 v24, v61  }
0x47a: {  	v21 =	vadd.f32 v31, v21;
	v3 =	vmul.f32 v3, v54;
	[tilespmem:s24+$0xFFFFFF40] =	vst v22;
	v30 =	vmul.f32 v56, v8  }
0x47b: {  	v18 =	vadd.f32 v18, v19;
	v4 =	vmul.f32 v4, v54;
	v5 =	vmul.f32 v5, v60;
	v31 =	vld [tilespmem:s21+$0xFFFFFFF0];
	[tilespmem:s9+$0xFFFFFE80] =	vst v25  }
0x47c: {  	v7 =	vmul.f32 v7, v50;
	v19 =	vmul.f32 v39, v50;
	v3 =	vadd.f32 v3, v30;
	v30 =	vld [tilespmem:$0x1FF00];
	[tilespmem:s9+$0xFFFFFE90] =	vst v26  }
0x47d: {  	v17 =	vadd.f32 v17, v23;
	v23 =	vsel vm0, $0x0, v12;
	v22 =	vmul.f32 v42, v47;
	[tilespmem:s9+$0xFFFFFF10] =	vst v27  }
0x47e: {  	v21 =	vmul.f32 v21, v62;
	v6 =	vadd.f32 v7, v6;
	v7 =	vadd.f32 v19, v58;
	[tilespmem:s9+$0xFFFFFF20] =	vst v29  }
0x47f: {  	v19 =	vmul.f32 v38, v54;
	v4 =	vadd.f32 v4, v22;
	v22 =	vmul.f32 v43, v47;
	[tilespmem:s24+$0xFFFFFE30] =	vst v28  }
0x480: {  	v18 =	vmul.f32 v18, v63;
	v25 =	vmul.f32 v51, v61;
	v29 =	vunpack.i.u.bf16.f32 v31;
	[tilespmem:s24+$0xFFFFFE40] =	vst v35  }
0x481: {  	v2 =	vmul.f32 v2, v50;
	v59 =	vadd.f32 v19, v22;
	v19 =	vmul.f32 v29, v36;
	v29 =	vld [tilespmem:$0x1FF10];
	[tilespmem:s24+$0xFFFFFEC0] =	vst v33  }
0x482: {  	v18 =	vadd.f32 v21, v18;
	v21 =	vsel vm1, v15, v23;
	v1 =	vadd.f32 v1, v25;
	[tilespmem:s24+$0xFFFFFED0] =	vst v34  }
0x483: {  	v25 =	vsel vm0, $0x0, v14;
	v26 =	vmul.f32 v44, v62;
	v28 =	vmul.f32 v52, v63;
	v38 =	vld [tilespmem:s8+$0xFFFFFEF0];
	[tilespmem:s14+$0xFFFFFF70] =	vst v21  }
0x484: {  	v5 =	vadd.f32 v5, v24;
	v27 =	vunpack.i.l.bf16.f32 v31;
	v43 =	vld [tilespmem:s8+$0xFFFFFF70];
	[tilespmem:s17+$0xFFFFFFD0] =	vst v19;
	v19 =	vsel vm1, v32, v25  }
0x485: {  	v27 =	vmul.f32 v27, v36;
	v22 =	vadd.f32 v26, v28;
	v26 =	vmul.f32 v40, v60;
	v40 =	vld [tilespmem:s13+$0xFFFFFF80];
	[tilespmem:s14+$0xFFFFFE50] =	vst v19  }
0x486: {  	v0 =	vadd.f32 v2, v0;
	v3 =	vadd.f32 v3, v6;
	[tilespmem:s14+$0xFFFFFFE0] =	vst v20;
	v25 =	vsel vm0, $0x0, v13;
	v35 =	vld [tilespmem:s10+$0xFFFFFE50]  }
0x487: {  	v4 =	vadd.f32 v4, v7;
	[tilespmem:s17+$0xFFFFFFC0] =	vst v27;
	v27 =	vmul.f32 v46, v61;
	v25 =	vsel vm1, v16, v25  }
0x488: {  	v5 =	vadd.f32 v18, v5;
	v20 =	vld [tilespmem:s10+$0xFFFFFF50];
	(xrf2) =	vadd.scan.msk.f32 $0xffff, v3;
	v0 =	vadd.f32 v59, v0;
	[tilespmem:s14+$0xFFFFFEE0] =	vst v25  }
0x489: {  	v1 =	vadd.f32 v22, v1;
	v26 =	vadd.f32 v26, v27;
	(xrf2) =	vadd.scan.msk.f32 $0xffff, v4;
	v2 =	vunpack.i.l.bf16.f32 v38;
	v37 =	vld [tilespmem:s10+$0xFFFFFED0]  }
0x48a: {  	(xrf2) =	vadd.scan.msk.f32 $0xffff, v0;
	v23 =	vunpack.i.u.bf16.f32 v38;
	v52 =	vunpack.i.l.bf16.f32 v43;
	v2 =	vmul.f32 v2, v29  }
0x48b: {  	v53 =	vmovc v11;
	v19 =	vld [tilespmem:s21+$0x0];
	(xrf2) =	vadd.scan.msk.f32 $0xffff, v1;
	v45 =	vunpack.i.u.bf16.f32 v40;
	v11 =	vmul.f32 v23, v29;
	v21 =	vunpack.i.l.bf16.f32 v35  }
0x48c: {  	v25 =	vld [tilespmem:s8+$0xFFFFFE70];
	v4 =	vunpack.i.l.bf16.f32 v40;
	[tilespmem:s9+$0xFFFFFEA0] =	vst v2;
	v6 =	vunpack.i.u.bf16.f32 v35;
	v21 =	vmul.f32 v21, v32  }
0x48d: {  	v44 =	vunpack.i.l.bf16.f32 v20;
	v20 =	vunpack.i.u.bf16.f32 v20;
	[tilespmem:s9+$0xFFFFFEB0] =	vst v11;
	v6 =	vmul.f32 v32, v6  }
0x48e: {  	v22 =	vmul.f32 v4, v9;
	v1 =	vmul.f32 v44, v15;
	v42 =	vunpack.i.l.bf16.f32 v37;
	[tilespmem:s14+$0xFFFFFDD0] =	vst v21  }
0x48f: {  	v24 =	vmul.f32 v15, v20;
	v3 =	vunpack.i.u.bf16.f32 v37;
	v0 =	vmul.f32 v42, v16;
	[tilespmem:s14+$0xFFFFFDE0] =	vst v6  }
0x490: {  	v39 =	vunpack.i.u.bf16.f32 v19;
	v48 =	vunpack.i.l.bf16.f32 v19;
	[tilespmem:s14+$0xFFFFFEF0] =	vst v1;
	v3 =	vmul.f32 v16, v3;
	v46 =	vld [tilespmem:s10+$0xFFFFFE60]  }
0x491: {  	v19 =	vmul.f32 v52, v10;
	v7 =	vmul.f32 v39, v36;
	v18 =	vunpack.i.l.bf16.f32 v25;
	[tilespmem:s14+$0xFFFFFE60] =	vst v0  }
0x492: {  	v41 =	vunpack.i.u.bf16.f32 v25;
	v20 =	vmul.f32 v48, v36;
	v18 =	vmul.f32 v18, v30;
	v49, _, _ =	vpop (xrf2);
	[tilespmem:s14+$0xFFFFFE70] =	vst v3  }
0x493: {  	[tilespmem:s17+$0xFFFFFFF0] =	vst v7;
	v7 =	vmul.f32 v41, v30;
	v6 =	vunpack.i.u.bf16.f32 v43;
	v0 =	vmul.f32 $1.442695020e+00, v49;
	v51 =	vld [tilespmem:s10+$0xFFFFFEE0]  }
0x494: {  	v17 =	vadd.f32 v17, v26;
	v21 =	vmul.f32 v45, v9;
	[tilespmem:s9+$0xFFFFFE10] =	vst v18;
	v55, _, _ =	vpop (xrf2);
	v18 =	vmul.f32 v6, v10  }
0x495: {  	[tilespmem:s14+$0xFFFFFF00] =	vst v24;
	v4 =	vmul.f32 $1.442695020e+00, v55;
	v59, _, _ =	vpop (xrf2);
	v0 =	vbroadcast v0, $0xF;
	v56 =	vunpack.i.l.bf16.f32 v46  }
0x496: {  	v23 =	vld [tilespmem:s8+$0xFFFFFF00];
	(xrf2) =	vadd.scan.msk.f32 $0xffff, v17;
	[tilespmem:s9+$0xFFFFFE20] =	vst v7;
	v28 =	vmul.f32 $1.442695020e+00, v59;
	v58 =	vmul.f32 v56, v32  }
0x497: {  	v25 =	vld [tilespmem:s10+$0xFFFFFF60];
	(xrf2) =	vadd.scan.msk.f32 $0xffff, v5;
	v27 =	vbroadcast v4, $0xF;
	(erf) = vpow2.f32 v0;
	v57 =	vunpack.i.u.bf16.f32 v46  }
0x498: {  	s18 =	simm.s32 $0x1E90;
	s13 =	simm.s32 $0xC;
	v24 =	vld [tilespmem:s8+$0xFFFFFE80];
	v17 =	vunpack.i.u.bf16.f32 v51;
	v26 =	vunpack.i.l.bf16.f32 v51;
	v11 =	vmul.f32 v57, v32;
	[tilespmem:s14+$0xFFFFFDF0] =	vst v58  }
.LBB2_5:
0x499: {  	v0 =	vld [tilespmem:s18+$0xFFFFFF90]  }
0x49a: {  	v7 =	vld [tilespmem:s18+$0xFFFFFFA0]  }
0x49b: {  	s4 =	sadd.s32 $0x100, s4;
	v43 =	vld [tilespmem:s18+$0xFFFFFFB0];
	v4 =	vbroadcast v28, $0xF  }
0x49c: {  	(erf) = vpow2.f32 v27;
	[tilespmem:s14+$0xFFFFFE00] =	vst v11;
	v11 =	vmul.f32 v17, v16;
	v17 =	vld [tilespmem:s4+$0xFFFFFFE0]  }
0x49d: {  	v6 =	vmul.f32 v26, v16;
	v3 =	vld [tilespmem:s4+$0xFFFFFFD0];
	(erf) = vpow2.f32 v4  }
0x49e: {  	v57 =	vld [tilespmem:s4+$0x0];
	v1 =	vunpack.i.u.bf16.f32 v25;
	v2 =	vunpack.i.l.bf16.f32 v25;
	v42 =	vunpack.i.l.bf16.f32 v24  }
0x49f: {  	[tilespmem:s14+$0xFFFFFE90] =	vst v11;
	v11 =	vunpack.i.u.bf16.f32 v23;
	v52 =	vunpack.i.l.bf16.f32 v23;
	v23 =	vld [tilespmem:s18+$0xFFFFFFC0];
	v2 =	vmul.f32 v2, v15  }
0x4a0: {  	v16 =	vunpack.i.u.bf16.f32 v24;
	v1 =	vmul.f32 v1, v15;
	v15 =	vld [tilespmem:s4+$0xFFFFFFF0];
	v51 =	vmul.f32 v42, v30;
	v5, _, _ =	vpop (xrf2)  }
0x4a1: {  	[tilespmem:s9+$0xFFFFFF30] =	vst v19;
	v55 =	vmul.f32 v16, v30;
	v48 =	vadd.bf16 v17, v7;
	v5 =	vmul.f32 $1.442695020e+00, v5  }
0x4a2: {  	[tilespmem:s9+$0xFFFFFF40] =	vst v18;
	v58 =	vmul.f32 v52, v29;
	v44 =	vmul.f32 v11, v29  }
0x4a3: {  	[tilespmem:s14+$0xFFFFFE80] =	vst v6;
	v0 =	vadd.bf16 v3, v0;
	v18, _, _ =	vpop (xrf2);
	v3 =	vunpack.i.l.bf16.f32 v48;
	v24 =	vbroadcast v5, $0xF  }
0x4a4: {  	v9 =	vmul.f32 $1.442695020e+00, v18;
	v29 =	vmul.f32 $6.000000240e-01, v3;
	v3 =	vand.u32 $0x7FFFFFFF, v3  }
0x4a5: {  	[tilespmem:s14+$0xFFFFFF20] =	vst v1;
	v5 =	vadd.bf16 v57, v23;
	v6 =	vadd.bf16 v15, v43;
	v3 =	vmul.f32 $4.000000060e-01, v3  }
0x4a6: {  	[tilespmem:s9+$0xFFFFFE30] =	vst v51;
	v19, _, _ =	vpop (xrf2);
	v15 =	vunpack.i.u.bf16.f32 v0;
	(erf) = vpow2.f32 v24;
	v16 =	vbroadcast v9, $0xF  }
0x4a7: {  	[tilespmem:s9+$0xFFFFFEC0] =	vst v58;
	v0 =	vunpack.i.l.bf16.f32 v0;
	v24 =	vmul.f32 $1.442695020e+00, v19;
	v26 =	vmul.f32 $6.000000240e-01, v15  }
0x4a8: {  	[tilespmem:s9+$0xFFFFFED0] =	vst v44;
	v27 =	vunpack.i.u.bf16.f32 v5;
	v5 =	vunpack.i.l.bf16.f32 v5;
	v15 =	vand.u32 $0x7FFFFFFF, v15  }
0x4a9: {  	v59 =	vld [tilespmem:s18+$0xFFFFFE30];
	[tilespmem:s24+$0xFFFFFF50] =	vst v22;
	v22 =	vunpack.i.u.bf16.f32 v6;
	v6 =	vunpack.i.l.bf16.f32 v6;
	v37 =	vmul.f32 $6.000000240e-01, v5  }
0x4aa: {  	v38 =	vmul.f32 $6.000000240e-01, v27;
	v40 =	vmul.f32 $4.000000060e-01, v15;
	v5 =	vand.u32 $0x7FFFFFFF, v5  }
0x4ab: {  	[tilespmem:s24+$0xFFFFFF60] =	vst v21;
	v8 =	vpop (erf);
	v49 =	vld [tilespmem:s18+$0xFFFFFEB0];
	v27 =	vand.u32 $0x7FFFFFFF, v27;
	v3 =	vadd.f32 v3, v29;
	(erf) = vpow2.f32 v16  }
0x4ac: {  	[tilespmem:s9+$0xFFFFFE40] =	vst v55;
	v21 =	vld [tilespmem:s4+$0xFFFFFF70];
	v11 =	vbroadcast v24, $0xF;
	v16 =	vunpack.i.u.bf16.f32 v48;
	v24 =	vmul.f32 $6.000000240e-01, v0  }
0x4ad: {  	v25 =	vld [tilespmem:s4+$0xFFFFFF30];
	v0 =	vand.u32 $0x7FFFFFFF, v0;
	v34 =	vmul.f32 $6.000000240e-01, v6;
	v35 =	vmul.f32 $6.000000240e-01, v22  }
0x4ae: {  	v45 =	vld [tilespmem:s18+$0xFFFFFE40];
	v6 =	vand.u32 $0x7FFFFFFF, v6;
	v5 =	vmul.f32 $4.000000060e-01, v5;
	v27 =	vmul.f32 $4.000000060e-01, v27  }
0x4af: {  	v22 =	vand.u32 $0x7FFFFFFF, v22;
	v30 =	vmul.f32 $6.000000240e-01, v16;
	v0 =	vmul.f32 $4.000000060e-01, v0  }
0x4b0: {  	[tilespmem:s14+$0xFFFFFF10] =	vst v2;
	v46 =	vld [tilespmem:s4+$0xFFFFFF40];
	v33 =	vand.u32 $0x7FFFFFFF, v16;
	v6 =	vmul.f32 $4.000000060e-01, v6;
	v22 =	vmul.f32 $4.000000060e-01, v22  }
0x4b1: {  	v28 =	vld [tilespmem:s18+$0xFFFFFF30];
	v33 =	vmul.f32 $4.000000060e-01, v33;
	v5 =	vadd.f32 v5, v37;
	v27 =	vadd.f32 v27, v38  }
0x4b2: {  	v31 =	vld [tilespmem:s4+$0xFFFFFFB0];
	v3 =	vmul.f32 v3, v62;
	v0 =	vadd.f32 v0, v24;
	v24 =	vadd.f32 v40, v26  }
0x4b3: {  	v32 =	vld [tilespmem:s18+$0xFFFFFF40];
	v6 =	vadd.f32 v6, v34;
	v29 =	vadd.f32 v33, v30;
	v5 =	vmul.f32 v5, v54  }
0x4b4: {  	v36 =	vld [tilespmem:s4+$0xFFFFFFC0];
	v22 =	vadd.f32 v22, v35;
	v0 =	vmul.f32 v0, v60;
	v24 =	vmul.f32 v24, v61  }
0x4b5: {  	v41 =	vld [tilespmem:s18+$0xFFFFFE20];
	v27 =	vmul.f32 v27, v47;
	v29 =	vmul.f32 v29, v63  }
0x4b6: {  	v42 =	vld [tilespmem:s4+$0xFFFFFF20];
	v6 =	vmul.f32 v6, v50;
	v0 =	vadd.f32 v0, v24;
	v24 =	vmul.f32 v22, v53  }
0x4b7: {  	v52 =	vld [tilespmem:s18+$0xFFFFFF10];
	v3 =	vadd.f32 v3, v29  }
0x4b8: {  	v55 =	vld [tilespmem:s4+$0xFFFFFF90];
	v5 =	vadd.f32 v5, v27;
	v6 =	vadd.f32 v6, v24  }
0x4b9: {  	[tilespmem:s17+$0xFFFFFFE0] =	vst v20;
	v0 =	vadd.f32 v3, v0  }
0x4ba: {  	v56 =	vmov v14;
	[tilespmem:$0x1FED0] =	vst v8;
	v7 =	vadd.bf16 v21, v49;
	v5 =	vadd.f32 v5, v6  }
0x4bb: {  	v14 =	vsel vm0, $0x0, v8;
	v8 =	vpop (erf);
	v4 =	vadd.bf16 v25, v59;
	v1 =	vadd.bf16 v46, v45;
	(xrf2) =	vadd.scan.msk.f32 $0xffff, v0  }
0x4bc: {  	v20 =	vld [tilespmem:s18+$0xFFFFFEC0];
	v19 =	vsel vm0, $0x0, v8;
	v28 =	vadd.bf16 v31, v28;
	v58 =	vadd.bf16 v42, v41;
	(xrf2) =	vadd.scan.msk.f32 $0xffff, v5  }
0x4bd: {  	v23 =	vld [tilespmem:s4+$0xFFFFFF80];
	v31 =	vadd.bf16 v36, v32;
	v59 =	vadd.bf16 v55, v52;
	(erf) = vpow2.f32 v11  }
0x4be: {  	[tilespmem:$0x1FF00] =	vst v56;
	v56 =	vld [tilespmem:s4+$0xFFFFFFA0];
	v32 =	vunpack.i.u.bf16.f32 v7;
	v34 =	vunpack.i.u.bf16.f32 v28;
	v28 =	vunpack.i.l.bf16.f32 v28  }
0x4bf: {  	v25 =	vld [tilespmem:s18+$0xFFFFFF20];
	v35 =	vunpack.i.u.bf16.f32 v31;
	v31 =	vunpack.i.l.bf16.f32 v31;
	v49 =	vunpack.i.u.bf16.f32 v58  }
0x4c0: {  	v43 =	vld [tilespmem:s18+$0xFFFFFE90];
	v44 =	vand.u32 $0x7FFFFFFF, v34;
	v45 =	vand.u32 $0x7FFFFFFF, v31;
	v34 =	vmul.f32 $6.000000240e-01, v34  }
0x4c1: {  	v26 =	vld [tilespmem:s4+$0xFFFFFF50];
	v48 =	vand.u32 $0x7FFFFFFF, v35;
	v31 =	vmul.f32 $6.000000240e-01, v31;
	v35 =	vmul.f32 $6.000000240e-01, v35  }
0x4c2: {  	v61 =	vand.u32 $0x7FFFFFFF, v32;
	v44 =	vmul.f32 $4.000000060e-01, v44;
	v45 =	vmul.f32 $4.000000060e-01, v45  }
0x4c3: {  	[tilespmem:$0x1FEC0] =	vst v8;
	v8 =	vpop (erf);
	v48 =	vmul.f32 $4.000000060e-01, v48;
	v32 =	vmul.f32 $6.000000240e-01, v32;
	v27 =	vadd.bf16 v23, v20  }
0x4c4: {  	v17 =	vmovc v10;
	v10 =	vmovc v53;
	v2 =	vadd.bf16 v56, v25;
	v40 =	vmul.f32 $4.000000060e-01, v61;
	v22 =	vsel vm0, $0x0, v8  }
0x4c5: {  	v51 =	vld [tilespmem:s4+$0xFFFFFF60];
	v53 =	vunpack.i.u.bf16.f32 v59;
	v34 =	vadd.f32 v44, v34;
	v29 =	vunpack.i.u.bf16.f32 v4;
	v46, _, _ =	vpop (xrf2)  }
0x4c6: {  	v30 =	vld [tilespmem:s18+$0xFFFFFEA0];
	v4 =	vunpack.i.l.bf16.f32 v4;
	v26 =	vadd.bf16 v26, v43;
	v33 =	vunpack.i.u.bf16.f32 v27;
	v52, _, _ =	vpop (xrf2)  }
0x4c7: {  	v27 =	vunpack.i.l.bf16.f32 v27;
	v43 =	vand.u32 $0x7FFFFFFF, v28;
	v52 =	vmul.f32 $1.442695020e+00, v52  }
0x4c8: {  	v54 =	vunpack.i.u.bf16.f32 v2;
	v25 =	vand.u32 $0x7FFFFFFF, v4;
	v46 =	vmul.f32 $1.442695020e+00, v46  }
0x4c9: {  	v39 =	vld [tilespmem:s4+$0xFFFFFF10];
	v11 =	vpop (erf);
	v2 =	vunpack.i.l.bf16.f32 v2;
	v56 =	vmul.f32 $4.000000060e-01, v25;
	v25 =	vbroadcast v52, $0xF  }
0x4ca: {  	v57 =	vld [tilespmem:s18+$0xFFFFFE10];
	v28 =	vmul.f32 $6.000000240e-01, v28;
	v32 =	vadd.f32 v40, v32;
	v16 =	vpop (erf);
	v46 =	vbroadcast v46, $0xF  }
0x4cb: {  	v30 =	vadd.bf16 v51, v30;
	v36 =	vand.u32 $0x7FFFFFFF, v29;
	v15 =	vpop (erf);
	(erf) = vpow2.f32 v25  }
0x4cc: {  	v62 =	vand.u32 $0x7FFFFFFF, v27;
	v43 =	vmul.f32 $4.000000060e-01, v43;
	(erf) = vpow2.f32 v46  }
0x4cd: {  	v63 =	vand.u32 $0x7FFFFFFF, v33;
	v4 =	vmul.f32 $6.000000240e-01, v4;
	v29 =	vmul.f32 $6.000000240e-01, v29  }
0x4ce: {  	[tilespmem:$0x1FEE0] =	vst v8;
	v8 =	vand.u32 $0x7FFFFFFF, v2;
	v27 =	vmul.f32 $6.000000240e-01, v27;
	v33 =	vmul.f32 $6.000000240e-01, v33  }
0x4cf: {  	v18 =	vmovc v13;
	v13 =	vand.u32 $0x7FFFFFFF, v54;
	v2 =	vmul.f32 $6.000000240e-01, v2;
	v3 =	vadd.bf16 v39, v57  }
0x4d0: {  	v50 =	vunpack.i.u.bf16.f32 v26;
	v26 =	vunpack.i.l.bf16.f32 v26;
	v36 =	vmul.f32 $4.000000060e-01, v36  }
0x4d1: {  	v41 =	vmul.f32 $4.000000060e-01, v62;
	v42 =	vmul.f32 $4.000000060e-01, v63;
	v63 =	vand.u32 $0x7FFFFFFF, v53  }
0x4d2: {  	v8 =	vmul.f32 $4.000000060e-01, v8;
	v13 =	vmul.f32 $4.000000060e-01, v13;
	v6 =	vunpack.i.l.bf16.f32 v58  }
0x4d3: {  	v51 =	vunpack.i.u.bf16.f32 v30;
	v30 =	vunpack.i.l.bf16.f32 v30;
	v58 =	vand.u32 $0x7FFFFFFF, v49  }
0x4d4: {  	v49 =	vmul.f32 $6.000000240e-01, v49;
	v0 =	vunpack.i.u.bf16.f32 v1;
	v1 =	vunpack.i.l.bf16.f32 v1;
	v25 =	vpop (erf)  }
0x4d5: {  	s24 =	smov.u32 s9;
	[tilespmem:$0x1FEB0] =	vst v14;
	v47 =	vunpack.i.u.bf16.f32 v3;
	v3 =	vunpack.i.l.bf16.f32 v3;
	v14 =	vsel vm0, $0x0, v25;
	v9 =	vpop (erf)  }
0x4d6: {  	s9 =	smov.u32 s14;
	s14 =	smov.u32 s17;
	s17 =	sadd.s32 $0x240, s17;
	v57 =	vand.u32 $0x7FFFFFFF, v6;
	v4 =	vadd.f32 v56, v4;
	v14 =	vsel vm1, v9, v14  }
0x4d7: {  	v56 =	vmul.f32 $4.000000060e-01, v58;
	v29 =	vadd.f32 v36, v29;
	v58 =	vmul.f32 $4.000000060e-01, v63;
	[tilespmem:s17+$0x0] =	vst v14  }
0x4d8: {  	v6 =	vmul.f32 $6.000000240e-01, v6;
	v27 =	vadd.f32 v41, v27;
	v41 =	vmul.f32 $6.000000240e-01, v50;
	v36 =	vld [tilespmem:s18+$0xFFFFFFD0]  }
0x4d9: {  	v33 =	vadd.f32 v42, v33;
	v42 =	vmul.f32 $6.000000240e-01, v51;
	v37 =	vand.u32 $0x7FFFFFFF, v1  }
0x4da: {  	v61 =	vand.u32 $0x7FFFFFFF, v51;
	v1 =	vmul.f32 $6.000000240e-01, v1;
	v37 =	vmul.f32 $4.000000060e-01, v37  }
0x4db: {  	v5 =	vunpack.i.l.bf16.f32 v7;
	v7 =	vunpack.i.l.bf16.f32 v59;
	v59 =	vand.u32 $0x7FFFFFFF, v50  }
0x4dc: {  	v40 =	vmul.f32 $6.000000240e-01, v47;
	v1 =	vadd.f32 v37, v1;
	v46 =	vand.u32 $0x7FFFFFFF, v26  }
0x4dd: {  	v37 =	vmul.f32 $4.000000060e-01, v46;
	v46 =	vmul.f32 $4.000000060e-01, v59;
	v59 =	vunpack.i.l.bf16.f32 v36  }
0x4de: {  	v52 =	vand.u32 $0x7FFFFFFF, v47;
	v36 =	vunpack.i.u.bf16.f32 v36;
	v47 =	vmul.f32 v59, v9  }
0x4df: {  	v51 =	vmul.f32 $6.000000240e-01, v54;
	v38 =	vand.u32 $0x7FFFFFFF, v0;
	v36 =	vmul.f32 v9, v36  }
0x4e0: {  	v55 =	vand.u32 $0x7FFFFFFF, v3;
	v0 =	vmul.f32 $6.000000240e-01, v0;
	v3 =	vmul.f32 $6.000000240e-01, v3;
	[tilespmem:s17+$0xFFFFFF80] =	vst v47  }
0x4e1: {  	v60 =	vand.u32 $0x7FFFFFFF, v5;
	v38 =	vmul.f32 $4.000000060e-01, v38;
	v62 =	vand.u32 $0x7FFFFFFF, v7;
	[tilespmem:s17+$0xFFFFFF90] =	vst v36  }
0x4e2: {  	v2 =	vadd.f32 v8, v2;
	v5 =	vmul.f32 $6.000000240e-01, v5;
	v55 =	vmul.f32 $4.000000060e-01, v55;
	v59 =	vld [tilespmem:s18+$0xFFFFFFE0]  }
0x4e3: {  	v7 =	vmul.f32 $6.000000240e-01, v7;
	v8 =	vadd.f32 v13, v51;
	v13 =	vmul.f32 v32, v10  }
0x4e4: {  	v54 =	vld [tilespmem:$0x1FFD0];
	v39 =	vmul.f32 $4.000000060e-01, v60;
	v60 =	vand.u32 $0x7FFFFFFF, v30;
	v14 =	vmul.f32 $4.000000060e-01, v57  }
0x4e5: {  	v50 =	vld [tilespmem:$0x1FFC0];
	v30 =	vmul.f32 $6.000000240e-01, v30;
	v0 =	vadd.f32 v38, v0;
	v38 =	vmul.f32 $4.000000060e-01, v60  }
0x4e6: {  	v63 =	vld [tilespmem:$0x1FFB0];
	v5 =	vadd.f32 v39, v5;
	v39 =	vmul.f32 $4.000000060e-01, v62;
	v6 =	vadd.f32 v14, v6  }
0x4e7: {  	v14 =	vmul.f32 v29, v10;
	v29 =	vadd.f32 v56, v49;
	v56 =	vunpack.i.l.bf16.f32 v59  }
0x4e8: {  	v60 =	vld [tilespmem:$0x1FF80];
	v30 =	vadd.f32 v38, v30;
	v59 =	vunpack.i.u.bf16.f32 v59;
	v38 =	vmul.f32 v56, v9  }
0x4e9: {  	v31 =	vadd.f32 v45, v31;
	v32 =	vmul.f32 v27, v54;
	v9 =	vmul.f32 v59, v9  }
0x4ea: {  	v28 =	vadd.f32 v43, v28;
	v62 =	vld [tilespmem:$0x1FFA0];
	v27 =	vmul.f32 v34, v10;
	v4 =	vmul.f32 v4, v50;
	[tilespmem:s17+$0xFFFFFFA0] =	vst v38  }
0x4eb: {  	v3 =	vadd.f32 v55, v3;
	v8 =	vmul.f32 v8, v63;
	v5 =	vmul.f32 v5, v50;
	[tilespmem:s17+$0xFFFFFFB0] =	vst v9  }
0x4ec: {  	v1 =	vmul.f32 v1, v54;
	v7 =	vadd.f32 v39, v7;
	v4 =	vadd.f32 v4, v14;
	v14 =	vld [tilespmem:s18+$0xFFFFFFF0]  }
0x4ed: {  	v5 =	vadd.f32 v5, v13;
	v13 =	vmul.f32 v28, v50;
	v3 =	vmul.f32 v3, v60  }
0x4ee: {  	v35 =	vadd.f32 v48, v35;
	v7 =	vmul.f32 v7, v60;
	v52 =	vmul.f32 $4.000000060e-01, v52;
	v47 =	vld [tilespmem:$0x1FFE0]  }
0x4ef: {  	v30 =	vmul.f32 v30, v62;
	v2 =	vmul.f32 v2, v62;
	v13 =	vadd.f32 v13, v27  }
0x4f0: {  	v26 =	vmul.f32 $6.000000240e-01, v26;
	v40 =	vadd.f32 v52, v40;
	v57 =	vmul.f32 $4.000000060e-01, v61;
	v61 =	vld [tilespmem:$0x1FF90]  }
0x4f1: {  	v27 =	vmul.f32 v29, v63;
	v36 =	vmul.f32 $6.000000240e-01, v53;
	v29 =	vunpack.i.l.bf16.f32 v14  }
0x4f2: {  	v26 =	vadd.f32 v37, v26;
	v6 =	vmul.f32 v6, v62;
	v53 =	vmovc v10;
	v10 =	vmul.f32 v29, v25  }
0x4f3: {  	v21 =	vld [tilespmem:s10+$0xFFFFFE70];
	v55 =	vadd.f32 v46, v41;
	v36 =	vadd.f32 v58, v36;
	v0 =	vmul.f32 v0, v47  }
0x4f4: {  	v57 =	vadd.f32 v57, v42;
	v6 =	vadd.f32 v6, v27;
	v9 =	vmul.f32 v33, v47;
	[tilespmem:s17+$0xFFFFFFC0] =	vst v10;
	v10 =	vld [tilespmem:$0x1FEB0]  }
0x4f5: {  	v27 =	vmul.f32 v36, v61;
	v28 =	vmul.f32 v35, v47;
	v0 =	vadd.f32 v1, v0  }
0x4f6: {  	v1 =	vadd.f32 v32, v9;
	v9 =	vmul.f32 v31, v54;
	v14 =	vunpack.i.u.bf16.f32 v14  }
0x4f7: {  	v23 =	vld [tilespmem:s10+$0xFFFFFEF0];
	v7 =	vadd.f32 v7, v27;
	v38 =	vsel vm1, v16, v19;
	v14 =	vmul.f32 v14, v25  }
0x4f8: {  	v24 =	vld [tilespmem:s10+$0xFFFFFF70];
	v0 =	vadd.f32 v0, v4;
	[tilespmem:s14+$0xFFFFFEE0] =	vst v38;
	v31 =	vmul.f32 v40, v61;
	v9 =	vadd.f32 v9, v28  }
0x4f9: {  	v20 =	vld [tilespmem:s8+$0xFFFFFF80];
	v43 =	vunpack.i.u.bf16.f32 v21;
	v1 =	vadd.f32 v1, v5;
	v29 =	vmovc v18;
	[tilespmem:s17+$0xFFFFFFD0] =	vst v14;
	v18 =	vsel vm1, v11, v10  }
0x4fa: {  	s8 =	smov.u32 s10;
	s10 =	smov.u32 s21;
	v40 =	vsel vm1, v15, v22;
	(xrf2) =	vadd.scan.msk.f32 $0xffff, v0;
	v39 =	vadd.f32 v9, v13;
	v27 =	vld [tilespmem:s18+$0x0];
	[tilespmem:s14+$0xFFFFFE50] =	vst v18  }
0x4fb: {  	v2 =	vadd.f32 v2, v8;
	v26 =	vmul.f32 v26, v60;
	[tilespmem:s14+$0xFFFFFF70] =	vst v40;
	(xrf2) =	vadd.scan.msk.f32 $0xffff, v1;
	v8 =	vld [tilespmem:s10+$0xFFFFFE50]  }
0x4fc: {  	v42 =	vld [tilespmem:s10+$0xFFFFFED0];
	v28 =	vmul.f32 v55, v61;
	v3 =	vadd.f32 v3, v31;
	v31 =	vmul.f32 v57, v63;
	(xrf2) =	vadd.scan.msk.f32 $0xffff, v39  }
0x4fd: {  	v44 =	vunpack.i.u.bf16.f32 v24;
	v2 =	vadd.f32 v2, v7;
	v19 =	vunpack.i.l.bf16.f32 v24;
	v4 =	vld [tilespmem:s10+$0xFFFFFF50]  }
0x4fe: {  	v19 =	vmul.f32 v19, v12;
	v26 =	vadd.f32 v26, v28;
	v14 =	vadd.f32 v30, v31;
	v30 =	vld [tilespmem:$0x1FF00]  }
0x4ff: {  	v3 =	vadd.f32 v6, v3;
	v9 =	vunpack.i.l.bf16.f32 v21;
	v13 =	vunpack.i.u.bf16.f32 v27  }
0x500: {  	v13 =	vmul.f32 v13, v25;
	v21 =	vunpack.i.u.bf16.f32 v8;
	v8 =	vunpack.i.l.bf16.f32 v8  }
0x501: {  	v0 =	vunpack.i.l.bf16.f32 v42;
	v18 =	vunpack.i.l.bf16.f32 v23;
	v8 =	vmul.f32 v8, v11  }
0x502: {  	v0 =	vmul.f32 v0, v16;
	(xrf2) =	vadd.scan.msk.f32 $0xffff, v3;
	[tilespmem:s17+$0xFFFFFFF0] =	vst v13;
	v45 =	vmul.f32 v11, v21  }
0x503: {  	v9 =	vmul.f32 v9, v30;
	v21 =	vunpack.i.u.bf16.f32 v4;
	v4 =	vunpack.i.l.bf16.f32 v4;
	[tilespmem:s14+$0xFFFFFDD0] =	vst v8  }
0x504: {  	v51 =	vmul.f32 v18, v29;
	v13 =	vunpack.i.u.bf16.f32 v42;
	v18, _, _ =	vpop (xrf2);
	v4 =	vmul.f32 v4, v15;
	[tilespmem:s14+$0xFFFFFDE0] =	vst v45  }
0x505: {  	[tilespmem:s14+$0xFFFFFE60] =	vst v0;
	v41 =	vadd.f32 v14, v26;
	v49 =	vmul.f32 v43, v30;
	v55, _, _ =	vpop (xrf2);
	v8 =	vmul.f32 v16, v13;
	v48 =	vld [tilespmem:s10+$0xFFFFFE60]  }
0x506: {  	v59, _, _ =	vpop (xrf2);
	v46 =	vmul.f32 v15, v21;
	v13 =	vunpack.i.u.bf16.f32 v20;
	v20 =	vunpack.i.l.bf16.f32 v20;
	[tilespmem:s14+$0xFFFFFEF0] =	vst v4  }
0x507: {  	s13 =	sadd.s32 $0x4, s13;
	v56 =	vld [tilespmem:$0x1FEE0];
	v14 =	vunpack.i.u.bf16.f32 v23;
	v28 =	vmul.f32 $1.442695020e+00, v59;
	v22 =	vmul.f32 v20, v17;
	[tilespmem:s14+$0xFFFFFE70] =	vst v8  }
0x508: {  	p2 =	slt.u32 s13, $0x24;
	v23 =	vunpack.i.l.bf16.f32 v27;
	[tilespmem:s14+$0xFFFFFF00] =	vst v46;
	v8 =	vmul.f32 v14, v29;
	v14 =	vmul.f32 $1.442695020e+00, v18;
	v26 =	vld [tilespmem:s10+$0xFFFFFEE0]  }
.Ltmp3:
0x509: {  	(xrf2) =	vadd.scan.msk.f32 $0xffff, v41;
	v21 =	vmul.f32 v13, v17;
	v13 =	vld [tilespmem:$0x1FEC0];
	v20 =	vmul.f32 v23, v25;
	[tilespmem:s9+$0xFFFFFE10] =	vst v9;
	(pc) =	sbr.rel @p2 .LBB2_5-.Ltmp3, $4  }
0x50a: {  	v4 =	vmul.f32 $1.442695020e+00, v55;
	[tilespmem:s9+$0xFFFFFE20] =	vst v49;
	v25 =	vld [tilespmem:s10+$0xFFFFFF60];
	v52 =	vbroadcast v14, $0xF;
	v3 =	vunpack.i.l.bf16.f32 v48  }
0x50b: {  	(xrf2) =	vadd.scan.msk.f32 $0xffff, v2;
	v18 =	vmul.f32 v44, v12;
	v24 =	vld [tilespmem:s8+$0xFFFFFE80];
	[tilespmem:s9+$0xFFFFFEA0] =	vst v51;
	v58 =	vmul.f32 v3, v11  }
0x50c: {  	v27 =	vbroadcast v4, $0xF;
	v14 =	vld [tilespmem:$0x1FED0];
	[tilespmem:s9+$0xFFFFFEB0] =	vst v8;
	v57 =	vunpack.i.u.bf16.f32 v48;
	(erf) = vpow2.f32 v52  }
0x50d: {  	s21 =	smov.u32 s18;
	s18 =	sadd.s32 $0x200, s18;
	v10 =	vmovc v12;
	v12 =	vmovc v56;
	v23 =	vld [tilespmem:s8+$0xFFFFFF00];
	v11 =	vmul.f32 v57, v11;
	v17 =	vunpack.i.u.bf16.f32 v26;
	v26 =	vunpack.i.l.bf16.f32 v26;
	[tilespmem:s14+$0xFFFFFDF0] =	vst v58  }
0x50e: {  	_ =	sdelay $0x1  }
0x50f: {  	v0, _, _ =	vpop (xrf2)  }
0x510: {  	v0 =	vmul.f32 $1.442695020e+00, v0  }
0x511: {  	v1 =	vbroadcast v28, $0xF  }
0x512: {  	(erf) = vpow2.f32 v27;
	v0 =	vbroadcast v0, $0xF;
	v2, _, _ =	vpop (xrf2)  }
0x513: {  	(erf) = vpow2.f32 v1;
	v6 =	vmul.f32 $1.442695020e+00, v2  }
0x514: {  	(erf) = vpow2.f32 v0;
	v7, _, _ =	vpop (xrf2)  }
0x515: {  	v1 =	vbroadcast v6, $0xF;
	v0 =	vmul.f32 $1.442695020e+00, v7  }
0x516: {  	[tilespmem:s9+$0xFFFFFF30] =	vst v19  }
0x517: {  	[tilespmem:s9+$0xFFFFFF40] =	vst v18;
	(erf) = vpow2.f32 v1;
	v0 =	vbroadcast v0, $0xF  }
0x518: {  	[tilespmem:s14+$0xFFFFFE00] =	vst v11;
	v11 =	vmul.f32 v17, v16  }
0x519: {  	[tilespmem:s24+$0xFFFFFF50] =	vst v22;
	(erf) = vpow2.f32 v0  }
0x51a: {  	[tilespmem:s24+$0xFFFFFF60] =	vst v21;
	v17 =	vpop (erf)  }
0x51b: {  	v8 =	vmul.f32 v26, v16;
	[tilespmem:s17+$0xFFFFFFE0] =	vst v20;
	v3 =	vunpack.i.u.bf16.f32 v25;
	v16 =	vpop (erf)  }
0x51c: {  	v9 =	vunpack.i.l.bf16.f32 v25;
	v25 =	vmul.f32 v3, v15;
	[tilespmem:s14+$0xFFFFFE90] =	vst v11;
	v11 =	vpop (erf)  }
0x51d: {  	[tilespmem:s14+$0xFFFFFE80] =	vst v8;
	v19 =	vunpack.i.l.bf16.f32 v24;
	v28 =	vsel vm0, $0x0, v17;
	v31 =	vpop (erf)  }
0x51e: {  	v26 =	vmul.f32 v19, v30;
	[tilespmem:s14+$0xFFFFFF20] =	vst v25;
	v32 =	vsel vm1, v31, v28  }
0x51f: {  	v0 =	vmul.f32 v9, v15;
	v9 =	vld [tilespmem:s10+$0xFFFFFEF0];
	[tilespmem:s17+$0xFFFFFE50] =	vst v32  }
0x520: {  	v33 =	vunpack.i.l.bf16.f32 v23;
	[tilespmem:s9+$0xFFFFFE30] =	vst v26;
	v4 =	vsel vm0, $0x0, v16;
	v36 =	vld [tilespmem:s21+$0xFFFFFE50];
	v5 =	vpop (erf)  }
0x521: {  	v34 =	vmul.f32 v33, v29;
	[tilespmem:s14+$0xFFFFFF10] =	vst v0;
	v35 =	vsel vm1, v5, v4  }
0x522: {  	v37 =	vunpack.i.u.bf16.f32 v23;
	v7 =	vsel vm0, $0x0, v11;
	v55 =	vld [tilespmem:s10+$0xFFFFFF70];
	v6 =	vpop (erf);
	[tilespmem:s17+$0xFFFFFEE0] =	vst v35  }
0x523: {  	v27 =	vunpack.i.u.bf16.f32 v24;
	v38 =	vmul.f32 v37, v29;
	[tilespmem:s9+$0xFFFFFEC0] =	vst v34;
	v39 =	vsel vm1, v6, v7;
	v40 =	vld [tilespmem:s21+$0xFFFFFED0]  }
0x524: {  	v1 =	vmul.f32 v27, v30;
	v52 =	vunpack.i.l.bf16.f32 v9;
	v9 =	vunpack.i.u.bf16.f32 v9;
	[tilespmem:s17+$0xFFFFFF70] =	vst v39  }
0x525: {  	[tilespmem:s9+$0xFFFFFED0] =	vst v38;
	v56 =	vmul.f32 v9, v13;
	v41 =	vunpack.i.l.bf16.f32 v36;
	v0 =	vld [tilespmem:s21+$0xFFFFFF50]  }
0x526: {  	[tilespmem:s9+$0xFFFFFE40] =	vst v1;
	v2 =	vunpack.i.u.bf16.f32 v36;
	v1 =	vmul.f32 v41, v31  }
0x527: {  	v42 =	vld [tilespmem:s10+$0xFFFFFE70];
	[tilespmem:s14+$0xFFFFFEB0] =	vst v56;
	v19 =	vunpack.i.l.bf16.f32 v55;
	v2 =	vmul.f32 v31, v2  }
0x528: {  	v21 =	vmul.f32 v19, v12;
	[tilespmem:s17+$0xFFFFFDD0] =	vst v1;
	v8 =	vunpack.i.l.bf16.f32 v40  }
0x529: {  	[tilespmem:s17+$0xFFFFFDE0] =	vst v2;
	v4 =	vunpack.i.u.bf16.f32 v40;
	v43 =	vmul.f32 v8, v5  }
0x52a: {  	[tilespmem:s14+$0xFFFFFF30] =	vst v21;
	v46 =	vld [tilespmem:s21+$0xFFFFFE60];
	v4 =	vmul.f32 v5, v4;
	v44 =	vunpack.i.l.bf16.f32 v0  }
0x52b: {  	v0 =	vunpack.i.u.bf16.f32 v0;
	v45 =	vmul.f32 v44, v6;
	[tilespmem:s17+$0xFFFFFE60] =	vst v43  }
0x52c: {  	v33 =	vld [tilespmem:s8+$0xFFFFFF80];
	v48 =	vunpack.i.l.bf16.f32 v42;
	v0 =	vmul.f32 v6, v0;
	[tilespmem:s17+$0xFFFFFE70] =	vst v4  }
0x52d: {  	v1 =	vmul.f32 v48, v14;
	v51 =	vld [tilespmem:s21+$0xFFFFFEE0];
	[tilespmem:s17+$0xFFFFFEF0] =	vst v45  }
0x52e: {  	v49 =	vunpack.i.u.bf16.f32 v42;
	v2 =	vmul.f32 v52, v13;
	[tilespmem:s17+$0xFFFFFF00] =	vst v0  }
0x52f: {  	[tilespmem:s14+$0xFFFFFE10] =	vst v1;
	v4 =	vmul.f32 v49, v14;
	v57 =	vunpack.i.l.bf16.f32 v46;
	v58 =	vld [tilespmem:s21+$0xFFFFFF60]  }
0x530: {  	[tilespmem:s14+$0xFFFFFEA0] =	vst v2;
	v8 =	vunpack.i.u.bf16.f32 v46;
	v9 =	vmul.f32 v57, v31  }
0x531: {  	v40 =	vunpack.i.l.bf16.f32 v33;
	[tilespmem:s14+$0xFFFFFE20] =	vst v4;
	v15 =	vmul.f32 v8, v31  }
0x532: {  	v28 =	vld [tilespmem:s10+$0xFFFFFF00];
	v42 =	vmul.f32 v40, v10;
	[tilespmem:s17+$0xFFFFFDF0] =	vst v9;
	v59 =	vunpack.i.l.bf16.f32 v51  }
0x533: {  	v18 =	vld [tilespmem:s10+$0xFFFFFE80];
	[tilespmem:s17+$0xFFFFFE00] =	vst v15;
	v7 =	vunpack.i.u.bf16.f32 v51;
	v2 =	vmul.f32 v59, v5  }
0x534: {  	[tilespmem:s9+$0xFFFFFF50] =	vst v42;
	v22 =	vld [tilespmem:s21+$0xFFFFFE70];
	v20 =	vmul.f32 v7, v5;
	v23 =	vunpack.i.l.bf16.f32 v58  }
0x535: {  	v24 =	vunpack.i.u.bf16.f32 v58;
	[tilespmem:s17+$0xFFFFFE80] =	vst v2;
	v25 =	vmul.f32 v23, v6  }
0x536: {  	v0 =	vunpack.i.u.bf16.f32 v55;
	[tilespmem:s17+$0xFFFFFE90] =	vst v20;
	v1 =	vmul.f32 v24, v6  }
0x537: {  	v0 =	vmul.f32 v0, v12;
	v35 =	vunpack.i.u.bf16.f32 v28;
	v26 =	vld [tilespmem:s21+$0xFFFFFEF0];
	[tilespmem:s17+$0xFFFFFF10] =	vst v25  }
0x538: {  	v37 =	vmul.f32 v35, v13;
	v27 =	vunpack.i.l.bf16.f32 v18;
	[tilespmem:s17+$0xFFFFFF20] =	vst v1  }
0x539: {  	[tilespmem:s14+$0xFFFFFF40] =	vst v0;
	v3 =	vunpack.i.u.bf16.f32 v18;
	v0 =	vmul.f32 v27, v14;
	v30 =	vunpack.i.l.bf16.f32 v22;
	v31 =	vld [tilespmem:s21+$0xFFFFFF70]  }
0x53a: {  	[tilespmem:s14+$0xFFFFFED0] =	vst v37;
	v29 =	vmul.f32 v3, v14;
	v2 =	vunpack.i.u.bf16.f32 v22;
	v3 =	vmul.f32 v30, v17  }
0x53b: {  	v43 =	vld [tilespmem:s10+$0xFFFFFF80];
	[tilespmem:s14+$0xFFFFFE30] =	vst v0;
	v2 =	vmul.f32 v2, v17  }
0x53c: {  	[tilespmem:s17+$0xFFFFFE10] =	vst v3;
	v32 =	vunpack.i.l.bf16.f32 v26  }
0x53d: {  	[tilespmem:s17+$0xFFFFFE20] =	vst v2;
	v5 =	vunpack.i.u.bf16.f32 v26;
	v1 =	vmul.f32 v32, v16  }
0x53e: {  	[tilespmem:s14+$0xFFFFFE40] =	vst v29;
	v36 =	vld [tilespmem:s21+$0xFFFFFE80];
	v5 =	vmul.f32 v5, v16;
	v38 =	vunpack.i.l.bf16.f32 v31  }
0x53f: {  	v0 =	vunpack.i.u.bf16.f32 v31;
	[tilespmem:s17+$0xFFFFFEA0] =	vst v1;
	v2 =	vmul.f32 v38, v11  }
0x540: {  	v55 =	vunpack.i.u.bf16.f32 v43;
	[tilespmem:s17+$0xFFFFFEB0] =	vst v5;
	v0 =	vmul.f32 v0, v11  }
0x541: {  	v34 =	vunpack.i.l.bf16.f32 v28;
	v56 =	vmul.f32 v55, v12;
	v39 =	vld [tilespmem:s21+$0xFFFFFF00];
	[tilespmem:s17+$0xFFFFFF30] =	vst v2  }
0x542: {  	v41 =	vunpack.i.u.bf16.f32 v33;
	v3 =	vmul.f32 v34, v13;
	[tilespmem:s17+$0xFFFFFF40] =	vst v0  }
0x543: {  	[tilespmem:s14+$0xFFFFFF60] =	vst v56;
	v1 =	vmul.f32 v41, v10;
	v44 =	vunpack.i.l.bf16.f32 v36;
	v46 =	vld [tilespmem:s21+$0xFFFFFF80]  }
0x544: {  	[tilespmem:s14+$0xFFFFFEC0] =	vst v3;
	v45 =	vunpack.i.u.bf16.f32 v36;
	v0 =	vmul.f32 v44, v17  }
0x545: {  	v51 =	vunpack.i.l.bf16.f32 v43;
	[tilespmem:s9+$0xFFFFFF60] =	vst v1;
	v2 =	vmul.f32 v45, v17  }
0x546: {  	v1 =	vmul.f32 v51, v12;
	[tilespmem:s17+$0xFFFFFE30] =	vst v0;
	v48 =	vunpack.i.l.bf16.f32 v39  }
0x547: {  	[tilespmem:s17+$0xFFFFFE40] =	vst v2;
	v3 =	vunpack.i.u.bf16.f32 v39;
	v49 =	vmul.f32 v48, v16  }
0x548: {  	[tilespmem:s14+$0xFFFFFF50] =	vst v1;
	v52 =	vmul.f32 v3, v16;
	v57 =	vunpack.i.l.bf16.f32 v46  }
0x549: {  	v58 =	vunpack.i.u.bf16.f32 v46;
	[tilespmem:s17+$0xFFFFFEC0] =	vst v49;
	v2 =	vmul.f32 v57, v11  }
0x54a: {  	[tilespmem:s17+$0xFFFFFED0] =	vst v52;
	v59 =	vmul.f32 v58, v11  }
0x54b: {  	[tilespmem:s17+$0xFFFFFF50] =	vst v2  }
.Ltmp4:
0x54c: {  	[tilespmem:s17+$0xFFFFFF60] =	vst v59;
	(pc) =	sbr.rel @p1 .LBB2_8-.Ltmp4, $4  }
0x54d: {  	[spmem:s3] =	stream.indirect.scatter.add.f32 [tilespmem:s2], [sflag:$0x7], $0x90, s30, s19, $0xb8;
	[tilespmem:$0x1C9B0] =	vst v63  }
0x54e: {  	_ =	swait.ge [sflag:s16], $0x1680  }
0x54f: {  	[sflag:s16] =	ssyncset.done $0x0  }
0x550: {  	[sflag:s16] =	ssyncadd.s32 $0xFFFFE980  }
.Ltmp5:
0x551: {  	s4 =	sadd.s32 s12, s23;
	(pc) =	sbr.rel .LBB2_2-.Ltmp5, $3  }
0x552: {  	s4 =	smul.u32 $0x5, s4;
	_ =	sdelay $0x1  }
0x553: {  	s15 =	sadd.s32 $0x1, s15;
	s4 =	sadd.s32 s5, s4  }
0x554: {  	[tilespmem:s22], [sflag:$0x2] =	stream.strided.gather [hbm4b:s4+s19], $0x50, s20, s19, $0x38;
	[tilespmem:$0x1C9B0] =	vst v63  }
.LBB2_9:
0x555: {  	_ =	sfence.sel $0x180000  }
0x556: {  	[bflag:$0x0] =	sbarrier.arrive $0xFFFF  }
0x557: {  	_ =	strace $0x90000047  }
0x558: {  	s0 =	stileid.u32;
	[bflag:$0x2] =	sbarrier.arrive $0xFFFF  }
0x559: {  	p0 =	sne.s32 s0, $0x0;
	s0 =	rddreg [dreg:$0x3]  }
0x55a: {  	s0 =	sadd.s32 @!p0 $0x100000, s0  }
0x55b: {  	[sflag:s0] =	ssyncadd.tile.s32 @!p0 $0x1;
	_ =	shalt  }
.Lfunc_end2:
_tile_overlayer_lowered:
.L_overlay_start_2:
0x55c: {  	(tag) =	ssettag $0x2  }
0x55d: {  	s0 =	rddreg [dreg:$0x0];
	s2 =	stileid.u32  }
0x55e: {  	s1 =	rddreg [dreg:$0x1];
	p0 =	sne.s32 s2, $0x0  }
0x55f: {  	s3 =	rddreg [dreg:$0x2];
	[bflag:$0x3] =	sbarrier.arrive $0xFFFF;
	s2 =	simm.s32 @!p0 $0x1C07  }
0x560: {  	[timem:s3], [sflag:s2] =	dma.local @!p0 [hbm:s0], s1  }
0x561: {  	s0 =	simm.s32 @!p0 $0x7  }
0x562: {  	_ =	swait.ge @!p0 [sflag:s0], s1  }
0x563: {  	s1 =	ssub.s32 @!p0 $0x0, s1;
	[sflag:s0] =	ssyncset.done @!p0 $0x0  }
0x564: {  	[sflag:s0] =	ssyncadd.s32 @!p0 s1  }
0x565: {  	[bflag:$0x3] =	sbarrier.arrive $0xFFFF  }
0x566: {  	_ =	shalt  }

</sc_bundles>
